<compile_context>
chip_gen: v7x
topology: tpu7x:2x2x1
jax: 0.10.2.dev20260603
libtpu: 0.0.44.dev20260713+nightly
codegen_flags: <defaults>
</compile_context>

<pallas_src>
import functools

import jax
import jax.numpy as jnp
from jax import lax
from jax.experimental import pallas as pl
from jax.experimental.pallas import tpu as pltpu

try:
    from jax.experimental.pallas import tpu_sc as plsc
except ImportError:
    plsc = None

KNN = 24
OUTW = 32



def _ce(a, b):
    m = b[0] < a[0]
    lov = jnp.where(m, b[0], a[0])
    hiv = jnp.where(m, a[0], b[0])
    loi = jnp.where(m, b[1], a[1])
    hii = jnp.where(m, a[1], b[1])
    return (lov, loi), (hiv, hii)


def _cmin(a, b):
    m = b[0] < a[0]
    return (jnp.minimum(a[0], b[0]), jnp.where(m, b[1], a[1]))


def _sorted4(c0, c1, c2, c3):
    a0, a1 = _ce(c0, c1)
    b0, b1 = _ce(c2, c3)
    m0, t0 = _ce(a0, b0)
    t1, m3 = _ce(a1, b1)
    m1, m2 = _ce(t0, t1)
    return m0, m1, m2, m3


def _low4(A, B):
    x = [_cmin(A[i], B[3 - i]) for i in range(4)]
    x0, x2 = _ce(x[0], x[2])
    x1, x3 = _ce(x[1], x[3])
    y0, y1 = _ce(x0, x1)
    y2, y3 = _ce(x2, x3)
    return y0, y1, y2, y3


def _merge8_4(S, G):
    l = list(S[:4]) + [_cmin(S[4 + i], G[3 - i]) for i in range(4)]
    for stride in (4, 2, 1):
        nl = list(l)
        for i in range(8):
            if i % (2 * stride) < stride:
                lo, hi = _ce(l[i], l[i + stride])
                nl[i], nl[i + stride] = lo, hi
        l = nl
    return tuple(l)


def _topk_kernel(M, QB, SUBR, K, qp_ref, kt_ref, w_ref, i_ref, d2_ref):
    ncell = K // 1024
    nsub = QB // SUBR
    inf = jnp.float32(jnp.inf)
    imax = jnp.int32(2**31 - 1)

    qp = qp_ref[...]
    q2 = qp[:, 126:127]
    for cell in range(ncell):
        ktc = kt_ref[:, cell * 1024:(cell + 1) * 1024]
        dot = jnp.dot(qp, ktc)
        k2 = ktc[125:126, :]
        d2_ref[cell] = (q2 + k2) - 2.0 * dot

    lane = lax.broadcasted_iota(jnp.int32, (SUBR, 128), 1)
    lane_c = [lane + c * 128 for c in range(8)]
    lane32 = lax.broadcasted_iota(jnp.int32, (SUBR, OUTW), 1)

    def sub_body(sub, _):
        rows = pl.ds(sub * SUBR, SUBR)
        S = tuple((jnp.full((SUBR, 128), inf, jnp.float32),
                   jnp.zeros((SUBR, 128), jnp.int32)) for _ in range(M))

        def cell_body(cell, carry):
            S = tuple((carry[2 * i], carry[2 * i + 1]) for i in range(M))
            base = cell * 1024
            blk = d2_ref[cell, rows, :]
            cols = [(blk[:, c * 128:(c + 1) * 128],
                     lane_c[c] + base) for c in range(8)]
            A = _sorted4(*cols[:4])
            B = _sorted4(*cols[4:])
            G = _low4(A, B)
            S = _merge8_4(S, G)
            return tuple(x for pair in S for x in pair)

        flat = lax.fori_loop(0, ncell, cell_body,
                             tuple(x for pair in S for x in pair))
        S = tuple((flat[2 * i], flat[2 * i + 1]) for i in range(M))

        ov = jnp.zeros((SUBR, OUTW), jnp.float32)
        oi = jnp.zeros((SUBR, OUTW), jnp.int32)
        carry = tuple(x for pair in S for x in pair) + (ov, oi)

        def pop_one(t, carry):
            svals = [carry[2 * i] for i in range(M)]
            sidx = [carry[2 * i + 1] for i in range(M)]
            ov, oi = carry[2 * M], carry[2 * M + 1]
            v = jnp.min(svals[0], axis=1, keepdims=True)
            cand = jnp.where(svals[0] == v, sidx[0], imax)
            ji = jnp.min(cand, axis=1, keepdims=True)
            ov = jnp.where(lane32 == t, v, ov)
            oi = jnp.where(lane32 == t, ji, oi)
            popm = cand == ji
            out = []
            for i in range(M - 1):
                out.append(jnp.where(popm, svals[i + 1], svals[i]))
                out.append(jnp.where(popm, sidx[i + 1], sidx[i]))
            out.append(jnp.where(popm, inf, svals[M - 1]))
            out.append(jnp.where(popm, 0, sidx[M - 1]))
            return tuple(out) + (ov, oi)

        carry = lax.fori_loop(0, KNN, pop_one, carry)
        ov, oi = carry[2 * M], carry[2 * M + 1]
        dist = jnp.sqrt(jnp.maximum(ov, 0.0))
        w = 1.0 / (1.0 + dist)
        w = jnp.where(lane32 < KNN, w, 0.0)
        w = w / jnp.sum(w, axis=1, keepdims=True)
        w_ref[rows, :] = w
        i_ref[rows, :] = jnp.where(lane32 < KNN, oi, 0)
        return 0

    lax.fori_loop(0, nsub, sub_body, 0)


def _build_topk(Q, K, M=8, QB=64, SUBR=64, interpret=False):
    kern = functools.partial(_topk_kernel, M, QB, SUBR, K)
    return pl.pallas_call(
        kern,
        interpret=interpret,
        grid=(Q // QB,),
        in_specs=[
            pl.BlockSpec((QB, 128), lambda i: (i, 0)),
            pl.BlockSpec((128, K), lambda i: (0, 0)),
        ],
        out_specs=[
            pl.BlockSpec((QB, OUTW), lambda i: (i, 0)),
            pl.BlockSpec((QB, OUTW), lambda i: (i, 0)),
        ],
        out_shape=[
            jax.ShapeDtypeStruct((Q, OUTW), jnp.float32),
            jax.ShapeDtypeStruct((Q, OUTW), jnp.int32),
        ],
        scratch_shapes=[
            pltpu.VMEM((K // 1024, QB, 1024), jnp.float32),
        ],
        compiler_params=pltpu.CompilerParams(
            dimension_semantics=("arbitrary",),
        ),
    )



def _sc_combine(features, idx, wexp):
    Q, D = idx.shape[0], features.shape[1]
    info = plsc.get_sparse_core_info()
    nc, ns = info.num_cores, info.num_subcores
    nw = nc * ns
    qpw = Q // nw
    mesh = plsc.VectorSubcoreMesh(core_axis_name="c", subcore_axis_name="s")

    @functools.partial(
        pl.kernel,
        mesh=mesh,
        out_type=jax.ShapeDtypeStruct((Q, D), jnp.float32),
        scratch_types=[
            pltpu.VMEM((qpw * OUTW,), jnp.int32),
            pltpu.VMEM((qpw, OUTW * 16), jnp.float32),
            pltpu.VMEM((KNN, D), jnp.float32),
            pltpu.VMEM((qpw, D), jnp.float32),
            pltpu.SemaphoreType.DMA,
        ],
    )
    def k(feat_hbm, idx_hbm, w_hbm, out_hbm, idx_v, w_v, rows_v, out_v, sem):
        wid = lax.axis_index("s") * nc + lax.axis_index("c")
        base = wid * qpw
        pltpu.sync_copy(idx_hbm.at[pl.ds(base * OUTW, qpw * OUTW)], idx_v)
        pltpu.sync_copy(w_hbm.at[pl.ds(base, qpw)], w_v)

        def body(i, _):
            pltpu.async_copy(
                feat_hbm.at[idx_v.at[pl.ds(i * OUTW, KNN)]], rows_v, sem).wait()
            for v8 in range(D // 16):
                acc = rows_v[0, pl.ds(v8 * 16, 16)] * w_v[i, pl.ds(0, 16)]
                for j in range(1, KNN):
                    acc = acc + (rows_v[j, pl.ds(v8 * 16, 16)]
                                 * w_v[i, pl.ds(j * 16, 16)])
                out_v[i, pl.ds(v8 * 16, 16)] = acc
            return 0

        lax.fori_loop(0, qpw, body, 0)
        pltpu.sync_copy(out_v, out_hbm.at[pl.ds(base, qpw)])

    return k(features, idx.reshape(-1), wexp)



def kernel(query_coors, key_coors, key_features):
    Q, K = query_coors.shape[0], key_coors.shape[0]
    q2 = jnp.sum(query_coors * query_coors, axis=1)
    k2 = jnp.sum(key_coors * key_coors, axis=1)
    qp = jnp.zeros((Q, 128), jnp.float32)
    qp = qp.at[:, :3].set(query_coors).at[:, 126].set(q2)
    kt = jnp.zeros((128, K), jnp.float32)
    kt = kt.at[:3, :].set(key_coors.T).at[125, :].set(k2)

    w, idx = _build_topk(Q, K)(qp, kt)
    wexp = jnp.broadcast_to(w[:, :, None], (Q, OUTW, 16)).reshape(Q, OUTW * 16)
    wexp = jnp.asarray(wexp, jnp.float32)
    return _sc_combine(key_features, idx, wexp)

# --- scband reference (transcript-rebuilt; emitter-appended) ---
"""Pipeline reference for scband-multi-fusion-voxel-35124242546747 (READ-ONLY COPY).

The authoritative reference and input builder live on the scoring server;
editing this copy changes nothing except your own understanding.
"""

import jax, jax.numpy as jnp
import numpy as np

K_NN = 24

def setup_inputs(seed: int = 0) -> dict:
    key = jax.random.key(seed)
    k1, k2, k3 = jax.random.split(key, 3)
    Q, K, D = 4096, 32768, 128
    # coarse voxel integer coords (as floats, like sklearn fit on coors)
    query_coors = jax.random.uniform(k1, (Q, 3), dtype=jnp.float32) * jnp.array([1504.0, 1504.0, 40.0], dtype=jnp.float32)
    # mid + low sub-voxel coords concatenated (finer grid -> larger range)
    key_coors = jax.random.uniform(k2, (K, 3), dtype=jnp.float32) * jnp.array([3008.0, 3008.0, 80.0], dtype=jnp.float32)
    # concatenated [voxel_mid_features, voxel_low_features] from the VFE encoders (num_filters[-1]=128)
    key_features = jax.random.normal(k3, (K, D), dtype=jnp.float32)
    return {"query_coors": query_coors, "key_coors": key_coors, "key_features": key_features}

def reference(query_coors, key_coors, key_features):
    # brute-force kNN (sklearn NearestNeighbors, euclidean) of coarse voxel coords
    # against concatenated mid+low sub-voxel coords
    q2 = jnp.sum(query_coors * query_coors, axis=1, keepdims=True)          # [Q,1]
    k2 = jnp.sum(key_coors * key_coors, axis=1)[None, :]                    # [1,K]
    d2 = q2 + k2 - 2.0 * (query_coors @ key_coors.T)                        # [Q,K]
    neg_d2_top, idx = jax.lax.top_k(-d2, K_NN)                              # nearest k
    distances = jnp.sqrt(jnp.maximum(-neg_d2_top, 0.0))                     # [Q,k]
    knn_features = key_features[idx]                                        # gather [Q,k,D]
    weights = 1.0 / (1.0 + distances)
    weights = weights / jnp.sum(weights, axis=1, keepdims=True)
    weighted = knn_features * weights[..., None]
    aggregated_features = jnp.sum(weighted, axis=1)                         # [Q,D]
    return aggregated_features

if __name__ == "__main__":
    import jax
    _d = setup_inputs()
    print(jax.jit(kernel)(*tuple(_d.values())))

</pallas_src>

<mosaic_0001>
#map = affine_map<(d0, d1) -> (0, 0)>
#map1 = affine_map<(d0, d1) -> (0)>
module attributes {stable_mosaic.version = 14 : i64} {
  func.func @k(%arg0: i32, %arg1: i32, %arg2: memref<32768x128xf32, #tpu.memory_space<hbm>>, %arg3: memref<131072xi32, #tpu.memory_space<hbm>>, %arg4: memref<4096x512xf32, #tpu.memory_space<hbm>>, %arg5: memref<4096x128xf32, #tpu.memory_space<hbm>>, %arg6: memref<4096xi32, #tpu.memory_space<vmem>>, %arg7: memref<128x512xf32, #tpu.memory_space<vmem>>, %arg8: memref<24x128xf32, #tpu.memory_space<vmem>>, %arg9: memref<128x128xf32, #tpu.memory_space<vmem>>, %arg10: memref<!tpu.dma_semaphore, #tpu.memory_space<semaphore_mem>>) attributes {dimension_semantics = [#tpu.dimension_semantics<core_parallel>, #tpu.dimension_semantics<subcore_parallel>], iteration_bounds = array<i64: 2, 16>, scalar_prefetch = 0 : i64, scratch_operands = 5 : i64, tpu.core_type = #tpu.core_type<sc_vector_subcore>, window_params = [{transform_indices = #map}, {transform_indices = #map1}, {transform_indices = #map}, {transform_indices = #map}]} {
    %mul3A = arith.constant 2 : i32
    %mul3A_0 = arith.muli %arg1, %mul3A : i32
    %add3A = arith.addi %mul3A_0, %arg0 : i32
    %mul3A_1 = arith.constant 128 : i32
    %mul3A_2 = arith.muli %add3A, %mul3A_1 : i32
    %mul3A_3 = arith.constant 32 : i32
    %mul3A_4 = arith.muli %mul3A_2, %mul3A_3 : i32
    "tpu.region"() ({
      %run_scoped3A = tpu.sem_alloc : memref<!tpu.dma_semaphore, #tpu.memory_space<semaphore_mem>>
      %dma_start3A = tpu.memref_slice %arg3[%mul3A_4] : memref<131072xi32, #tpu.memory_space<hbm>> -> memref<4096xi32, #tpu.memory_space<hbm>>
      %dma_start3A_11 = tpu.memref_slice %arg3[%mul3A_4] : memref<131072xi32, #tpu.memory_space<hbm>> -> memref<4096xi32, #tpu.memory_space<hbm>>
      tpu.enqueue_dma source(%dma_start3A_11 : memref<4096xi32, #tpu.memory_space<hbm>>) target(%arg6 : memref<4096xi32, #tpu.memory_space<vmem>>) target_semaphore(%run_scoped3A : memref<!tpu.dma_semaphore, #tpu.memory_space<semaphore_mem>>)
      %dma_wait3A = tpu.memref_slice %arg3[%mul3A_4] : memref<131072xi32, #tpu.memory_space<hbm>> -> memref<4096xi32, #tpu.memory_space<hbm>>
      %dma_wait3A_12 = tpu.memref_slice %arg3[%mul3A_4] : memref<131072xi32, #tpu.memory_space<hbm>> -> memref<4096xi32, #tpu.memory_space<hbm>>
      tpu.wait_dma2 semaphore(%run_scoped3A : memref<!tpu.dma_semaphore, #tpu.memory_space<semaphore_mem>>) src(%dma_wait3A_12 : memref<4096xi32, #tpu.memory_space<hbm>>) dst(%arg6 : memref<4096xi32, #tpu.memory_space<vmem>>)
      tpu.yield
    }) : () -> ()
    "tpu.region"() ({
      %run_scoped3A = tpu.sem_alloc : memref<!tpu.dma_semaphore, #tpu.memory_space<semaphore_mem>>
      %dma_start3A = arith.constant 0 : i32
      %dma_start3A_11 = tpu.memref_slice %arg4[%mul3A_2, %dma_start3A] : memref<4096x512xf32, #tpu.memory_space<hbm>> -> memref<128x512xf32, #tpu.memory_space<hbm>>
      %dma_start3A_12 = arith.constant 0 : i32
      %dma_start3A_13 = tpu.memref_slice %arg4[%mul3A_2, %dma_start3A_12] : memref<4096x512xf32, #tpu.memory_space<hbm>> -> memref<128x512xf32, #tpu.memory_space<hbm>>
      tpu.enqueue_dma source(%dma_start3A_13 : memref<128x512xf32, #tpu.memory_space<hbm>>) target(%arg7 : memref<128x512xf32, #tpu.memory_space<vmem>>) target_semaphore(%run_scoped3A : memref<!tpu.dma_semaphore, #tpu.memory_space<semaphore_mem>>)
      %dma_wait3A = arith.constant 0 : i32
      %dma_wait3A_14 = tpu.memref_slice %arg4[%mul3A_2, %dma_wait3A] : memref<4096x512xf32, #tpu.memory_space<hbm>> -> memref<128x512xf32, #tpu.memory_space<hbm>>
      %dma_wait3A_15 = arith.constant 0 : i32
      %dma_wait3A_16 = tpu.memref_slice %arg4[%mul3A_2, %dma_wait3A_15] : memref<4096x512xf32, #tpu.memory_space<hbm>> -> memref<128x512xf32, #tpu.memory_space<hbm>>
      tpu.wait_dma2 semaphore(%run_scoped3A : memref<!tpu.dma_semaphore, #tpu.memory_space<semaphore_mem>>) src(%dma_wait3A_16 : memref<128x512xf32, #tpu.memory_space<hbm>>) dst(%arg7 : memref<128x512xf32, #tpu.memory_space<vmem>>)
      tpu.yield
    }) : () -> ()
    %scan3A = arith.constant 0 : i32
    %scan3A_5 = arith.constant 0 : i32
    %scan3A_6 = arith.constant 128 : i32
    %scan3A_7 = arith.addi %scan3A_5, %scan3A_6 : i32
    %scan3A_8 = arith.constant 1 : i32
    %scan3A_9 = scf.for %scan3A_11 = %scan3A_5 to %scan3A_7 step %scan3A_8 iter_args(%scan3A_12 = %scan3A) -> (i32)  : i32 {
      %mul3A_13 = arith.constant 32 : i32
      %mul3A_14 = arith.muli %scan3A_11, %mul3A_13 : i32
      %dma_start3A = tpu.memref_slice %arg6[%mul3A_14] : memref<4096xi32, #tpu.memory_space<vmem>> -> memref<24xi32, #tpu.memory_space<vmem>>
      %dma_start3A_15 = arith.constant 0 : i32
      %dma_start3A_16 = arith.constant 0 : i32
      %dma_start3A_17 = tpu.memref_slice %arg2[%dma_start3A_15, %dma_start3A_16] : memref<32768x128xf32, #tpu.memory_space<hbm>> -> memref<32768x128xf32, #tpu.memory_space<hbm>>
      tpu.enqueue_indirect_dma source(%dma_start3A_17 : memref<32768x128xf32, #tpu.memory_space<hbm>>) target(%arg8 : memref<24x128xf32, #tpu.memory_space<vmem>>) offsets(%dma_start3A : memref<24xi32, #tpu.memory_space<vmem>>) semaphore(%arg10 : memref<!tpu.dma_semaphore, #tpu.memory_space<semaphore_mem>>)
      %dma_wait3A = tpu.memref_slice %arg6[%mul3A_14] : memref<4096xi32, #tpu.memory_space<vmem>> -> memref<24xi32, #tpu.memory_space<vmem>>
      %dma_wait3A_18 = arith.constant 0 : i32
      %dma_wait3A_19 = arith.constant 0 : i32
      %dma_wait3A_20 = tpu.memref_slice %arg2[%dma_wait3A_18, %dma_wait3A_19] : memref<32768x128xf32, #tpu.memory_space<hbm>> -> memref<32768x128xf32, #tpu.memory_space<hbm>>
      tpu.wait_indirect_dma semaphore(%arg10 : memref<!tpu.dma_semaphore, #tpu.memory_space<semaphore_mem>>) src(%dma_wait3A_20 : memref<32768x128xf32, #tpu.memory_space<hbm>>) dst(%arg8 : memref<24x128xf32, #tpu.memory_space<vmem>>)
      %get3A = arith.constant 0 : i32
      %get3A_21 = arith.index_cast %get3A : i32 to index
      %get3A_22 = arith.constant 0 : index
      %get3A_23 = tpu.vector_load %arg8[%get3A_21, %get3A_22] {strides = array<i32>} : memref<24x128xf32, #tpu.memory_space<vmem>>, vector<1x16xf32>,
      %get3A_24 = vector.shape_cast %get3A_23 : vector<1x16xf32> to vector<16xf32>
      %get3A_25 = arith.index_cast %scan3A_11 : i32 to index
      %get3A_26 = arith.constant 0 : index
      %get3A_27 = tpu.vector_load %arg7[%get3A_25, %get3A_26] {strides = array<i32>} : memref<128x512xf32, #tpu.memory_space<vmem>>, vector<1x16xf32>,
      %get3A_28 = vector.shape_cast %get3A_27 : vector<1x16xf32> to vector<16xf32>
      %mul3A_29 = arith.mulf %get3A_24, %get3A_28 : vector<16xf32>
      %get3A_30 = arith.constant 1 : i32
      %get3A_31 = arith.index_cast %get3A_30 : i32 to index
      %get3A_32 = arith.constant 0 : index
      %get3A_33 = tpu.vector_load %arg8[%get3A_31, %get3A_32] {strides = array<i32>} : memref<24x128xf32, #tpu.memory_space<vmem>>, vector<1x16xf32>,
      %get3A_34 = vector.shape_cast %get3A_33 : vector<1x16xf32> to vector<16xf32>
      %get3A_35 = arith.index_cast %scan3A_11 : i32 to index
      %get3A_36 = arith.constant 16 : index
      %get3A_37 = tpu.vector_load %arg7[%get3A_35, %get3A_36] {strides = array<i32>} : memref<128x512xf32, #tpu.memory_space<vmem>>, vector<1x16xf32>,
      %get3A_38 = vector.shape_cast %get3A_37 : vector<1x16xf32> to vector<16xf32>
      %mul3A_39 = arith.mulf %get3A_34, %get3A_38 : vector<16xf32>
      %add3A_40 = arith.addf %mul3A_29, %mul3A_39 : vector<16xf32>
      %get3A_41 = arith.constant 2 : i32
      %get3A_42 = arith.index_cast %get3A_41 : i32 to index
      %get3A_43 = arith.constant 0 : index
      %get3A_44 = tpu.vector_load %arg8[%get3A_42, %get3A_43] {strides = array<i32>} : memref<24x128xf32, #tpu.memory_space<vmem>>, vector<1x16xf32>,
      %get3A_45 = vector.shape_cast %get3A_44 : vector<1x16xf32> to vector<16xf32>
      %get3A_46 = arith.index_cast %scan3A_11 : i32 to index
      %get3A_47 = arith.constant 32 : index
      %get3A_48 = tpu.vector_load %arg7[%get3A_46, %get3A_47] {strides = array<i32>} : memref<128x512xf32, #tpu.memory_space<vmem>>, vector<1x16xf32>,
      %get3A_49 = vector.shape_cast %get3A_48 : vector<1x16xf32> to vector<16xf32>
      %mul3A_50 = arith.mulf %get3A_45, %get3A_49 : vector<16xf32>
      %add3A_51 = arith.addf %add3A_40, %mul3A_50 : vector<16xf32>
      %get3A_52 = arith.constant 3 : i32
      %get3A_53 = arith.index_cast %get3A_52 : i32 to index
      %get3A_54 = arith.constant 0 : index
      %get3A_55 = tpu.vector_load %arg8[%get3A_53, %get3A_54] {strides = array<i32>} : memref<24x128xf32, #tpu.memory_space<vmem>>, vector<1x16xf32>,
      %get3A_56 = vector.shape_cast %get3A_55 : vector<1x16xf32> to vector<16xf32>
      %get3A_57 = arith.index_cast %scan3A_11 : i32 to index
      %get3A_58 = arith.constant 48 : index
      %get3A_59 = tpu.vector_load %arg7[%get3A_57, %get3A_58] {strides = array<i32>} : memref<128x512xf32, #tpu.memory_space<vmem>>, vector<1x16xf32>,
      %get3A_60 = vector.shape_cast %get3A_59 : vector<1x16xf32> to vector<16xf32>
      %mul3A_61 = arith.mulf %get3A_56, %get3A_60 : vector<16xf32>
      %add3A_62 = arith.addf %add3A_51, %mul3A_61 : vector<16xf32>
      %get3A_63 = arith.constant 4 : i32
      %get3A_64 = arith.index_cast %get3A_63 : i32 to index
      %get3A_65 = arith.constant 0 : index
      %get3A_66 = tpu.vector_load %arg8[%get3A_64, %get3A_65] {strides = array<i32>} : memref<24x128xf32, #tpu.memory_space<vmem>>, vector<1x16xf32>,
      %get3A_67 = vector.shape_cast %get3A_66 : vector<1x16xf32> to vector<16xf32>
      %get3A_68 = arith.index_cast %scan3A_11 : i32 to index
      %get3A_69 = arith.constant 64 : index
      %get3A_70 = tpu.vector_load %arg7[%get3A_68, %get3A_69] {strides = array<i32>} : memref<128x512xf32, #tpu.memory_space<vmem>>, vector<1x16xf32>,
      %get3A_71 = vector.shape_cast %get3A_70 : vector<1x16xf32> to vector<16xf32>
      %mul3A_72 = arith.mulf %get3A_67, %get3A_71 : vector<16xf32>
      %add3A_73 = arith.addf %add3A_62, %mul3A_72 : vector<16xf32>
      %get3A_74 = arith.constant 5 : i32
      %get3A_75 = arith.index_cast %get3A_74 : i32 to index
      %get3A_76 = arith.constant 0 : index
      %get3A_77 = tpu.vector_load %arg8[%get3A_75, %get3A_76] {strides = array<i32>} : memref<24x128xf32, #tpu.memory_space<vmem>>, vector<1x16xf32>,
      %get3A_78 = vector.shape_cast %get3A_77 : vector<1x16xf32> to vector<16xf32>
      %get3A_79 = arith.index_cast %scan3A_11 : i32 to index
      %get3A_80 = arith.constant 80 : index
      %get3A_81 = tpu.vector_load %arg7[%get3A_79, %get3A_80] {strides = array<i32>} : memref<128x512xf32, #tpu.memory_space<vmem>>, vector<1x16xf32>,
      %get3A_82 = vector.shape_cast %get3A_81 : vector<1x16xf32> to vector<16xf32>
      %mul3A_83 = arith.mulf %get3A_78, %get3A_82 : vector<16xf32>
      %add3A_84 = arith.addf %add3A_73, %mul3A_83 : vector<16xf32>
      %get3A_85 = arith.constant 6 : i32
      %get3A_86 = arith.index_cast %get3A_85 : i32 to index
      %get3A_87 = arith.constant 0 : index
      %get3A_88 = tpu.vector_load %arg8[%get3A_86, %get3A_87] {strides = array<i32>} : memref<24x128xf32, #tpu.memory_space<vmem>>, vector<1x16xf32>,
      %get3A_89 = vector.shape_cast %get3A_88 : vector<1x16xf32> to vector<16xf32>
      %get3A_90 = arith.index_cast %scan3A_11 : i32 to index
      %get3A_91 = arith.constant 96 : index
      %get3A_92 = tpu.vector_load %arg7[%get3A_90, %get3A_91] {strides = array<i32>} : memref<128x512xf32, #tpu.memory_space<vmem>>, vector<1x16xf32>,
      %get3A_93 = vector.shape_cast %get3A_92 : vector<1x16xf32> to vector<16xf32>
      %mul3A_94 = arith.mulf %get3A_89, %get3A_93 : vector<16xf32>
      %add3A_95 = arith.addf %add3A_84, %mul3A_94 : vector<16xf32>
      %get3A_96 = arith.constant 7 : i32
      %get3A_97 = arith.index_cast %get3A_96 : i32 to index
      %get3A_98 = arith.constant 0 : index
      %get3A_99 = tpu.vector_load %arg8[%get3A_97, %get3A_98] {strides = array<i32>} : memref<24x128xf32, #tpu.memory_space<vmem>>, vector<1x16xf32>,
      %get3A_100 = vector.shape_cast %get3A_99 : vector<1x16xf32> to vector<16xf32>
      %get3A_101 = arith.index_cast %scan3A_11 : i32 to index
      %get3A_102 = arith.constant 112 : index
      %get3A_103 = tpu.vector_load %arg7[%get3A_101, %get3A_102] {strides = array<i32>} : memref<128x512xf32, #tpu.memory_space<vmem>>, vector<1x16xf32>,
      %get3A_104 = vector.shape_cast %get3A_103 : vector<1x16xf32> to vector<16xf32>
      %mul3A_105 = arith.mulf %get3A_100, %get3A_104 : vector<16xf32>
      %add3A_106 = arith.addf %add3A_95, %mul3A_105 : vector<16xf32>
      %get3A_107 = arith.constant 8 : i32
      %get3A_108 = arith.index_cast %get3A_107 : i32 to index
      %get3A_109 = arith.constant 0 : index
      %get3A_110 = tpu.vector_load %arg8[%get3A_108, %get3A_109] {strides = array<i32>} : memref<24x128xf32, #tpu.memory_space<vmem>>, vector<1x16xf32>,
      %get3A_111 = vector.shape_cast %get3A_110 : vector<1x16xf32> to vector<16xf32>
      %get3A_112 = arith.index_cast %scan3A_11 : i32 to index
      %get3A_113 = arith.constant 128 : index
      %get3A_114 = tpu.vector_load %arg7[%get3A_112, %get3A_113] {strides = array<i32>} : memref<128x512xf32, #tpu.memory_space<vmem>>, vector<1x16xf32>,
      %get3A_115 = vector.shape_cast %get3A_114 : vector<1x16xf32> to vector<16xf32>
      %mul3A_116 = arith.mulf %get3A_111, %get3A_115 : vector<16xf32>
      %add3A_117 = arith.addf %add3A_106, %mul3A_116 : vector<16xf32>
      %get3A_118 = arith.constant 9 : i32
      %get3A_119 = arith.index_cast %get3A_118 : i32 to index
      %get3A_120 = arith.constant 0 : index
      %get3A_121 = tpu.vector_load %arg8[%get3A_119, %get3A_120] {strides = array<i32>} : memref<24x128xf32, #tpu.memory_space<vmem>>, vector<1x16xf32>,
      %get3A_122 = vector.shape_cast %get3A_121 : vector<1x16xf32> to vector<16xf32>
      %get3A_123 = arith.index_cast %scan3A_11 : i32 to index
      %get3A_124 = arith.constant 144 : index
      %get3A_125 = tpu.vector_load %arg7[%get3A_123, %get3A_124] {strides = array<i32>} : memref<128x512xf32, #tpu.memory_space<vmem>>, vector<1x16xf32>,
      %get3A_126 = vector.shape_cast %get3A_125 : vector<1x16xf32> to vector<16xf32>
      %mul3A_127 = arith.mulf %get3A_122, %get3A_126 : vector<16xf32>
      %add3A_128 = arith.addf %add3A_117, %mul3A_127 : vector<16xf32>
      %get3A_129 = arith.constant 10 : i32
      %get3A_130 = arith.index_cast %get3A_129 : i32 to index
      %get3A_131 = arith.constant 0 : index
      %get3A_132 = tpu.vector_load %arg8[%get3A_130, %get3A_131] {strides = array<i32>} : memref<24x128xf32, #tpu.memory_space<vmem>>, vector<1x16xf32>,
      %get3A_133 = vector.shape_cast %get3A_132 : vector<1x16xf32> to vector<16xf32>
      %get3A_134 = arith.index_cast %scan3A_11 : i32 to index
      %get3A_135 = arith.constant 160 : index
      %get3A_136 = tpu.vector_load %arg7[%get3A_134, %get3A_135] {strides = array<i32>} : memref<128x512xf32, #tpu.memory_space<vmem>>, vector<1x16xf32>,
      %get3A_137 = vector.shape_cast %get3A_136 : vector<1x16xf32> to vector<16xf32>
      %mul3A_138 = arith.mulf %get3A_133, %get3A_137 : vector<16xf32>
      %add3A_139 = arith.addf %add3A_128, %mul3A_138 : vector<16xf32>
      %get3A_140 = arith.constant 11 : i32
      %get3A_141 = arith.index_cast %get3A_140 : i32 to index
      %get3A_142 = arith.constant 0 : index
      %get3A_143 = tpu.vector_load %arg8[%get3A_141, %get3A_142] {strides = array<i32>} : memref<24x128xf32, #tpu.memory_space<vmem>>, vector<1x16xf32>,
      %get3A_144 = vector.shape_cast %get3A_143 : vector<1x16xf32> to vector<16xf32>
      %get3A_145 = arith.index_cast %scan3A_11 : i32 to index
      %get3A_146 = arith.constant 176 : index
      %get3A_147 = tpu.vector_load %arg7[%get3A_145, %get3A_146] {strides = array<i32>} : memref<128x512xf32, #tpu.memory_space<vmem>>, vector<1x16xf32>,
      %get3A_148 = vector.shape_cast %get3A_147 : vector<1x16xf32> to vector<16xf32>
      %mul3A_149 = arith.mulf %get3A_144, %get3A_148 : vector<16xf32>
      %add3A_150 = arith.addf %add3A_139, %mul3A_149 : vector<16xf32>
      %get3A_151 = arith.constant 12 : i32
      %get3A_152 = arith.index_cast %get3A_151 : i32 to index
      %get3A_153 = arith.constant 0 : index
      %get3A_154 = tpu.vector_load %arg8[%get3A_152, %get3A_153] {strides = array<i32>} : memref<24x128xf32, #tpu.memory_space<vmem>>, vector<1x16xf32>,
      %get3A_155 = vector.shape_cast %get3A_154 : vector<1x16xf32> to vector<16xf32>
      %get3A_156 = arith.index_cast %scan3A_11 : i32 to index
      %get3A_157 = arith.constant 192 : index
      %get3A_158 = tpu.vector_load %arg7[%get3A_156, %get3A_157] {strides = array<i32>} : memref<128x512xf32, #tpu.memory_space<vmem>>, vector<1x16xf32>,
      %get3A_159 = vector.shape_cast %get3A_158 : vector<1x16xf32> to vector<16xf32>
      %mul3A_160 = arith.mulf %get3A_155, %get3A_159 : vector<16xf32>
      %add3A_161 = arith.addf %add3A_150, %mul3A_160 : vector<16xf32>
      %get3A_162 = arith.constant 13 : i32
      %get3A_163 = arith.index_cast %get3A_162 : i32 to index
      %get3A_164 = arith.constant 0 : index
      %get3A_165 = tpu.vector_load %arg8[%get3A_163, %get3A_164] {strides = array<i32>} : memref<24x128xf32, #tpu.memory_space<vmem>>, vector<1x16xf32>,
      %get3A_166 = vector.shape_cast %get3A_165 : vector<1x16xf32> to vector<16xf32>
      %get3A_167 = arith.index_cast %scan3A_11 : i32 to index
      %get3A_168 = arith.constant 208 : index
      %get3A_169 = tpu.vector_load %arg7[%get3A_167, %get3A_168] {strides = array<i32>} : memref<128x512xf32, #tpu.memory_space<vmem>>, vector<1x16xf32>,
      %get3A_170 = vector.shape_cast %get3A_169 : vector<1x16xf32> to vector<16xf32>
      %mul3A_171 = arith.mulf %get3A_166, %get3A_170 : vector<16xf32>
      %add3A_172 = arith.addf %add3A_161, %mul3A_171 : vector<16xf32>
      %get3A_173 = arith.constant 14 : i32
      %get3A_174 = arith.index_cast %get3A_173 : i32 to index
      %get3A_175 = arith.constant 0 : index
      %get3A_176 = tpu.vector_load %arg8[%get3A_174, %get3A_175] {strides = array<i32>} : memref<24x128xf32, #tpu.memory_space<vmem>>, vector<1x16xf32>,
      %get3A_177 = vector.shape_cast %get3A_176 : vector<1x16xf32> to vector<16xf32>
      %get3A_178 = arith.index_cast %scan3A_11 : i32 to index
      %get3A_179 = arith.constant 224 : index
      %get3A_180 = tpu.vector_load %arg7[%get3A_178, %get3A_179] {strides = array<i32>} : memref<128x512xf32, #tpu.memory_space<vmem>>, vector<1x16xf32>,
      %get3A_181 = vector.shape_cast %get3A_180 : vector<1x16xf32> to vector<16xf32>
      %mul3A_182 = arith.mulf %get3A_177, %get3A_181 : vector<16xf32>
      %add3A_183 = arith.addf %add3A_172, %mul3A_182 : vector<16xf32>
      %get3A_184 = arith.constant 15 : i32
      %get3A_185 = arith.index_cast %get3A_184 : i32 to index
      %get3A_186 = arith.constant 0 : index
      %get3A_187 = tpu.vector_load %arg8[%get3A_185, %get3A_186] {strides = array<i32>} : memref<24x128xf32, #tpu.memory_space<vmem>>, vector<1x16xf32>,
      %get3A_188 = vector.shape_cast %get3A_187 : vector<1x16xf32> to vector<16xf32>
      %get3A_189 = arith.index_cast %scan3A_11 : i32 to index
      %get3A_190 = arith.constant 240 : index
      %get3A_191 = tpu.vector_load %arg7[%get3A_189, %get3A_190] {strides = array<i32>} : memref<128x512xf32, #tpu.memory_space<vmem>>, vector<1x16xf32>,
      %get3A_192 = vector.shape_cast %get3A_191 : vector<1x16xf32> to vector<16xf32>
      %mul3A_193 = arith.mulf %get3A_188, %get3A_192 : vector<16xf32>
      %add3A_194 = arith.addf %add3A_183, %mul3A_193 : vector<16xf32>
      %get3A_195 = arith.constant 16 : i32
      %get3A_196 = arith.index_cast %get3A_195 : i32 to index
      %get3A_197 = arith.constant 0 : index
      %get3A_198 = tpu.vector_load %arg8[%get3A_196, %get3A_197] {strides = array<i32>} : memref<24x128xf32, #tpu.memory_space<vmem>>, vector<1x16xf32>,
      %get3A_199 = vector.shape_cast %get3A_198 : vector<1x16xf32> to vector<16xf32>
      %get3A_200 = arith.index_cast %scan3A_11 : i32 to index
      %get3A_201 = arith.constant 256 : index
      %get3A_202 = tpu.vector_load %arg7[%get3A_200, %get3A_201] {strides = array<i32>} : memref<128x512xf32, #tpu.memory_space<vmem>>, vector<1x16xf32>,
      %get3A_203 = vector.shape_cast %get3A_202 : vector<1x16xf32> to vector<16xf32>
      %mul3A_204 = arith.mulf %get3A_199, %get3A_203 : vector<16xf32>
      %add3A_205 = arith.addf %add3A_194, %mul3A_204 : vector<16xf32>
      %get3A_206 = arith.constant 17 : i32
      %get3A_207 = arith.index_cast %get3A_206 : i32 to index
      %get3A_208 = arith.constant 0 : index
      %get3A_209 = tpu.vector_load %arg8[%get3A_207, %get3A_208] {strides = array<i32>} : memref<24x128xf32, #tpu.memory_space<vmem>>, vector<1x16xf32>,
      %get3A_210 = vector.shape_cast %get3A_209 : vector<1x16xf32> to vector<16xf32>
      %get3A_211 = arith.index_cast %scan3A_11 : i32 to index
      %get3A_212 = arith.constant 272 : index
      %get3A_213 = tpu.vector_load %arg7[%get3A_211, %get3A_212] {strides = array<i32>} : memref<128x512xf32, #tpu.memory_space<vmem>>, vector<1x16xf32>,
      %get3A_214 = vector.shape_cast %get3A_213 : vector<1x16xf32> to vector<16xf32>
      %mul3A_215 = arith.mulf %get3A_210, %get3A_214 : vector<16xf32>
      %add3A_216 = arith.addf %add3A_205, %mul3A_215 : vector<16xf32>
      %get3A_217 = arith.constant 18 : i32
      %get3A_218 = arith.index_cast %get3A_217 : i32 to index
      %get3A_219 = arith.constant 0 : index
      %get3A_220 = tpu.vector_load %arg8[%get3A_218, %get3A_219] {strides = array<i32>} : memref<24x128xf32, #tpu.memory_space<vmem>>, vector<1x16xf32>,
      %get3A_221 = vector.shape_cast %get3A_220 : vector<1x16xf32> to vector<16xf32>
      %get3A_222 = arith.index_cast %scan3A_11 : i32 to index
      %get3A_223 = arith.constant 288 : index
      %get3A_224 = tpu.vector_load %arg7[%get3A_222, %get3A_223] {strides = array<i32>} : memref<128x512xf32, #tpu.memory_space<vmem>>, vector<1x16xf32>,
      %get3A_225 = vector.shape_cast %get3A_224 : vector<1x16xf32> to vector<16xf32>
      %mul3A_226 = arith.mulf %get3A_221, %get3A_225 : vector<16xf32>
      %add3A_227 = arith.addf %add3A_216, %mul3A_226 : vector<16xf32>
      %get3A_228 = arith.constant 19 : i32
      %get3A_229 = arith.index_cast %get3A_228 : i32 to index
      %get3A_230 = arith.constant 0 : index
      %get3A_231 = tpu.vector_load %arg8[%get3A_229, %get3A_230] {strides = array<i32>} : memref<24x128xf32, #tpu.memory_space<vmem>>, vector<1x16xf32>,
      %get3A_232 = vector.shape_cast %get3A_231 : vector<1x16xf32> to vector<16xf32>
      %get3A_233 = arith.index_cast %scan3A_11 : i32 to index
      %get3A_234 = arith.constant 304 : index
      %get3A_235 = tpu.vector_load %arg7[%get3A_233, %get3A_234] {strides = array<i32>} : memref<128x512xf32, #tpu.memory_space<vmem>>, vector<1x16xf32>,
      %get3A_236 = vector.shape_cast %get3A_235 : vector<1x16xf32> to vector<16xf32>
      %mul3A_237 = arith.mulf %get3A_232, %get3A_236 : vector<16xf32>
      %add3A_238 = arith.addf %add3A_227, %mul3A_237 : vector<16xf32>
      %get3A_239 = arith.constant 20 : i32
      %get3A_240 = arith.index_cast %get3A_239 : i32 to index
      %get3A_241 = arith.constant 0 : index
      %get3A_242 = tpu.vector_load %arg8[%get3A_240, %get3A_241] {strides = array<i32>} : memref<24x128xf32, #tpu.memory_space<vmem>>, vector<1x16xf32>,
      %get3A_243 = vector.shape_cast %get3A_242 : vector<1x16xf32> to vector<16xf32>
      %get3A_244 = arith.index_cast %scan3A_11 : i32 to index
      %get3A_245 = arith.constant 320 : index
      %get3A_246 = tpu.vector_load %arg7[%get3A_244, %get3A_245] {strides = array<i32>} : memref<128x512xf32, #tpu.memory_space<vmem>>, vector<1x16xf32>,
      %get3A_247 = vector.shape_cast %get3A_246 : vector<1x16xf32> to vector<16xf32>
      %mul3A_248 = arith.mulf %get3A_243, %get3A_247 : vector<16xf32>
      %add3A_249 = arith.addf %add3A_238, %mul3A_248 : vector<16xf32>
      %get3A_250 = arith.constant 21 : i32
      %get3A_251 = arith.index_cast %get3A_250 : i32 to index
      %get3A_252 = arith.constant 0 : index
      %get3A_253 = tpu.vector_load %arg8[%get3A_251, %get3A_252] {strides = array<i32>} : memref<24x128xf32, #tpu.memory_space<vmem>>, vector<1x16xf32>,
      %get3A_254 = vector.shape_cast %get3A_253 : vector<1x16xf32> to vector<16xf32>
      %get3A_255 = arith.index_cast %scan3A_11 : i32 to index
      %get3A_256 = arith.constant 336 : index
      %get3A_257 = tpu.vector_load %arg7[%get3A_255, %get3A_256] {strides = array<i32>} : memref<128x512xf32, #tpu.memory_space<vmem>>, vector<1x16xf32>,
      %get3A_258 = vector.shape_cast %get3A_257 : vector<1x16xf32> to vector<16xf32>
      %mul3A_259 = arith.mulf %get3A_254, %get3A_258 : vector<16xf32>
      %add3A_260 = arith.addf %add3A_249, %mul3A_259 : vector<16xf32>
      %get3A_261 = arith.constant 22 : i32
      %get3A_262 = arith.index_cast %get3A_261 : i32 to index
      %get3A_263 = arith.constant 0 : index
      %get3A_264 = tpu.vector_load %arg8[%get3A_262, %get3A_263] {strides = array<i32>} : memref<24x128xf32, #tpu.memory_space<vmem>>, vector<1x16xf32>,
      %get3A_265 = vector.shape_cast %get3A_264 : vector<1x16xf32> to vector<16xf32>
      %get3A_266 = arith.index_cast %scan3A_11 : i32 to index
      %get3A_267 = arith.constant 352 : index
      %get3A_268 = tpu.vector_load %arg7[%get3A_266, %get3A_267] {strides = array<i32>} : memref<128x512xf32, #tpu.memory_space<vmem>>, vector<1x16xf32>,
      %get3A_269 = vector.shape_cast %get3A_268 : vector<1x16xf32> to vector<16xf32>
      %mul3A_270 = arith.mulf %get3A_265, %get3A_269 : vector<16xf32>
      %add3A_271 = arith.addf %add3A_260, %mul3A_270 : vector<16xf32>
      %get3A_272 = arith.constant 23 : i32
      %get3A_273 = arith.index_cast %get3A_272 : i32 to index
      %get3A_274 = arith.constant 0 : index
      %get3A_275 = tpu.vector_load %arg8[%get3A_273, %get3A_274] {strides = array<i32>} : memref<24x128xf32, #tpu.memory_space<vmem>>, vector<1x16xf32>,
      %get3A_276 = vector.shape_cast %get3A_275 : vector<1x16xf32> to vector<16xf32>
      %get3A_277 = arith.index_cast %scan3A_11 : i32 to index
      %get3A_278 = arith.constant 368 : index
      %get3A_279 = tpu.vector_load %arg7[%get3A_277, %get3A_278] {strides = array<i32>} : memref<128x512xf32, #tpu.memory_space<vmem>>, vector<1x16xf32>,
      %get3A_280 = vector.shape_cast %get3A_279 : vector<1x16xf32> to vector<16xf32>
      %mul3A_281 = arith.mulf %get3A_276, %get3A_280 : vector<16xf32>
      %add3A_282 = arith.addf %add3A_271, %mul3A_281 : vector<16xf32>
      %swap3A = arith.index_cast %scan3A_11 : i32 to index
      %swap3A_283 = arith.constant 0 : index
      %swap3A_284 = tpu.vector_load %arg9[%swap3A, %swap3A_283] {strides = array<i32>} : memref<128x128xf32, #tpu.memory_space<vmem>>, vector<1x16xf32>,
      %swap3A_285 = vector.shape_cast %swap3A_284 : vector<1x16xf32> to vector<16xf32>
      %swap3A_286 = vector.shape_cast %add3A_282 : vector<16xf32> to vector<1x16xf32>
      tpu.vector_store %arg9[%swap3A, %swap3A_283], %swap3A_286 {strides = array<i32>} : memref<128x128xf32, #tpu.memory_space<vmem>>, vector<1x16xf32>,
      %get3A_287 = arith.constant 0 : i32
      %get3A_288 = arith.index_cast %get3A_287 : i32 to index
      %get3A_289 = arith.constant 16 : index
      %get3A_290 = tpu.vector_load %arg8[%get3A_288, %get3A_289] {strides = array<i32>} : memref<24x128xf32, #tpu.memory_space<vmem>>, vector<1x16xf32>,
      %get3A_291 = vector.shape_cast %get3A_290 : vector<1x16xf32> to vector<16xf32>
      %get3A_292 = arith.index_cast %scan3A_11 : i32 to index
      %get3A_293 = arith.constant 0 : index
      %get3A_294 = tpu.vector_load %arg7[%get3A_292, %get3A_293] {strides = array<i32>} : memref<128x512xf32, #tpu.memory_space<vmem>>, vector<1x16xf32>,
      %get3A_295 = vector.shape_cast %get3A_294 : vector<1x16xf32> to vector<16xf32>
      %mul3A_296 = arith.mulf %get3A_291, %get3A_295 : vector<16xf32>
      %get3A_297 = arith.constant 1 : i32
      %get3A_298 = arith.index_cast %get3A_297 : i32 to index
      %get3A_299 = arith.constant 16 : index
      %get3A_300 = tpu.vector_load %arg8[%get3A_298, %get3A_299] {strides = array<i32>} : memref<24x128xf32, #tpu.memory_space<vmem>>, vector<1x16xf32>,
      %get3A_301 = vector.shape_cast %get3A_300 : vector<1x16xf32> to vector<16xf32>
      %get3A_302 = arith.index_cast %scan3A_11 : i32 to index
      %get3A_303 = arith.constant 16 : index
      %get3A_304 = tpu.vector_load %arg7[%get3A_302, %get3A_303] {strides = array<i32>} : memref<128x512xf32, #tpu.memory_space<vmem>>, vector<1x16xf32>,
      %get3A_305 = vector.shape_cast %get3A_304 : vector<1x16xf32> to vector<16xf32>
      %mul3A_306 = arith.mulf %get3A_301, %get3A_305 : vector<16xf32>
      %add3A_307 = arith.addf %mul3A_296, %mul3A_306 : vector<16xf32>
      %get3A_308 = arith.constant 2 : i32
      %get3A_309 = arith.index_cast %get3A_308 : i32 to index
      %get3A_310 = arith.constant 16 : index
      %get3A_311 = tpu.vector_load %arg8[%get3A_309, %get3A_310] {strides = array<i32>} : memref<24x128xf32, #tpu.memory_space<vmem>>, vector<1x16xf32>,
      %get3A_312 = vector.shape_cast %get3A_311 : vector<1x16xf32> to vector<16xf32>
      %get3A_313 = arith.index_cast %scan3A_11 : i32 to index
      %get3A_314 = arith.constant 32 : index
      %get3A_315 = tpu.vector_load %arg7[%get3A_313, %get3A_314] {strides = array<i32>} : memref<128x512xf32, #tpu.memory_space<vmem>>, vector<1x16xf32>,
      %get3A_316 = vector.shape_cast %get3A_315 : vector<1x16xf32> to vector<16xf32>
      %mul3A_317 = arith.mulf %get3A_312, %get3A_316 : vector<16xf32>
      %add3A_318 = arith.addf %add3A_307, %mul3A_317 : vector<16xf32>
      %get3A_319 = arith.constant 3 : i32
      %get3A_320 = arith.index_cast %get3A_319 : i32 to index
      %get3A_321 = arith.constant 16 : index
      %get3A_322 = tpu.vector_load %arg8[%get3A_320, %get3A_321] {strides = array<i32>} : memref<24x128xf32, #tpu.memory_space<vmem>>, vector<1x16xf32>,
      %get3A_323 = vector.shape_cast %get3A_322 : vector<1x16xf32> to vector<16xf32>
      %get3A_324 = arith.index_cast %scan3A_11 : i32 to index
      %get3A_325 = arith.constant 48 : index
      %get3A_326 = tpu.vector_load %arg7[%get3A_324, %get3A_325] {strides = array<i32>} : memref<128x512xf32, #tpu.memory_space<vmem>>, vector<1x16xf32>,
      %get3A_327 = vector.shape_cast %get3A_326 : vector<1x16xf32> to vector<16xf32>
      %mul3A_328 = arith.mulf %get3A_323, %get3A_327 : vector<16xf32>
      %add3A_329 = arith.addf %add3A_318, %mul3A_328 : vector<16xf32>
      %get3A_330 = arith.constant 4 : i32
      %get3A_331 = arith.index_cast %get3A_330 : i32 to index
      %get3A_332 = arith.constant 16 : index
      %get3A_333 = tpu.vector_load %arg8[%get3A_331, %get3A_332] {strides = array<i32>} : memref<24x128xf32, #tpu.memory_space<vmem>>, vector<1x16xf32>,
      %get3A_334 = vector.shape_cast %get3A_333 : vector<1x16xf32> to vector<16xf32>
      %get3A_335 = arith.index_cast %scan3A_11 : i32 to index
      %get3A_336 = arith.constant 64 : index
      %get3A_337 = tpu.vector_load %arg7[%get3A_335, %get3A_336] {strides = array<i32>} : memref<128x512xf32, #tpu.memory_space<vmem>>, vector<1x16xf32>,
      %get3A_338 = vector.shape_cast %get3A_337 : vector<1x16xf32> to vector<16xf32>
      %mul3A_339 = arith.mulf %get3A_334, %get3A_338 : vector<16xf32>
      %add3A_340 = arith.addf %add3A_329, %mul3A_339 : vector<16xf32>
      %get3A_341 = arith.constant 5 : i32
      %get3A_342 = arith.index_cast %get3A_341 : i32 to index
      %get3A_343 = arith.constant 16 : index
      %get3A_344 = tpu.vector_load %arg8[%get3A_342, %get3A_343] {strides = array<i32>} : memref<24x128xf32, #tpu.memory_space<vmem>>, vector<1x16xf32>,
      %get3A_345 = vector.shape_cast %get3A_344 : vector<1x16xf32> to vector<16xf32>
      %get3A_346 = arith.index_cast %scan3A_11 : i32 to index
      %get3A_347 = arith.constant 80 : index
      %get3A_348 = tpu.vector_load %arg7[%get3A_346, %get3A_347] {strides = array<i32>} : memref<128x512xf32, #tpu.memory_space<vmem>>, vector<1x16xf32>,
      %get3A_349 = vector.shape_cast %get3A_348 : vector<1x16xf32> to vector<16xf32>
      %mul3A_350 = arith.mulf %get3A_345, %get3A_349 : vector<16xf32>
      %add3A_351 = arith.addf %add3A_340, %mul3A_350 : vector<16xf32>
      %get3A_352 = arith.constant 6 : i32
      %get3A_353 = arith.index_cast %get3A_352 : i32 to index
      %get3A_354 = arith.constant 16 : index
      %get3A_355 = tpu.vector_load %arg8[%get3A_353, %get3A_354] {strides = array<i32>} : memref<24x128xf32, #tpu.memory_space<vmem>>, vector<1x16xf32>,
      %get3A_356 = vector.shape_cast %get3A_355 : vector<1x16xf32> to vector<16xf32>
      %get3A_357 = arith.index_cast %scan3A_11 : i32 to index
      %get3A_358 = arith.constant 96 : index
      %get3A_359 = tpu.vector_load %arg7[%get3A_357, %get3A_358] {strides = array<i32>} : memref<128x512xf32, #tpu.memory_space<vmem>>, vector<1x16xf32>,
      %get3A_360 = vector.shape_cast %get3A_359 : vector<1x16xf32> to vector<16xf32>
      %mul3A_361 = arith.mulf %get3A_356, %get3A_360 : vector<16xf32>
      %add3A_362 = arith.addf %add3A_351, %mul3A_361 : vector<16xf32>
      %get3A_363 = arith.constant 7 : i32
      %get3A_364 = arith.index_cast %get3A_363 : i32 to index
      %get3A_365 = arith.constant 16 : index
      %get3A_366 = tpu.vector_load %arg8[%get3A_364, %get3A_365] {strides = array<i32>} : memref<24x128xf32, #tpu.memory_space<vmem>>, vector<1x16xf32>,
      %get3A_367 = vector.shape_cast %get3A_366 : vector<1x16xf32> to vector<16xf32>
      %get3A_368 = arith.index_cast %scan3A_11 : i32 to index
      %get3A_369 = arith.constant 112 : index
      %get3A_370 = tpu.vector_load %arg7[%get3A_368, %get3A_369] {strides = array<i32>} : memref<128x512xf32, #tpu.memory_space<vmem>>, vector<1x16xf32>,
      %get3A_371 = vector.shape_cast %get3A_370 : vector<1x16xf32> to vector<16xf32>
      %mul3A_372 = arith.mulf %get3A_367, %get3A_371 : vector<16xf32>
      %add3A_373 = arith.addf %add3A_362, %mul3A_372 : vector<16xf32>
      %get3A_374 = arith.constant 8 : i32
      %get3A_375 = arith.index_cast %get3A_374 : i32 to index
      %get3A_376 = arith.constant 16 : index
      %get3A_377 = tpu.vector_load %arg8[%get3A_375, %get3A_376] {strides = array<i32>} : memref<24x128xf32, #tpu.memory_space<vmem>>, vector<1x16xf32>,
      %get3A_378 = vector.shape_cast %get3A_377 : vector<1x16xf32> to vector<16xf32>
      %get3A_379 = arith.index_cast %scan3A_11 : i32 to index
      %get3A_380 = arith.constant 128 : index
      %get3A_381 = tpu.vector_load %arg7[%get3A_379, %get3A_380] {strides = array<i32>} : memref<128x512xf32, #tpu.memory_space<vmem>>, vector<1x16xf32>,
      %get3A_382 = vector.shape_cast %get3A_381 : vector<1x16xf32> to vector<16xf32>
      %mul3A_383 = arith.mulf %get3A_378, %get3A_382 : vector<16xf32>
      %add3A_384 = arith.addf %add3A_373, %mul3A_383 : vector<16xf32>
      %get3A_385 = arith.constant 9 : i32
      %get3A_386 = arith.index_cast %get3A_385 : i32 to index
      %get3A_387 = arith.constant 16 : index
      %get3A_388 = tpu.vector_load %arg8[%get3A_386, %get3A_387] {strides = array<i32>} : memref<24x128xf32, #tpu.memory_space<vmem>>, vector<1x16xf32>,
      %get3A_389 = vector.shape_cast %get3A_388 : vector<1x16xf32> to vector<16xf32>
      %get3A_390 = arith.index_cast %scan3A_11 : i32 to index
      %get3A_391 = arith.constant 144 : index
      %get3A_392 = tpu.vector_load %arg7[%get3A_390, %get3A_391] {strides = array<i32>} : memref<128x512xf32, #tpu.memory_space<vmem>>, vector<1x16xf32>,
      %get3A_393 = vector.shape_cast %get3A_392 : vector<1x16xf32> to vector<16xf32>
      %mul3A_394 = arith.mulf %get3A_389, %get3A_393 : vector<16xf32>
      %add3A_395 = arith.addf %add3A_384, %mul3A_394 : vector<16xf32>
      %get3A_396 = arith.constant 10 : i32
      %get3A_397 = arith.index_cast %get3A_396 : i32 to index
      %get3A_398 = arith.constant 16 : index
      %get3A_399 = tpu.vector_load %arg8[%get3A_397, %get3A_398] {strides = array<i32>} : memref<24x128xf32, #tpu.memory_space<vmem>>, vector<1x16xf32>,
      %get3A_400 = vector.shape_cast %get3A_399 : vector<1x16xf32> to vector<16xf32>
      %get3A_401 = arith.index_cast %scan3A_11 : i32 to index
      %get3A_402 = arith.constant 160 : index
      %get3A_403 = tpu.vector_load %arg7[%get3A_401, %get3A_402] {strides = array<i32>} : memref<128x512xf32, #tpu.memory_space<vmem>>, vector<1x16xf32>,
      %get3A_404 = vector.shape_cast %get3A_403 : vector<1x16xf32> to vector<16xf32>
      %mul3A_405 = arith.mulf %get3A_400, %get3A_404 : vector<16xf32>
      %add3A_406 = arith.addf %add3A_395, %mul3A_405 : vector<16xf32>
      %get3A_407 = arith.constant 11 : i32
      %get3A_408 = arith.index_cast %get3A_407 : i32 to index
      %get3A_409 = arith.constant 16 : index
      %get3A_410 = tpu.vector_load %arg8[%get3A_408, %get3A_409] {strides = array<i32>} : memref<24x128xf32, #tpu.memory_space<vmem>>, vector<1x16xf32>,
      %get3A_411 = vector.shape_cast %get3A_410 : vector<1x16xf32> to vector<16xf32>
      %get3A_412 = arith.index_cast %scan3A_11 : i32 to index
      %get3A_413 = arith.constant 176 : index
      %get3A_414 = tpu.vector_load %arg7[%get3A_412, %get3A_413] {strides = array<i32>} : memref<128x512xf32, #tpu.memory_space<vmem>>, vector<1x16xf32>,
      %get3A_415 = vector.shape_cast %get3A_414 : vector<1x16xf32> to vector<16xf32>
      %mul3A_416 = arith.mulf %get3A_411, %get3A_415 : vector<16xf32>
      %add3A_417 = arith.addf %add3A_406, %mul3A_416 : vector<16xf32>
      %get3A_418 = arith.constant 12 : i32
      %get3A_419 = arith.index_cast %get3A_418 : i32 to index
      %get3A_420 = arith.constant 16 : index
      %get3A_421 = tpu.vector_load %arg8[%get3A_419, %get3A_420] {strides = array<i32>} : memref<24x128xf32, #tpu.memory_space<vmem>>, vector<1x16xf32>,
      %get3A_422 = vector.shape_cast %get3A_421 : vector<1x16xf32> to vector<16xf32>
      %get3A_423 = arith.index_cast %scan3A_11 : i32 to index
      %get3A_424 = arith.constant 192 : index
      %get3A_425 = tpu.vector_load %arg7[%get3A_423, %get3A_424] {strides = array<i32>} : memref<128x512xf32, #tpu.memory_space<vmem>>, vector<1x16xf32>,
      %get3A_426 = vector.shape_cast %get3A_425 : vector<1x16xf32> to vector<16xf32>
      %mul3A_427 = arith.mulf %get3A_422, %get3A_426 : vector<16xf32>
      %add3A_428 = arith.addf %add3A_417, %mul3A_427 : vector<16xf32>
      %get3A_429 = arith.constant 13 : i32
      %get3A_430 = arith.index_cast %get3A_429 : i32 to index
      %get3A_431 = arith.constant 16 : index
      %get3A_432 = tpu.vector_load %arg8[%get3A_430, %get3A_431] {strides = array<i32>} : memref<24x128xf32, #tpu.memory_space<vmem>>, vector<1x16xf32>,
      %get3A_433 = vector.shape_cast %get3A_432 : vector<1x16xf32> to vector<16xf32>
      %get3A_434 = arith.index_cast %scan3A_11 : i32 to index
      %get3A_435 = arith.constant 208 : index
      %get3A_436 = tpu.vector_load %arg7[%get3A_434, %get3A_435] {strides = array<i32>} : memref<128x512xf32, #tpu.memory_space<vmem>>, vector<1x16xf32>,
      %get3A_437 = vector.shape_cast %get3A_436 : vector<1x16xf32> to vector<16xf32>
      %mul3A_438 = arith.mulf %get3A_433, %get3A_437 : vector<16xf32>
      %add3A_439 = arith.addf %add3A_428, %mul3A_438 : vector<16xf32>
      %get3A_440 = arith.constant 14 : i32
      %get3A_441 = arith.index_cast %get3A_440 : i32 to index
      %get3A_442 = arith.constant 16 : index
      %get3A_443 = tpu.vector_load %arg8[%get3A_441, %get3A_442] {strides = array<i32>} : memref<24x128xf32, #tpu.memory_space<vmem>>, vector<1x16xf32>,
      %get3A_444 = vector.shape_cast %get3A_443 : vector<1x16xf32> to vector<16xf32>
      %get3A_445 = arith.index_cast %scan3A_11 : i32 to index
      %get3A_446 = arith.constant 224 : index
      %get3A_447 = tpu.vector_load %arg7[%get3A_445, %get3A_446] {strides = array<i32>} : memref<128x512xf32, #tpu.memory_space<vmem>>, vector<1x16xf32>,
      %get3A_448 = vector.shape_cast %get3A_447 : vector<1x16xf32> to vector<16xf32>
      %mul3A_449 = arith.mulf %get3A_444, %get3A_448 : vector<16xf32>
      %add3A_450 = arith.addf %add3A_439, %mul3A_449 : vector<16xf32>
      %get3A_451 = arith.constant 15 : i32
      %get3A_452 = arith.index_cast %get3A_451 : i32 to index
      %get3A_453 = arith.constant 16 : index
      %get3A_454 = tpu.vector_load %arg8[%get3A_452, %get3A_453] {strides = array<i32>} : memref<24x128xf32, #tpu.memory_space<vmem>>, vector<1x16xf32>,
      %get3A_455 = vector.shape_cast %get3A_454 : vector<1x16xf32> to vector<16xf32>
      %get3A_456 = arith.index_cast %scan3A_11 : i32 to index
      %get3A_457 = arith.constant 240 : index
      %get3A_458 = tpu.vector_load %arg7[%get3A_456, %get3A_457] {strides = array<i32>} : memref<128x512xf32, #tpu.memory_space<vmem>>, vector<1x16xf32>,
      %get3A_459 = vector.shape_cast %get3A_458 : vector<1x16xf32> to vector<16xf32>
      %mul3A_460 = arith.mulf %get3A_455, %get3A_459 : vector<16xf32>
      %add3A_461 = arith.addf %add3A_450, %mul3A_460 : vector<16xf32>
      %get3A_462 = arith.constant 16 : i32
      %get3A_463 = arith.index_cast %get3A_462 : i32 to index
      %get3A_464 = arith.constant 16 : index
      %get3A_465 = tpu.vector_load %arg8[%get3A_463, %get3A_464] {strides = array<i32>} : memref<24x128xf32, #tpu.memory_space<vmem>>, vector<1x16xf32>,
      %get3A_466 = vector.shape_cast %get3A_465 : vector<1x16xf32> to vector<16xf32>
      %get3A_467 = arith.index_cast %scan3A_11 : i32 to index
      %get3A_468 = arith.constant 256 : index
      %get3A_469 = tpu.vector_load %arg7[%get3A_467, %get3A_468] {strides = array<i32>} : memref<128x512xf32, #tpu.memory_space<vmem>>, vector<1x16xf32>,
      %get3A_470 = vector.shape_cast %get3A_469 : vector<1x16xf32> to vector<16xf32>
      %mul3A_471 = arith.mulf %get3A_466, %get3A_470 : vector<16xf32>
      %add3A_472 = arith.addf %add3A_461, %mul3A_471 : vector<16xf32>
      %get3A_473 = arith.constant 17 : i32
      %get3A_474 = arith.index_cast %get3A_473 : i32 to index
      %get3A_475 = arith.constant 16 : index
      %get3A_476 = tpu.vector_load %arg8[%get3A_474, %get3A_475] {strides = array<i32>} : memref<24x128xf32, #tpu.memory_space<vmem>>, vector<1x16xf32>,
      %get3A_477 = vector.shape_cast %get3A_476 : vector<1x16xf32> to vector<16xf32>
      %get3A_478 = arith.index_cast %scan3A_11 : i32 to index
      %get3A_479 = arith.constant 272 : index
      %get3A_480 = tpu.vector_load %arg7[%get3A_478, %get3A_479] {strides = array<i32>} : memref<128x512xf32, #tpu.memory_space<vmem>>, vector<1x16xf32>,
      %get3A_481 = vector.shape_cast %get3A_480 : vector<1x16xf32> to vector<16xf32>
      %mul3A_482 = arith.mulf %get3A_477, %get3A_481 : vector<16xf32>
      %add3A_483 = arith.addf %add3A_472, %mul3A_482 : vector<16xf32>
      %get3A_484 = arith.constant 18 : i32
      %get3A_485 = arith.index_cast %get3A_484 : i32 to index
      %get3A_486 = arith.constant 16 : index
      %get3A_487 = tpu.vector_load %arg8[%get3A_485, %get3A_486] {strides = array<i32>} : memref<24x128xf32, #tpu.memory_space<vmem>>, vector<1x16xf32>,
      %get3A_488 = vector.shape_cast %get3A_487 : vector<1x16xf32> to vector<16xf32>
      %get3A_489 = arith.index_cast %scan3A_11 : i32 to index
      %get3A_490 = arith.constant 288 : index
      %get3A_491 = tpu.vector_load %arg7[%get3A_489, %get3A_490] {strides = array<i32>} : memref<128x512xf32, #tpu.memory_space<vmem>>, vector<1x16xf32>,
      %get3A_492 = vector.shape_cast %get3A_491 : vector<1x16xf32> to vector<16xf32>
      %mul3A_493 = arith.mulf %get3A_488, %get3A_492 : vector<16xf32>
      %add3A_494 = arith.addf %add3A_483, %mul3A_493 : vector<16xf32>
      %get3A_495 = arith.constant 19 : i32
      %get3A_496 = arith.index_cast %get3A_495 : i32 to index
      %get3A_497 = arith.constant 16 : index
      %get3A_498 = tpu.vector_load %arg8[%get3A_496, %get3A_497] {strides = array<i32>} : memref<24x128xf32, #tpu.memory_space<vmem>>, vector<1x16xf32>,
      %get3A_499 = vector.shape_cast %get3A_498 : vector<1x16xf32> to vector<16xf32>
      %get3A_500 = arith.index_cast %scan3A_11 : i32 to index
      %get3A_501 = arith.constant 304 : index
      %get3A_502 = tpu.vector_load %arg7[%get3A_500, %get3A_501] {strides = array<i32>} : memref<128x512xf32, #tpu.memory_space<vmem>>, vector<1x16xf32>,
      %get3A_503 = vector.shape_cast %get3A_502 : vector<1x16xf32> to vector<16xf32>
      %mul3A_504 = arith.mulf %get3A_499, %get3A_503 : vector<16xf32>
      %add3A_505 = arith.addf %add3A_494, %mul3A_504 : vector<16xf32>
      %get3A_506 = arith.constant 20 : i32
      %get3A_507 = arith.index_cast %get3A_506 : i32 to index
      %get3A_508 = arith.constant 16 : index
      %get3A_509 = tpu.vector_load %arg8[%get3A_507, %get3A_508] {strides = array<i32>} : memref<24x128xf32, #tpu.memory_space<vmem>>, vector<1x16xf32>,
      %get3A_510 = vector.shape_cast %get3A_509 : vector<1x16xf32> to vector<16xf32>
      %get3A_511 = arith.index_cast %scan3A_11 : i32 to index
      %get3A_512 = arith.constant 320 : index
      %get3A_513 = tpu.vector_load %arg7[%get3A_511, %get3A_512] {strides = array<i32>} : memref<128x512xf32, #tpu.memory_space<vmem>>, vector<1x16xf32>,
      %get3A_514 = vector.shape_cast %get3A_513 : vector<1x16xf32> to vector<16xf32>
      %mul3A_515 = arith.mulf %get3A_510, %get3A_514 : vector<16xf32>
      %add3A_516 = arith.addf %add3A_505, %mul3A_515 : vector<16xf32>
      %get3A_517 = arith.constant 21 : i32
      %get3A_518 = arith.index_cast %get3A_517 : i32 to index
      %get3A_519 = arith.constant 16 : index
      %get3A_520 = tpu.vector_load %arg8[%get3A_518, %get3A_519] {strides = array<i32>} : memref<24x128xf32, #tpu.memory_space<vmem>>, vector<1x16xf32>,
      %get3A_521 = vector.shape_cast %get3A_520 : vector<1x16xf32> to vector<16xf32>
      %get3A_522 = arith.index_cast %scan3A_11 : i32 to index
      %get3A_523 = arith.constant 336 : index
      %get3A_524 = tpu.vector_load %arg7[%get3A_522, %get3A_523] {strides = array<i32>} : memref<128x512xf32, #tpu.memory_space<vmem>>, vector<1x16xf32>,
      %get3A_525 = vector.shape_cast %get3A_524 : vector<1x16xf32> to vector<16xf32>
      %mul3A_526 = arith.mulf %get3A_521, %get3A_525 : vector<16xf32>
      %add3A_527 = arith.addf %add3A_516, %mul3A_526 : vector<16xf32>
      %get3A_528 = arith.constant 22 : i32
      %get3A_529 = arith.index_cast %get3A_528 : i32 to index
      %get3A_530 = arith.constant 16 : index
      %get3A_531 = tpu.vector_load %arg8[%get3A_529, %get3A_530] {strides = array<i32>} : memref<24x128xf32, #tpu.memory_space<vmem>>, vector<1x16xf32>,
      %get3A_532 = vector.shape_cast %get3A_531 : vector<1x16xf32> to vector<16xf32>
      %get3A_533 = arith.index_cast %scan3A_11 : i32 to index
      %get3A_534 = arith.constant 352 : index
      %get3A_535 = tpu.vector_load %arg7[%get3A_533, %get3A_534] {strides = array<i32>} : memref<128x512xf32, #tpu.memory_space<vmem>>, vector<1x16xf32>,
      %get3A_536 = vector.shape_cast %get3A_535 : vector<1x16xf32> to vector<16xf32>
      %mul3A_537 = arith.mulf %get3A_532, %get3A_536 : vector<16xf32>
      %add3A_538 = arith.addf %add3A_527, %mul3A_537 : vector<16xf32>
      %get3A_539 = arith.constant 23 : i32
      %get3A_540 = arith.index_cast %get3A_539 : i32 to index
      %get3A_541 = arith.constant 16 : index
      %get3A_542 = tpu.vector_load %arg8[%get3A_540, %get3A_541] {strides = array<i32>} : memref<24x128xf32, #tpu.memory_space<vmem>>, vector<1x16xf32>,
      %get3A_543 = vector.shape_cast %get3A_542 : vector<1x16xf32> to vector<16xf32>
      %get3A_544 = arith.index_cast %scan3A_11 : i32 to index
      %get3A_545 = arith.constant 368 : index
      %get3A_546 = tpu.vector_load %arg7[%get3A_544, %get3A_545] {strides = array<i32>} : memref<128x512xf32, #tpu.memory_space<vmem>>, vector<1x16xf32>,
      %get3A_547 = vector.shape_cast %get3A_546 : vector<1x16xf32> to vector<16xf32>
      %mul3A_548 = arith.mulf %get3A_543, %get3A_547 : vector<16xf32>
      %add3A_549 = arith.addf %add3A_538, %mul3A_548 : vector<16xf32>
      %swap3A_550 = arith.index_cast %scan3A_11 : i32 to index
      %swap3A_551 = arith.constant 16 : index
      %swap3A_552 = tpu.vector_load %arg9[%swap3A_550, %swap3A_551] {strides = array<i32>} : memref<128x128xf32, #tpu.memory_space<vmem>>, vector<1x16xf32>,
      %swap3A_553 = vector.shape_cast %swap3A_552 : vector<1x16xf32> to vector<16xf32>
      %swap3A_554 = vector.shape_cast %add3A_549 : vector<16xf32> to vector<1x16xf32>
      tpu.vector_store %arg9[%swap3A_550, %swap3A_551], %swap3A_554 {strides = array<i32>} : memref<128x128xf32, #tpu.memory_space<vmem>>, vector<1x16xf32>,
      %get3A_555 = arith.constant 0 : i32
      %get3A_556 = arith.index_cast %get3A_555 : i32 to index
      %get3A_557 = arith.constant 32 : index
      %get3A_558 = tpu.vector_load %arg8[%get3A_556, %get3A_557] {strides = array<i32>} : memref<24x128xf32, #tpu.memory_space<vmem>>, vector<1x16xf32>,
      %get3A_559 = vector.shape_cast %get3A_558 : vector<1x16xf32> to vector<16xf32>
      %get3A_560 = arith.index_cast %scan3A_11 : i32 to index
      %get3A_561 = arith.constant 0 : index
      %get3A_562 = tpu.vector_load %arg7[%get3A_560, %get3A_561] {strides = array<i32>} : memref<128x512xf32, #tpu.memory_space<vmem>>, vector<1x16xf32>,
      %get3A_563 = vector.shape_cast %get3A_562 : vector<1x16xf32> to vector<16xf32>
      %mul3A_564 = arith.mulf %get3A_559, %get3A_563 : vector<16xf32>
      %get3A_565 = arith.constant 1 : i32
      %get3A_566 = arith.index_cast %get3A_565 : i32 to index
      %get3A_567 = arith.constant 32 : index
      %get3A_568 = tpu.vector_load %arg8[%get3A_566, %get3A_567] {strides = array<i32>} : memref<24x128xf32, #tpu.memory_space<vmem>>, vector<1x16xf32>,
      %get3A_569 = vector.shape_cast %get3A_568 : vector<1x16xf32> to vector<16xf32>
      %get3A_570 = arith.index_cast %scan3A_11 : i32 to index
      %get3A_571 = arith.constant 16 : index
      %get3A_572 = tpu.vector_load %arg7[%get3A_570, %get3A_571] {strides = array<i32>} : memref<128x512xf32, #tpu.memory_space<vmem>>, vector<1x16xf32>,
      %get3A_573 = vector.shape_cast %get3A_572 : vector<1x16xf32> to vector<16xf32>
      %mul3A_574 = arith.mulf %get3A_569, %get3A_573 : vector<16xf32>
      %add3A_575 = arith.addf %mul3A_564, %mul3A_574 : vector<16xf32>
      %get3A_576 = arith.constant 2 : i32
      %get3A_577 = arith.index_cast %get3A_576 : i32 to index
      %get3A_578 = arith.constant 32 : index
      %get3A_579 = tpu.vector_load %arg8[%get3A_577, %get3A_578] {strides = array<i32>} : memref<24x128xf32, #tpu.memory_space<vmem>>, vector<1x16xf32>,
      %get3A_580 = vector.shape_cast %get3A_579 : vector<1x16xf32> to vector<16xf32>
      %get3A_581 = arith.index_cast %scan3A_11 : i32 to index
      %get3A_582 = arith.constant 32 : index
      %get3A_583 = tpu.vector_load %arg7[%get3A_581, %get3A_582] {strides = array<i32>} : memref<128x512xf32, #tpu.memory_space<vmem>>, vector<1x16xf32>,
      %get3A_584 = vector.shape_cast %get3A_583 : vector<1x16xf32> to vector<16xf32>
      %mul3A_585 = arith.mulf %get3A_580, %get3A_584 : vector<16xf32>
      %add3A_586 = arith.addf %add3A_575, %mul3A_585 : vector<16xf32>
      %get3A_587 = arith.constant 3 : i32
      %get3A_588 = arith.index_cast %get3A_587 : i32 to index
      %get3A_589 = arith.constant 32 : index
      %get3A_590 = tpu.vector_load %arg8[%get3A_588, %get3A_589] {strides = array<i32>} : memref<24x128xf32, #tpu.memory_space<vmem>>, vector<1x16xf32>,
      %get3A_591 = vector.shape_cast %get3A_590 : vector<1x16xf32> to vector<16xf32>
      %get3A_592 = arith.index_cast %scan3A_11 : i32 to index
      %get3A_593 = arith.constant 48 : index
      %get3A_594 = tpu.vector_load %arg7[%get3A_592, %get3A_593] {strides = array<i32>} : memref<128x512xf32, #tpu.memory_space<vmem>>, vector<1x16xf32>,
      %get3A_595 = vector.shape_cast %get3A_594 : vector<1x16xf32> to vector<16xf32>
      %mul3A_596 = arith.mulf %get3A_591, %get3A_595 : vector<16xf32>
      %add3A_597 = arith.addf %add3A_586, %mul3A_596 : vector<16xf32>
      %get3A_598 = arith.constant 4 : i32
      %get3A_599 = arith.index_cast %get3A_598 : i32 to index
      %get3A_600 = arith.constant 32 : index
      %get3A_601 = tpu.vector_load %arg8[%get3A_599, %get3A_600] {strides = array<i32>} : memref<24x128xf32, #tpu.memory_space<vmem>>, vector<1x16xf32>,
      %get3A_602 = vector.shape_cast %get3A_601 : vector<1x16xf32> to vector<16xf32>
      %get3A_603 = arith.index_cast %scan3A_11 : i32 to index
      %get3A_604 = arith.constant 64 : index
      %get3A_605 = tpu.vector_load %arg7[%get3A_603, %get3A_604] {strides = array<i32>} : memref<128x512xf32, #tpu.memory_space<vmem>>, vector<1x16xf32>,
      %get3A_606 = vector.shape_cast %get3A_605 : vector<1x16xf32> to vector<16xf32>
      %mul3A_607 = arith.mulf %get3A_602, %get3A_606 : vector<16xf32>
      %add3A_608 = arith.addf %add3A_597, %mul3A_607 : vector<16xf32>
      %get3A_609 = arith.constant 5 : i32
      %get3A_610 = arith.index_cast %get3A_609 : i32 to index
      %get3A_611 = arith.constant 32 : index
      %get3A_612 = tpu.vector_load %arg8[%get3A_610, %get3A_611] {strides = array<i32>} : memref<24x128xf32, #tpu.memory_space<vmem>>, vector<1x16xf32>,
      %get3A_613 = vector.shape_cast %get3A_612 : vector<1x16xf32> to vector<16xf32>
      %get3A_614 = arith.index_cast %scan3A_11 : i32 to index
      %get3A_615 = arith.constant 80 : index
      %get3A_616 = tpu.vector_load %arg7[%get3A_614, %get3A_615] {strides = array<i32>} : memref<128x512xf32, #tpu.memory_space<vmem>>, vector<1x16xf32>,
      %get3A_617 = vector.shape_cast %get3A_616 : vector<1x16xf32> to vector<16xf32>
      %mul3A_618 = arith.mulf %get3A_613, %get3A_617 : vector<16xf32>
      %add3A_619 = arith.addf %add3A_608, %mul3A_618 : vector<16xf32>
      %get3A_620 = arith.constant 6 : i32
      %get3A_621 = arith.index_cast %get3A_620 : i32 to index
      %get3A_622 = arith.constant 32 : index
      %get3A_623 = tpu.vector_load %arg8[%get3A_621, %get3A_622] {strides = array<i32>} : memref<24x128xf32, #tpu.memory_space<vmem>>, vector<1x16xf32>,
      %get3A_624 = vector.shape_cast %get3A_623 : vector<1x16xf32> to vector<16xf32>
      %get3A_625 = arith.index_cast %scan3A_11 : i32 to index
      %get3A_626 = arith.constant 96 : index
      %get3A_627 = tpu.vector_load %arg7[%get3A_625, %get3A_626] {strides = array<i32>} : memref<128x512xf32, #tpu.memory_space<vmem>>, vector<1x16xf32>,
      %get3A_628 = vector.shape_cast %get3A_627 : vector<1x16xf32> to vector<16xf32>
      %mul3A_629 = arith.mulf %get3A_624, %get3A_628 : vector<16xf32>
      %add3A_630 = arith.addf %add3A_619, %mul3A_629 : vector<16xf32>
      %get3A_631 = arith.constant 7 : i32
      %get3A_632 = arith.index_cast %get3A_631 : i32 to index
      %get3A_633 = arith.constant 32 : index
      %get3A_634 = tpu.vector_load %arg8[%get3A_632, %get3A_633] {strides = array<i32>} : memref<24x128xf32, #tpu.memory_space<vmem>>, vector<1x16xf32>,
      %get3A_635 = vector.shape_cast %get3A_634 : vector<1x16xf32> to vector<16xf32>
      %get3A_636 = arith.index_cast %scan3A_11 : i32 to index
      %get3A_637 = arith.constant 112 : index
      %get3A_638 = tpu.vector_load %arg7[%get3A_636, %get3A_637] {strides = array<i32>} : memref<128x512xf32, #tpu.memory_space<vmem>>, vector<1x16xf32>,
      %get3A_639 = vector.shape_cast %get3A_638 : vector<1x16xf32> to vector<16xf32>
      %mul3A_640 = arith.mulf %get3A_635, %get3A_639 : vector<16xf32>
      %add3A_641 = arith.addf %add3A_630, %mul3A_640 : vector<16xf32>
      %get3A_642 = arith.constant 8 : i32
      %get3A_643 = arith.index_cast %get3A_642 : i32 to index
      %get3A_644 = arith.constant 32 : index
      %get3A_645 = tpu.vector_load %arg8[%get3A_643, %get3A_644] {strides = array<i32>} : memref<24x128xf32, #tpu.memory_space<vmem>>, vector<1x16xf32>,
      %get3A_646 = vector.shape_cast %get3A_645 : vector<1x16xf32> to vector<16xf32>
      %get3A_647 = arith.index_cast %scan3A_11 : i32 to index
      %get3A_648 = arith.constant 128 : index
      %get3A_649 = tpu.vector_load %arg7[%get3A_647, %get3A_648] {strides = array<i32>} : memref<128x512xf32, #tpu.memory_space<vmem>>, vector<1x16xf32>,
      %get3A_650 = vector.shape_cast %get3A_649 : vector<1x16xf32> to vector<16xf32>
      %mul3A_651 = arith.mulf %get3A_646, %get3A_650 : vector<16xf32>
      %add3A_652 = arith.addf %add3A_641, %mul3A_651 : vector<16xf32>
      %get3A_653 = arith.constant 9 : i32
      %get3A_654 = arith.index_cast %get3A_653 : i32 to index
      %get3A_655 = arith.constant 32 : index
      %get3A_656 = tpu.vector_load %arg8[%get3A_654, %get3A_655] {strides = array<i32>} : memref<24x128xf32, #tpu.memory_space<vmem>>, vector<1x16xf32>,
      %get3A_657 = vector.shape_cast %get3A_656 : vector<1x16xf32> to vector<16xf32>
      %get3A_658 = arith.index_cast %scan3A_11 : i32 to index
      %get3A_659 = arith.constant 144 : index
      %get3A_660 = tpu.vector_load %arg7[%get3A_658, %get3A_659] {strides = array<i32>} : memref<128x512xf32, #tpu.memory_space<vmem>>, vector<1x16xf32>,
      %get3A_661 = vector.shape_cast %get3A_660 : vector<1x16xf32> to vector<16xf32>
      %mul3A_662 = arith.mulf %get3A_657, %get3A_661 : vector<16xf32>
      %add3A_663 = arith.addf %add3A_652, %mul3A_662 : vector<16xf32>
      %get3A_664 = arith.constant 10 : i32
      %get3A_665 = arith.index_cast %get3A_664 : i32 to index
      %get3A_666 = arith.constant 32 : index
      %get3A_667 = tpu.vector_load %arg8[%get3A_665, %get3A_666] {strides = array<i32>} : memref<24x128xf32, #tpu.memory_space<vmem>>, vector<1x16xf32>,
      %get3A_668 = vector.shape_cast %get3A_667 : vector<1x16xf32> to vector<16xf32>
      %get3A_669 = arith.index_cast %scan3A_11 : i32 to index
      %get3A_670 = arith.constant 160 : index
      %get3A_671 = tpu.vector_load %arg7[%get3A_669, %get3A_670] {strides = array<i32>} : memref<128x512xf32, #tpu.memory_space<vmem>>, vector<1x16xf32>,
      %get3A_672 = vector.shape_cast %get3A_671 : vector<1x16xf32> to vector<16xf32>
      %mul3A_673 = arith.mulf %get3A_668, %get3A_672 : vector<16xf32>
      %add3A_674 = arith.addf %add3A_663, %mul3A_673 : vector<16xf32>
      %get3A_675 = arith.constant 11 : i32
      %get3A_676 = arith.index_cast %get3A_675 : i32 to index
      %get3A_677 = arith.constant 32 : index
      %get3A_678 = tpu.vector_load %arg8[%get3A_676, %get3A_677] {strides = array<i32>} : memref<24x128xf32, #tpu.memory_space<vmem>>, vector<1x16xf32>,
      %get3A_679 = vector.shape_cast %get3A_678 : vector<1x16xf32> to vector<16xf32>
      %get3A_680 = arith.index_cast %scan3A_11 : i32 to index
      %get3A_681 = arith.constant 176 : index
      %get3A_682 = tpu.vector_load %arg7[%get3A_680, %get3A_681] {strides = array<i32>} : memref<128x512xf32, #tpu.memory_space<vmem>>, vector<1x16xf32>,
      %get3A_683 = vector.shape_cast %get3A_682 : vector<1x16xf32> to vector<16xf32>
      %mul3A_684 = arith.mulf %get3A_679, %get3A_683 : vector<16xf32>
      %add3A_685 = arith.addf %add3A_674, %mul3A_684 : vector<16xf32>
      %get3A_686 = arith.constant 12 : i32
      %get3A_687 = arith.index_cast %get3A_686 : i32 to index
      %get3A_688 = arith.constant 32 : index
      %get3A_689 = tpu.vector_load %arg8[%get3A_687, %get3A_688] {strides = array<i32>} : memref<24x128xf32, #tpu.memory_space<vmem>>, vector<1x16xf32>,
      %get3A_690 = vector.shape_cast %get3A_689 : vector<1x16xf32> to vector<16xf32>
      %get3A_691 = arith.index_cast %scan3A_11 : i32 to index
      %get3A_692 = arith.constant 192 : index
      %get3A_693 = tpu.vector_load %arg7[%get3A_691, %get3A_692] {strides = array<i32>} : memref<128x512xf32, #tpu.memory_space<vmem>>, vector<1x16xf32>,
      %get3A_694 = vector.shape_cast %get3A_693 : vector<1x16xf32> to vector<16xf32>
      %mul3A_695 = arith.mulf %get3A_690, %get3A_694 : vector<16xf32>
      %add3A_696 = arith.addf %add3A_685, %mul3A_695 : vector<16xf32>
      %get3A_697 = arith.constant 13 : i32
      %get3A_698 = arith.index_cast %get3A_697 : i32 to index
      %get3A_699 = arith.constant 32 : index
      %get3A_700 = tpu.vector_load %arg8[%get3A_698, %get3A_699] {strides = array<i32>} : memref<24x128xf32, #tpu.memory_space<vmem>>, vector<1x16xf32>,
      %get3A_701 = vector.shape_cast %get3A_700 : vector<1x16xf32> to vector<16xf32>
      %get3A_702 = arith.index_cast %scan3A_11 : i32 to index
      %get3A_703 = arith.constant 208 : index
      %get3A_704 = tpu.vector_load %arg7[%get3A_702, %get3A_703] {strides = array<i32>} : memref<128x512xf32, #tpu.memory_space<vmem>>, vector<1x16xf32>,
      %get3A_705 = vector.shape_cast %get3A_704 : vector<1x16xf32> to vector<16xf32>
      %mul3A_706 = arith.mulf %get3A_701, %get3A_705 : vector<16xf32>
      %add3A_707 = arith.addf %add3A_696, %mul3A_706 : vector<16xf32>
      %get3A_708 = arith.constant 14 : i32
      %get3A_709 = arith.index_cast %get3A_708 : i32 to index
      %get3A_710 = arith.constant 32 : index
      %get3A_711 = tpu.vector_load %arg8[%get3A_709, %get3A_710] {strides = array<i32>} : memref<24x128xf32, #tpu.memory_space<vmem>>, vector<1x16xf32>,
      %get3A_712 = vector.shape_cast %get3A_711 : vector<1x16xf32> to vector<16xf32>
      %get3A_713 = arith.index_cast %scan3A_11 : i32 to index
      %get3A_714 = arith.constant 224 : index
      %get3A_715 = tpu.vector_load %arg7[%get3A_713, %get3A_714] {strides = array<i32>} : memref<128x512xf32, #tpu.memory_space<vmem>>, vector<1x16xf32>,
      %get3A_716 = vector.shape_cast %get3A_715 : vector<1x16xf32> to vector<16xf32>
      %mul3A_717 = arith.mulf %get3A_712, %get3A_716 : vector<16xf32>
      %add3A_718 = arith.addf %add3A_707, %mul3A_717 : vector<16xf32>
      %get3A_719 = arith.constant 15 : i32
      %get3A_720 = arith.index_cast %get3A_719 : i32 to index
      %get3A_721 = arith.constant 32 : index
      %get3A_722 = tpu.vector_load %arg8[%get3A_720, %get3A_721] {strides = array<i32>} : memref<24x128xf32, #tpu.memory_space<vmem>>, vector<1x16xf32>,
      %get3A_723 = vector.shape_cast %get3A_722 : vector<1x16xf32> to vector<16xf32>
      %get3A_724 = arith.index_cast %scan3A_11 : i32 to index
      %get3A_725 = arith.constant 240 : index
      %get3A_726 = tpu.vector_load %arg7[%get3A_724, %get3A_725] {strides = array<i32>} : memref<128x512xf32, #tpu.memory_space<vmem>>, vector<1x16xf32>,
      %get3A_727 = vector.shape_cast %get3A_726 : vector<1x16xf32> to vector<16xf32>
      %mul3A_728 = arith.mulf %get3A_723, %get3A_727 : vector<16xf32>
      %add3A_729 = arith.addf %add3A_718, %mul3A_728 : vector<16xf32>
      %get3A_730 = arith.constant 16 : i32
      %get3A_731 = arith.index_cast %get3A_730 : i32 to index
      %get3A_732 = arith.constant 32 : index
      %get3A_733 = tpu.vector_load %arg8[%get3A_731, %get3A_732] {strides = array<i32>} : memref<24x128xf32, #tpu.memory_space<vmem>>, vector<1x16xf32>,
      %get3A_734 = vector.shape_cast %get3A_733 : vector<1x16xf32> to vector<16xf32>
      %get3A_735 = arith.index_cast %scan3A_11 : i32 to index
      %get3A_736 = arith.constant 256 : index
      %get3A_737 = tpu.vector_load %arg7[%get3A_735, %get3A_736] {strides = array<i32>} : memref<128x512xf32, #tpu.memory_space<vmem>>, vector<1x16xf32>,
      %get3A_738 = vector.shape_cast %get3A_737 : vector<1x16xf32> to vector<16xf32>
      %mul3A_739 = arith.mulf %get3A_734, %get3A_738 : vector<16xf32>
      %add3A_740 = arith.addf %add3A_729, %mul3A_739 : vector<16xf32>
      %get3A_741 = arith.constant 17 : i32
      %get3A_742 = arith.index_cast %get3A_741 : i32 to index
      %get3A_743 = arith.constant 32 : index
      %get3A_744 = tpu.vector_load %arg8[%get3A_742, %get3A_743] {strides = array<i32>} : memref<24x128xf32, #tpu.memory_space<vmem>>, vector<1x16xf32>,
      %get3A_745 = vector.shape_cast %get3A_744 : vector<1x16xf32> to vector<16xf32>
      %get3A_746 = arith.index_cast %scan3A_11 : i32 to index
      %get3A_747 = arith.constant 272 : index
      %get3A_748 = tpu.vector_load %arg7[%get3A_746, %get3A_747] {strides = array<i32>} : memref<128x512xf32, #tpu.memory_space<vmem>>, vector<1x16xf32>,
      %get3A_749 = vector.shape_cast %get3A_748 : vector<1x16xf32> to vector<16xf32>
      %mul3A_750 = arith.mulf %get3A_745, %get3A_749 : vector<16xf32>
      %add3A_751 = arith.addf %add3A_740, %mul3A_750 : vector<16xf32>
      %get3A_752 = arith.constant 18 : i32
      %get3A_753 = arith.index_cast %get3A_752 : i32 to index
      %get3A_754 = arith.constant 32 : index
      %get3A_755 = tpu.vector_load %arg8[%get3A_753, %get3A_754] {strides = array<i32>} : memref<24x128xf32, #tpu.memory_space<vmem>>, vector<1x16xf32>,
      %get3A_756 = vector.shape_cast %get3A_755 : vector<1x16xf32> to vector<16xf32>
      %get3A_757 = arith.index_cast %scan3A_11 : i32 to index
      %get3A_758 = arith.constant 288 : index
      %get3A_759 = tpu.vector_load %arg7[%get3A_757, %get3A_758] {strides = array<i32>} : memref<128x512xf32, #tpu.memory_space<vmem>>, vector<1x16xf32>,
      %get3A_760 = vector.shape_cast %get3A_759 : vector<1x16xf32> to vector<16xf32>
      %mul3A_761 = arith.mulf %get3A_756, %get3A_760 : vector<16xf32>
      %add3A_762 = arith.addf %add3A_751, %mul3A_761 : vector<16xf32>
      %get3A_763 = arith.constant 19 : i32
      %get3A_764 = arith.index_cast %get3A_763 : i32 to index
      %get3A_765 = arith.constant 32 : index
      %get3A_766 = tpu.vector_load %arg8[%get3A_764, %get3A_765] {strides = array<i32>} : memref<24x128xf32, #tpu.memory_space<vmem>>, vector<1x16xf32>,
      %get3A_767 = vector.shape_cast %get3A_766 : vector<1x16xf32> to vector<16xf32>
      %get3A_768 = arith.index_cast %scan3A_11 : i32 to index
      %get3A_769 = arith.constant 304 : index
      %get3A_770 = tpu.vector_load %arg7[%get3A_768, %get3A_769] {strides = array<i32>} : memref<128x512xf32, #tpu.memory_space<vmem>>, vector<1x16xf32>,
      %get3A_771 = vector.shape_cast %get3A_770 : vector<1x16xf32> to vector<16xf32>
      %mul3A_772 = arith.mulf %get3A_767, %get3A_771 : vector<16xf32>
      %add3A_773 = arith.addf %add3A_762, %mul3A_772 : vector<16xf32>
      %get3A_774 = arith.constant 20 : i32
      %get3A_775 = arith.index_cast %get3A_774 : i32 to index
      %get3A_776 = arith.constant 32 : index
      %get3A_777 = tpu.vector_load %arg8[%get3A_775, %get3A_776] {strides = array<i32>} : memref<24x128xf32, #tpu.memory_space<vmem>>, vector<1x16xf32>,
      %get3A_778 = vector.shape_cast %get3A_777 : vector<1x16xf32> to vector<16xf32>
      %get3A_779 = arith.index_cast %scan3A_11 : i32 to index
      %get3A_780 = arith.constant 320 : index
      %get3A_781 = tpu.vector_load %arg7[%get3A_779, %get3A_780] {strides = array<i32>} : memref<128x512xf32, #tpu.memory_space<vmem>>, vector<1x16xf32>,
      %get3A_782 = vector.shape_cast %get3A_781 : vector<1x16xf32> to vector<16xf32>
      %mul3A_783 = arith.mulf %get3A_778, %get3A_782 : vector<16xf32>
      %add3A_784 = arith.addf %add3A_773, %mul3A_783 : vector<16xf32>
      %get3A_785 = arith.constant 21 : i32
      %get3A_786 = arith.index_cast %get3A_785 : i32 to index
      %get3A_787 = arith.constant 32 : index
      %get3A_788 = tpu.vector_load %arg8[%get3A_786, %get3A_787] {strides = array<i32>} : memref<24x128xf32, #tpu.memory_space<vmem>>, vector<1x16xf32>,
      %get3A_789 = vector.shape_cast %get3A_788 : vector<1x16xf32> to vector<16xf32>
      %get3A_790 = arith.index_cast %scan3A_11 : i32 to index
      %get3A_791 = arith.constant 336 : index
      %get3A_792 = tpu.vector_load %arg7[%get3A_790, %get3A_791] {strides = array<i32>} : memref<128x512xf32, #tpu.memory_space<vmem>>, vector<1x16xf32>,
      %get3A_793 = vector.shape_cast %get3A_792 : vector<1x16xf32> to vector<16xf32>
      %mul3A_794 = arith.mulf %get3A_789, %get3A_793 : vector<16xf32>
      %add3A_795 = arith.addf %add3A_784, %mul3A_794 : vector<16xf32>
      %get3A_796 = arith.constant 22 : i32
      %get3A_797 = arith.index_cast %get3A_796 : i32 to index
      %get3A_798 = arith.constant 32 : index
      %get3A_799 = tpu.vector_load %arg8[%get3A_797, %get3A_798] {strides = array<i32>} : memref<24x128xf32, #tpu.memory_space<vmem>>, vector<1x16xf32>,
      %get3A_800 = vector.shape_cast %get3A_799 : vector<1x16xf32> to vector<16xf32>
      %get3A_801 = arith.index_cast %scan3A_11 : i32 to index
      %get3A_802 = arith.constant 352 : index
      %get3A_803 = tpu.vector_load %arg7[%get3A_801, %get3A_802] {strides = array<i32>} : memref<128x512xf32, #tpu.memory_space<vmem>>, vector<1x16xf32>,
      %get3A_804 = vector.shape_cast %get3A_803 : vector<1x16xf32> to vector<16xf32>
      %mul3A_805 = arith.mulf %get3A_800, %get3A_804 : vector<16xf32>
      %add3A_806 = arith.addf %add3A_795, %mul3A_805 : vector<16xf32>
      %get3A_807 = arith.constant 23 : i32
      %get3A_808 = arith.index_cast %get3A_807 : i32 to index
      %get3A_809 = arith.constant 32 : index
      %get3A_810 = tpu.vector_load %arg8[%get3A_808, %get3A_809] {strides = array<i32>} : memref<24x128xf32, #tpu.memory_space<vmem>>, vector<1x16xf32>,
      %get3A_811 = vector.shape_cast %get3A_810 : vector<1x16xf32> to vector<16xf32>
      %get3A_812 = arith.index_cast %scan3A_11 : i32 to index
      %get3A_813 = arith.constant 368 : index
      %get3A_814 = tpu.vector_load %arg7[%get3A_812, %get3A_813] {strides = array<i32>} : memref<128x512xf32, #tpu.memory_space<vmem>>, vector<1x16xf32>,
      %get3A_815 = vector.shape_cast %get3A_814 : vector<1x16xf32> to vector<16xf32>
      %mul3A_816 = arith.mulf %get3A_811, %get3A_815 : vector<16xf32>
      %add3A_817 = arith.addf %add3A_806, %mul3A_816 : vector<16xf32>
      %swap3A_818 = arith.index_cast %scan3A_11 : i32 to index
      %swap3A_819 = arith.constant 32 : index
      %swap3A_820 = tpu.vector_load %arg9[%swap3A_818, %swap3A_819] {strides = array<i32>} : memref<128x128xf32, #tpu.memory_space<vmem>>, vector<1x16xf32>,
      %swap3A_821 = vector.shape_cast %swap3A_820 : vector<1x16xf32> to vector<16xf32>
      %swap3A_822 = vector.shape_cast %add3A_817 : vector<16xf32> to vector<1x16xf32>
      tpu.vector_store %arg9[%swap3A_818, %swap3A_819], %swap3A_822 {strides = array<i32>} : memref<128x128xf32, #tpu.memory_space<vmem>>, vector<1x16xf32>,
      %get3A_823 = arith.constant 0 : i32
      %get3A_824 = arith.index_cast %get3A_823 : i32 to index
      %get3A_825 = arith.constant 48 : index
      %get3A_826 = tpu.vector_load %arg8[%get3A_824, %get3A_825] {strides = array<i32>} : memref<24x128xf32, #tpu.memory_space<vmem>>, vector<1x16xf32>,
      %get3A_827 = vector.shape_cast %get3A_826 : vector<1x16xf32> to vector<16xf32>
      %get3A_828 = arith.index_cast %scan3A_11 : i32 to index
      %get3A_829 = arith.constant 0 : index
      %get3A_830 = tpu.vector_load %arg7[%get3A_828, %get3A_829] {strides = array<i32>} : memref<128x512xf32, #tpu.memory_space<vmem>>, vector<1x16xf32>,
      %get3A_831 = vector.shape_cast %get3A_830 : vector<1x16xf32> to vector<16xf32>
      %mul3A_832 = arith.mulf %get3A_827, %get3A_831 : vector<16xf32>
      %get3A_833 = arith.constant 1 : i32
      %get3A_834 = arith.index_cast %get3A_833 : i32 to index
      %get3A_835 = arith.constant 48 : index
      %get3A_836 = tpu.vector_load %arg8[%get3A_834, %get3A_835] {strides = array<i32>} : memref<24x128xf32, #tpu.memory_space<vmem>>, vector<1x16xf32>,
      %get3A_837 = vector.shape_cast %get3A_836 : vector<1x16xf32> to vector<16xf32>
      %get3A_838 = arith.index_cast %scan3A_11 : i32 to index
      %get3A_839 = arith.constant 16 : index
      %get3A_840 = tpu.vector_load %arg7[%get3A_838, %get3A_839] {strides = array<i32>} : memref<128x512xf32, #tpu.memory_space<vmem>>, vector<1x16xf32>,
      %get3A_841 = vector.shape_cast %get3A_840 : vector<1x16xf32> to vector<16xf32>
      %mul3A_842 = arith.mulf %get3A_837, %get3A_841 : vector<16xf32>
      %add3A_843 = arith.addf %mul3A_832, %mul3A_842 : vector<16xf32>
      %get3A_844 = arith.constant 2 : i32
      %get3A_845 = arith.index_cast %get3A_844 : i32 to index
      %get3A_846 = arith.constant 48 : index
      %get3A_847 = tpu.vector_load %arg8[%get3A_845, %get3A_846] {strides = array<i32>} : memref<24x128xf32, #tpu.memory_space<vmem>>, vector<1x16xf32>,
      %get3A_848 = vector.shape_cast %get3A_847 : vector<1x16xf32> to vector<16xf32>
      %get3A_849 = arith.index_cast %scan3A_11 : i32 to index
      %get3A_850 = arith.constant 32 : index
      %get3A_851 = tpu.vector_load %arg7[%get3A_849, %get3A_850] {strides = array<i32>} : memref<128x512xf32, #tpu.memory_space<vmem>>, vector<1x16xf32>,
      %get3A_852 = vector.shape_cast %get3A_851 : vector<1x16xf32> to vector<16xf32>
      %mul3A_853 = arith.mulf %get3A_848, %get3A_852 : vector<16xf32>
      %add3A_854 = arith.addf %add3A_843, %mul3A_853 : vector<16xf32>
      %get3A_855 = arith.constant 3 : i32
      %get3A_856 = arith.index_cast %get3A_855 : i32 to index
      %get3A_857 = arith.constant 48 : index
      %get3A_858 = tpu.vector_load %arg8[%get3A_856, %get3A_857] {strides = array<i32>} : memref<24x128xf32, #tpu.memory_space<vmem>>, vector<1x16xf32>,
      %get3A_859 = vector.shape_cast %get3A_858 : vector<1x16xf32> to vector<16xf32>
      %get3A_860 = arith.index_cast %scan3A_11 : i32 to index
      %get3A_861 = arith.constant 48 : index
      %get3A_862 = tpu.vector_load %arg7[%get3A_860, %get3A_861] {strides = array<i32>} : memref<128x512xf32, #tpu.memory_space<vmem>>, vector<1x16xf32>,
      %get3A_863 = vector.shape_cast %get3A_862 : vector<1x16xf32> to vector<16xf32>
      %mul3A_864 = arith.mulf %get3A_859, %get3A_863 : vector<16xf32>
      %add3A_865 = arith.addf %add3A_854, %mul3A_864 : vector<16xf32>
      %get3A_866 = arith.constant 4 : i32
      %get3A_867 = arith.index_cast %get3A_866 : i32 to index
      %get3A_868 = arith.constant 48 : index
      %get3A_869 = tpu.vector_load %arg8[%get3A_867, %get3A_868] {strides = array<i32>} : memref<24x128xf32, #tpu.memory_space<vmem>>, vector<1x16xf32>,
      %get3A_870 = vector.shape_cast %get3A_869 : vector<1x16xf32> to vector<16xf32>
      %get3A_871 = arith.index_cast %scan3A_11 : i32 to index
      %get3A_872 = arith.constant 64 : index
      %get3A_873 = tpu.vector_load %arg7[%get3A_871, %get3A_872] {strides = array<i32>} : memref<128x512xf32, #tpu.memory_space<vmem>>, vector<1x16xf32>,
      %get3A_874 = vector.shape_cast %get3A_873 : vector<1x16xf32> to vector<16xf32>
      %mul3A_875 = arith.mulf %get3A_870, %get3A_874 : vector<16xf32>
      %add3A_876 = arith.addf %add3A_865, %mul3A_875 : vector<16xf32>
      %get3A_877 = arith.constant 5 : i32
      %get3A_878 = arith.index_cast %get3A_877 : i32 to index
      %get3A_879 = arith.constant 48 : index
      %get3A_880 = tpu.vector_load %arg8[%get3A_878, %get3A_879] {strides = array<i32>} : memref<24x128xf32, #tpu.memory_space<vmem>>, vector<1x16xf32>,
      %get3A_881 = vector.shape_cast %get3A_880 : vector<1x16xf32> to vector<16xf32>
      %get3A_882 = arith.index_cast %scan3A_11 : i32 to index
      %get3A_883 = arith.constant 80 : index
      %get3A_884 = tpu.vector_load %arg7[%get3A_882, %get3A_883] {strides = array<i32>} : memref<128x512xf32, #tpu.memory_space<vmem>>, vector<1x16xf32>,
      %get3A_885 = vector.shape_cast %get3A_884 : vector<1x16xf32> to vector<16xf32>
      %mul3A_886 = arith.mulf %get3A_881, %get3A_885 : vector<16xf32>
      %add3A_887 = arith.addf %add3A_876, %mul3A_886 : vector<16xf32>
      %get3A_888 = arith.constant 6 : i32
      %get3A_889 = arith.index_cast %get3A_888 : i32 to index
      %get3A_890 = arith.constant 48 : index
      %get3A_891 = tpu.vector_load %arg8[%get3A_889, %get3A_890] {strides = array<i32>} : memref<24x128xf32, #tpu.memory_space<vmem>>, vector<1x16xf32>,
      %get3A_892 = vector.shape_cast %get3A_891 : vector<1x16xf32> to vector<16xf32>
      %get3A_893 = arith.index_cast %scan3A_11 : i32 to index
      %get3A_894 = arith.constant 96 : index
      %get3A_895 = tpu.vector_load %arg7[%get3A_893, %get3A_894] {strides = array<i32>} : memref<128x512xf32, #tpu.memory_space<vmem>>, vector<1x16xf32>,
      %get3A_896 = vector.shape_cast %get3A_895 : vector<1x16xf32> to vector<16xf32>
      %mul3A_897 = arith.mulf %get3A_892, %get3A_896 : vector<16xf32>
      %add3A_898 = arith.addf %add3A_887, %mul3A_897 : vector<16xf32>
      %get3A_899 = arith.constant 7 : i32
      %get3A_900 = arith.index_cast %get3A_899 : i32 to index
      %get3A_901 = arith.constant 48 : index
      %get3A_902 = tpu.vector_load %arg8[%get3A_900, %get3A_901] {strides = array<i32>} : memref<24x128xf32, #tpu.memory_space<vmem>>, vector<1x16xf32>,
      %get3A_903 = vector.shape_cast %get3A_902 : vector<1x16xf32> to vector<16xf32>
      %get3A_904 = arith.index_cast %scan3A_11 : i32 to index
      %get3A_905 = arith.constant 112 : index
      %get3A_906 = tpu.vector_load %arg7[%get3A_904, %get3A_905] {strides = array<i32>} : memref<128x512xf32, #tpu.memory_space<vmem>>, vector<1x16xf32>,
      %get3A_907 = vector.shape_cast %get3A_906 : vector<1x16xf32> to vector<16xf32>
      %mul3A_908 = arith.mulf %get3A_903, %get3A_907 : vector<16xf32>
      %add3A_909 = arith.addf %add3A_898, %mul3A_908 : vector<16xf32>
      %get3A_910 = arith.constant 8 : i32
      %get3A_911 = arith.index_cast %get3A_910 : i32 to index
      %get3A_912 = arith.constant 48 : index
      %get3A_913 = tpu.vector_load %arg8[%get3A_911, %get3A_912] {strides = array<i32>} : memref<24x128xf32, #tpu.memory_space<vmem>>, vector<1x16xf32>,
      %get3A_914 = vector.shape_cast %get3A_913 : vector<1x16xf32> to vector<16xf32>
      %get3A_915 = arith.index_cast %scan3A_11 : i32 to index
      %get3A_916 = arith.constant 128 : index
      %get3A_917 = tpu.vector_load %arg7[%get3A_915, %get3A_916] {strides = array<i32>} : memref<128x512xf32, #tpu.memory_space<vmem>>, vector<1x16xf32>,
      %get3A_918 = vector.shape_cast %get3A_917 : vector<1x16xf32> to vector<16xf32>
      %mul3A_919 = arith.mulf %get3A_914, %get3A_918 : vector<16xf32>
      %add3A_920 = arith.addf %add3A_909, %mul3A_919 : vector<16xf32>
      %get3A_921 = arith.constant 9 : i32
      %get3A_922 = arith.index_cast %get3A_921 : i32 to index
      %get3A_923 = arith.constant 48 : index
      %get3A_924 = tpu.vector_load %arg8[%get3A_922, %get3A_923] {strides = array<i32>} : memref<24x128xf32, #tpu.memory_space<vmem>>, vector<1x16xf32>,
      %get3A_925 = vector.shape_cast %get3A_924 : vector<1x16xf32> to vector<16xf32>
      %get3A_926 = arith.index_cast %scan3A_11 : i32 to index
      %get3A_927 = arith.constant 144 : index
      %get3A_928 = tpu.vector_load %arg7[%get3A_926, %get3A_927] {strides = array<i32>} : memref<128x512xf32, #tpu.memory_space<vmem>>, vector<1x16xf32>,
      %get3A_929 = vector.shape_cast %get3A_928 : vector<1x16xf32> to vector<16xf32>
      %mul3A_930 = arith.mulf %get3A_925, %get3A_929 : vector<16xf32>
      %add3A_931 = arith.addf %add3A_920, %mul3A_930 : vector<16xf32>
      %get3A_932 = arith.constant 10 : i32
      %get3A_933 = arith.index_cast %get3A_932 : i32 to index
      %get3A_934 = arith.constant 48 : index
      %get3A_935 = tpu.vector_load %arg8[%get3A_933, %get3A_934] {strides = array<i32>} : memref<24x128xf32, #tpu.memory_space<vmem>>, vector<1x16xf32>,
      %get3A_936 = vector.shape_cast %get3A_935 : vector<1x16xf32> to vector<16xf32>
      %get3A_937 = arith.index_cast %scan3A_11 : i32 to index
      %get3A_938 = arith.constant 160 : index
      %get3A_939 = tpu.vector_load %arg7[%get3A_937, %get3A_938] {strides = array<i32>} : memref<128x512xf32, #tpu.memory_space<vmem>>, vector<1x16xf32>,
      %get3A_940 = vector.shape_cast %get3A_939 : vector<1x16xf32> to vector<16xf32>
      %mul3A_941 = arith.mulf %get3A_936, %get3A_940 : vector<16xf32>
      %add3A_942 = arith.addf %add3A_931, %mul3A_941 : vector<16xf32>
      %get3A_943 = arith.constant 11 : i32
      %get3A_944 = arith.index_cast %get3A_943 : i32 to index
      %get3A_945 = arith.constant 48 : index
      %get3A_946 = tpu.vector_load %arg8[%get3A_944, %get3A_945] {strides = array<i32>} : memref<24x128xf32, #tpu.memory_space<vmem>>, vector<1x16xf32>,
      %get3A_947 = vector.shape_cast %get3A_946 : vector<1x16xf32> to vector<16xf32>
      %get3A_948 = arith.index_cast %scan3A_11 : i32 to index
      %get3A_949 = arith.constant 176 : index
      %get3A_950 = tpu.vector_load %arg7[%get3A_948, %get3A_949] {strides = array<i32>} : memref<128x512xf32, #tpu.memory_space<vmem>>, vector<1x16xf32>,
      %get3A_951 = vector.shape_cast %get3A_950 : vector<1x16xf32> to vector<16xf32>
      %mul3A_952 = arith.mulf %get3A_947, %get3A_951 : vector<16xf32>
      %add3A_953 = arith.addf %add3A_942, %mul3A_952 : vector<16xf32>
      %get3A_954 = arith.constant 12 : i32
      %get3A_955 = arith.index_cast %get3A_954 : i32 to index
      %get3A_956 = arith.constant 48 : index
      %get3A_957 = tpu.vector_load %arg8[%get3A_955, %get3A_956] {strides = array<i32>} : memref<24x128xf32, #tpu.memory_space<vmem>>, vector<1x16xf32>,
      %get3A_958 = vector.shape_cast %get3A_957 : vector<1x16xf32> to vector<16xf32>
      %get3A_959 = arith.index_cast %scan3A_11 : i32 to index
      %get3A_960 = arith.constant 192 : index
      %get3A_961 = tpu.vector_load %arg7[%get3A_959, %get3A_960] {strides = array<i32>} : memref<128x512xf32, #tpu.memory_space<vmem>>, vector<1x16xf32>,
      %get3A_962 = vector.shape_cast %get3A_961 : vector<1x16xf32> to vector<16xf32>
      %mul3A_963 = arith.mulf %get3A_958, %get3A_962 : vector<16xf32>
      %add3A_964 = arith.addf %add3A_953, %mul3A_963 : vector<16xf32>
      %get3A_965 = arith.constant 13 : i32
      %get3A_966 = arith.index_cast %get3A_965 : i32 to index
      %get3A_967 = arith.constant 48 : index
      %get3A_968 = tpu.vector_load %arg8[%get3A_966, %get3A_967] {strides = array<i32>} : memref<24x128xf32, #tpu.memory_space<vmem>>, vector<1x16xf32>,
      %get3A_969 = vector.shape_cast %get3A_968 : vector<1x16xf32> to vector<16xf32>
      %get3A_970 = arith.index_cast %scan3A_11 : i32 to index
      %get3A_971 = arith.constant 208 : index
      %get3A_972 = tpu.vector_load %arg7[%get3A_970, %get3A_971] {strides = array<i32>} : memref<128x512xf32, #tpu.memory_space<vmem>>, vector<1x16xf32>,
      %get3A_973 = vector.shape_cast %get3A_972 : vector<1x16xf32> to vector<16xf32>
      %mul3A_974 = arith.mulf %get3A_969, %get3A_973 : vector<16xf32>
      %add3A_975 = arith.addf %add3A_964, %mul3A_974 : vector<16xf32>
      %get3A_976 = arith.constant 14 : i32
      %get3A_977 = arith.index_cast %get3A_976 : i32 to index
      %get3A_978 = arith.constant 48 : index
      %get3A_979 = tpu.vector_load %arg8[%get3A_977, %get3A_978] {strides = array<i32>} : memref<24x128xf32, #tpu.memory_space<vmem>>, vector<1x16xf32>,
      %get3A_980 = vector.shape_cast %get3A_979 : vector<1x16xf32> to vector<16xf32>
      %get3A_981 = arith.index_cast %scan3A_11 : i32 to index
      %get3A_982 = arith.constant 224 : index
      %get3A_983 = tpu.vector_load %arg7[%get3A_981, %get3A_982] {strides = array<i32>} : memref<128x512xf32, #tpu.memory_space<vmem>>, vector<1x16xf32>,
      %get3A_984 = vector.shape_cast %get3A_983 : vector<1x16xf32> to vector<16xf32>
      %mul3A_985 = arith.mulf %get3A_980, %get3A_984 : vector<16xf32>
      %add3A_986 = arith.addf %add3A_975, %mul3A_985 : vector<16xf32>
      %get3A_987 = arith.constant 15 : i32
      %get3A_988 = arith.index_cast %get3A_987 : i32 to index
      %get3A_989 = arith.constant 48 : index
      %get3A_990 = tpu.vector_load %arg8[%get3A_988, %get3A_989] {strides = array<i32>} : memref<24x128xf32, #tpu.memory_space<vmem>>, vector<1x16xf32>,
      %get3A_991 = vector.shape_cast %get3A_990 : vector<1x16xf32> to vector<16xf32>
      %get3A_992 = arith.index_cast %scan3A_11 : i32 to index
      %get3A_993 = arith.constant 240 : index
      %get3A_994 = tpu.vector_load %arg7[%get3A_992, %get3A_993] {strides = array<i32>} : memref<128x512xf32, #tpu.memory_space<vmem>>, vector<1x16xf32>,
      %get3A_995 = vector.shape_cast %get3A_994 : vector<1x16xf32> to vector<16xf32>
      %mul3A_996 = arith.mulf %get3A_991, %get3A_995 : vector<16xf32>
      %add3A_997 = arith.addf %add3A_986, %mul3A_996 : vector<16xf32>
      %get3A_998 = arith.constant 16 : i32
      %get3A_999 = arith.index_cast %get3A_998 : i32 to index
      %get3A_1000 = arith.constant 48 : index
      %get3A_1001 = tpu.vector_load %arg8[%get3A_999, %get3A_1000] {strides = array<i32>} : memref<24x128xf32, #tpu.memory_space<vmem>>, vector<1x16xf32>,
      %get3A_1002 = vector.shape_cast %get3A_1001 : vector<1x16xf32> to vector<16xf32>
      %get3A_1003 = arith.index_cast %scan3A_11 : i32 to index
      %get3A_1004 = arith.constant 256 : index
      %get3A_1005 = tpu.vector_load %arg7[%get3A_1003, %get3A_1004] {strides = array<i32>} : memref<128x512xf32, #tpu.memory_space<vmem>>, vector<1x16xf32>,
      %get3A_1006 = vector.shape_cast %get3A_1005 : vector<1x16xf32> to vector<16xf32>
      %mul3A_1007 = arith.mulf %get3A_1002, %get3A_1006 : vector<16xf32>
      %add3A_1008 = arith.addf %add3A_997, %mul3A_1007 : vector<16xf32>
      %get3A_1009 = arith.constant 17 : i32
      %get3A_1010 = arith.index_cast %get3A_1009 : i32 to index
      %get3A_1011 = arith.constant 48 : index
      %get3A_1012 = tpu.vector_load %arg8[%get3A_1010, %get3A_1011] {strides = array<i32>} : memref<24x128xf32, #tpu.memory_space<vmem>>, vector<1x16xf32>,
      %get3A_1013 = vector.shape_cast %get3A_1012 : vector<1x16xf32> to vector<16xf32>
      %get3A_1014 = arith.index_cast %scan3A_11 : i32 to index
      %get3A_1015 = arith.constant 272 : index
      %get3A_1016 = tpu.vector_load %arg7[%get3A_1014, %get3A_1015] {strides = array<i32>} : memref<128x512xf32, #tpu.memory_space<vmem>>, vector<1x16xf32>,
      %get3A_1017 = vector.shape_cast %get3A_1016 : vector<1x16xf32> to vector<16xf32>
      %mul3A_1018 = arith.mulf %get3A_1013, %get3A_1017 : vector<16xf32>
      %add3A_1019 = arith.addf %add3A_1008, %mul3A_1018 : vector<16xf32>
      %get3A_1020 = arith.constant 18 : i32
      %get3A_1021 = arith.index_cast %get3A_1020 : i32 to index
      %get3A_1022 = arith.constant 48 : index
      %get3A_1023 = tpu.vector_load %arg8[%get3A_1021, %get3A_1022] {strides = array<i32>} : memref<24x128xf32, #tpu.memory_space<vmem>>, vector<1x16xf32>,
      %get3A_1024 = vector.shape_cast %get3A_1023 : vector<1x16xf32> to vector<16xf32>
      %get3A_1025 = arith.index_cast %scan3A_11 : i32 to index
      %get3A_1026 = arith.constant 288 : index
      %get3A_1027 = tpu.vector_load %arg7[%get3A_1025, %get3A_1026] {strides = array<i32>} : memref<128x512xf32, #tpu.memory_space<vmem>>, vector<1x16xf32>,
      %get3A_1028 = vector.shape_cast %get3A_1027 : vector<1x16xf32> to vector<16xf32>
      %mul3A_1029 = arith.mulf %get3A_1024, %get3A_1028 : vector<16xf32>
      %add3A_1030 = arith.addf %add3A_1019, %mul3A_1029 : vector<16xf32>
      %get3A_1031 = arith.constant 19 : i32
      %get3A_1032 = arith.index_cast %get3A_1031 : i32 to index
      %get3A_1033 = arith.constant 48 : index
      %get3A_1034 = tpu.vector_load %arg8[%get3A_1032, %get3A_1033] {strides = array<i32>} : memref<24x128xf32, #tpu.memory_space<vmem>>, vector<1x16xf32>,
      %get3A_1035 = vector.shape_cast %get3A_1034 : vector<1x16xf32> to vector<16xf32>
      %get3A_1036 = arith.index_cast %scan3A_11 : i32 to index
      %get3A_1037 = arith.constant 304 : index
      %get3A_1038 = tpu.vector_load %arg7[%get3A_1036, %get3A_1037] {strides = array<i32>} : memref<128x512xf32, #tpu.memory_space<vmem>>, vector<1x16xf32>,
      %get3A_1039 = vector.shape_cast %get3A_1038 : vector<1x16xf32> to vector<16xf32>
      %mul3A_1040 = arith.mulf %get3A_1035, %get3A_1039 : vector<16xf32>
      %add3A_1041 = arith.addf %add3A_1030, %mul3A_1040 : vector<16xf32>
      %get3A_1042 = arith.constant 20 : i32
      %get3A_1043 = arith.index_cast %get3A_1042 : i32 to index
      %get3A_1044 = arith.constant 48 : index
      %get3A_1045 = tpu.vector_load %arg8[%get3A_1043, %get3A_1044] {strides = array<i32>} : memref<24x128xf32, #tpu.memory_space<vmem>>, vector<1x16xf32>,
      %get3A_1046 = vector.shape_cast %get3A_1045 : vector<1x16xf32> to vector<16xf32>
      %get3A_1047 = arith.index_cast %scan3A_11 : i32 to index
      %get3A_1048 = arith.constant 320 : index
      %get3A_1049 = tpu.vector_load %arg7[%get3A_1047, %get3A_1048] {strides = array<i32>} : memref<128x512xf32, #tpu.memory_space<vmem>>, vector<1x16xf32>,
      %get3A_1050 = vector.shape_cast %get3A_1049 : vector<1x16xf32> to vector<16xf32>
      %mul3A_1051 = arith.mulf %get3A_1046, %get3A_1050 : vector<16xf32>
      %add3A_1052 = arith.addf %add3A_1041, %mul3A_1051 : vector<16xf32>
      %get3A_1053 = arith.constant 21 : i32
      %get3A_1054 = arith.index_cast %get3A_1053 : i32 to index
      %get3A_1055 = arith.constant 48 : index
      %get3A_1056 = tpu.vector_load %arg8[%get3A_1054, %get3A_1055] {strides = array<i32>} : memref<24x128xf32, #tpu.memory_space<vmem>>, vector<1x16xf32>,
      %get3A_1057 = vector.shape_cast %get3A_1056 : vector<1x16xf32> to vector<16xf32>
      %get3A_1058 = arith.index_cast %scan3A_11 : i32 to index
      %get3A_1059 = arith.constant 336 : index
      %get3A_1060 = tpu.vector_load %arg7[%get3A_1058, %get3A_1059] {strides = array<i32>} : memref<128x512xf32, #tpu.memory_space<vmem>>, vector<1x16xf32>,
      %get3A_1061 = vector.shape_cast %get3A_1060 : vector<1x16xf32> to vector<16xf32>
      %mul3A_1062 = arith.mulf %get3A_1057, %get3A_1061 : vector<16xf32>
      %add3A_1063 = arith.addf %add3A_1052, %mul3A_1062 : vector<16xf32>
      %get3A_1064 = arith.constant 22 : i32
      %get3A_1065 = arith.index_cast %get3A_1064 : i32 to index
      %get3A_1066 = arith.constant 48 : index
      %get3A_1067 = tpu.vector_load %arg8[%get3A_1065, %get3A_1066] {strides = array<i32>} : memref<24x128xf32, #tpu.memory_space<vmem>>, vector<1x16xf32>,
      %get3A_1068 = vector.shape_cast %get3A_1067 : vector<1x16xf32> to vector<16xf32>
      %get3A_1069 = arith.index_cast %scan3A_11 : i32 to index
      %get3A_1070 = arith.constant 352 : index
      %get3A_1071 = tpu.vector_load %arg7[%get3A_1069, %get3A_1070] {strides = array<i32>} : memref<128x512xf32, #tpu.memory_space<vmem>>, vector<1x16xf32>,
      %get3A_1072 = vector.shape_cast %get3A_1071 : vector<1x16xf32> to vector<16xf32>
      %mul3A_1073 = arith.mulf %get3A_1068, %get3A_1072 : vector<16xf32>
      %add3A_1074 = arith.addf %add3A_1063, %mul3A_1073 : vector<16xf32>
      %get3A_1075 = arith.constant 23 : i32
      %get3A_1076 = arith.index_cast %get3A_1075 : i32 to index
      %get3A_1077 = arith.constant 48 : index
      %get3A_1078 = tpu.vector_load %arg8[%get3A_1076, %get3A_1077] {strides = array<i32>} : memref<24x128xf32, #tpu.memory_space<vmem>>, vector<1x16xf32>,
      %get3A_1079 = vector.shape_cast %get3A_1078 : vector<1x16xf32> to vector<16xf32>
      %get3A_1080 = arith.index_cast %scan3A_11 : i32 to index
      %get3A_1081 = arith.constant 368 : index
      %get3A_1082 = tpu.vector_load %arg7[%get3A_1080, %get3A_1081] {strides = array<i32>} : memref<128x512xf32, #tpu.memory_space<vmem>>, vector<1x16xf32>,
      %get3A_1083 = vector.shape_cast %get3A_1082 : vector<1x16xf32> to vector<16xf32>
      %mul3A_1084 = arith.mulf %get3A_1079, %get3A_1083 : vector<16xf32>
      %add3A_1085 = arith.addf %add3A_1074, %mul3A_1084 : vector<16xf32>
      %swap3A_1086 = arith.index_cast %scan3A_11 : i32 to index
      %swap3A_1087 = arith.constant 48 : index
      %swap3A_1088 = tpu.vector_load %arg9[%swap3A_1086, %swap3A_1087] {strides = array<i32>} : memref<128x128xf32, #tpu.memory_space<vmem>>, vector<1x16xf32>,
      %swap3A_1089 = vector.shape_cast %swap3A_1088 : vector<1x16xf32> to vector<16xf32>
      %swap3A_1090 = vector.shape_cast %add3A_1085 : vector<16xf32> to vector<1x16xf32>
      tpu.vector_store %arg9[%swap3A_1086, %swap3A_1087], %swap3A_1090 {strides = array<i32>} : memref<128x128xf32, #tpu.memory_space<vmem>>, vector<1x16xf32>,
      %get3A_1091 = arith.constant 0 : i32
      %get3A_1092 = arith.index_cast %get3A_1091 : i32 to index
      %get3A_1093 = arith.constant 64 : index
      %get3A_1094 = tpu.vector_load %arg8[%get3A_1092, %get3A_1093] {strides = array<i32>} : memref<24x128xf32, #tpu.memory_space<vmem>>, vector<1x16xf32>,
      %get3A_1095 = vector.shape_cast %get3A_1094 : vector<1x16xf32> to vector<16xf32>
      %get3A_1096 = arith.index_cast %scan3A_11 : i32 to index
      %get3A_1097 = arith.constant 0 : index
      %get3A_1098 = tpu.vector_load %arg7[%get3A_1096, %get3A_1097] {strides = array<i32>} : memref<128x512xf32, #tpu.memory_space<vmem>>, vector<1x16xf32>,
      %get3A_1099 = vector.shape_cast %get3A_1098 : vector<1x16xf32> to vector<16xf32>
      %mul3A_1100 = arith.mulf %get3A_1095, %get3A_1099 : vector<16xf32>
      %get3A_1101 = arith.constant 1 : i32
      %get3A_1102 = arith.index_cast %get3A_1101 : i32 to index
      %get3A_1103 = arith.constant 64 : index
      %get3A_1104 = tpu.vector_load %arg8[%get3A_1102, %get3A_1103] {strides = array<i32>} : memref<24x128xf32, #tpu.memory_space<vmem>>, vector<1x16xf32>,
      %get3A_1105 = vector.shape_cast %get3A_1104 : vector<1x16xf32> to vector<16xf32>
      %get3A_1106 = arith.index_cast %scan3A_11 : i32 to index
      %get3A_1107 = arith.constant 16 : index
      %get3A_1108 = tpu.vector_load %arg7[%get3A_1106, %get3A_1107] {strides = array<i32>} : memref<128x512xf32, #tpu.memory_space<vmem>>, vector<1x16xf32>,
      %get3A_1109 = vector.shape_cast %get3A_1108 : vector<1x16xf32> to vector<16xf32>
      %mul3A_1110 = arith.mulf %get3A_1105, %get3A_1109 : vector<16xf32>
      %add3A_1111 = arith.addf %mul3A_1100, %mul3A_1110 : vector<16xf32>
      %get3A_1112 = arith.constant 2 : i32
      %get3A_1113 = arith.index_cast %get3A_1112 : i32 to index
      %get3A_1114 = arith.constant 64 : index
      %get3A_1115 = tpu.vector_load %arg8[%get3A_1113, %get3A_1114] {strides = array<i32>} : memref<24x128xf32, #tpu.memory_space<vmem>>, vector<1x16xf32>,
      %get3A_1116 = vector.shape_cast %get3A_1115 : vector<1x16xf32> to vector<16xf32>
      %get3A_1117 = arith.index_cast %scan3A_11 : i32 to index
      %get3A_1118 = arith.constant 32 : index
      %get3A_1119 = tpu.vector_load %arg7[%get3A_1117, %get3A_1118] {strides = array<i32>} : memref<128x512xf32, #tpu.memory_space<vmem>>, vector<1x16xf32>,
      %get3A_1120 = vector.shape_cast %get3A_1119 : vector<1x16xf32> to vector<16xf32>
      %mul3A_1121 = arith.mulf %get3A_1116, %get3A_1120 : vector<16xf32>
      %add3A_1122 = arith.addf %add3A_1111, %mul3A_1121 : vector<16xf32>
      %get3A_1123 = arith.constant 3 : i32
      %get3A_1124 = arith.index_cast %get3A_1123 : i32 to index
      %get3A_1125 = arith.constant 64 : index
      %get3A_1126 = tpu.vector_load %arg8[%get3A_1124, %get3A_1125] {strides = array<i32>} : memref<24x128xf32, #tpu.memory_space<vmem>>, vector<1x16xf32>,
      %get3A_1127 = vector.shape_cast %get3A_1126 : vector<1x16xf32> to vector<16xf32>
      %get3A_1128 = arith.index_cast %scan3A_11 : i32 to index
      %get3A_1129 = arith.constant 48 : index
      %get3A_1130 = tpu.vector_load %arg7[%get3A_1128, %get3A_1129] {strides = array<i32>} : memref<128x512xf32, #tpu.memory_space<vmem>>, vector<1x16xf32>,
      %get3A_1131 = vector.shape_cast %get3A_1130 : vector<1x16xf32> to vector<16xf32>
      %mul3A_1132 = arith.mulf %get3A_1127, %get3A_1131 : vector<16xf32>
      %add3A_1133 = arith.addf %add3A_1122, %mul3A_1132 : vector<16xf32>
      %get3A_1134 = arith.constant 4 : i32
      %get3A_1135 = arith.index_cast %get3A_1134 : i32 to index
      %get3A_1136 = arith.constant 64 : index
      %get3A_1137 = tpu.vector_load %arg8[%get3A_1135, %get3A_1136] {strides = array<i32>} : memref<24x128xf32, #tpu.memory_space<vmem>>, vector<1x16xf32>,
      %get3A_1138 = vector.shape_cast %get3A_1137 : vector<1x16xf32> to vector<16xf32>
      %get3A_1139 = arith.index_cast %scan3A_11 : i32 to index
      %get3A_1140 = arith.constant 64 : index
      %get3A_1141 = tpu.vector_load %arg7[%get3A_1139, %get3A_1140] {strides = array<i32>} : memref<128x512xf32, #tpu.memory_space<vmem>>, vector<1x16xf32>,
      %get3A_1142 = vector.shape_cast %get3A_1141 : vector<1x16xf32> to vector<16xf32>
      %mul3A_1143 = arith.mulf %get3A_1138, %get3A_1142 : vector<16xf32>
      %add3A_1144 = arith.addf %add3A_1133, %mul3A_1143 : vector<16xf32>
      %get3A_1145 = arith.constant 5 : i32
      %get3A_1146 = arith.index_cast %get3A_1145 : i32 to index
      %get3A_1147 = arith.constant 64 : index
      %get3A_1148 = tpu.vector_load %arg8[%get3A_1146, %get3A_1147] {strides = array<i32>} : memref<24x128xf32, #tpu.memory_space<vmem>>, vector<1x16xf32>,
      %get3A_1149 = vector.shape_cast %get3A_1148 : vector<1x16xf32> to vector<16xf32>
      %get3A_1150 = arith.index_cast %scan3A_11 : i32 to index
      %get3A_1151 = arith.constant 80 : index
      %get3A_1152 = tpu.vector_load %arg7[%get3A_1150, %get3A_1151] {strides = array<i32>} : memref<128x512xf32, #tpu.memory_space<vmem>>, vector<1x16xf32>,
      %get3A_1153 = vector.shape_cast %get3A_1152 : vector<1x16xf32> to vector<16xf32>
      %mul3A_1154 = arith.mulf %get3A_1149, %get3A_1153 : vector<16xf32>
      %add3A_1155 = arith.addf %add3A_1144, %mul3A_1154 : vector<16xf32>
      %get3A_1156 = arith.constant 6 : i32
      %get3A_1157 = arith.index_cast %get3A_1156 : i32 to index
      %get3A_1158 = arith.constant 64 : index
      %get3A_1159 = tpu.vector_load %arg8[%get3A_1157, %get3A_1158] {strides = array<i32>} : memref<24x128xf32, #tpu.memory_space<vmem>>, vector<1x16xf32>,
      %get3A_1160 = vector.shape_cast %get3A_1159 : vector<1x16xf32> to vector<16xf32>
      %get3A_1161 = arith.index_cast %scan3A_11 : i32 to index
      %get3A_1162 = arith.constant 96 : index
      %get3A_1163 = tpu.vector_load %arg7[%get3A_1161, %get3A_1162] {strides = array<i32>} : memref<128x512xf32, #tpu.memory_space<vmem>>, vector<1x16xf32>,
      %get3A_1164 = vector.shape_cast %get3A_1163 : vector<1x16xf32> to vector<16xf32>
      %mul3A_1165 = arith.mulf %get3A_1160, %get3A_1164 : vector<16xf32>
      %add3A_1166 = arith.addf %add3A_1155, %mul3A_1165 : vector<16xf32>
      %get3A_1167 = arith.constant 7 : i32
      %get3A_1168 = arith.index_cast %get3A_1167 : i32 to index
      %get3A_1169 = arith.constant 64 : index
      %get3A_1170 = tpu.vector_load %arg8[%get3A_1168, %get3A_1169] {strides = array<i32>} : memref<24x128xf32, #tpu.memory_space<vmem>>, vector<1x16xf32>,
      %get3A_1171 = vector.shape_cast %get3A_1170 : vector<1x16xf32> to vector<16xf32>
      %get3A_1172 = arith.index_cast %scan3A_11 : i32 to index
      %get3A_1173 = arith.constant 112 : index
      %get3A_1174 = tpu.vector_load %arg7[%get3A_1172, %get3A_1173] {strides = array<i32>} : memref<128x512xf32, #tpu.memory_space<vmem>>, vector<1x16xf32>,
      %get3A_1175 = vector.shape_cast %get3A_1174 : vector<1x16xf32> to vector<16xf32>
      %mul3A_1176 = arith.mulf %get3A_1171, %get3A_1175 : vector<16xf32>
      %add3A_1177 = arith.addf %add3A_1166, %mul3A_1176 : vector<16xf32>
      %get3A_1178 = arith.constant 8 : i32
      %get3A_1179 = arith.index_cast %get3A_1178 : i32 to index
      %get3A_1180 = arith.constant 64 : index
      %get3A_1181 = tpu.vector_load %arg8[%get3A_1179, %get3A_1180] {strides = array<i32>} : memref<24x128xf32, #tpu.memory_space<vmem>>, vector<1x16xf32>,
      %get3A_1182 = vector.shape_cast %get3A_1181 : vector<1x16xf32> to vector<16xf32>
      %get3A_1183 = arith.index_cast %scan3A_11 : i32 to index
      %get3A_1184 = arith.constant 128 : index
      %get3A_1185 = tpu.vector_load %arg7[%get3A_1183, %get3A_1184] {strides = array<i32>} : memref<128x512xf32, #tpu.memory_space<vmem>>, vector<1x16xf32>,
      %get3A_1186 = vector.shape_cast %get3A_1185 : vector<1x16xf32> to vector<16xf32>
      %mul3A_1187 = arith.mulf %get3A_1182, %get3A_1186 : vector<16xf32>
      %add3A_1188 = arith.addf %add3A_1177, %mul3A_1187 : vector<16xf32>
      %get3A_1189 = arith.constant 9 : i32
      %get3A_1190 = arith.index_cast %get3A_1189 : i32 to index
      %get3A_1191 = arith.constant 64 : index
      %get3A_1192 = tpu.vector_load %arg8[%get3A_1190, %get3A_1191] {strides = array<i32>} : memref<24x128xf32, #tpu.memory_space<vmem>>, vector<1x16xf32>,
      %get3A_1193 = vector.shape_cast %get3A_1192 : vector<1x16xf32> to vector<16xf32>
      %get3A_1194 = arith.index_cast %scan3A_11 : i32 to index
      %get3A_1195 = arith.constant 144 : index
      %get3A_1196 = tpu.vector_load %arg7[%get3A_1194, %get3A_1195] {strides = array<i32>} : memref<128x512xf32, #tpu.memory_space<vmem>>, vector<1x16xf32>,
      %get3A_1197 = vector.shape_cast %get3A_1196 : vector<1x16xf32> to vector<16xf32>
      %mul3A_1198 = arith.mulf %get3A_1193, %get3A_1197 : vector<16xf32>
      %add3A_1199 = arith.addf %add3A_1188, %mul3A_1198 : vector<16xf32>
      %get3A_1200 = arith.constant 10 : i32
      %get3A_1201 = arith.index_cast %get3A_1200 : i32 to index
      %get3A_1202 = arith.constant 64 : index
      %get3A_1203 = tpu.vector_load %arg8[%get3A_1201, %get3A_1202] {strides = array<i32>} : memref<24x128xf32, #tpu.memory_space<vmem>>, vector<1x16xf32>,
      %get3A_1204 = vector.shape_cast %get3A_1203 : vector<1x16xf32> to vector<16xf32>
      %get3A_1205 = arith.index_cast %scan3A_11 : i32 to index
      %get3A_1206 = arith.constant 160 : index
      %get3A_1207 = tpu.vector_load %arg7[%get3A_1205, %get3A_1206] {strides = array<i32>} : memref<128x512xf32, #tpu.memory_space<vmem>>, vector<1x16xf32>,
      %get3A_1208 = vector.shape_cast %get3A_1207 : vector<1x16xf32> to vector<16xf32>
      %mul3A_1209 = arith.mulf %get3A_1204, %get3A_1208 : vector<16xf32>
      %add3A_1210 = arith.addf %add3A_1199, %mul3A_1209 : vector<16xf32>
      %get3A_1211 = arith.constant 11 : i32
      %get3A_1212 = arith.index_cast %get3A_1211 : i32 to index
      %get3A_1213 = arith.constant 64 : index
      %get3A_1214 = tpu.vector_load %arg8[%get3A_1212, %get3A_1213] {strides = array<i32>} : memref<24x128xf32, #tpu.memory_space<vmem>>, vector<1x16xf32>,
      %get3A_1215 = vector.shape_cast %get3A_1214 : vector<1x16xf32> to vector<16xf32>
      %get3A_1216 = arith.index_cast %scan3A_11 : i32 to index
      %get3A_1217 = arith.constant 176 : index
      %get3A_1218 = tpu.vector_load %arg7[%get3A_1216, %get3A_1217] {strides = array<i32>} : memref<128x512xf32, #tpu.memory_space<vmem>>, vector<1x16xf32>,
      %get3A_1219 = vector.shape_cast %get3A_1218 : vector<1x16xf32> to vector<16xf32>
      %mul3A_1220 = arith.mulf %get3A_1215, %get3A_1219 : vector<16xf32>
      %add3A_1221 = arith.addf %add3A_1210, %mul3A_1220 : vector<16xf32>
      %get3A_1222 = arith.constant 12 : i32
      %get3A_1223 = arith.index_cast %get3A_1222 : i32 to index
      %get3A_1224 = arith.constant 64 : index
      %get3A_1225 = tpu.vector_load %arg8[%get3A_1223, %get3A_1224] {strides = array<i32>} : memref<24x128xf32, #tpu.memory_space<vmem>>, vector<1x16xf32>,
      %get3A_1226 = vector.shape_cast %get3A_1225 : vector<1x16xf32> to vector<16xf32>
      %get3A_1227 = arith.index_cast %scan3A_11 : i32 to index
      %get3A_1228 = arith.constant 192 : index
      %get3A_1229 = tpu.vector_load %arg7[%get3A_1227, %get3A_1228] {strides = array<i32>} : memref<128x512xf32, #tpu.memory_space<vmem>>, vector<1x16xf32>,
      %get3A_1230 = vector.shape_cast %get3A_1229 : vector<1x16xf32> to vector<16xf32>
      %mul3A_1231 = arith.mulf %get3A_1226, %get3A_1230 : vector<16xf32>
      %add3A_1232 = arith.addf %add3A_1221, %mul3A_1231 : vector<16xf32>
      %get3A_1233 = arith.constant 13 : i32
      %get3A_1234 = arith.index_cast %get3A_1233 : i32 to index
      %get3A_1235 = arith.constant 64 : index
      %get3A_1236 = tpu.vector_load %arg8[%get3A_1234, %get3A_1235] {strides = array<i32>} : memref<24x128xf32, #tpu.memory_space<vmem>>, vector<1x16xf32>,
      %get3A_1237 = vector.shape_cast %get3A_1236 : vector<1x16xf32> to vector<16xf32>
      %get3A_1238 = arith.index_cast %scan3A_11 : i32 to index
      %get3A_1239 = arith.constant 208 : index
      %get3A_1240 = tpu.vector_load %arg7[%get3A_1238, %get3A_1239] {strides = array<i32>} : memref<128x512xf32, #tpu.memory_space<vmem>>, vector<1x16xf32>,
      %get3A_1241 = vector.shape_cast %get3A_1240 : vector<1x16xf32> to vector<16xf32>
      %mul3A_1242 = arith.mulf %get3A_1237, %get3A_1241 : vector<16xf32>
      %add3A_1243 = arith.addf %add3A_1232, %mul3A_1242 : vector<16xf32>
      %get3A_1244 = arith.constant 14 : i32
      %get3A_1245 = arith.index_cast %get3A_1244 : i32 to index
      %get3A_1246 = arith.constant 64 : index
      %get3A_1247 = tpu.vector_load %arg8[%get3A_1245, %get3A_1246] {strides = array<i32>} : memref<24x128xf32, #tpu.memory_space<vmem>>, vector<1x16xf32>,
      %get3A_1248 = vector.shape_cast %get3A_1247 : vector<1x16xf32> to vector<16xf32>
      %get3A_1249 = arith.index_cast %scan3A_11 : i32 to index
      %get3A_1250 = arith.constant 224 : index
      %get3A_1251 = tpu.vector_load %arg7[%get3A_1249, %get3A_1250] {strides = array<i32>} : memref<128x512xf32, #tpu.memory_space<vmem>>, vector<1x16xf32>,
      %get3A_1252 = vector.shape_cast %get3A_1251 : vector<1x16xf32> to vector<16xf32>
      %mul3A_1253 = arith.mulf %get3A_1248, %get3A_1252 : vector<16xf32>
      %add3A_1254 = arith.addf %add3A_1243, %mul3A_1253 : vector<16xf32>
      %get3A_1255 = arith.constant 15 : i32
      %get3A_1256 = arith.index_cast %get3A_1255 : i32 to index
      %get3A_1257 = arith.constant 64 : index
      %get3A_1258 = tpu.vector_load %arg8[%get3A_1256, %get3A_1257] {strides = array<i32>} : memref<24x128xf32, #tpu.memory_space<vmem>>, vector<1x16xf32>,
      %get3A_1259 = vector.shape_cast %get3A_1258 : vector<1x16xf32> to vector<16xf32>
      %get3A_1260 = arith.index_cast %scan3A_11 : i32 to index
      %get3A_1261 = arith.constant 240 : index
      %get3A_1262 = tpu.vector_load %arg7[%get3A_1260, %get3A_1261] {strides = array<i32>} : memref<128x512xf32, #tpu.memory_space<vmem>>, vector<1x16xf32>,
      %get3A_1263 = vector.shape_cast %get3A_1262 : vector<1x16xf32> to vector<16xf32>
      %mul3A_1264 = arith.mulf %get3A_1259, %get3A_1263 : vector<16xf32>
      %add3A_1265 = arith.addf %add3A_1254, %mul3A_1264 : vector<16xf32>
      %get3A_1266 = arith.constant 16 : i32
      %get3A_1267 = arith.index_cast %get3A_1266 : i32 to index
      %get3A_1268 = arith.constant 64 : index
      %get3A_1269 = tpu.vector_load %arg8[%get3A_1267, %get3A_1268] {strides = array<i32>} : memref<24x128xf32, #tpu.memory_space<vmem>>, vector<1x16xf32>,
      %get3A_1270 = vector.shape_cast %get3A_1269 : vector<1x16xf32> to vector<16xf32>
      %get3A_1271 = arith.index_cast %scan3A_11 : i32 to index
      %get3A_1272 = arith.constant 256 : index
      %get3A_1273 = tpu.vector_load %arg7[%get3A_1271, %get3A_1272] {strides = array<i32>} : memref<128x512xf32, #tpu.memory_space<vmem>>, vector<1x16xf32>,
      %get3A_1274 = vector.shape_cast %get3A_1273 : vector<1x16xf32> to vector<16xf32>
      %mul3A_1275 = arith.mulf %get3A_1270, %get3A_1274 : vector<16xf32>
      %add3A_1276 = arith.addf %add3A_1265, %mul3A_1275 : vector<16xf32>
      %get3A_1277 = arith.constant 17 : i32
      %get3A_1278 = arith.index_cast %get3A_1277 : i32 to index
      %get3A_1279 = arith.constant 64 : index
      %get3A_1280 = tpu.vector_load %arg8[%get3A_1278, %get3A_1279] {strides = array<i32>} : memref<24x128xf32, #tpu.memory_space<vmem>>, vector<1x16xf32>,
      %get3A_1281 = vector.shape_cast %get3A_1280 : vector<1x16xf32> to vector<16xf32>
      %get3A_1282 = arith.index_cast %scan3A_11 : i32 to index
      %get3A_1283 = arith.constant 272 : index
      %get3A_1284 = tpu.vector_load %arg7[%get3A_1282, %get3A_1283] {strides = array<i32>} : memref<128x512xf32, #tpu.memory_space<vmem>>, vector<1x16xf32>,
      %get3A_1285 = vector.shape_cast %get3A_1284 : vector<1x16xf32> to vector<16xf32>
      %mul3A_1286 = arith.mulf %get3A_1281, %get3A_1285 : vector<16xf32>
      %add3A_1287 = arith.addf %add3A_1276, %mul3A_1286 : vector<16xf32>
      %get3A_1288 = arith.constant 18 : i32
      %get3A_1289 = arith.index_cast %get3A_1288 : i32 to index
      %get3A_1290 = arith.constant 64 : index
      %get3A_1291 = tpu.vector_load %arg8[%get3A_1289, %get3A_1290] {strides = array<i32>} : memref<24x128xf32, #tpu.memory_space<vmem>>, vector<1x16xf32>,
      %get3A_1292 = vector.shape_cast %get3A_1291 : vector<1x16xf32> to vector<16xf32>
      %get3A_1293 = arith.index_cast %scan3A_11 : i32 to index
      %get3A_1294 = arith.constant 288 : index
      %get3A_1295 = tpu.vector_load %arg7[%get3A_1293, %get3A_1294] {strides = array<i32>} : memref<128x512xf32, #tpu.memory_space<vmem>>, vector<1x16xf32>,
      %get3A_1296 = vector.shape_cast %get3A_1295 : vector<1x16xf32> to vector<16xf32>
      %mul3A_1297 = arith.mulf %get3A_1292, %get3A_1296 : vector<16xf32>
      %add3A_1298 = arith.addf %add3A_1287, %mul3A_1297 : vector<16xf32>
      %get3A_1299 = arith.constant 19 : i32
      %get3A_1300 = arith.index_cast %get3A_1299 : i32 to index
      %get3A_1301 = arith.constant 64 : index
      %get3A_1302 = tpu.vector_load %arg8[%get3A_1300, %get3A_1301] {strides = array<i32>} : memref<24x128xf32, #tpu.memory_space<vmem>>, vector<1x16xf32>,
      %get3A_1303 = vector.shape_cast %get3A_1302 : vector<1x16xf32> to vector<16xf32>
      %get3A_1304 = arith.index_cast %scan3A_11 : i32 to index
      %get3A_1305 = arith.constant 304 : index
      %get3A_1306 = tpu.vector_load %arg7[%get3A_1304, %get3A_1305] {strides = array<i32>} : memref<128x512xf32, #tpu.memory_space<vmem>>, vector<1x16xf32>,
      %get3A_1307 = vector.shape_cast %get3A_1306 : vector<1x16xf32> to vector<16xf32>
      %mul3A_1308 = arith.mulf %get3A_1303, %get3A_1307 : vector<16xf32>
      %add3A_1309 = arith.addf %add3A_1298, %mul3A_1308 : vector<16xf32>
      %get3A_1310 = arith.constant 20 : i32
      %get3A_1311 = arith.index_cast %get3A_1310 : i32 to index
      %get3A_1312 = arith.constant 64 : index
      %get3A_1313 = tpu.vector_load %arg8[%get3A_1311, %get3A_1312] {strides = array<i32>} : memref<24x128xf32, #tpu.memory_space<vmem>>, vector<1x16xf32>,
      %get3A_1314 = vector.shape_cast %get3A_1313 : vector<1x16xf32> to vector<16xf32>
      %get3A_1315 = arith.index_cast %scan3A_11 : i32 to index
      %get3A_1316 = arith.constant 320 : index
      %get3A_1317 = tpu.vector_load %arg7[%get3A_1315, %get3A_1316] {strides = array<i32>} : memref<128x512xf32, #tpu.memory_space<vmem>>, vector<1x16xf32>,
      %get3A_1318 = vector.shape_cast %get3A_1317 : vector<1x16xf32> to vector<16xf32>
      %mul3A_1319 = arith.mulf %get3A_1314, %get3A_1318 : vector<16xf32>
      %add3A_1320 = arith.addf %add3A_1309, %mul3A_1319 : vector<16xf32>
      %get3A_1321 = arith.constant 21 : i32
      %get3A_1322 = arith.index_cast %get3A_1321 : i32 to index
      %get3A_1323 = arith.constant 64 : index
      %get3A_1324 = tpu.vector_load %arg8[%get3A_1322, %get3A_1323] {strides = array<i32>} : memref<24x128xf32, #tpu.memory_space<vmem>>, vector<1x16xf32>,
      %get3A_1325 = vector.shape_cast %get3A_1324 : vector<1x16xf32> to vector<16xf32>
      %get3A_1326 = arith.index_cast %scan3A_11 : i32 to index
      %get3A_1327 = arith.constant 336 : index
      %get3A_1328 = tpu.vector_load %arg7[%get3A_1326, %get3A_1327] {strides = array<i32>} : memref<128x512xf32, #tpu.memory_space<vmem>>, vector<1x16xf32>,
      %get3A_1329 = vector.shape_cast %get3A_1328 : vector<1x16xf32> to vector<16xf32>
      %mul3A_1330 = arith.mulf %get3A_1325, %get3A_1329 : vector<16xf32>
      %add3A_1331 = arith.addf %add3A_1320, %mul3A_1330 : vector<16xf32>
      %get3A_1332 = arith.constant 22 : i32
      %get3A_1333 = arith.index_cast %get3A_1332 : i32 to index
      %get3A_1334 = arith.constant 64 : index
      %get3A_1335 = tpu.vector_load %arg8[%get3A_1333, %get3A_1334] {strides = array<i32>} : memref<24x128xf32, #tpu.memory_space<vmem>>, vector<1x16xf32>,
      %get3A_1336 = vector.shape_cast %get3A_1335 : vector<1x16xf32> to vector<16xf32>
      %get3A_1337 = arith.index_cast %scan3A_11 : i32 to index
      %get3A_1338 = arith.constant 352 : index
      %get3A_1339 = tpu.vector_load %arg7[%get3A_1337, %get3A_1338] {strides = array<i32>} : memref<128x512xf32, #tpu.memory_space<vmem>>, vector<1x16xf32>,
      %get3A_1340 = vector.shape_cast %get3A_1339 : vector<1x16xf32> to vector<16xf32>
      %mul3A_1341 = arith.mulf %get3A_1336, %get3A_1340 : vector<16xf32>
      %add3A_1342 = arith.addf %add3A_1331, %mul3A_1341 : vector<16xf32>
      %get3A_1343 = arith.constant 23 : i32
      %get3A_1344 = arith.index_cast %get3A_1343 : i32 to index
      %get3A_1345 = arith.constant 64 : index
      %get3A_1346 = tpu.vector_load %arg8[%get3A_1344, %get3A_1345] {strides = array<i32>} : memref<24x128xf32, #tpu.memory_space<vmem>>, vector<1x16xf32>,
      %get3A_1347 = vector.shape_cast %get3A_1346 : vector<1x16xf32> to vector<16xf32>
      %get3A_1348 = arith.index_cast %scan3A_11 : i32 to index
      %get3A_1349 = arith.constant 368 : index
      %get3A_1350 = tpu.vector_load %arg7[%get3A_1348, %get3A_1349] {strides = array<i32>} : memref<128x512xf32, #tpu.memory_space<vmem>>, vector<1x16xf32>,
      %get3A_1351 = vector.shape_cast %get3A_1350 : vector<1x16xf32> to vector<16xf32>
      %mul3A_1352 = arith.mulf %get3A_1347, %get3A_1351 : vector<16xf32>
      %add3A_1353 = arith.addf %add3A_1342, %mul3A_1352 : vector<16xf32>
      %swap3A_1354 = arith.index_cast %scan3A_11 : i32 to index
      %swap3A_1355 = arith.constant 64 : index
      %swap3A_1356 = tpu.vector_load %arg9[%swap3A_1354, %swap3A_1355] {strides = array<i32>} : memref<128x128xf32, #tpu.memory_space<vmem>>, vector<1x16xf32>,
      %swap3A_1357 = vector.shape_cast %swap3A_1356 : vector<1x16xf32> to vector<16xf32>
      %swap3A_1358 = vector.shape_cast %add3A_1353 : vector<16xf32> to vector<1x16xf32>
      tpu.vector_store %arg9[%swap3A_1354, %swap3A_1355], %swap3A_1358 {strides = array<i32>} : memref<128x128xf32, #tpu.memory_space<vmem>>, vector<1x16xf32>,
      %get3A_1359 = arith.constant 0 : i32
      %get3A_1360 = arith.index_cast %get3A_1359 : i32 to index
      %get3A_1361 = arith.constant 80 : index
      %get3A_1362 = tpu.vector_load %arg8[%get3A_1360, %get3A_1361] {strides = array<i32>} : memref<24x128xf32, #tpu.memory_space<vmem>>, vector<1x16xf32>,
      %get3A_1363 = vector.shape_cast %get3A_1362 : vector<1x16xf32> to vector<16xf32>
      %get3A_1364 = arith.index_cast %scan3A_11 : i32 to index
      %get3A_1365 = arith.constant 0 : index
      %get3A_1366 = tpu.vector_load %arg7[%get3A_1364, %get3A_1365] {strides = array<i32>} : memref<128x512xf32, #tpu.memory_space<vmem>>, vector<1x16xf32>,
      %get3A_1367 = vector.shape_cast %get3A_1366 : vector<1x16xf32> to vector<16xf32>
      %mul3A_1368 = arith.mulf %get3A_1363, %get3A_1367 : vector<16xf32>
      %get3A_1369 = arith.constant 1 : i32
      %get3A_1370 = arith.index_cast %get3A_1369 : i32 to index
      %get3A_1371 = arith.constant 80 : index
      %get3A_1372 = tpu.vector_load %arg8[%get3A_1370, %get3A_1371] {strides = array<i32>} : memref<24x128xf32, #tpu.memory_space<vmem>>, vector<1x16xf32>,
      %get3A_1373 = vector.shape_cast %get3A_1372 : vector<1x16xf32> to vector<16xf32>
      %get3A_1374 = arith.index_cast %scan3A_11 : i32 to index
      %get3A_1375 = arith.constant 16 : index
      %get3A_1376 = tpu.vector_load %arg7[%get3A_1374, %get3A_1375] {strides = array<i32>} : memref<128x512xf32, #tpu.memory_space<vmem>>, vector<1x16xf32>,
      %get3A_1377 = vector.shape_cast %get3A_1376 : vector<1x16xf32> to vector<16xf32>
      %mul3A_1378 = arith.mulf %get3A_1373, %get3A_1377 : vector<16xf32>
      %add3A_1379 = arith.addf %mul3A_1368, %mul3A_1378 : vector<16xf32>
      %get3A_1380 = arith.constant 2 : i32
      %get3A_1381 = arith.index_cast %get3A_1380 : i32 to index
      %get3A_1382 = arith.constant 80 : index
      %get3A_1383 = tpu.vector_load %arg8[%get3A_1381, %get3A_1382] {strides = array<i32>} : memref<24x128xf32, #tpu.memory_space<vmem>>, vector<1x16xf32>,
      %get3A_1384 = vector.shape_cast %get3A_1383 : vector<1x16xf32> to vector<16xf32>
      %get3A_1385 = arith.index_cast %scan3A_11 : i32 to index
      %get3A_1386 = arith.constant 32 : index
      %get3A_1387 = tpu.vector_load %arg7[%get3A_1385, %get3A_1386] {strides = array<i32>} : memref<128x512xf32, #tpu.memory_space<vmem>>, vector<1x16xf32>,
      %get3A_1388 = vector.shape_cast %get3A_1387 : vector<1x16xf32> to vector<16xf32>
      %mul3A_1389 = arith.mulf %get3A_1384, %get3A_1388 : vector<16xf32>
      %add3A_1390 = arith.addf %add3A_1379, %mul3A_1389 : vector<16xf32>
      %get3A_1391 = arith.constant 3 : i32
      %get3A_1392 = arith.index_cast %get3A_1391 : i32 to index
      %get3A_1393 = arith.constant 80 : index
      %get3A_1394 = tpu.vector_load %arg8[%get3A_1392, %get3A_1393] {strides = array<i32>} : memref<24x128xf32, #tpu.memory_space<vmem>>, vector<1x16xf32>,
      %get3A_1395 = vector.shape_cast %get3A_1394 : vector<1x16xf32> to vector<16xf32>
      %get3A_1396 = arith.index_cast %scan3A_11 : i32 to index
      %get3A_1397 = arith.constant 48 : index
      %get3A_1398 = tpu.vector_load %arg7[%get3A_1396, %get3A_1397] {strides = array<i32>} : memref<128x512xf32, #tpu.memory_space<vmem>>, vector<1x16xf32>,
      %get3A_1399 = vector.shape_cast %get3A_1398 : vector<1x16xf32> to vector<16xf32>
      %mul3A_1400 = arith.mulf %get3A_1395, %get3A_1399 : vector<16xf32>
      %add3A_1401 = arith.addf %add3A_1390, %mul3A_1400 : vector<16xf32>
      %get3A_1402 = arith.constant 4 : i32
      %get3A_1403 = arith.index_cast %get3A_1402 : i32 to index
      %get3A_1404 = arith.constant 80 : index
      %get3A_1405 = tpu.vector_load %arg8[%get3A_1403, %get3A_1404] {strides = array<i32>} : memref<24x128xf32, #tpu.memory_space<vmem>>, vector<1x16xf32>,
      %get3A_1406 = vector.shape_cast %get3A_1405 : vector<1x16xf32> to vector<16xf32>
      %get3A_1407 = arith.index_cast %scan3A_11 : i32 to index
      %get3A_1408 = arith.constant 64 : index
      %get3A_1409 = tpu.vector_load %arg7[%get3A_1407, %get3A_1408] {strides = array<i32>} : memref<128x512xf32, #tpu.memory_space<vmem>>, vector<1x16xf32>,
      %get3A_1410 = vector.shape_cast %get3A_1409 : vector<1x16xf32> to vector<16xf32>
      %mul3A_1411 = arith.mulf %get3A_1406, %get3A_1410 : vector<16xf32>
      %add3A_1412 = arith.addf %add3A_1401, %mul3A_1411 : vector<16xf32>
      %get3A_1413 = arith.constant 5 : i32
      %get3A_1414 = arith.index_cast %get3A_1413 : i32 to index
      %get3A_1415 = arith.constant 80 : index
      %get3A_1416 = tpu.vector_load %arg8[%get3A_1414, %get3A_1415] {strides = array<i32>} : memref<24x128xf32, #tpu.memory_space<vmem>>, vector<1x16xf32>,
      %get3A_1417 = vector.shape_cast %get3A_1416 : vector<1x16xf32> to vector<16xf32>
      %get3A_1418 = arith.index_cast %scan3A_11 : i32 to index
      %get3A_1419 = arith.constant 80 : index
      %get3A_1420 = tpu.vector_load %arg7[%get3A_1418, %get3A_1419] {strides = array<i32>} : memref<128x512xf32, #tpu.memory_space<vmem>>, vector<1x16xf32>,
      %get3A_1421 = vector.shape_cast %get3A_1420 : vector<1x16xf32> to vector<16xf32>
      %mul3A_1422 = arith.mulf %get3A_1417, %get3A_1421 : vector<16xf32>
      %add3A_1423 = arith.addf %add3A_1412, %mul3A_1422 : vector<16xf32>
      %get3A_1424 = arith.constant 6 : i32
      %get3A_1425 = arith.index_cast %get3A_1424 : i32 to index
      %get3A_1426 = arith.constant 80 : index
      %get3A_1427 = tpu.vector_load %arg8[%get3A_1425, %get3A_1426] {strides = array<i32>} : memref<24x128xf32, #tpu.memory_space<vmem>>, vector<1x16xf32>,
      %get3A_1428 = vector.shape_cast %get3A_1427 : vector<1x16xf32> to vector<16xf32>
      %get3A_1429 = arith.index_cast %scan3A_11 : i32 to index
      %get3A_1430 = arith.constant 96 : index
      %get3A_1431 = tpu.vector_load %arg7[%get3A_1429, %get3A_1430] {strides = array<i32>} : memref<128x512xf32, #tpu.memory_space<vmem>>, vector<1x16xf32>,
      %get3A_1432 = vector.shape_cast %get3A_1431 : vector<1x16xf32> to vector<16xf32>
      %mul3A_1433 = arith.mulf %get3A_1428, %get3A_1432 : vector<16xf32>
      %add3A_1434 = arith.addf %add3A_1423, %mul3A_1433 : vector<16xf32>
      %get3A_1435 = arith.constant 7 : i32
      %get3A_1436 = arith.index_cast %get3A_1435 : i32 to index
      %get3A_1437 = arith.constant 80 : index
      %get3A_1438 = tpu.vector_load %arg8[%get3A_1436, %get3A_1437] {strides = array<i32>} : memref<24x128xf32, #tpu.memory_space<vmem>>, vector<1x16xf32>,
      %get3A_1439 = vector.shape_cast %get3A_1438 : vector<1x16xf32> to vector<16xf32>
      %get3A_1440 = arith.index_cast %scan3A_11 : i32 to index
      %get3A_1441 = arith.constant 112 : index
      %get3A_1442 = tpu.vector_load %arg7[%get3A_1440, %get3A_1441] {strides = array<i32>} : memref<128x512xf32, #tpu.memory_space<vmem>>, vector<1x16xf32>,
      %get3A_1443 = vector.shape_cast %get3A_1442 : vector<1x16xf32> to vector<16xf32>
      %mul3A_1444 = arith.mulf %get3A_1439, %get3A_1443 : vector<16xf32>
      %add3A_1445 = arith.addf %add3A_1434, %mul3A_1444 : vector<16xf32>
      %get3A_1446 = arith.constant 8 : i32
      %get3A_1447 = arith.index_cast %get3A_1446 : i32 to index
      %get3A_1448 = arith.constant 80 : index
      %get3A_1449 = tpu.vector_load %arg8[%get3A_1447, %get3A_1448] {strides = array<i32>} : memref<24x128xf32, #tpu.memory_space<vmem>>, vector<1x16xf32>,
      %get3A_1450 = vector.shape_cast %get3A_1449 : vector<1x16xf32> to vector<16xf32>
      %get3A_1451 = arith.index_cast %scan3A_11 : i32 to index
      %get3A_1452 = arith.constant 128 : index
      %get3A_1453 = tpu.vector_load %arg7[%get3A_1451, %get3A_1452] {strides = array<i32>} : memref<128x512xf32, #tpu.memory_space<vmem>>, vector<1x16xf32>,
      %get3A_1454 = vector.shape_cast %get3A_1453 : vector<1x16xf32> to vector<16xf32>
      %mul3A_1455 = arith.mulf %get3A_1450, %get3A_1454 : vector<16xf32>
      %add3A_1456 = arith.addf %add3A_1445, %mul3A_1455 : vector<16xf32>
      %get3A_1457 = arith.constant 9 : i32
      %get3A_1458 = arith.index_cast %get3A_1457 : i32 to index
      %get3A_1459 = arith.constant 80 : index
      %get3A_1460 = tpu.vector_load %arg8[%get3A_1458, %get3A_1459] {strides = array<i32>} : memref<24x128xf32, #tpu.memory_space<vmem>>, vector<1x16xf32>,
      %get3A_1461 = vector.shape_cast %get3A_1460 : vector<1x16xf32> to vector<16xf32>
      %get3A_1462 = arith.index_cast %scan3A_11 : i32 to index
      %get3A_1463 = arith.constant 144 : index
      %get3A_1464 = tpu.vector_load %arg7[%get3A_1462, %get3A_1463] {strides = array<i32>} : memref<128x512xf32, #tpu.memory_space<vmem>>, vector<1x16xf32>,
      %get3A_1465 = vector.shape_cast %get3A_1464 : vector<1x16xf32> to vector<16xf32>
      %mul3A_1466 = arith.mulf %get3A_1461, %get3A_1465 : vector<16xf32>
      %add3A_1467 = arith.addf %add3A_1456, %mul3A_1466 : vector<16xf32>
      %get3A_1468 = arith.constant 10 : i32
      %get3A_1469 = arith.index_cast %get3A_1468 : i32 to index
      %get3A_1470 = arith.constant 80 : index
      %get3A_1471 = tpu.vector_load %arg8[%get3A_1469, %get3A_1470] {strides = array<i32>} : memref<24x128xf32, #tpu.memory_space<vmem>>, vector<1x16xf32>,
      %get3A_1472 = vector.shape_cast %get3A_1471 : vector<1x16xf32> to vector<16xf32>
      %get3A_1473 = arith.index_cast %scan3A_11 : i32 to index
      %get3A_1474 = arith.constant 160 : index
      %get3A_1475 = tpu.vector_load %arg7[%get3A_1473, %get3A_1474] {strides = array<i32>} : memref<128x512xf32, #tpu.memory_space<vmem>>, vector<1x16xf32>,
      %get3A_1476 = vector.shape_cast %get3A_1475 : vector<1x16xf32> to vector<16xf32>
      %mul3A_1477 = arith.mulf %get3A_1472, %get3A_1476 : vector<16xf32>
      %add3A_1478 = arith.addf %add3A_1467, %mul3A_1477 : vector<16xf32>
      %get3A_1479 = arith.constant 11 : i32
      %get3A_1480 = arith.index_cast %get3A_1479 : i32 to index
      %get3A_1481 = arith.constant 80 : index
      %get3A_1482 = tpu.vector_load %arg8[%get3A_1480, %get3A_1481] {strides = array<i32>} : memref<24x128xf32, #tpu.memory_space<vmem>>, vector<1x16xf32>,
      %get3A_1483 = vector.shape_cast %get3A_1482 : vector<1x16xf32> to vector<16xf32>
      %get3A_1484 = arith.index_cast %scan3A_11 : i32 to index
      %get3A_1485 = arith.constant 176 : index
      %get3A_1486 = tpu.vector_load %arg7[%get3A_1484, %get3A_1485] {strides = array<i32>} : memref<128x512xf32, #tpu.memory_space<vmem>>, vector<1x16xf32>,
      %get3A_1487 = vector.shape_cast %get3A_1486 : vector<1x16xf32> to vector<16xf32>
      %mul3A_1488 = arith.mulf %get3A_1483, %get3A_1487 : vector<16xf32>
      %add3A_1489 = arith.addf %add3A_1478, %mul3A_1488 : vector<16xf32>
      %get3A_1490 = arith.constant 12 : i32
      %get3A_1491 = arith.index_cast %get3A_1490 : i32 to index
      %get3A_1492 = arith.constant 80 : index
      %get3A_1493 = tpu.vector_load %arg8[%get3A_1491, %get3A_1492] {strides = array<i32>} : memref<24x128xf32, #tpu.memory_space<vmem>>, vector<1x16xf32>,
      %get3A_1494 = vector.shape_cast %get3A_1493 : vector<1x16xf32> to vector<16xf32>
      %get3A_1495 = arith.index_cast %scan3A_11 : i32 to index
      %get3A_1496 = arith.constant 192 : index
      %get3A_1497 = tpu.vector_load %arg7[%get3A_1495, %get3A_1496] {strides = array<i32>} : memref<128x512xf32, #tpu.memory_space<vmem>>, vector<1x16xf32>,
      %get3A_1498 = vector.shape_cast %get3A_1497 : vector<1x16xf32> to vector<16xf32>
      %mul3A_1499 = arith.mulf %get3A_1494, %get3A_1498 : vector<16xf32>
      %add3A_1500 = arith.addf %add3A_1489, %mul3A_1499 : vector<16xf32>
      %get3A_1501 = arith.constant 13 : i32
      %get3A_1502 = arith.index_cast %get3A_1501 : i32 to index
      %get3A_1503 = arith.constant 80 : index
      %get3A_1504 = tpu.vector_load %arg8[%get3A_1502, %get3A_1503] {strides = array<i32>} : memref<24x128xf32, #tpu.memory_space<vmem>>, vector<1x16xf32>,
      %get3A_1505 = vector.shape_cast %get3A_1504 : vector<1x16xf32> to vector<16xf32>
      %get3A_1506 = arith.index_cast %scan3A_11 : i32 to index
      %get3A_1507 = arith.constant 208 : index
      %get3A_1508 = tpu.vector_load %arg7[%get3A_1506, %get3A_1507] {strides = array<i32>} : memref<128x512xf32, #tpu.memory_space<vmem>>, vector<1x16xf32>,
      %get3A_1509 = vector.shape_cast %get3A_1508 : vector<1x16xf32> to vector<16xf32>
      %mul3A_1510 = arith.mulf %get3A_1505, %get3A_1509 : vector<16xf32>
      %add3A_1511 = arith.addf %add3A_1500, %mul3A_1510 : vector<16xf32>
      %get3A_1512 = arith.constant 14 : i32
      %get3A_1513 = arith.index_cast %get3A_1512 : i32 to index
      %get3A_1514 = arith.constant 80 : index
      %get3A_1515 = tpu.vector_load %arg8[%get3A_1513, %get3A_1514] {strides = array<i32>} : memref<24x128xf32, #tpu.memory_space<vmem>>, vector<1x16xf32>,
      %get3A_1516 = vector.shape_cast %get3A_1515 : vector<1x16xf32> to vector<16xf32>
      %get3A_1517 = arith.index_cast %scan3A_11 : i32 to index
      %get3A_1518 = arith.constant 224 : index
      %get3A_1519 = tpu.vector_load %arg7[%get3A_1517, %get3A_1518] {strides = array<i32>} : memref<128x512xf32, #tpu.memory_space<vmem>>, vector<1x16xf32>,
      %get3A_1520 = vector.shape_cast %get3A_1519 : vector<1x16xf32> to vector<16xf32>
      %mul3A_1521 = arith.mulf %get3A_1516, %get3A_1520 : vector<16xf32>
      %add3A_1522 = arith.addf %add3A_1511, %mul3A_1521 : vector<16xf32>
      %get3A_1523 = arith.constant 15 : i32
      %get3A_1524 = arith.index_cast %get3A_1523 : i32 to index
      %get3A_1525 = arith.constant 80 : index
      %get3A_1526 = tpu.vector_load %arg8[%get3A_1524, %get3A_1525] {strides = array<i32>} : memref<24x128xf32, #tpu.memory_space<vmem>>, vector<1x16xf32>,
      %get3A_1527 = vector.shape_cast %get3A_1526 : vector<1x16xf32> to vector<16xf32>
      %get3A_1528 = arith.index_cast %scan3A_11 : i32 to index
      %get3A_1529 = arith.constant 240 : index
      %get3A_1530 = tpu.vector_load %arg7[%get3A_1528, %get3A_1529] {strides = array<i32>} : memref<128x512xf32, #tpu.memory_space<vmem>>, vector<1x16xf32>,
      %get3A_1531 = vector.shape_cast %get3A_1530 : vector<1x16xf32> to vector<16xf32>
      %mul3A_1532 = arith.mulf %get3A_1527, %get3A_1531 : vector<16xf32>
      %add3A_1533 = arith.addf %add3A_1522, %mul3A_1532 : vector<16xf32>
      %get3A_1534 = arith.constant 16 : i32
      %get3A_1535 = arith.index_cast %get3A_1534 : i32 to index
      %get3A_1536 = arith.constant 80 : index
      %get3A_1537 = tpu.vector_load %arg8[%get3A_1535, %get3A_1536] {strides = array<i32>} : memref<24x128xf32, #tpu.memory_space<vmem>>, vector<1x16xf32>,
      %get3A_1538 = vector.shape_cast %get3A_1537 : vector<1x16xf32> to vector<16xf32>
      %get3A_1539 = arith.index_cast %scan3A_11 : i32 to index
      %get3A_1540 = arith.constant 256 : index
      %get3A_1541 = tpu.vector_load %arg7[%get3A_1539, %get3A_1540] {strides = array<i32>} : memref<128x512xf32, #tpu.memory_space<vmem>>, vector<1x16xf32>,
      %get3A_1542 = vector.shape_cast %get3A_1541 : vector<1x16xf32> to vector<16xf32>
      %mul3A_1543 = arith.mulf %get3A_1538, %get3A_1542 : vector<16xf32>
      %add3A_1544 = arith.addf %add3A_1533, %mul3A_1543 : vector<16xf32>
      %get3A_1545 = arith.constant 17 : i32
      %get3A_1546 = arith.index_cast %get3A_1545 : i32 to index
      %get3A_1547 = arith.constant 80 : index
      %get3A_1548 = tpu.vector_load %arg8[%get3A_1546, %get3A_1547] {strides = array<i32>} : memref<24x128xf32, #tpu.memory_space<vmem>>, vector<1x16xf32>,
      %get3A_1549 = vector.shape_cast %get3A_1548 : vector<1x16xf32> to vector<16xf32>
      %get3A_1550 = arith.index_cast %scan3A_11 : i32 to index
      %get3A_1551 = arith.constant 272 : index
      %get3A_1552 = tpu.vector_load %arg7[%get3A_1550, %get3A_1551] {strides = array<i32>} : memref<128x512xf32, #tpu.memory_space<vmem>>, vector<1x16xf32>,
      %get3A_1553 = vector.shape_cast %get3A_1552 : vector<1x16xf32> to vector<16xf32>
      %mul3A_1554 = arith.mulf %get3A_1549, %get3A_1553 : vector<16xf32>
      %add3A_1555 = arith.addf %add3A_1544, %mul3A_1554 : vector<16xf32>
      %get3A_1556 = arith.constant 18 : i32
      %get3A_1557 = arith.index_cast %get3A_1556 : i32 to index
      %get3A_1558 = arith.constant 80 : index
      %get3A_1559 = tpu.vector_load %arg8[%get3A_1557, %get3A_1558] {strides = array<i32>} : memref<24x128xf32, #tpu.memory_space<vmem>>, vector<1x16xf32>,
      %get3A_1560 = vector.shape_cast %get3A_1559 : vector<1x16xf32> to vector<16xf32>
      %get3A_1561 = arith.index_cast %scan3A_11 : i32 to index
      %get3A_1562 = arith.constant 288 : index
      %get3A_1563 = tpu.vector_load %arg7[%get3A_1561, %get3A_1562] {strides = array<i32>} : memref<128x512xf32, #tpu.memory_space<vmem>>, vector<1x16xf32>,
      %get3A_1564 = vector.shape_cast %get3A_1563 : vector<1x16xf32> to vector<16xf32>
      %mul3A_1565 = arith.mulf %get3A_1560, %get3A_1564 : vector<16xf32>
      %add3A_1566 = arith.addf %add3A_1555, %mul3A_1565 : vector<16xf32>
      %get3A_1567 = arith.constant 19 : i32
      %get3A_1568 = arith.index_cast %get3A_1567 : i32 to index
      %get3A_1569 = arith.constant 80 : index
      %get3A_1570 = tpu.vector_load %arg8[%get3A_1568, %get3A_1569] {strides = array<i32>} : memref<24x128xf32, #tpu.memory_space<vmem>>, vector<1x16xf32>,
      %get3A_1571 = vector.shape_cast %get3A_1570 : vector<1x16xf32> to vector<16xf32>
      %get3A_1572 = arith.index_cast %scan3A_11 : i32 to index
      %get3A_1573 = arith.constant 304 : index
      %get3A_1574 = tpu.vector_load %arg7[%get3A_1572, %get3A_1573] {strides = array<i32>} : memref<128x512xf32, #tpu.memory_space<vmem>>, vector<1x16xf32>,
      %get3A_1575 = vector.shape_cast %get3A_1574 : vector<1x16xf32> to vector<16xf32>
      %mul3A_1576 = arith.mulf %get3A_1571, %get3A_1575 : vector<16xf32>
      %add3A_1577 = arith.addf %add3A_1566, %mul3A_1576 : vector<16xf32>
      %get3A_1578 = arith.constant 20 : i32
      %get3A_1579 = arith.index_cast %get3A_1578 : i32 to index
      %get3A_1580 = arith.constant 80 : index
      %get3A_1581 = tpu.vector_load %arg8[%get3A_1579, %get3A_1580] {strides = array<i32>} : memref<24x128xf32, #tpu.memory_space<vmem>>, vector<1x16xf32>,
      %get3A_1582 = vector.shape_cast %get3A_1581 : vector<1x16xf32> to vector<16xf32>
      %get3A_1583 = arith.index_cast %scan3A_11 : i32 to index
      %get3A_1584 = arith.constant 320 : index
      %get3A_1585 = tpu.vector_load %arg7[%get3A_1583, %get3A_1584] {strides = array<i32>} : memref<128x512xf32, #tpu.memory_space<vmem>>, vector<1x16xf32>,
      %get3A_1586 = vector.shape_cast %get3A_1585 : vector<1x16xf32> to vector<16xf32>
      %mul3A_1587 = arith.mulf %get3A_1582, %get3A_1586 : vector<16xf32>
      %add3A_1588 = arith.addf %add3A_1577, %mul3A_1587 : vector<16xf32>
      %get3A_1589 = arith.constant 21 : i32
      %get3A_1590 = arith.index_cast %get3A_1589 : i32 to index
      %get3A_1591 = arith.constant 80 : index
      %get3A_1592 = tpu.vector_load %arg8[%get3A_1590, %get3A_1591] {strides = array<i32>} : memref<24x128xf32, #tpu.memory_space<vmem>>, vector<1x16xf32>,
      %get3A_1593 = vector.shape_cast %get3A_1592 : vector<1x16xf32> to vector<16xf32>
      %get3A_1594 = arith.index_cast %scan3A_11 : i32 to index
      %get3A_1595 = arith.constant 336 : index
      %get3A_1596 = tpu.vector_load %arg7[%get3A_1594, %get3A_1595] {strides = array<i32>} : memref<128x512xf32, #tpu.memory_space<vmem>>, vector<1x16xf32>,
      %get3A_1597 = vector.shape_cast %get3A_1596 : vector<1x16xf32> to vector<16xf32>
      %mul3A_1598 = arith.mulf %get3A_1593, %get3A_1597 : vector<16xf32>
      %add3A_1599 = arith.addf %add3A_1588, %mul3A_1598 : vector<16xf32>
      %get3A_1600 = arith.constant 22 : i32
      %get3A_1601 = arith.index_cast %get3A_1600 : i32 to index
      %get3A_1602 = arith.constant 80 : index
      %get3A_1603 = tpu.vector_load %arg8[%get3A_1601, %get3A_1602] {strides = array<i32>} : memref<24x128xf32, #tpu.memory_space<vmem>>, vector<1x16xf32>,
      %get3A_1604 = vector.shape_cast %get3A_1603 : vector<1x16xf32> to vector<16xf32>
      %get3A_1605 = arith.index_cast %scan3A_11 : i32 to index
      %get3A_1606 = arith.constant 352 : index
      %get3A_1607 = tpu.vector_load %arg7[%get3A_1605, %get3A_1606] {strides = array<i32>} : memref<128x512xf32, #tpu.memory_space<vmem>>, vector<1x16xf32>,
      %get3A_1608 = vector.shape_cast %get3A_1607 : vector<1x16xf32> to vector<16xf32>
      %mul3A_1609 = arith.mulf %get3A_1604, %get3A_1608 : vector<16xf32>
      %add3A_1610 = arith.addf %add3A_1599, %mul3A_1609 : vector<16xf32>
      %get3A_1611 = arith.constant 23 : i32
      %get3A_1612 = arith.index_cast %get3A_1611 : i32 to index
      %get3A_1613 = arith.constant 80 : index
      %get3A_1614 = tpu.vector_load %arg8[%get3A_1612, %get3A_1613] {strides = array<i32>} : memref<24x128xf32, #tpu.memory_space<vmem>>, vector<1x16xf32>,
      %get3A_1615 = vector.shape_cast %get3A_1614 : vector<1x16xf32> to vector<16xf32>
      %get3A_1616 = arith.index_cast %scan3A_11 : i32 to index
      %get3A_1617 = arith.constant 368 : index
      %get3A_1618 = tpu.vector_load %arg7[%get3A_1616, %get3A_1617] {strides = array<i32>} : memref<128x512xf32, #tpu.memory_space<vmem>>, vector<1x16xf32>,
      %get3A_1619 = vector.shape_cast %get3A_1618 : vector<1x16xf32> to vector<16xf32>
      %mul3A_1620 = arith.mulf %get3A_1615, %get3A_1619 : vector<16xf32>
      %add3A_1621 = arith.addf %add3A_1610, %mul3A_1620 : vector<16xf32>
      %swap3A_1622 = arith.index_cast %scan3A_11 : i32 to index
      %swap3A_1623 = arith.constant 80 : index
      %swap3A_1624 = tpu.vector_load %arg9[%swap3A_1622, %swap3A_1623] {strides = array<i32>} : memref<128x128xf32, #tpu.memory_space<vmem>>, vector<1x16xf32>,
      %swap3A_1625 = vector.shape_cast %swap3A_1624 : vector<1x16xf32> to vector<16xf32>
      %swap3A_1626 = vector.shape_cast %add3A_1621 : vector<16xf32> to vector<1x16xf32>
      tpu.vector_store %arg9[%swap3A_1622, %swap3A_1623], %swap3A_1626 {strides = array<i32>} : memref<128x128xf32, #tpu.memory_space<vmem>>, vector<1x16xf32>,
      %get3A_1627 = arith.constant 0 : i32
      %get3A_1628 = arith.index_cast %get3A_1627 : i32 to index
      %get3A_1629 = arith.constant 96 : index
      %get3A_1630 = tpu.vector_load %arg8[%get3A_1628, %get3A_1629] {strides = array<i32>} : memref<24x128xf32, #tpu.memory_space<vmem>>, vector<1x16xf32>,
      %get3A_1631 = vector.shape_cast %get3A_1630 : vector<1x16xf32> to vector<16xf32>
      %get3A_1632 = arith.index_cast %scan3A_11 : i32 to index
      %get3A_1633 = arith.constant 0 : index
      %get3A_1634 = tpu.vector_load %arg7[%get3A_1632, %get3A_1633] {strides = array<i32>} : memref<128x512xf32, #tpu.memory_space<vmem>>, vector<1x16xf32>,
      %get3A_1635 = vector.shape_cast %get3A_1634 : vector<1x16xf32> to vector<16xf32>
      %mul3A_1636 = arith.mulf %get3A_1631, %get3A_1635 : vector<16xf32>
      %get3A_1637 = arith.constant 1 : i32
      %get3A_1638 = arith.index_cast %get3A_1637 : i32 to index
      %get3A_1639 = arith.constant 96 : index
      %get3A_1640 = tpu.vector_load %arg8[%get3A_1638, %get3A_1639] {strides = array<i32>} : memref<24x128xf32, #tpu.memory_space<vmem>>, vector<1x16xf32>,
      %get3A_1641 = vector.shape_cast %get3A_1640 : vector<1x16xf32> to vector<16xf32>
      %get3A_1642 = arith.index_cast %scan3A_11 : i32 to index
      %get3A_1643 = arith.constant 16 : index
      %get3A_1644 = tpu.vector_load %arg7[%get3A_1642, %get3A_1643] {strides = array<i32>} : memref<128x512xf32, #tpu.memory_space<vmem>>, vector<1x16xf32>,
      %get3A_1645 = vector.shape_cast %get3A_1644 : vector<1x16xf32> to vector<16xf32>
      %mul3A_1646 = arith.mulf %get3A_1641, %get3A_1645 : vector<16xf32>
      %add3A_1647 = arith.addf %mul3A_1636, %mul3A_1646 : vector<16xf32>
      %get3A_1648 = arith.constant 2 : i32
      %get3A_1649 = arith.index_cast %get3A_1648 : i32 to index
      %get3A_1650 = arith.constant 96 : index
      %get3A_1651 = tpu.vector_load %arg8[%get3A_1649, %get3A_1650] {strides = array<i32>} : memref<24x128xf32, #tpu.memory_space<vmem>>, vector<1x16xf32>,
      %get3A_1652 = vector.shape_cast %get3A_1651 : vector<1x16xf32> to vector<16xf32>
      %get3A_1653 = arith.index_cast %scan3A_11 : i32 to index
      %get3A_1654 = arith.constant 32 : index
      %get3A_1655 = tpu.vector_load %arg7[%get3A_1653, %get3A_1654] {strides = array<i32>} : memref<128x512xf32, #tpu.memory_space<vmem>>, vector<1x16xf32>,
      %get3A_1656 = vector.shape_cast %get3A_1655 : vector<1x16xf32> to vector<16xf32>
      %mul3A_1657 = arith.mulf %get3A_1652, %get3A_1656 : vector<16xf32>
      %add3A_1658 = arith.addf %add3A_1647, %mul3A_1657 : vector<16xf32>
      %get3A_1659 = arith.constant 3 : i32
      %get3A_1660 = arith.index_cast %get3A_1659 : i32 to index
      %get3A_1661 = arith.constant 96 : index
      %get3A_1662 = tpu.vector_load %arg8[%get3A_1660, %get3A_1661] {strides = array<i32>} : memref<24x128xf32, #tpu.memory_space<vmem>>, vector<1x16xf32>,
      %get3A_1663 = vector.shape_cast %get3A_1662 : vector<1x16xf32> to vector<16xf32>
      %get3A_1664 = arith.index_cast %scan3A_11 : i32 to index
      %get3A_1665 = arith.constant 48 : index
      %get3A_1666 = tpu.vector_load %arg7[%get3A_1664, %get3A_1665] {strides = array<i32>} : memref<128x512xf32, #tpu.memory_space<vmem>>, vector<1x16xf32>,
      %get3A_1667 = vector.shape_cast %get3A_1666 : vector<1x16xf32> to vector<16xf32>
      %mul3A_1668 = arith.mulf %get3A_1663, %get3A_1667 : vector<16xf32>
      %add3A_1669 = arith.addf %add3A_1658, %mul3A_1668 : vector<16xf32>
      %get3A_1670 = arith.constant 4 : i32
      %get3A_1671 = arith.index_cast %get3A_1670 : i32 to index
      %get3A_1672 = arith.constant 96 : index
      %get3A_1673 = tpu.vector_load %arg8[%get3A_1671, %get3A_1672] {strides = array<i32>} : memref<24x128xf32, #tpu.memory_space<vmem>>, vector<1x16xf32>,
      %get3A_1674 = vector.shape_cast %get3A_1673 : vector<1x16xf32> to vector<16xf32>
      %get3A_1675 = arith.index_cast %scan3A_11 : i32 to index
      %get3A_1676 = arith.constant 64 : index
      %get3A_1677 = tpu.vector_load %arg7[%get3A_1675, %get3A_1676] {strides = array<i32>} : memref<128x512xf32, #tpu.memory_space<vmem>>, vector<1x16xf32>,
      %get3A_1678 = vector.shape_cast %get3A_1677 : vector<1x16xf32> to vector<16xf32>
      %mul3A_1679 = arith.mulf %get3A_1674, %get3A_1678 : vector<16xf32>
      %add3A_1680 = arith.addf %add3A_1669, %mul3A_1679 : vector<16xf32>
      %get3A_1681 = arith.constant 5 : i32
      %get3A_1682 = arith.index_cast %get3A_1681 : i32 to index
      %get3A_1683 = arith.constant 96 : index
      %get3A_1684 = tpu.vector_load %arg8[%get3A_1682, %get3A_1683] {strides = array<i32>} : memref<24x128xf32, #tpu.memory_space<vmem>>, vector<1x16xf32>,
      %get3A_1685 = vector.shape_cast %get3A_1684 : vector<1x16xf32> to vector<16xf32>
      %get3A_1686 = arith.index_cast %scan3A_11 : i32 to index
      %get3A_1687 = arith.constant 80 : index
      %get3A_1688 = tpu.vector_load %arg7[%get3A_1686, %get3A_1687] {strides = array<i32>} : memref<128x512xf32, #tpu.memory_space<vmem>>, vector<1x16xf32>,
      %get3A_1689 = vector.shape_cast %get3A_1688 : vector<1x16xf32> to vector<16xf32>
      %mul3A_1690 = arith.mulf %get3A_1685, %get3A_1689 : vector<16xf32>
      %add3A_1691 = arith.addf %add3A_1680, %mul3A_1690 : vector<16xf32>
      %get3A_1692 = arith.constant 6 : i32
      %get3A_1693 = arith.index_cast %get3A_1692 : i32 to index
      %get3A_1694 = arith.constant 96 : index
      %get3A_1695 = tpu.vector_load %arg8[%get3A_1693, %get3A_1694] {strides = array<i32>} : memref<24x128xf32, #tpu.memory_space<vmem>>, vector<1x16xf32>,
      %get3A_1696 = vector.shape_cast %get3A_1695 : vector<1x16xf32> to vector<16xf32>
      %get3A_1697 = arith.index_cast %scan3A_11 : i32 to index
      %get3A_1698 = arith.constant 96 : index
      %get3A_1699 = tpu.vector_load %arg7[%get3A_1697, %get3A_1698] {strides = array<i32>} : memref<128x512xf32, #tpu.memory_space<vmem>>, vector<1x16xf32>,
      %get3A_1700 = vector.shape_cast %get3A_1699 : vector<1x16xf32> to vector<16xf32>
      %mul3A_1701 = arith.mulf %get3A_1696, %get3A_1700 : vector<16xf32>
      %add3A_1702 = arith.addf %add3A_1691, %mul3A_1701 : vector<16xf32>
      %get3A_1703 = arith.constant 7 : i32
      %get3A_1704 = arith.index_cast %get3A_1703 : i32 to index
      %get3A_1705 = arith.constant 96 : index
      %get3A_1706 = tpu.vector_load %arg8[%get3A_1704, %get3A_1705] {strides = array<i32>} : memref<24x128xf32, #tpu.memory_space<vmem>>, vector<1x16xf32>,
      %get3A_1707 = vector.shape_cast %get3A_1706 : vector<1x16xf32> to vector<16xf32>
      %get3A_1708 = arith.index_cast %scan3A_11 : i32 to index
      %get3A_1709 = arith.constant 112 : index
      %get3A_1710 = tpu.vector_load %arg7[%get3A_1708, %get3A_1709] {strides = array<i32>} : memref<128x512xf32, #tpu.memory_space<vmem>>, vector<1x16xf32>,
      %get3A_1711 = vector.shape_cast %get3A_1710 : vector<1x16xf32> to vector<16xf32>
      %mul3A_1712 = arith.mulf %get3A_1707, %get3A_1711 : vector<16xf32>
      %add3A_1713 = arith.addf %add3A_1702, %mul3A_1712 : vector<16xf32>
      %get3A_1714 = arith.constant 8 : i32
      %get3A_1715 = arith.index_cast %get3A_1714 : i32 to index
      %get3A_1716 = arith.constant 96 : index
      %get3A_1717 = tpu.vector_load %arg8[%get3A_1715, %get3A_1716] {strides = array<i32>} : memref<24x128xf32, #tpu.memory_space<vmem>>, vector<1x16xf32>,
      %get3A_1718 = vector.shape_cast %get3A_1717 : vector<1x16xf32> to vector<16xf32>
      %get3A_1719 = arith.index_cast %scan3A_11 : i32 to index
      %get3A_1720 = arith.constant 128 : index
      %get3A_1721 = tpu.vector_load %arg7[%get3A_1719, %get3A_1720] {strides = array<i32>} : memref<128x512xf32, #tpu.memory_space<vmem>>, vector<1x16xf32>,
      %get3A_1722 = vector.shape_cast %get3A_1721 : vector<1x16xf32> to vector<16xf32>
      %mul3A_1723 = arith.mulf %get3A_1718, %get3A_1722 : vector<16xf32>
      %add3A_1724 = arith.addf %add3A_1713, %mul3A_1723 : vector<16xf32>
      %get3A_1725 = arith.constant 9 : i32
      %get3A_1726 = arith.index_cast %get3A_1725 : i32 to index
      %get3A_1727 = arith.constant 96 : index
      %get3A_1728 = tpu.vector_load %arg8[%get3A_1726, %get3A_1727] {strides = array<i32>} : memref<24x128xf32, #tpu.memory_space<vmem>>, vector<1x16xf32>,
      %get3A_1729 = vector.shape_cast %get3A_1728 : vector<1x16xf32> to vector<16xf32>
      %get3A_1730 = arith.index_cast %scan3A_11 : i32 to index
      %get3A_1731 = arith.constant 144 : index
      %get3A_1732 = tpu.vector_load %arg7[%get3A_1730, %get3A_1731] {strides = array<i32>} : memref<128x512xf32, #tpu.memory_space<vmem>>, vector<1x16xf32>,
      %get3A_1733 = vector.shape_cast %get3A_1732 : vector<1x16xf32> to vector<16xf32>
      %mul3A_1734 = arith.mulf %get3A_1729, %get3A_1733 : vector<16xf32>
      %add3A_1735 = arith.addf %add3A_1724, %mul3A_1734 : vector<16xf32>
      %get3A_1736 = arith.constant 10 : i32
      %get3A_1737 = arith.index_cast %get3A_1736 : i32 to index
      %get3A_1738 = arith.constant 96 : index
      %get3A_1739 = tpu.vector_load %arg8[%get3A_1737, %get3A_1738] {strides = array<i32>} : memref<24x128xf32, #tpu.memory_space<vmem>>, vector<1x16xf32>,
      %get3A_1740 = vector.shape_cast %get3A_1739 : vector<1x16xf32> to vector<16xf32>
      %get3A_1741 = arith.index_cast %scan3A_11 : i32 to index
      %get3A_1742 = arith.constant 160 : index
      %get3A_1743 = tpu.vector_load %arg7[%get3A_1741, %get3A_1742] {strides = array<i32>} : memref<128x512xf32, #tpu.memory_space<vmem>>, vector<1x16xf32>,
      %get3A_1744 = vector.shape_cast %get3A_1743 : vector<1x16xf32> to vector<16xf32>
      %mul3A_1745 = arith.mulf %get3A_1740, %get3A_1744 : vector<16xf32>
      %add3A_1746 = arith.addf %add3A_1735, %mul3A_1745 : vector<16xf32>
      %get3A_1747 = arith.constant 11 : i32
      %get3A_1748 = arith.index_cast %get3A_1747 : i32 to index
      %get3A_1749 = arith.constant 96 : index
      %get3A_1750 = tpu.vector_load %arg8[%get3A_1748, %get3A_1749] {strides = array<i32>} : memref<24x128xf32, #tpu.memory_space<vmem>>, vector<1x16xf32>,
      %get3A_1751 = vector.shape_cast %get3A_1750 : vector<1x16xf32> to vector<16xf32>
      %get3A_1752 = arith.index_cast %scan3A_11 : i32 to index
      %get3A_1753 = arith.constant 176 : index
      %get3A_1754 = tpu.vector_load %arg7[%get3A_1752, %get3A_1753] {strides = array<i32>} : memref<128x512xf32, #tpu.memory_space<vmem>>, vector<1x16xf32>,
      %get3A_1755 = vector.shape_cast %get3A_1754 : vector<1x16xf32> to vector<16xf32>
      %mul3A_1756 = arith.mulf %get3A_1751, %get3A_1755 : vector<16xf32>
      %add3A_1757 = arith.addf %add3A_1746, %mul3A_1756 : vector<16xf32>
      %get3A_1758 = arith.constant 12 : i32
      %get3A_1759 = arith.index_cast %get3A_1758 : i32 to index
      %get3A_1760 = arith.constant 96 : index
      %get3A_1761 = tpu.vector_load %arg8[%get3A_1759, %get3A_1760] {strides = array<i32>} : memref<24x128xf32, #tpu.memory_space<vmem>>, vector<1x16xf32>,
      %get3A_1762 = vector.shape_cast %get3A_1761 : vector<1x16xf32> to vector<16xf32>
      %get3A_1763 = arith.index_cast %scan3A_11 : i32 to index
      %get3A_1764 = arith.constant 192 : index
      %get3A_1765 = tpu.vector_load %arg7[%get3A_1763, %get3A_1764] {strides = array<i32>} : memref<128x512xf32, #tpu.memory_space<vmem>>, vector<1x16xf32>,
      %get3A_1766 = vector.shape_cast %get3A_1765 : vector<1x16xf32> to vector<16xf32>
      %mul3A_1767 = arith.mulf %get3A_1762, %get3A_1766 : vector<16xf32>
      %add3A_1768 = arith.addf %add3A_1757, %mul3A_1767 : vector<16xf32>
      %get3A_1769 = arith.constant 13 : i32
      %get3A_1770 = arith.index_cast %get3A_1769 : i32 to index
      %get3A_1771 = arith.constant 96 : index
      %get3A_1772 = tpu.vector_load %arg8[%get3A_1770, %get3A_1771] {strides = array<i32>} : memref<24x128xf32, #tpu.memory_space<vmem>>, vector<1x16xf32>,
      %get3A_1773 = vector.shape_cast %get3A_1772 : vector<1x16xf32> to vector<16xf32>
      %get3A_1774 = arith.index_cast %scan3A_11 : i32 to index
      %get3A_1775 = arith.constant 208 : index
      %get3A_1776 = tpu.vector_load %arg7[%get3A_1774, %get3A_1775] {strides = array<i32>} : memref<128x512xf32, #tpu.memory_space<vmem>>, vector<1x16xf32>,
      %get3A_1777 = vector.shape_cast %get3A_1776 : vector<1x16xf32> to vector<16xf32>
      %mul3A_1778 = arith.mulf %get3A_1773, %get3A_1777 : vector<16xf32>
      %add3A_1779 = arith.addf %add3A_1768, %mul3A_1778 : vector<16xf32>
      %get3A_1780 = arith.constant 14 : i32
      %get3A_1781 = arith.index_cast %get3A_1780 : i32 to index
      %get3A_1782 = arith.constant 96 : index
      %get3A_1783 = tpu.vector_load %arg8[%get3A_1781, %get3A_1782] {strides = array<i32>} : memref<24x128xf32, #tpu.memory_space<vmem>>, vector<1x16xf32>,
      %get3A_1784 = vector.shape_cast %get3A_1783 : vector<1x16xf32> to vector<16xf32>
      %get3A_1785 = arith.index_cast %scan3A_11 : i32 to index
      %get3A_1786 = arith.constant 224 : index
      %get3A_1787 = tpu.vector_load %arg7[%get3A_1785, %get3A_1786] {strides = array<i32>} : memref<128x512xf32, #tpu.memory_space<vmem>>, vector<1x16xf32>,
      %get3A_1788 = vector.shape_cast %get3A_1787 : vector<1x16xf32> to vector<16xf32>
      %mul3A_1789 = arith.mulf %get3A_1784, %get3A_1788 : vector<16xf32>
      %add3A_1790 = arith.addf %add3A_1779, %mul3A_1789 : vector<16xf32>
      %get3A_1791 = arith.constant 15 : i32
      %get3A_1792 = arith.index_cast %get3A_1791 : i32 to index
      %get3A_1793 = arith.constant 96 : index
      %get3A_1794 = tpu.vector_load %arg8[%get3A_1792, %get3A_1793] {strides = array<i32>} : memref<24x128xf32, #tpu.memory_space<vmem>>, vector<1x16xf32>,
      %get3A_1795 = vector.shape_cast %get3A_1794 : vector<1x16xf32> to vector<16xf32>
      %get3A_1796 = arith.index_cast %scan3A_11 : i32 to index
      %get3A_1797 = arith.constant 240 : index
      %get3A_1798 = tpu.vector_load %arg7[%get3A_1796, %get3A_1797] {strides = array<i32>} : memref<128x512xf32, #tpu.memory_space<vmem>>, vector<1x16xf32>,
      %get3A_1799 = vector.shape_cast %get3A_1798 : vector<1x16xf32> to vector<16xf32>
      %mul3A_1800 = arith.mulf %get3A_1795, %get3A_1799 : vector<16xf32>
      %add3A_1801 = arith.addf %add3A_1790, %mul3A_1800 : vector<16xf32>
      %get3A_1802 = arith.constant 16 : i32
      %get3A_1803 = arith.index_cast %get3A_1802 : i32 to index
      %get3A_1804 = arith.constant 96 : index
      %get3A_1805 = tpu.vector_load %arg8[%get3A_1803, %get3A_1804] {strides = array<i32>} : memref<24x128xf32, #tpu.memory_space<vmem>>, vector<1x16xf32>,
      %get3A_1806 = vector.shape_cast %get3A_1805 : vector<1x16xf32> to vector<16xf32>
      %get3A_1807 = arith.index_cast %scan3A_11 : i32 to index
      %get3A_1808 = arith.constant 256 : index
      %get3A_1809 = tpu.vector_load %arg7[%get3A_1807, %get3A_1808] {strides = array<i32>} : memref<128x512xf32, #tpu.memory_space<vmem>>, vector<1x16xf32>,
      %get3A_1810 = vector.shape_cast %get3A_1809 : vector<1x16xf32> to vector<16xf32>
      %mul3A_1811 = arith.mulf %get3A_1806, %get3A_1810 : vector<16xf32>
      %add3A_1812 = arith.addf %add3A_1801, %mul3A_1811 : vector<16xf32>
      %get3A_1813 = arith.constant 17 : i32
      %get3A_1814 = arith.index_cast %get3A_1813 : i32 to index
      %get3A_1815 = arith.constant 96 : index
      %get3A_1816 = tpu.vector_load %arg8[%get3A_1814, %get3A_1815] {strides = array<i32>} : memref<24x128xf32, #tpu.memory_space<vmem>>, vector<1x16xf32>,
      %get3A_1817 = vector.shape_cast %get3A_1816 : vector<1x16xf32> to vector<16xf32>
      %get3A_1818 = arith.index_cast %scan3A_11 : i32 to index
      %get3A_1819 = arith.constant 272 : index
      %get3A_1820 = tpu.vector_load %arg7[%get3A_1818, %get3A_1819] {strides = array<i32>} : memref<128x512xf32, #tpu.memory_space<vmem>>, vector<1x16xf32>,
      %get3A_1821 = vector.shape_cast %get3A_1820 : vector<1x16xf32> to vector<16xf32>
      %mul3A_1822 = arith.mulf %get3A_1817, %get3A_1821 : vector<16xf32>
      %add3A_1823 = arith.addf %add3A_1812, %mul3A_1822 : vector<16xf32>
      %get3A_1824 = arith.constant 18 : i32
      %get3A_1825 = arith.index_cast %get3A_1824 : i32 to index
      %get3A_1826 = arith.constant 96 : index
      %get3A_1827 = tpu.vector_load %arg8[%get3A_1825, %get3A_1826] {strides = array<i32>} : memref<24x128xf32, #tpu.memory_space<vmem>>, vector<1x16xf32>,
      %get3A_1828 = vector.shape_cast %get3A_1827 : vector<1x16xf32> to vector<16xf32>
      %get3A_1829 = arith.index_cast %scan3A_11 : i32 to index
      %get3A_1830 = arith.constant 288 : index
      %get3A_1831 = tpu.vector_load %arg7[%get3A_1829, %get3A_1830] {strides = array<i32>} : memref<128x512xf32, #tpu.memory_space<vmem>>, vector<1x16xf32>,
      %get3A_1832 = vector.shape_cast %get3A_1831 : vector<1x16xf32> to vector<16xf32>
      %mul3A_1833 = arith.mulf %get3A_1828, %get3A_1832 : vector<16xf32>
      %add3A_1834 = arith.addf %add3A_1823, %mul3A_1833 : vector<16xf32>
      %get3A_1835 = arith.constant 19 : i32
      %get3A_1836 = arith.index_cast %get3A_1835 : i32 to index
      %get3A_1837 = arith.constant 96 : index
      %get3A_1838 = tpu.vector_load %arg8[%get3A_1836, %get3A_1837] {strides = array<i32>} : memref<24x128xf32, #tpu.memory_space<vmem>>, vector<1x16xf32>,
      %get3A_1839 = vector.shape_cast %get3A_1838 : vector<1x16xf32> to vector<16xf32>
      %get3A_1840 = arith.index_cast %scan3A_11 : i32 to index
      %get3A_1841 = arith.constant 304 : index
      %get3A_1842 = tpu.vector_load %arg7[%get3A_1840, %get3A_1841] {strides = array<i32>} : memref<128x512xf32, #tpu.memory_space<vmem>>, vector<1x16xf32>,
      %get3A_1843 = vector.shape_cast %get3A_1842 : vector<1x16xf32> to vector<16xf32>
      %mul3A_1844 = arith.mulf %get3A_1839, %get3A_1843 : vector<16xf32>
      %add3A_1845 = arith.addf %add3A_1834, %mul3A_1844 : vector<16xf32>
      %get3A_1846 = arith.constant 20 : i32
      %get3A_1847 = arith.index_cast %get3A_1846 : i32 to index
      %get3A_1848 = arith.constant 96 : index
      %get3A_1849 = tpu.vector_load %arg8[%get3A_1847, %get3A_1848] {strides = array<i32>} : memref<24x128xf32, #tpu.memory_space<vmem>>, vector<1x16xf32>,
      %get3A_1850 = vector.shape_cast %get3A_1849 : vector<1x16xf32> to vector<16xf32>
      %get3A_1851 = arith.index_cast %scan3A_11 : i32 to index
      %get3A_1852 = arith.constant 320 : index
      %get3A_1853 = tpu.vector_load %arg7[%get3A_1851, %get3A_1852] {strides = array<i32>} : memref<128x512xf32, #tpu.memory_space<vmem>>, vector<1x16xf32>,
      %get3A_1854 = vector.shape_cast %get3A_1853 : vector<1x16xf32> to vector<16xf32>
      %mul3A_1855 = arith.mulf %get3A_1850, %get3A_1854 : vector<16xf32>
      %add3A_1856 = arith.addf %add3A_1845, %mul3A_1855 : vector<16xf32>
      %get3A_1857 = arith.constant 21 : i32
      %get3A_1858 = arith.index_cast %get3A_1857 : i32 to index
      %get3A_1859 = arith.constant 96 : index
      %get3A_1860 = tpu.vector_load %arg8[%get3A_1858, %get3A_1859] {strides = array<i32>} : memref<24x128xf32, #tpu.memory_space<vmem>>, vector<1x16xf32>,
      %get3A_1861 = vector.shape_cast %get3A_1860 : vector<1x16xf32> to vector<16xf32>
      %get3A_1862 = arith.index_cast %scan3A_11 : i32 to index
      %get3A_1863 = arith.constant 336 : index
      %get3A_1864 = tpu.vector_load %arg7[%get3A_1862, %get3A_1863] {strides = array<i32>} : memref<128x512xf32, #tpu.memory_space<vmem>>, vector<1x16xf32>,
      %get3A_1865 = vector.shape_cast %get3A_1864 : vector<1x16xf32> to vector<16xf32>
      %mul3A_1866 = arith.mulf %get3A_1861, %get3A_1865 : vector<16xf32>
      %add3A_1867 = arith.addf %add3A_1856, %mul3A_1866 : vector<16xf32>
      %get3A_1868 = arith.constant 22 : i32
      %get3A_1869 = arith.index_cast %get3A_1868 : i32 to index
      %get3A_1870 = arith.constant 96 : index
      %get3A_1871 = tpu.vector_load %arg8[%get3A_1869, %get3A_1870] {strides = array<i32>} : memref<24x128xf32, #tpu.memory_space<vmem>>, vector<1x16xf32>,
      %get3A_1872 = vector.shape_cast %get3A_1871 : vector<1x16xf32> to vector<16xf32>
      %get3A_1873 = arith.index_cast %scan3A_11 : i32 to index
      %get3A_1874 = arith.constant 352 : index
      %get3A_1875 = tpu.vector_load %arg7[%get3A_1873, %get3A_1874] {strides = array<i32>} : memref<128x512xf32, #tpu.memory_space<vmem>>, vector<1x16xf32>,
      %get3A_1876 = vector.shape_cast %get3A_1875 : vector<1x16xf32> to vector<16xf32>
      %mul3A_1877 = arith.mulf %get3A_1872, %get3A_1876 : vector<16xf32>
      %add3A_1878 = arith.addf %add3A_1867, %mul3A_1877 : vector<16xf32>
      %get3A_1879 = arith.constant 23 : i32
      %get3A_1880 = arith.index_cast %get3A_1879 : i32 to index
      %get3A_1881 = arith.constant 96 : index
      %get3A_1882 = tpu.vector_load %arg8[%get3A_1880, %get3A_1881] {strides = array<i32>} : memref<24x128xf32, #tpu.memory_space<vmem>>, vector<1x16xf32>,
      %get3A_1883 = vector.shape_cast %get3A_1882 : vector<1x16xf32> to vector<16xf32>
      %get3A_1884 = arith.index_cast %scan3A_11 : i32 to index
      %get3A_1885 = arith.constant 368 : index
      %get3A_1886 = tpu.vector_load %arg7[%get3A_1884, %get3A_1885] {strides = array<i32>} : memref<128x512xf32, #tpu.memory_space<vmem>>, vector<1x16xf32>,
      %get3A_1887 = vector.shape_cast %get3A_1886 : vector<1x16xf32> to vector<16xf32>
      %mul3A_1888 = arith.mulf %get3A_1883, %get3A_1887 : vector<16xf32>
      %add3A_1889 = arith.addf %add3A_1878, %mul3A_1888 : vector<16xf32>
      %swap3A_1890 = arith.index_cast %scan3A_11 : i32 to index
      %swap3A_1891 = arith.constant 96 : index
      %swap3A_1892 = tpu.vector_load %arg9[%swap3A_1890, %swap3A_1891] {strides = array<i32>} : memref<128x128xf32, #tpu.memory_space<vmem>>, vector<1x16xf32>,
      %swap3A_1893 = vector.shape_cast %swap3A_1892 : vector<1x16xf32> to vector<16xf32>
      %swap3A_1894 = vector.shape_cast %add3A_1889 : vector<16xf32> to vector<1x16xf32>
      tpu.vector_store %arg9[%swap3A_1890, %swap3A_1891], %swap3A_1894 {strides = array<i32>} : memref<128x128xf32, #tpu.memory_space<vmem>>, vector<1x16xf32>,
      %get3A_1895 = arith.constant 0 : i32
      %get3A_1896 = arith.index_cast %get3A_1895 : i32 to index
      %get3A_1897 = arith.constant 112 : index
      %get3A_1898 = tpu.vector_load %arg8[%get3A_1896, %get3A_1897] {strides = array<i32>} : memref<24x128xf32, #tpu.memory_space<vmem>>, vector<1x16xf32>,
      %get3A_1899 = vector.shape_cast %get3A_1898 : vector<1x16xf32> to vector<16xf32>
      %get3A_1900 = arith.index_cast %scan3A_11 : i32 to index
      %get3A_1901 = arith.constant 0 : index
      %get3A_1902 = tpu.vector_load %arg7[%get3A_1900, %get3A_1901] {strides = array<i32>} : memref<128x512xf32, #tpu.memory_space<vmem>>, vector<1x16xf32>,
      %get3A_1903 = vector.shape_cast %get3A_1902 : vector<1x16xf32> to vector<16xf32>
      %mul3A_1904 = arith.mulf %get3A_1899, %get3A_1903 : vector<16xf32>
      %get3A_1905 = arith.constant 1 : i32
      %get3A_1906 = arith.index_cast %get3A_1905 : i32 to index
      %get3A_1907 = arith.constant 112 : index
      %get3A_1908 = tpu.vector_load %arg8[%get3A_1906, %get3A_1907] {strides = array<i32>} : memref<24x128xf32, #tpu.memory_space<vmem>>, vector<1x16xf32>,
      %get3A_1909 = vector.shape_cast %get3A_1908 : vector<1x16xf32> to vector<16xf32>
      %get3A_1910 = arith.index_cast %scan3A_11 : i32 to index
      %get3A_1911 = arith.constant 16 : index
      %get3A_1912 = tpu.vector_load %arg7[%get3A_1910, %get3A_1911] {strides = array<i32>} : memref<128x512xf32, #tpu.memory_space<vmem>>, vector<1x16xf32>,
      %get3A_1913 = vector.shape_cast %get3A_1912 : vector<1x16xf32> to vector<16xf32>
      %mul3A_1914 = arith.mulf %get3A_1909, %get3A_1913 : vector<16xf32>
      %add3A_1915 = arith.addf %mul3A_1904, %mul3A_1914 : vector<16xf32>
      %get3A_1916 = arith.constant 2 : i32
      %get3A_1917 = arith.index_cast %get3A_1916 : i32 to index
      %get3A_1918 = arith.constant 112 : index
      %get3A_1919 = tpu.vector_load %arg8[%get3A_1917, %get3A_1918] {strides = array<i32>} : memref<24x128xf32, #tpu.memory_space<vmem>>, vector<1x16xf32>,
      %get3A_1920 = vector.shape_cast %get3A_1919 : vector<1x16xf32> to vector<16xf32>
      %get3A_1921 = arith.index_cast %scan3A_11 : i32 to index
      %get3A_1922 = arith.constant 32 : index
      %get3A_1923 = tpu.vector_load %arg7[%get3A_1921, %get3A_1922] {strides = array<i32>} : memref<128x512xf32, #tpu.memory_space<vmem>>, vector<1x16xf32>,
      %get3A_1924 = vector.shape_cast %get3A_1923 : vector<1x16xf32> to vector<16xf32>
      %mul3A_1925 = arith.mulf %get3A_1920, %get3A_1924 : vector<16xf32>
      %add3A_1926 = arith.addf %add3A_1915, %mul3A_1925 : vector<16xf32>
      %get3A_1927 = arith.constant 3 : i32
      %get3A_1928 = arith.index_cast %get3A_1927 : i32 to index
      %get3A_1929 = arith.constant 112 : index
      %get3A_1930 = tpu.vector_load %arg8[%get3A_1928, %get3A_1929] {strides = array<i32>} : memref<24x128xf32, #tpu.memory_space<vmem>>, vector<1x16xf32>,
      %get3A_1931 = vector.shape_cast %get3A_1930 : vector<1x16xf32> to vector<16xf32>
      %get3A_1932 = arith.index_cast %scan3A_11 : i32 to index
      %get3A_1933 = arith.constant 48 : index
      %get3A_1934 = tpu.vector_load %arg7[%get3A_1932, %get3A_1933] {strides = array<i32>} : memref<128x512xf32, #tpu.memory_space<vmem>>, vector<1x16xf32>,
      %get3A_1935 = vector.shape_cast %get3A_1934 : vector<1x16xf32> to vector<16xf32>
      %mul3A_1936 = arith.mulf %get3A_1931, %get3A_1935 : vector<16xf32>
      %add3A_1937 = arith.addf %add3A_1926, %mul3A_1936 : vector<16xf32>
      %get3A_1938 = arith.constant 4 : i32
      %get3A_1939 = arith.index_cast %get3A_1938 : i32 to index
      %get3A_1940 = arith.constant 112 : index
      %get3A_1941 = tpu.vector_load %arg8[%get3A_1939, %get3A_1940] {strides = array<i32>} : memref<24x128xf32, #tpu.memory_space<vmem>>, vector<1x16xf32>,
      %get3A_1942 = vector.shape_cast %get3A_1941 : vector<1x16xf32> to vector<16xf32>
      %get3A_1943 = arith.index_cast %scan3A_11 : i32 to index
      %get3A_1944 = arith.constant 64 : index
      %get3A_1945 = tpu.vector_load %arg7[%get3A_1943, %get3A_1944] {strides = array<i32>} : memref<128x512xf32, #tpu.memory_space<vmem>>, vector<1x16xf32>,
      %get3A_1946 = vector.shape_cast %get3A_1945 : vector<1x16xf32> to vector<16xf32>
      %mul3A_1947 = arith.mulf %get3A_1942, %get3A_1946 : vector<16xf32>
      %add3A_1948 = arith.addf %add3A_1937, %mul3A_1947 : vector<16xf32>
      %get3A_1949 = arith.constant 5 : i32
      %get3A_1950 = arith.index_cast %get3A_1949 : i32 to index
      %get3A_1951 = arith.constant 112 : index
      %get3A_1952 = tpu.vector_load %arg8[%get3A_1950, %get3A_1951] {strides = array<i32>} : memref<24x128xf32, #tpu.memory_space<vmem>>, vector<1x16xf32>,
      %get3A_1953 = vector.shape_cast %get3A_1952 : vector<1x16xf32> to vector<16xf32>
      %get3A_1954 = arith.index_cast %scan3A_11 : i32 to index
      %get3A_1955 = arith.constant 80 : index
      %get3A_1956 = tpu.vector_load %arg7[%get3A_1954, %get3A_1955] {strides = array<i32>} : memref<128x512xf32, #tpu.memory_space<vmem>>, vector<1x16xf32>,
      %get3A_1957 = vector.shape_cast %get3A_1956 : vector<1x16xf32> to vector<16xf32>
      %mul3A_1958 = arith.mulf %get3A_1953, %get3A_1957 : vector<16xf32>
      %add3A_1959 = arith.addf %add3A_1948, %mul3A_1958 : vector<16xf32>
      %get3A_1960 = arith.constant 6 : i32
      %get3A_1961 = arith.index_cast %get3A_1960 : i32 to index
      %get3A_1962 = arith.constant 112 : index
      %get3A_1963 = tpu.vector_load %arg8[%get3A_1961, %get3A_1962] {strides = array<i32>} : memref<24x128xf32, #tpu.memory_space<vmem>>, vector<1x16xf32>,
      %get3A_1964 = vector.shape_cast %get3A_1963 : vector<1x16xf32> to vector<16xf32>
      %get3A_1965 = arith.index_cast %scan3A_11 : i32 to index
      %get3A_1966 = arith.constant 96 : index
      %get3A_1967 = tpu.vector_load %arg7[%get3A_1965, %get3A_1966] {strides = array<i32>} : memref<128x512xf32, #tpu.memory_space<vmem>>, vector<1x16xf32>,
      %get3A_1968 = vector.shape_cast %get3A_1967 : vector<1x16xf32> to vector<16xf32>
      %mul3A_1969 = arith.mulf %get3A_1964, %get3A_1968 : vector<16xf32>
      %add3A_1970 = arith.addf %add3A_1959, %mul3A_1969 : vector<16xf32>
      %get3A_1971 = arith.constant 7 : i32
      %get3A_1972 = arith.index_cast %get3A_1971 : i32 to index
      %get3A_1973 = arith.constant 112 : index
      %get3A_1974 = tpu.vector_load %arg8[%get3A_1972, %get3A_1973] {strides = array<i32>} : memref<24x128xf32, #tpu.memory_space<vmem>>, vector<1x16xf32>,
      %get3A_1975 = vector.shape_cast %get3A_1974 : vector<1x16xf32> to vector<16xf32>
      %get3A_1976 = arith.index_cast %scan3A_11 : i32 to index
      %get3A_1977 = arith.constant 112 : index
      %get3A_1978 = tpu.vector_load %arg7[%get3A_1976, %get3A_1977] {strides = array<i32>} : memref<128x512xf32, #tpu.memory_space<vmem>>, vector<1x16xf32>,
      %get3A_1979 = vector.shape_cast %get3A_1978 : vector<1x16xf32> to vector<16xf32>
      %mul3A_1980 = arith.mulf %get3A_1975, %get3A_1979 : vector<16xf32>
      %add3A_1981 = arith.addf %add3A_1970, %mul3A_1980 : vector<16xf32>
      %get3A_1982 = arith.constant 8 : i32
      %get3A_1983 = arith.index_cast %get3A_1982 : i32 to index
      %get3A_1984 = arith.constant 112 : index
      %get3A_1985 = tpu.vector_load %arg8[%get3A_1983, %get3A_1984] {strides = array<i32>} : memref<24x128xf32, #tpu.memory_space<vmem>>, vector<1x16xf32>,
      %get3A_1986 = vector.shape_cast %get3A_1985 : vector<1x16xf32> to vector<16xf32>
      %get3A_1987 = arith.index_cast %scan3A_11 : i32 to index
      %get3A_1988 = arith.constant 128 : index
      %get3A_1989 = tpu.vector_load %arg7[%get3A_1987, %get3A_1988] {strides = array<i32>} : memref<128x512xf32, #tpu.memory_space<vmem>>, vector<1x16xf32>,
      %get3A_1990 = vector.shape_cast %get3A_1989 : vector<1x16xf32> to vector<16xf32>
      %mul3A_1991 = arith.mulf %get3A_1986, %get3A_1990 : vector<16xf32>
      %add3A_1992 = arith.addf %add3A_1981, %mul3A_1991 : vector<16xf32>
      %get3A_1993 = arith.constant 9 : i32
      %get3A_1994 = arith.index_cast %get3A_1993 : i32 to index
      %get3A_1995 = arith.constant 112 : index
      %get3A_1996 = tpu.vector_load %arg8[%get3A_1994, %get3A_1995] {strides = array<i32>} : memref<24x128xf32, #tpu.memory_space<vmem>>, vector<1x16xf32>,
      %get3A_1997 = vector.shape_cast %get3A_1996 : vector<1x16xf32> to vector<16xf32>
      %get3A_1998 = arith.index_cast %scan3A_11 : i32 to index
      %get3A_1999 = arith.constant 144 : index
      %get3A_2000 = tpu.vector_load %arg7[%get3A_1998, %get3A_1999] {strides = array<i32>} : memref<128x512xf32, #tpu.memory_space<vmem>>, vector<1x16xf32>,
      %get3A_2001 = vector.shape_cast %get3A_2000 : vector<1x16xf32> to vector<16xf32>
      %mul3A_2002 = arith.mulf %get3A_1997, %get3A_2001 : vector<16xf32>
      %add3A_2003 = arith.addf %add3A_1992, %mul3A_2002 : vector<16xf32>
      %get3A_2004 = arith.constant 10 : i32
      %get3A_2005 = arith.index_cast %get3A_2004 : i32 to index
      %get3A_2006 = arith.constant 112 : index
      %get3A_2007 = tpu.vector_load %arg8[%get3A_2005, %get3A_2006] {strides = array<i32>} : memref<24x128xf32, #tpu.memory_space<vmem>>, vector<1x16xf32>,
      %get3A_2008 = vector.shape_cast %get3A_2007 : vector<1x16xf32> to vector<16xf32>
      %get3A_2009 = arith.index_cast %scan3A_11 : i32 to index
      %get3A_2010 = arith.constant 160 : index
      %get3A_2011 = tpu.vector_load %arg7[%get3A_2009, %get3A_2010] {strides = array<i32>} : memref<128x512xf32, #tpu.memory_space<vmem>>, vector<1x16xf32>,
      %get3A_2012 = vector.shape_cast %get3A_2011 : vector<1x16xf32> to vector<16xf32>
      %mul3A_2013 = arith.mulf %get3A_2008, %get3A_2012 : vector<16xf32>
      %add3A_2014 = arith.addf %add3A_2003, %mul3A_2013 : vector<16xf32>
      %get3A_2015 = arith.constant 11 : i32
      %get3A_2016 = arith.index_cast %get3A_2015 : i32 to index
      %get3A_2017 = arith.constant 112 : index
      %get3A_2018 = tpu.vector_load %arg8[%get3A_2016, %get3A_2017] {strides = array<i32>} : memref<24x128xf32, #tpu.memory_space<vmem>>, vector<1x16xf32>,
      %get3A_2019 = vector.shape_cast %get3A_2018 : vector<1x16xf32> to vector<16xf32>
      %get3A_2020 = arith.index_cast %scan3A_11 : i32 to index
      %get3A_2021 = arith.constant 176 : index
      %get3A_2022 = tpu.vector_load %arg7[%get3A_2020, %get3A_2021] {strides = array<i32>} : memref<128x512xf32, #tpu.memory_space<vmem>>, vector<1x16xf32>,
      %get3A_2023 = vector.shape_cast %get3A_2022 : vector<1x16xf32> to vector<16xf32>
      %mul3A_2024 = arith.mulf %get3A_2019, %get3A_2023 : vector<16xf32>
      %add3A_2025 = arith.addf %add3A_2014, %mul3A_2024 : vector<16xf32>
      %get3A_2026 = arith.constant 12 : i32
      %get3A_2027 = arith.index_cast %get3A_2026 : i32 to index
      %get3A_2028 = arith.constant 112 : index
      %get3A_2029 = tpu.vector_load %arg8[%get3A_2027, %get3A_2028] {strides = array<i32>} : memref<24x128xf32, #tpu.memory_space<vmem>>, vector<1x16xf32>,
      %get3A_2030 = vector.shape_cast %get3A_2029 : vector<1x16xf32> to vector<16xf32>
      %get3A_2031 = arith.index_cast %scan3A_11 : i32 to index
      %get3A_2032 = arith.constant 192 : index
      %get3A_2033 = tpu.vector_load %arg7[%get3A_2031, %get3A_2032] {strides = array<i32>} : memref<128x512xf32, #tpu.memory_space<vmem>>, vector<1x16xf32>,
      %get3A_2034 = vector.shape_cast %get3A_2033 : vector<1x16xf32> to vector<16xf32>
      %mul3A_2035 = arith.mulf %get3A_2030, %get3A_2034 : vector<16xf32>
      %add3A_2036 = arith.addf %add3A_2025, %mul3A_2035 : vector<16xf32>
      %get3A_2037 = arith.constant 13 : i32
      %get3A_2038 = arith.index_cast %get3A_2037 : i32 to index
      %get3A_2039 = arith.constant 112 : index
      %get3A_2040 = tpu.vector_load %arg8[%get3A_2038, %get3A_2039] {strides = array<i32>} : memref<24x128xf32, #tpu.memory_space<vmem>>, vector<1x16xf32>,
      %get3A_2041 = vector.shape_cast %get3A_2040 : vector<1x16xf32> to vector<16xf32>
      %get3A_2042 = arith.index_cast %scan3A_11 : i32 to index
      %get3A_2043 = arith.constant 208 : index
      %get3A_2044 = tpu.vector_load %arg7[%get3A_2042, %get3A_2043] {strides = array<i32>} : memref<128x512xf32, #tpu.memory_space<vmem>>, vector<1x16xf32>,
      %get3A_2045 = vector.shape_cast %get3A_2044 : vector<1x16xf32> to vector<16xf32>
      %mul3A_2046 = arith.mulf %get3A_2041, %get3A_2045 : vector<16xf32>
      %add3A_2047 = arith.addf %add3A_2036, %mul3A_2046 : vector<16xf32>
      %get3A_2048 = arith.constant 14 : i32
      %get3A_2049 = arith.index_cast %get3A_2048 : i32 to index
      %get3A_2050 = arith.constant 112 : index
      %get3A_2051 = tpu.vector_load %arg8[%get3A_2049, %get3A_2050] {strides = array<i32>} : memref<24x128xf32, #tpu.memory_space<vmem>>, vector<1x16xf32>,
      %get3A_2052 = vector.shape_cast %get3A_2051 : vector<1x16xf32> to vector<16xf32>
      %get3A_2053 = arith.index_cast %scan3A_11 : i32 to index
      %get3A_2054 = arith.constant 224 : index
      %get3A_2055 = tpu.vector_load %arg7[%get3A_2053, %get3A_2054] {strides = array<i32>} : memref<128x512xf32, #tpu.memory_space<vmem>>, vector<1x16xf32>,
      %get3A_2056 = vector.shape_cast %get3A_2055 : vector<1x16xf32> to vector<16xf32>
      %mul3A_2057 = arith.mulf %get3A_2052, %get3A_2056 : vector<16xf32>
      %add3A_2058 = arith.addf %add3A_2047, %mul3A_2057 : vector<16xf32>
      %get3A_2059 = arith.constant 15 : i32
      %get3A_2060 = arith.index_cast %get3A_2059 : i32 to index
      %get3A_2061 = arith.constant 112 : index
      %get3A_2062 = tpu.vector_load %arg8[%get3A_2060, %get3A_2061] {strides = array<i32>} : memref<24x128xf32, #tpu.memory_space<vmem>>, vector<1x16xf32>,
      %get3A_2063 = vector.shape_cast %get3A_2062 : vector<1x16xf32> to vector<16xf32>
      %get3A_2064 = arith.index_cast %scan3A_11 : i32 to index
      %get3A_2065 = arith.constant 240 : index
      %get3A_2066 = tpu.vector_load %arg7[%get3A_2064, %get3A_2065] {strides = array<i32>} : memref<128x512xf32, #tpu.memory_space<vmem>>, vector<1x16xf32>,
      %get3A_2067 = vector.shape_cast %get3A_2066 : vector<1x16xf32> to vector<16xf32>
      %mul3A_2068 = arith.mulf %get3A_2063, %get3A_2067 : vector<16xf32>
      %add3A_2069 = arith.addf %add3A_2058, %mul3A_2068 : vector<16xf32>
      %get3A_2070 = arith.constant 16 : i32
      %get3A_2071 = arith.index_cast %get3A_2070 : i32 to index
      %get3A_2072 = arith.constant 112 : index
      %get3A_2073 = tpu.vector_load %arg8[%get3A_2071, %get3A_2072] {strides = array<i32>} : memref<24x128xf32, #tpu.memory_space<vmem>>, vector<1x16xf32>,
      %get3A_2074 = vector.shape_cast %get3A_2073 : vector<1x16xf32> to vector<16xf32>
      %get3A_2075 = arith.index_cast %scan3A_11 : i32 to index
      %get3A_2076 = arith.constant 256 : index
      %get3A_2077 = tpu.vector_load %arg7[%get3A_2075, %get3A_2076] {strides = array<i32>} : memref<128x512xf32, #tpu.memory_space<vmem>>, vector<1x16xf32>,
      %get3A_2078 = vector.shape_cast %get3A_2077 : vector<1x16xf32> to vector<16xf32>
      %mul3A_2079 = arith.mulf %get3A_2074, %get3A_2078 : vector<16xf32>
      %add3A_2080 = arith.addf %add3A_2069, %mul3A_2079 : vector<16xf32>
      %get3A_2081 = arith.constant 17 : i32
      %get3A_2082 = arith.index_cast %get3A_2081 : i32 to index
      %get3A_2083 = arith.constant 112 : index
      %get3A_2084 = tpu.vector_load %arg8[%get3A_2082, %get3A_2083] {strides = array<i32>} : memref<24x128xf32, #tpu.memory_space<vmem>>, vector<1x16xf32>,
      %get3A_2085 = vector.shape_cast %get3A_2084 : vector<1x16xf32> to vector<16xf32>
      %get3A_2086 = arith.index_cast %scan3A_11 : i32 to index
      %get3A_2087 = arith.constant 272 : index
      %get3A_2088 = tpu.vector_load %arg7[%get3A_2086, %get3A_2087] {strides = array<i32>} : memref<128x512xf32, #tpu.memory_space<vmem>>, vector<1x16xf32>,
      %get3A_2089 = vector.shape_cast %get3A_2088 : vector<1x16xf32> to vector<16xf32>
      %mul3A_2090 = arith.mulf %get3A_2085, %get3A_2089 : vector<16xf32>
      %add3A_2091 = arith.addf %add3A_2080, %mul3A_2090 : vector<16xf32>
      %get3A_2092 = arith.constant 18 : i32
      %get3A_2093 = arith.index_cast %get3A_2092 : i32 to index
      %get3A_2094 = arith.constant 112 : index
      %get3A_2095 = tpu.vector_load %arg8[%get3A_2093, %get3A_2094] {strides = array<i32>} : memref<24x128xf32, #tpu.memory_space<vmem>>, vector<1x16xf32>,
      %get3A_2096 = vector.shape_cast %get3A_2095 : vector<1x16xf32> to vector<16xf32>
      %get3A_2097 = arith.index_cast %scan3A_11 : i32 to index
      %get3A_2098 = arith.constant 288 : index
      %get3A_2099 = tpu.vector_load %arg7[%get3A_2097, %get3A_2098] {strides = array<i32>} : memref<128x512xf32, #tpu.memory_space<vmem>>, vector<1x16xf32>,
      %get3A_2100 = vector.shape_cast %get3A_2099 : vector<1x16xf32> to vector<16xf32>
      %mul3A_2101 = arith.mulf %get3A_2096, %get3A_2100 : vector<16xf32>
      %add3A_2102 = arith.addf %add3A_2091, %mul3A_2101 : vector<16xf32>
      %get3A_2103 = arith.constant 19 : i32
      %get3A_2104 = arith.index_cast %get3A_2103 : i32 to index
      %get3A_2105 = arith.constant 112 : index
      %get3A_2106 = tpu.vector_load %arg8[%get3A_2104, %get3A_2105] {strides = array<i32>} : memref<24x128xf32, #tpu.memory_space<vmem>>, vector<1x16xf32>,
      %get3A_2107 = vector.shape_cast %get3A_2106 : vector<1x16xf32> to vector<16xf32>
      %get3A_2108 = arith.index_cast %scan3A_11 : i32 to index
      %get3A_2109 = arith.constant 304 : index
      %get3A_2110 = tpu.vector_load %arg7[%get3A_2108, %get3A_2109] {strides = array<i32>} : memref<128x512xf32, #tpu.memory_space<vmem>>, vector<1x16xf32>,
      %get3A_2111 = vector.shape_cast %get3A_2110 : vector<1x16xf32> to vector<16xf32>
      %mul3A_2112 = arith.mulf %get3A_2107, %get3A_2111 : vector<16xf32>
      %add3A_2113 = arith.addf %add3A_2102, %mul3A_2112 : vector<16xf32>
      %get3A_2114 = arith.constant 20 : i32
      %get3A_2115 = arith.index_cast %get3A_2114 : i32 to index
      %get3A_2116 = arith.constant 112 : index
      %get3A_2117 = tpu.vector_load %arg8[%get3A_2115, %get3A_2116] {strides = array<i32>} : memref<24x128xf32, #tpu.memory_space<vmem>>, vector<1x16xf32>,
      %get3A_2118 = vector.shape_cast %get3A_2117 : vector<1x16xf32> to vector<16xf32>
      %get3A_2119 = arith.index_cast %scan3A_11 : i32 to index
      %get3A_2120 = arith.constant 320 : index
      %get3A_2121 = tpu.vector_load %arg7[%get3A_2119, %get3A_2120] {strides = array<i32>} : memref<128x512xf32, #tpu.memory_space<vmem>>, vector<1x16xf32>,
      %get3A_2122 = vector.shape_cast %get3A_2121 : vector<1x16xf32> to vector<16xf32>
      %mul3A_2123 = arith.mulf %get3A_2118, %get3A_2122 : vector<16xf32>
      %add3A_2124 = arith.addf %add3A_2113, %mul3A_2123 : vector<16xf32>
      %get3A_2125 = arith.constant 21 : i32
      %get3A_2126 = arith.index_cast %get3A_2125 : i32 to index
      %get3A_2127 = arith.constant 112 : index
      %get3A_2128 = tpu.vector_load %arg8[%get3A_2126, %get3A_2127] {strides = array<i32>} : memref<24x128xf32, #tpu.memory_space<vmem>>, vector<1x16xf32>,
      %get3A_2129 = vector.shape_cast %get3A_2128 : vector<1x16xf32> to vector<16xf32>
      %get3A_2130 = arith.index_cast %scan3A_11 : i32 to index
      %get3A_2131 = arith.constant 336 : index
      %get3A_2132 = tpu.vector_load %arg7[%get3A_2130, %get3A_2131] {strides = array<i32>} : memref<128x512xf32, #tpu.memory_space<vmem>>, vector<1x16xf32>,
      %get3A_2133 = vector.shape_cast %get3A_2132 : vector<1x16xf32> to vector<16xf32>
      %mul3A_2134 = arith.mulf %get3A_2129, %get3A_2133 : vector<16xf32>
      %add3A_2135 = arith.addf %add3A_2124, %mul3A_2134 : vector<16xf32>
      %get3A_2136 = arith.constant 22 : i32
      %get3A_2137 = arith.index_cast %get3A_2136 : i32 to index
      %get3A_2138 = arith.constant 112 : index
      %get3A_2139 = tpu.vector_load %arg8[%get3A_2137, %get3A_2138] {strides = array<i32>} : memref<24x128xf32, #tpu.memory_space<vmem>>, vector<1x16xf32>,
      %get3A_2140 = vector.shape_cast %get3A_2139 : vector<1x16xf32> to vector<16xf32>
      %get3A_2141 = arith.index_cast %scan3A_11 : i32 to index
      %get3A_2142 = arith.constant 352 : index
      %get3A_2143 = tpu.vector_load %arg7[%get3A_2141, %get3A_2142] {strides = array<i32>} : memref<128x512xf32, #tpu.memory_space<vmem>>, vector<1x16xf32>,
      %get3A_2144 = vector.shape_cast %get3A_2143 : vector<1x16xf32> to vector<16xf32>
      %mul3A_2145 = arith.mulf %get3A_2140, %get3A_2144 : vector<16xf32>
      %add3A_2146 = arith.addf %add3A_2135, %mul3A_2145 : vector<16xf32>
      %get3A_2147 = arith.constant 23 : i32
      %get3A_2148 = arith.index_cast %get3A_2147 : i32 to index
      %get3A_2149 = arith.constant 112 : index
      %get3A_2150 = tpu.vector_load %arg8[%get3A_2148, %get3A_2149] {strides = array<i32>} : memref<24x128xf32, #tpu.memory_space<vmem>>, vector<1x16xf32>,
      %get3A_2151 = vector.shape_cast %get3A_2150 : vector<1x16xf32> to vector<16xf32>
      %get3A_2152 = arith.index_cast %scan3A_11 : i32 to index
      %get3A_2153 = arith.constant 368 : index
      %get3A_2154 = tpu.vector_load %arg7[%get3A_2152, %get3A_2153] {strides = array<i32>} : memref<128x512xf32, #tpu.memory_space<vmem>>, vector<1x16xf32>,
      %get3A_2155 = vector.shape_cast %get3A_2154 : vector<1x16xf32> to vector<16xf32>
      %mul3A_2156 = arith.mulf %get3A_2151, %get3A_2155 : vector<16xf32>
      %add3A_2157 = arith.addf %add3A_2146, %mul3A_2156 : vector<16xf32>
      %swap3A_2158 = arith.index_cast %scan3A_11 : i32 to index
      %swap3A_2159 = arith.constant 112 : index
      %swap3A_2160 = tpu.vector_load %arg9[%swap3A_2158, %swap3A_2159] {strides = array<i32>} : memref<128x128xf32, #tpu.memory_space<vmem>>, vector<1x16xf32>,
      %swap3A_2161 = vector.shape_cast %swap3A_2160 : vector<1x16xf32> to vector<16xf32>
      %swap3A_2162 = vector.shape_cast %add3A_2157 : vector<16xf32> to vector<1x16xf32>
      tpu.vector_store %arg9[%swap3A_2158, %swap3A_2159], %swap3A_2162 {strides = array<i32>} : memref<128x128xf32, #tpu.memory_space<vmem>>, vector<1x16xf32>,
      %scan3A_2163 = arith.constant 0 : i32
      scf.yield %scan3A_2163 : i32
    }
    %scan3A_10 = arith.constant 128 : i32
    "tpu.region"() ({
      %run_scoped3A = tpu.sem_alloc : memref<!tpu.dma_semaphore, #tpu.memory_space<semaphore_mem>>
      %dma_start3A = arith.constant 0 : i32
      %dma_start3A_11 = tpu.memref_slice %arg5[%mul3A_2, %dma_start3A] : memref<4096x128xf32, #tpu.memory_space<hbm>> -> memref<128x128xf32, #tpu.memory_space<hbm>>
      %dma_start3A_12 = arith.constant 0 : i32
      %dma_start3A_13 = tpu.memref_slice %arg5[%mul3A_2, %dma_start3A_12] : memref<4096x128xf32, #tpu.memory_space<hbm>> -> memref<128x128xf32, #tpu.memory_space<hbm>>
      tpu.enqueue_dma source(%arg9 : memref<128x128xf32, #tpu.memory_space<vmem>>) target(%dma_start3A_13 : memref<128x128xf32, #tpu.memory_space<hbm>>) target_semaphore(%run_scoped3A : memref<!tpu.dma_semaphore, #tpu.memory_space<semaphore_mem>>)
      %dma_wait3A = arith.constant 0 : i32
      %dma_wait3A_14 = tpu.memref_slice %arg5[%mul3A_2, %dma_wait3A] : memref<4096x128xf32, #tpu.memory_space<hbm>> -> memref<128x128xf32, #tpu.memory_space<hbm>>
      %dma_wait3A_15 = arith.constant 0 : i32
      %dma_wait3A_16 = tpu.memref_slice %arg5[%mul3A_2, %dma_wait3A_15] : memref<4096x128xf32, #tpu.memory_space<hbm>> -> memref<128x128xf32, #tpu.memory_space<hbm>>
      tpu.wait_dma2 semaphore(%run_scoped3A : memref<!tpu.dma_semaphore, #tpu.memory_space<semaphore_mem>>) src(%arg9 : memref<128x128xf32, #tpu.memory_space<vmem>>) dst(%dma_wait3A_16 : memref<128x128xf32, #tpu.memory_space<hbm>>)
      tpu.yield
    }) : () -> ()
    return
  }
}

module attributes {stable_mosaic.version = 14 : i64} {
  func.func @_topk_kernel(%arg0: i32, %arg1: memref<64x128xf32, #tpu.memory_space<vmem>>, %arg2: memref<128x32768xf32, #tpu.memory_space<vmem>>, %arg3: memref<64x32xf32, #tpu.memory_space<vmem>>, %arg4: memref<64x32xi32, #tpu.memory_space<vmem>>, %arg5: memref<32x64x1024xf32, #tpu.memory_space<vmem>>) attributes {dimension_semantics = [#tpu.dimension_semantics<arbitrary>], iteration_bounds = array<i64: 64>, scalar_prefetch = 0 : i64, scratch_operands = 1 : i64, tpu.core_type = #tpu.core_type<tc>, window_params = [{transform_indices = @transform_0, window_bounds = array<i64: 64, 128>}, {pipeline_mode = #tpu.pipeline_mode<synchronous>, transform_indices = @transform_1, window_bounds = array<i64: 128, 32768>}, {transform_indices = @transform_2, window_bounds = array<i64: 64, 32>}, {transform_indices = @transform_3, window_bounds = array<i64: 64, 32>}]} {
    %get3A = arith.constant 0 : index
    %get3A_0 = arith.constant 0 : index
    %get3A_1 = vector.load %arg1[%get3A, %get3A_0] : memref<64x128xf32, #tpu.memory_space<vmem>>, vector<64x128xf32>
    %slice3A = vector.extract_strided_slice %get3A_1 {offsets = [0, 126], sizes = [64, 1], strides = [1, 1]} : vector<64x128xf32> to vector<64x1xf32>
    %get3A_2 = arith.constant 0 : index
    %get3A_3 = arith.constant 0 : index
    %get3A_4 = vector.load %arg2[%get3A_2, %get3A_3] : memref<128x32768xf32, #tpu.memory_space<vmem>>, vector<128x1024xf32>
    %dot_general3A = arith.constant dense<0.000000e+00> : vector<64x1024xf32>
    %dot_general3A_5 = tpu.matmul %get3A_1, %get3A_4, %dot_general3A {dimension_numbers = #tpu.dot_dimension_numbers<[1], [0], [0], [1], [0, 0, 1, 1], [], []>, transpose_lhs_hint = false} : vector<64x128xf32>, vector<128x1024xf32>, vector<64x1024xf32> -> vector<64x1024xf32>
    %slice3A_6 = vector.extract_strided_slice %get3A_4 {offsets = [125, 0], sizes = [1, 1024], strides = [1, 1]} : vector<128x1024xf32> to vector<1x1024xf32>
    %add3A = vector.broadcast %slice3A : vector<64x1xf32> to vector<64x1024xf32>
    %add3A_7 = vector.broadcast %slice3A_6 : vector<1x1024xf32> to vector<64x1024xf32>
    %add3A_8 = arith.addf %add3A, %add3A_7 : vector<64x1024xf32>
    %mul3A = arith.constant 2.000000e+00 : f32
    %mul3A_9 = vector.broadcast %mul3A : f32 to vector<64x1024xf32>
    %mul3A_10 = arith.mulf %mul3A_9, %dot_general3A_5 : vector<64x1024xf32>
    %sub3A = arith.subf %add3A_8, %mul3A_10 : vector<64x1024xf32>
    %swap3A = arith.constant 0 : index
    %swap3A_11 = arith.constant 0 : index
    %swap3A_12 = arith.constant 0 : index
    %swap3A_13 = vector.load %arg5[%swap3A, %swap3A_11, %swap3A_12] : memref<32x64x1024xf32, #tpu.memory_space<vmem>>, vector<1x64x1024xf32>
    %swap3A_14 = vector.shape_cast %swap3A_13 : vector<1x64x1024xf32> to vector<64x1024xf32>
    %swap3A_15 = vector.shape_cast %sub3A : vector<64x1024xf32> to vector<1x64x1024xf32>
    tpu.vector_store %arg5[%swap3A, %swap3A_11, %swap3A_12], %swap3A_15 {strides = array<i32>} : memref<32x64x1024xf32, #tpu.memory_space<vmem>>, vector<1x64x1024xf32>,
    %get3A_16 = arith.constant 0 : index
    %get3A_17 = arith.constant 1024 : index
    %get3A_18 = vector.load %arg2[%get3A_16, %get3A_17] : memref<128x32768xf32, #tpu.memory_space<vmem>>, vector<128x1024xf32>
    %dot_general3A_19 = arith.constant dense<0.000000e+00> : vector<64x1024xf32>
    %dot_general3A_20 = tpu.matmul %get3A_1, %get3A_18, %dot_general3A_19 {dimension_numbers = #tpu.dot_dimension_numbers<[1], [0], [0], [1], [0, 0, 1, 1], [], []>, transpose_lhs_hint = false} : vector<64x128xf32>, vector<128x1024xf32>, vector<64x1024xf32> -> vector<64x1024xf32>
    %slice3A_21 = vector.extract_strided_slice %get3A_18 {offsets = [125, 0], sizes = [1, 1024], strides = [1, 1]} : vector<128x1024xf32> to vector<1x1024xf32>
    %add3A_22 = vector.broadcast %slice3A : vector<64x1xf32> to vector<64x1024xf32>
    %add3A_23 = vector.broadcast %slice3A_21 : vector<1x1024xf32> to vector<64x1024xf32>
    %add3A_24 = arith.addf %add3A_22, %add3A_23 : vector<64x1024xf32>
    %mul3A_25 = arith.constant 2.000000e+00 : f32
    %mul3A_26 = vector.broadcast %mul3A_25 : f32 to vector<64x1024xf32>
    %mul3A_27 = arith.mulf %mul3A_26, %dot_general3A_20 : vector<64x1024xf32>
    %sub3A_28 = arith.subf %add3A_24, %mul3A_27 : vector<64x1024xf32>
    %swap3A_29 = arith.constant 1 : index
    %swap3A_30 = arith.constant 0 : index
    %swap3A_31 = arith.constant 0 : index
    %swap3A_32 = vector.load %arg5[%swap3A_29, %swap3A_30, %swap3A_31] : memref<32x64x1024xf32, #tpu.memory_space<vmem>>, vector<1x64x1024xf32>
    %swap3A_33 = vector.shape_cast %swap3A_32 : vector<1x64x1024xf32> to vector<64x1024xf32>
    %swap3A_34 = vector.shape_cast %sub3A_28 : vector<64x1024xf32> to vector<1x64x1024xf32>
    tpu.vector_store %arg5[%swap3A_29, %swap3A_30, %swap3A_31], %swap3A_34 {strides = array<i32>} : memref<32x64x1024xf32, #tpu.memory_space<vmem>>, vector<1x64x1024xf32>,
    %get3A_35 = arith.constant 0 : index
    %get3A_36 = arith.constant 2048 : index
    %get3A_37 = vector.load %arg2[%get3A_35, %get3A_36] : memref<128x32768xf32, #tpu.memory_space<vmem>>, vector<128x1024xf32>
    %dot_general3A_38 = arith.constant dense<0.000000e+00> : vector<64x1024xf32>
    %dot_general3A_39 = tpu.matmul %get3A_1, %get3A_37, %dot_general3A_38 {dimension_numbers = #tpu.dot_dimension_numbers<[1], [0], [0], [1], [0, 0, 1, 1], [], []>, transpose_lhs_hint = false} : vector<64x128xf32>, vector<128x1024xf32>, vector<64x1024xf32> -> vector<64x1024xf32>
    %slice3A_40 = vector.extract_strided_slice %get3A_37 {offsets = [125, 0], sizes = [1, 1024], strides = [1, 1]} : vector<128x1024xf32> to vector<1x1024xf32>
    %add3A_41 = vector.broadcast %slice3A : vector<64x1xf32> to vector<64x1024xf32>
    %add3A_42 = vector.broadcast %slice3A_40 : vector<1x1024xf32> to vector<64x1024xf32>
    %add3A_43 = arith.addf %add3A_41, %add3A_42 : vector<64x1024xf32>
    %mul3A_44 = arith.constant 2.000000e+00 : f32
    %mul3A_45 = vector.broadcast %mul3A_44 : f32 to vector<64x1024xf32>
    %mul3A_46 = arith.mulf %mul3A_45, %dot_general3A_39 : vector<64x1024xf32>
    %sub3A_47 = arith.subf %add3A_43, %mul3A_46 : vector<64x1024xf32>
    %swap3A_48 = arith.constant 2 : index
    %swap3A_49 = arith.constant 0 : index
    %swap3A_50 = arith.constant 0 : index
    %swap3A_51 = vector.load %arg5[%swap3A_48, %swap3A_49, %swap3A_50] : memref<32x64x1024xf32, #tpu.memory_space<vmem>>, vector<1x64x1024xf32>
    %swap3A_52 = vector.shape_cast %swap3A_51 : vector<1x64x1024xf32> to vector<64x1024xf32>
    %swap3A_53 = vector.shape_cast %sub3A_47 : vector<64x1024xf32> to vector<1x64x1024xf32>
    tpu.vector_store %arg5[%swap3A_48, %swap3A_49, %swap3A_50], %swap3A_53 {strides = array<i32>} : memref<32x64x1024xf32, #tpu.memory_space<vmem>>, vector<1x64x1024xf32>,
    %get3A_54 = arith.constant 0 : index
    %get3A_55 = arith.constant 3072 : index
    %get3A_56 = vector.load %arg2[%get3A_54, %get3A_55] : memref<128x32768xf32, #tpu.memory_space<vmem>>, vector<128x1024xf32>
    %dot_general3A_57 = arith.constant dense<0.000000e+00> : vector<64x1024xf32>
    %dot_general3A_58 = tpu.matmul %get3A_1, %get3A_56, %dot_general3A_57 {dimension_numbers = #tpu.dot_dimension_numbers<[1], [0], [0], [1], [0, 0, 1, 1], [], []>, transpose_lhs_hint = false} : vector<64x128xf32>, vector<128x1024xf32>, vector<64x1024xf32> -> vector<64x1024xf32>
    %slice3A_59 = vector.extract_strided_slice %get3A_56 {offsets = [125, 0], sizes = [1, 1024], strides = [1, 1]} : vector<128x1024xf32> to vector<1x1024xf32>
    %add3A_60 = vector.broadcast %slice3A : vector<64x1xf32> to vector<64x1024xf32>
    %add3A_61 = vector.broadcast %slice3A_59 : vector<1x1024xf32> to vector<64x1024xf32>
    %add3A_62 = arith.addf %add3A_60, %add3A_61 : vector<64x1024xf32>
    %mul3A_63 = arith.constant 2.000000e+00 : f32
    %mul3A_64 = vector.broadcast %mul3A_63 : f32 to vector<64x1024xf32>
    %mul3A_65 = arith.mulf %mul3A_64, %dot_general3A_58 : vector<64x1024xf32>
    %sub3A_66 = arith.subf %add3A_62, %mul3A_65 : vector<64x1024xf32>
    %swap3A_67 = arith.constant 3 : index
    %swap3A_68 = arith.constant 0 : index
    %swap3A_69 = arith.constant 0 : index
    %swap3A_70 = vector.load %arg5[%swap3A_67, %swap3A_68, %swap3A_69] : memref<32x64x1024xf32, #tpu.memory_space<vmem>>, vector<1x64x1024xf32>
    %swap3A_71 = vector.shape_cast %swap3A_70 : vector<1x64x1024xf32> to vector<64x1024xf32>
    %swap3A_72 = vector.shape_cast %sub3A_66 : vector<64x1024xf32> to vector<1x64x1024xf32>
    tpu.vector_store %arg5[%swap3A_67, %swap3A_68, %swap3A_69], %swap3A_72 {strides = array<i32>} : memref<32x64x1024xf32, #tpu.memory_space<vmem>>, vector<1x64x1024xf32>,
    %get3A_73 = arith.constant 0 : index
    %get3A_74 = arith.constant 4096 : index
    %get3A_75 = vector.load %arg2[%get3A_73, %get3A_74] : memref<128x32768xf32, #tpu.memory_space<vmem>>, vector<128x1024xf32>
    %dot_general3A_76 = arith.constant dense<0.000000e+00> : vector<64x1024xf32>
    %dot_general3A_77 = tpu.matmul %get3A_1, %get3A_75, %dot_general3A_76 {dimension_numbers = #tpu.dot_dimension_numbers<[1], [0], [0], [1], [0, 0, 1, 1], [], []>, transpose_lhs_hint = false} : vector<64x128xf32>, vector<128x1024xf32>, vector<64x1024xf32> -> vector<64x1024xf32>
    %slice3A_78 = vector.extract_strided_slice %get3A_75 {offsets = [125, 0], sizes = [1, 1024], strides = [1, 1]} : vector<128x1024xf32> to vector<1x1024xf32>
    %add3A_79 = vector.broadcast %slice3A : vector<64x1xf32> to vector<64x1024xf32>
    %add3A_80 = vector.broadcast %slice3A_78 : vector<1x1024xf32> to vector<64x1024xf32>
    %add3A_81 = arith.addf %add3A_79, %add3A_80 : vector<64x1024xf32>
    %mul3A_82 = arith.constant 2.000000e+00 : f32
    %mul3A_83 = vector.broadcast %mul3A_82 : f32 to vector<64x1024xf32>
    %mul3A_84 = arith.mulf %mul3A_83, %dot_general3A_77 : vector<64x1024xf32>
    %sub3A_85 = arith.subf %add3A_81, %mul3A_84 : vector<64x1024xf32>
    %swap3A_86 = arith.constant 4 : index
    %swap3A_87 = arith.constant 0 : index
    %swap3A_88 = arith.constant 0 : index
    %swap3A_89 = vector.load %arg5[%swap3A_86, %swap3A_87, %swap3A_88] : memref<32x64x1024xf32, #tpu.memory_space<vmem>>, vector<1x64x1024xf32>
    %swap3A_90 = vector.shape_cast %swap3A_89 : vector<1x64x1024xf32> to vector<64x1024xf32>
    %swap3A_91 = vector.shape_cast %sub3A_85 : vector<64x1024xf32> to vector<1x64x1024xf32>
    tpu.vector_store %arg5[%swap3A_86, %swap3A_87, %swap3A_88], %swap3A_91 {strides = array<i32>} : memref<32x64x1024xf32, #tpu.memory_space<vmem>>, vector<1x64x1024xf32>,
    %get3A_92 = arith.constant 0 : index
    %get3A_93 = arith.constant 5120 : index
    %get3A_94 = vector.load %arg2[%get3A_92, %get3A_93] : memref<128x32768xf32, #tpu.memory_space<vmem>>, vector<128x1024xf32>
    %dot_general3A_95 = arith.constant dense<0.000000e+00> : vector<64x1024xf32>
    %dot_general3A_96 = tpu.matmul %get3A_1, %get3A_94, %dot_general3A_95 {dimension_numbers = #tpu.dot_dimension_numbers<[1], [0], [0], [1], [0, 0, 1, 1], [], []>, transpose_lhs_hint = false} : vector<64x128xf32>, vector<128x1024xf32>, vector<64x1024xf32> -> vector<64x1024xf32>
    %slice3A_97 = vector.extract_strided_slice %get3A_94 {offsets = [125, 0], sizes = [1, 1024], strides = [1, 1]} : vector<128x1024xf32> to vector<1x1024xf32>
    %add3A_98 = vector.broadcast %slice3A : vector<64x1xf32> to vector<64x1024xf32>
    %add3A_99 = vector.broadcast %slice3A_97 : vector<1x1024xf32> to vector<64x1024xf32>
    %add3A_100 = arith.addf %add3A_98, %add3A_99 : vector<64x1024xf32>
    %mul3A_101 = arith.constant 2.000000e+00 : f32
    %mul3A_102 = vector.broadcast %mul3A_101 : f32 to vector<64x1024xf32>
    %mul3A_103 = arith.mulf %mul3A_102, %dot_general3A_96 : vector<64x1024xf32>
    %sub3A_104 = arith.subf %add3A_100, %mul3A_103 : vector<64x1024xf32>
    %swap3A_105 = arith.constant 5 : index
    %swap3A_106 = arith.constant 0 : index
    %swap3A_107 = arith.constant 0 : index
    %swap3A_108 = vector.load %arg5[%swap3A_105, %swap3A_106, %swap3A_107] : memref<32x64x1024xf32, #tpu.memory_space<vmem>>, vector<1x64x1024xf32>
    %swap3A_109 = vector.shape_cast %swap3A_108 : vector<1x64x1024xf32> to vector<64x1024xf32>
    %swap3A_110 = vector.shape_cast %sub3A_104 : vector<64x1024xf32> to vector<1x64x1024xf32>
    tpu.vector_store %arg5[%swap3A_105, %swap3A_106, %swap3A_107], %swap3A_110 {strides = array<i32>} : memref<32x64x1024xf32, #tpu.memory_space<vmem>>, vector<1x64x1024xf32>,
    %get3A_111 = arith.constant 0 : index
    %get3A_112 = arith.constant 6144 : index
    %get3A_113 = vector.load %arg2[%get3A_111, %get3A_112] : memref<128x32768xf32, #tpu.memory_space<vmem>>, vector<128x1024xf32>
    %dot_general3A_114 = arith.constant dense<0.000000e+00> : vector<64x1024xf32>
    %dot_general3A_115 = tpu.matmul %get3A_1, %get3A_113, %dot_general3A_114 {dimension_numbers = #tpu.dot_dimension_numbers<[1], [0], [0], [1], [0, 0, 1, 1], [], []>, transpose_lhs_hint = false} : vector<64x128xf32>, vector<128x1024xf32>, vector<64x1024xf32> -> vector<64x1024xf32>
    %slice3A_116 = vector.extract_strided_slice %get3A_113 {offsets = [125, 0], sizes = [1, 1024], strides = [1, 1]} : vector<128x1024xf32> to vector<1x1024xf32>
    %add3A_117 = vector.broadcast %slice3A : vector<64x1xf32> to vector<64x1024xf32>
    %add3A_118 = vector.broadcast %slice3A_116 : vector<1x1024xf32> to vector<64x1024xf32>
    %add3A_119 = arith.addf %add3A_117, %add3A_118 : vector<64x1024xf32>
    %mul3A_120 = arith.constant 2.000000e+00 : f32
    %mul3A_121 = vector.broadcast %mul3A_120 : f32 to vector<64x1024xf32>
    %mul3A_122 = arith.mulf %mul3A_121, %dot_general3A_115 : vector<64x1024xf32>
    %sub3A_123 = arith.subf %add3A_119, %mul3A_122 : vector<64x1024xf32>
    %swap3A_124 = arith.constant 6 : index
    %swap3A_125 = arith.constant 0 : index
    %swap3A_126 = arith.constant 0 : index
    %swap3A_127 = vector.load %arg5[%swap3A_124, %swap3A_125, %swap3A_126] : memref<32x64x1024xf32, #tpu.memory_space<vmem>>, vector<1x64x1024xf32>
    %swap3A_128 = vector.shape_cast %swap3A_127 : vector<1x64x1024xf32> to vector<64x1024xf32>
    %swap3A_129 = vector.shape_cast %sub3A_123 : vector<64x1024xf32> to vector<1x64x1024xf32>
    tpu.vector_store %arg5[%swap3A_124, %swap3A_125, %swap3A_126], %swap3A_129 {strides = array<i32>} : memref<32x64x1024xf32, #tpu.memory_space<vmem>>, vector<1x64x1024xf32>,
    %get3A_130 = arith.constant 0 : index
    %get3A_131 = arith.constant 7168 : index
    %get3A_132 = vector.load %arg2[%get3A_130, %get3A_131] : memref<128x32768xf32, #tpu.memory_space<vmem>>, vector<128x1024xf32>
    %dot_general3A_133 = arith.constant dense<0.000000e+00> : vector<64x1024xf32>
    %dot_general3A_134 = tpu.matmul %get3A_1, %get3A_132, %dot_general3A_133 {dimension_numbers = #tpu.dot_dimension_numbers<[1], [0], [0], [1], [0, 0, 1, 1], [], []>, transpose_lhs_hint = false} : vector<64x128xf32>, vector<128x1024xf32>, vector<64x1024xf32> -> vector<64x1024xf32>
    %slice3A_135 = vector.extract_strided_slice %get3A_132 {offsets = [125, 0], sizes = [1, 1024], strides = [1, 1]} : vector<128x1024xf32> to vector<1x1024xf32>
    %add3A_136 = vector.broadcast %slice3A : vector<64x1xf32> to vector<64x1024xf32>
    %add3A_137 = vector.broadcast %slice3A_135 : vector<1x1024xf32> to vector<64x1024xf32>
    %add3A_138 = arith.addf %add3A_136, %add3A_137 : vector<64x1024xf32>
    %mul3A_139 = arith.constant 2.000000e+00 : f32
    %mul3A_140 = vector.broadcast %mul3A_139 : f32 to vector<64x1024xf32>
    %mul3A_141 = arith.mulf %mul3A_140, %dot_general3A_134 : vector<64x1024xf32>
    %sub3A_142 = arith.subf %add3A_138, %mul3A_141 : vector<64x1024xf32>
    %swap3A_143 = arith.constant 7 : index
    %swap3A_144 = arith.constant 0 : index
    %swap3A_145 = arith.constant 0 : index
    %swap3A_146 = vector.load %arg5[%swap3A_143, %swap3A_144, %swap3A_145] : memref<32x64x1024xf32, #tpu.memory_space<vmem>>, vector<1x64x1024xf32>
    %swap3A_147 = vector.shape_cast %swap3A_146 : vector<1x64x1024xf32> to vector<64x1024xf32>
    %swap3A_148 = vector.shape_cast %sub3A_142 : vector<64x1024xf32> to vector<1x64x1024xf32>
    tpu.vector_store %arg5[%swap3A_143, %swap3A_144, %swap3A_145], %swap3A_148 {strides = array<i32>} : memref<32x64x1024xf32, #tpu.memory_space<vmem>>, vector<1x64x1024xf32>,
    %get3A_149 = arith.constant 0 : index
    %get3A_150 = arith.constant 8192 : index
    %get3A_151 = vector.load %arg2[%get3A_149, %get3A_150] : memref<128x32768xf32, #tpu.memory_space<vmem>>, vector<128x1024xf32>
    %dot_general3A_152 = arith.constant dense<0.000000e+00> : vector<64x1024xf32>
    %dot_general3A_153 = tpu.matmul %get3A_1, %get3A_151, %dot_general3A_152 {dimension_numbers = #tpu.dot_dimension_numbers<[1], [0], [0], [1], [0, 0, 1, 1], [], []>, transpose_lhs_hint = false} : vector<64x128xf32>, vector<128x1024xf32>, vector<64x1024xf32> -> vector<64x1024xf32>
    %slice3A_154 = vector.extract_strided_slice %get3A_151 {offsets = [125, 0], sizes = [1, 1024], strides = [1, 1]} : vector<128x1024xf32> to vector<1x1024xf32>
    %add3A_155 = vector.broadcast %slice3A : vector<64x1xf32> to vector<64x1024xf32>
    %add3A_156 = vector.broadcast %slice3A_154 : vector<1x1024xf32> to vector<64x1024xf32>
    %add3A_157 = arith.addf %add3A_155, %add3A_156 : vector<64x1024xf32>
    %mul3A_158 = arith.constant 2.000000e+00 : f32
    %mul3A_159 = vector.broadcast %mul3A_158 : f32 to vector<64x1024xf32>
    %mul3A_160 = arith.mulf %mul3A_159, %dot_general3A_153 : vector<64x1024xf32>
    %sub3A_161 = arith.subf %add3A_157, %mul3A_160 : vector<64x1024xf32>
    %swap3A_162 = arith.constant 8 : index
    %swap3A_163 = arith.constant 0 : index
    %swap3A_164 = arith.constant 0 : index
    %swap3A_165 = vector.load %arg5[%swap3A_162, %swap3A_163, %swap3A_164] : memref<32x64x1024xf32, #tpu.memory_space<vmem>>, vector<1x64x1024xf32>
    %swap3A_166 = vector.shape_cast %swap3A_165 : vector<1x64x1024xf32> to vector<64x1024xf32>
    %swap3A_167 = vector.shape_cast %sub3A_161 : vector<64x1024xf32> to vector<1x64x1024xf32>
    tpu.vector_store %arg5[%swap3A_162, %swap3A_163, %swap3A_164], %swap3A_167 {strides = array<i32>} : memref<32x64x1024xf32, #tpu.memory_space<vmem>>, vector<1x64x1024xf32>,
    %get3A_168 = arith.constant 0 : index
    %get3A_169 = arith.constant 9216 : index
    %get3A_170 = vector.load %arg2[%get3A_168, %get3A_169] : memref<128x32768xf32, #tpu.memory_space<vmem>>, vector<128x1024xf32>
    %dot_general3A_171 = arith.constant dense<0.000000e+00> : vector<64x1024xf32>
    %dot_general3A_172 = tpu.matmul %get3A_1, %get3A_170, %dot_general3A_171 {dimension_numbers = #tpu.dot_dimension_numbers<[1], [0], [0], [1], [0, 0, 1, 1], [], []>, transpose_lhs_hint = false} : vector<64x128xf32>, vector<128x1024xf32>, vector<64x1024xf32> -> vector<64x1024xf32>
    %slice3A_173 = vector.extract_strided_slice %get3A_170 {offsets = [125, 0], sizes = [1, 1024], strides = [1, 1]} : vector<128x1024xf32> to vector<1x1024xf32>
    %add3A_174 = vector.broadcast %slice3A : vector<64x1xf32> to vector<64x1024xf32>
    %add3A_175 = vector.broadcast %slice3A_173 : vector<1x1024xf32> to vector<64x1024xf32>
    %add3A_176 = arith.addf %add3A_174, %add3A_175 : vector<64x1024xf32>
    %mul3A_177 = arith.constant 2.000000e+00 : f32
    %mul3A_178 = vector.broadcast %mul3A_177 : f32 to vector<64x1024xf32>
    %mul3A_179 = arith.mulf %mul3A_178, %dot_general3A_172 : vector<64x1024xf32>
    %sub3A_180 = arith.subf %add3A_176, %mul3A_179 : vector<64x1024xf32>
    %swap3A_181 = arith.constant 9 : index
    %swap3A_182 = arith.constant 0 : index
    %swap3A_183 = arith.constant 0 : index
    %swap3A_184 = vector.load %arg5[%swap3A_181, %swap3A_182, %swap3A_183] : memref<32x64x1024xf32, #tpu.memory_space<vmem>>, vector<1x64x1024xf32>
    %swap3A_185 = vector.shape_cast %swap3A_184 : vector<1x64x1024xf32> to vector<64x1024xf32>
    %swap3A_186 = vector.shape_cast %sub3A_180 : vector<64x1024xf32> to vector<1x64x1024xf32>
    tpu.vector_store %arg5[%swap3A_181, %swap3A_182, %swap3A_183], %swap3A_186 {strides = array<i32>} : memref<32x64x1024xf32, #tpu.memory_space<vmem>>, vector<1x64x1024xf32>,
    %get3A_187 = arith.constant 0 : index
    %get3A_188 = arith.constant 10240 : index
    %get3A_189 = vector.load %arg2[%get3A_187, %get3A_188] : memref<128x32768xf32, #tpu.memory_space<vmem>>, vector<128x1024xf32>
    %dot_general3A_190 = arith.constant dense<0.000000e+00> : vector<64x1024xf32>
    %dot_general3A_191 = tpu.matmul %get3A_1, %get3A_189, %dot_general3A_190 {dimension_numbers = #tpu.dot_dimension_numbers<[1], [0], [0], [1], [0, 0, 1, 1], [], []>, transpose_lhs_hint = false} : vector<64x128xf32>, vector<128x1024xf32>, vector<64x1024xf32> -> vector<64x1024xf32>
    %slice3A_192 = vector.extract_strided_slice %get3A_189 {offsets = [125, 0], sizes = [1, 1024], strides = [1, 1]} : vector<128x1024xf32> to vector<1x1024xf32>
    %add3A_193 = vector.broadcast %slice3A : vector<64x1xf32> to vector<64x1024xf32>
    %add3A_194 = vector.broadcast %slice3A_192 : vector<1x1024xf32> to vector<64x1024xf32>
    %add3A_195 = arith.addf %add3A_193, %add3A_194 : vector<64x1024xf32>
    %mul3A_196 = arith.constant 2.000000e+00 : f32
    %mul3A_197 = vector.broadcast %mul3A_196 : f32 to vector<64x1024xf32>
    %mul3A_198 = arith.mulf %mul3A_197, %dot_general3A_191 : vector<64x1024xf32>
    %sub3A_199 = arith.subf %add3A_195, %mul3A_198 : vector<64x1024xf32>
    %swap3A_200 = arith.constant 10 : index
    %swap3A_201 = arith.constant 0 : index
    %swap3A_202 = arith.constant 0 : index
    %swap3A_203 = vector.load %arg5[%swap3A_200, %swap3A_201, %swap3A_202] : memref<32x64x1024xf32, #tpu.memory_space<vmem>>, vector<1x64x1024xf32>
    %swap3A_204 = vector.shape_cast %swap3A_203 : vector<1x64x1024xf32> to vector<64x1024xf32>
    %swap3A_205 = vector.shape_cast %sub3A_199 : vector<64x1024xf32> to vector<1x64x1024xf32>
    tpu.vector_store %arg5[%swap3A_200, %swap3A_201, %swap3A_202], %swap3A_205 {strides = array<i32>} : memref<32x64x1024xf32, #tpu.memory_space<vmem>>, vector<1x64x1024xf32>,
    %get3A_206 = arith.constant 0 : index
    %get3A_207 = arith.constant 11264 : index
    %get3A_208 = vector.load %arg2[%get3A_206, %get3A_207] : memref<128x32768xf32, #tpu.memory_space<vmem>>, vector<128x1024xf32>
    %dot_general3A_209 = arith.constant dense<0.000000e+00> : vector<64x1024xf32>
    %dot_general3A_210 = tpu.matmul %get3A_1, %get3A_208, %dot_general3A_209 {dimension_numbers = #tpu.dot_dimension_numbers<[1], [0], [0], [1], [0, 0, 1, 1], [], []>, transpose_lhs_hint = false} : vector<64x128xf32>, vector<128x1024xf32>, vector<64x1024xf32> -> vector<64x1024xf32>
    %slice3A_211 = vector.extract_strided_slice %get3A_208 {offsets = [125, 0], sizes = [1, 1024], strides = [1, 1]} : vector<128x1024xf32> to vector<1x1024xf32>
    %add3A_212 = vector.broadcast %slice3A : vector<64x1xf32> to vector<64x1024xf32>
    %add3A_213 = vector.broadcast %slice3A_211 : vector<1x1024xf32> to vector<64x1024xf32>
    %add3A_214 = arith.addf %add3A_212, %add3A_213 : vector<64x1024xf32>
    %mul3A_215 = arith.constant 2.000000e+00 : f32
    %mul3A_216 = vector.broadcast %mul3A_215 : f32 to vector<64x1024xf32>
    %mul3A_217 = arith.mulf %mul3A_216, %dot_general3A_210 : vector<64x1024xf32>
    %sub3A_218 = arith.subf %add3A_214, %mul3A_217 : vector<64x1024xf32>
    %swap3A_219 = arith.constant 11 : index
    %swap3A_220 = arith.constant 0 : index
    %swap3A_221 = arith.constant 0 : index
    %swap3A_222 = vector.load %arg5[%swap3A_219, %swap3A_220, %swap3A_221] : memref<32x64x1024xf32, #tpu.memory_space<vmem>>, vector<1x64x1024xf32>
    %swap3A_223 = vector.shape_cast %swap3A_222 : vector<1x64x1024xf32> to vector<64x1024xf32>
    %swap3A_224 = vector.shape_cast %sub3A_218 : vector<64x1024xf32> to vector<1x64x1024xf32>
    tpu.vector_store %arg5[%swap3A_219, %swap3A_220, %swap3A_221], %swap3A_224 {strides = array<i32>} : memref<32x64x1024xf32, #tpu.memory_space<vmem>>, vector<1x64x1024xf32>,
    %get3A_225 = arith.constant 0 : index
    %get3A_226 = arith.constant 12288 : index
    %get3A_227 = vector.load %arg2[%get3A_225, %get3A_226] : memref<128x32768xf32, #tpu.memory_space<vmem>>, vector<128x1024xf32>
    %dot_general3A_228 = arith.constant dense<0.000000e+00> : vector<64x1024xf32>
    %dot_general3A_229 = tpu.matmul %get3A_1, %get3A_227, %dot_general3A_228 {dimension_numbers = #tpu.dot_dimension_numbers<[1], [0], [0], [1], [0, 0, 1, 1], [], []>, transpose_lhs_hint = false} : vector<64x128xf32>, vector<128x1024xf32>, vector<64x1024xf32> -> vector<64x1024xf32>
    %slice3A_230 = vector.extract_strided_slice %get3A_227 {offsets = [125, 0], sizes = [1, 1024], strides = [1, 1]} : vector<128x1024xf32> to vector<1x1024xf32>
    %add3A_231 = vector.broadcast %slice3A : vector<64x1xf32> to vector<64x1024xf32>
    %add3A_232 = vector.broadcast %slice3A_230 : vector<1x1024xf32> to vector<64x1024xf32>
    %add3A_233 = arith.addf %add3A_231, %add3A_232 : vector<64x1024xf32>
    %mul3A_234 = arith.constant 2.000000e+00 : f32
    %mul3A_235 = vector.broadcast %mul3A_234 : f32 to vector<64x1024xf32>
    %mul3A_236 = arith.mulf %mul3A_235, %dot_general3A_229 : vector<64x1024xf32>
    %sub3A_237 = arith.subf %add3A_233, %mul3A_236 : vector<64x1024xf32>
    %swap3A_238 = arith.constant 12 : index
    %swap3A_239 = arith.constant 0 : index
    %swap3A_240 = arith.constant 0 : index
    %swap3A_241 = vector.load %arg5[%swap3A_238, %swap3A_239, %swap3A_240] : memref<32x64x1024xf32, #tpu.memory_space<vmem>>, vector<1x64x1024xf32>
    %swap3A_242 = vector.shape_cast %swap3A_241 : vector<1x64x1024xf32> to vector<64x1024xf32>
    %swap3A_243 = vector.shape_cast %sub3A_237 : vector<64x1024xf32> to vector<1x64x1024xf32>
    tpu.vector_store %arg5[%swap3A_238, %swap3A_239, %swap3A_240], %swap3A_243 {strides = array<i32>} : memref<32x64x1024xf32, #tpu.memory_space<vmem>>, vector<1x64x1024xf32>,
    %get3A_244 = arith.constant 0 : index
    %get3A_245 = arith.constant 13312 : index
    %get3A_246 = vector.load %arg2[%get3A_244, %get3A_245] : memref<128x32768xf32, #tpu.memory_space<vmem>>, vector<128x1024xf32>
    %dot_general3A_247 = arith.constant dense<0.000000e+00> : vector<64x1024xf32>
    %dot_general3A_248 = tpu.matmul %get3A_1, %get3A_246, %dot_general3A_247 {dimension_numbers = #tpu.dot_dimension_numbers<[1], [0], [0], [1], [0, 0, 1, 1], [], []>, transpose_lhs_hint = false} : vector<64x128xf32>, vector<128x1024xf32>, vector<64x1024xf32> -> vector<64x1024xf32>
    %slice3A_249 = vector.extract_strided_slice %get3A_246 {offsets = [125, 0], sizes = [1, 1024], strides = [1, 1]} : vector<128x1024xf32> to vector<1x1024xf32>
    %add3A_250 = vector.broadcast %slice3A : vector<64x1xf32> to vector<64x1024xf32>
    %add3A_251 = vector.broadcast %slice3A_249 : vector<1x1024xf32> to vector<64x1024xf32>
    %add3A_252 = arith.addf %add3A_250, %add3A_251 : vector<64x1024xf32>
    %mul3A_253 = arith.constant 2.000000e+00 : f32
    %mul3A_254 = vector.broadcast %mul3A_253 : f32 to vector<64x1024xf32>
    %mul3A_255 = arith.mulf %mul3A_254, %dot_general3A_248 : vector<64x1024xf32>
    %sub3A_256 = arith.subf %add3A_252, %mul3A_255 : vector<64x1024xf32>
    %swap3A_257 = arith.constant 13 : index
    %swap3A_258 = arith.constant 0 : index
    %swap3A_259 = arith.constant 0 : index
    %swap3A_260 = vector.load %arg5[%swap3A_257, %swap3A_258, %swap3A_259] : memref<32x64x1024xf32, #tpu.memory_space<vmem>>, vector<1x64x1024xf32>
    %swap3A_261 = vector.shape_cast %swap3A_260 : vector<1x64x1024xf32> to vector<64x1024xf32>
    %swap3A_262 = vector.shape_cast %sub3A_256 : vector<64x1024xf32> to vector<1x64x1024xf32>
    tpu.vector_store %arg5[%swap3A_257, %swap3A_258, %swap3A_259], %swap3A_262 {strides = array<i32>} : memref<32x64x1024xf32, #tpu.memory_space<vmem>>, vector<1x64x1024xf32>,
    %get3A_263 = arith.constant 0 : index
    %get3A_264 = arith.constant 14336 : index
    %get3A_265 = vector.load %arg2[%get3A_263, %get3A_264] : memref<128x32768xf32, #tpu.memory_space<vmem>>, vector<128x1024xf32>
    %dot_general3A_266 = arith.constant dense<0.000000e+00> : vector<64x1024xf32>
    %dot_general3A_267 = tpu.matmul %get3A_1, %get3A_265, %dot_general3A_266 {dimension_numbers = #tpu.dot_dimension_numbers<[1], [0], [0], [1], [0, 0, 1, 1], [], []>, transpose_lhs_hint = false} : vector<64x128xf32>, vector<128x1024xf32>, vector<64x1024xf32> -> vector<64x1024xf32>
    %slice3A_268 = vector.extract_strided_slice %get3A_265 {offsets = [125, 0], sizes = [1, 1024], strides = [1, 1]} : vector<128x1024xf32> to vector<1x1024xf32>
    %add3A_269 = vector.broadcast %slice3A : vector<64x1xf32> to vector<64x1024xf32>
    %add3A_270 = vector.broadcast %slice3A_268 : vector<1x1024xf32> to vector<64x1024xf32>
    %add3A_271 = arith.addf %add3A_269, %add3A_270 : vector<64x1024xf32>
    %mul3A_272 = arith.constant 2.000000e+00 : f32
    %mul3A_273 = vector.broadcast %mul3A_272 : f32 to vector<64x1024xf32>
    %mul3A_274 = arith.mulf %mul3A_273, %dot_general3A_267 : vector<64x1024xf32>
    %sub3A_275 = arith.subf %add3A_271, %mul3A_274 : vector<64x1024xf32>
    %swap3A_276 = arith.constant 14 : index
    %swap3A_277 = arith.constant 0 : index
    %swap3A_278 = arith.constant 0 : index
    %swap3A_279 = vector.load %arg5[%swap3A_276, %swap3A_277, %swap3A_278] : memref<32x64x1024xf32, #tpu.memory_space<vmem>>, vector<1x64x1024xf32>
    %swap3A_280 = vector.shape_cast %swap3A_279 : vector<1x64x1024xf32> to vector<64x1024xf32>
    %swap3A_281 = vector.shape_cast %sub3A_275 : vector<64x1024xf32> to vector<1x64x1024xf32>
    tpu.vector_store %arg5[%swap3A_276, %swap3A_277, %swap3A_278], %swap3A_281 {strides = array<i32>} : memref<32x64x1024xf32, #tpu.memory_space<vmem>>, vector<1x64x1024xf32>,
    %get3A_282 = arith.constant 0 : index
    %get3A_283 = arith.constant 15360 : index
    %get3A_284 = vector.load %arg2[%get3A_282, %get3A_283] : memref<128x32768xf32, #tpu.memory_space<vmem>>, vector<128x1024xf32>
    %dot_general3A_285 = arith.constant dense<0.000000e+00> : vector<64x1024xf32>
    %dot_general3A_286 = tpu.matmul %get3A_1, %get3A_284, %dot_general3A_285 {dimension_numbers = #tpu.dot_dimension_numbers<[1], [0], [0], [1], [0, 0, 1, 1], [], []>, transpose_lhs_hint = false} : vector<64x128xf32>, vector<128x1024xf32>, vector<64x1024xf32> -> vector<64x1024xf32>
    %slice3A_287 = vector.extract_strided_slice %get3A_284 {offsets = [125, 0], sizes = [1, 1024], strides = [1, 1]} : vector<128x1024xf32> to vector<1x1024xf32>
    %add3A_288 = vector.broadcast %slice3A : vector<64x1xf32> to vector<64x1024xf32>
    %add3A_289 = vector.broadcast %slice3A_287 : vector<1x1024xf32> to vector<64x1024xf32>
    %add3A_290 = arith.addf %add3A_288, %add3A_289 : vector<64x1024xf32>
    %mul3A_291 = arith.constant 2.000000e+00 : f32
    %mul3A_292 = vector.broadcast %mul3A_291 : f32 to vector<64x1024xf32>
    %mul3A_293 = arith.mulf %mul3A_292, %dot_general3A_286 : vector<64x1024xf32>
    %sub3A_294 = arith.subf %add3A_290, %mul3A_293 : vector<64x1024xf32>
    %swap3A_295 = arith.constant 15 : index
    %swap3A_296 = arith.constant 0 : index
    %swap3A_297 = arith.constant 0 : index
    %swap3A_298 = vector.load %arg5[%swap3A_295, %swap3A_296, %swap3A_297] : memref<32x64x1024xf32, #tpu.memory_space<vmem>>, vector<1x64x1024xf32>
    %swap3A_299 = vector.shape_cast %swap3A_298 : vector<1x64x1024xf32> to vector<64x1024xf32>
    %swap3A_300 = vector.shape_cast %sub3A_294 : vector<64x1024xf32> to vector<1x64x1024xf32>
    tpu.vector_store %arg5[%swap3A_295, %swap3A_296, %swap3A_297], %swap3A_300 {strides = array<i32>} : memref<32x64x1024xf32, #tpu.memory_space<vmem>>, vector<1x64x1024xf32>,
    %get3A_301 = arith.constant 0 : index
    %get3A_302 = arith.constant 16384 : index
    %get3A_303 = vector.load %arg2[%get3A_301, %get3A_302] : memref<128x32768xf32, #tpu.memory_space<vmem>>, vector<128x1024xf32>
    %dot_general3A_304 = arith.constant dense<0.000000e+00> : vector<64x1024xf32>
    %dot_general3A_305 = tpu.matmul %get3A_1, %get3A_303, %dot_general3A_304 {dimension_numbers = #tpu.dot_dimension_numbers<[1], [0], [0], [1], [0, 0, 1, 1], [], []>, transpose_lhs_hint = false} : vector<64x128xf32>, vector<128x1024xf32>, vector<64x1024xf32> -> vector<64x1024xf32>
    %slice3A_306 = vector.extract_strided_slice %get3A_303 {offsets = [125, 0], sizes = [1, 1024], strides = [1, 1]} : vector<128x1024xf32> to vector<1x1024xf32>
    %add3A_307 = vector.broadcast %slice3A : vector<64x1xf32> to vector<64x1024xf32>
    %add3A_308 = vector.broadcast %slice3A_306 : vector<1x1024xf32> to vector<64x1024xf32>
    %add3A_309 = arith.addf %add3A_307, %add3A_308 : vector<64x1024xf32>
    %mul3A_310 = arith.constant 2.000000e+00 : f32
    %mul3A_311 = vector.broadcast %mul3A_310 : f32 to vector<64x1024xf32>
    %mul3A_312 = arith.mulf %mul3A_311, %dot_general3A_305 : vector<64x1024xf32>
    %sub3A_313 = arith.subf %add3A_309, %mul3A_312 : vector<64x1024xf32>
    %swap3A_314 = arith.constant 16 : index
    %swap3A_315 = arith.constant 0 : index
    %swap3A_316 = arith.constant 0 : index
    %swap3A_317 = vector.load %arg5[%swap3A_314, %swap3A_315, %swap3A_316] : memref<32x64x1024xf32, #tpu.memory_space<vmem>>, vector<1x64x1024xf32>
    %swap3A_318 = vector.shape_cast %swap3A_317 : vector<1x64x1024xf32> to vector<64x1024xf32>
    %swap3A_319 = vector.shape_cast %sub3A_313 : vector<64x1024xf32> to vector<1x64x1024xf32>
    tpu.vector_store %arg5[%swap3A_314, %swap3A_315, %swap3A_316], %swap3A_319 {strides = array<i32>} : memref<32x64x1024xf32, #tpu.memory_space<vmem>>, vector<1x64x1024xf32>,
    %get3A_320 = arith.constant 0 : index
    %get3A_321 = arith.constant 17408 : index
    %get3A_322 = vector.load %arg2[%get3A_320, %get3A_321] : memref<128x32768xf32, #tpu.memory_space<vmem>>, vector<128x1024xf32>
    %dot_general3A_323 = arith.constant dense<0.000000e+00> : vector<64x1024xf32>
    %dot_general3A_324 = tpu.matmul %get3A_1, %get3A_322, %dot_general3A_323 {dimension_numbers = #tpu.dot_dimension_numbers<[1], [0], [0], [1], [0, 0, 1, 1], [], []>, transpose_lhs_hint = false} : vector<64x128xf32>, vector<128x1024xf32>, vector<64x1024xf32> -> vector<64x1024xf32>
    %slice3A_325 = vector.extract_strided_slice %get3A_322 {offsets = [125, 0], sizes = [1, 1024], strides = [1, 1]} : vector<128x1024xf32> to vector<1x1024xf32>
    %add3A_326 = vector.broadcast %slice3A : vector<64x1xf32> to vector<64x1024xf32>
    %add3A_327 = vector.broadcast %slice3A_325 : vector<1x1024xf32> to vector<64x1024xf32>
    %add3A_328 = arith.addf %add3A_326, %add3A_327 : vector<64x1024xf32>
    %mul3A_329 = arith.constant 2.000000e+00 : f32
    %mul3A_330 = vector.broadcast %mul3A_329 : f32 to vector<64x1024xf32>
    %mul3A_331 = arith.mulf %mul3A_330, %dot_general3A_324 : vector<64x1024xf32>
    %sub3A_332 = arith.subf %add3A_328, %mul3A_331 : vector<64x1024xf32>
    %swap3A_333 = arith.constant 17 : index
    %swap3A_334 = arith.constant 0 : index
    %swap3A_335 = arith.constant 0 : index
    %swap3A_336 = vector.load %arg5[%swap3A_333, %swap3A_334, %swap3A_335] : memref<32x64x1024xf32, #tpu.memory_space<vmem>>, vector<1x64x1024xf32>
    %swap3A_337 = vector.shape_cast %swap3A_336 : vector<1x64x1024xf32> to vector<64x1024xf32>
    %swap3A_338 = vector.shape_cast %sub3A_332 : vector<64x1024xf32> to vector<1x64x1024xf32>
    tpu.vector_store %arg5[%swap3A_333, %swap3A_334, %swap3A_335], %swap3A_338 {strides = array<i32>} : memref<32x64x1024xf32, #tpu.memory_space<vmem>>, vector<1x64x1024xf32>,
    %get3A_339 = arith.constant 0 : index
    %get3A_340 = arith.constant 18432 : index
    %get3A_341 = vector.load %arg2[%get3A_339, %get3A_340] : memref<128x32768xf32, #tpu.memory_space<vmem>>, vector<128x1024xf32>
    %dot_general3A_342 = arith.constant dense<0.000000e+00> : vector<64x1024xf32>
    %dot_general3A_343 = tpu.matmul %get3A_1, %get3A_341, %dot_general3A_342 {dimension_numbers = #tpu.dot_dimension_numbers<[1], [0], [0], [1], [0, 0, 1, 1], [], []>, transpose_lhs_hint = false} : vector<64x128xf32>, vector<128x1024xf32>, vector<64x1024xf32> -> vector<64x1024xf32>
    %slice3A_344 = vector.extract_strided_slice %get3A_341 {offsets = [125, 0], sizes = [1, 1024], strides = [1, 1]} : vector<128x1024xf32> to vector<1x1024xf32>
    %add3A_345 = vector.broadcast %slice3A : vector<64x1xf32> to vector<64x1024xf32>
    %add3A_346 = vector.broadcast %slice3A_344 : vector<1x1024xf32> to vector<64x1024xf32>
    %add3A_347 = arith.addf %add3A_345, %add3A_346 : vector<64x1024xf32>
    %mul3A_348 = arith.constant 2.000000e+00 : f32
    %mul3A_349 = vector.broadcast %mul3A_348 : f32 to vector<64x1024xf32>
    %mul3A_350 = arith.mulf %mul3A_349, %dot_general3A_343 : vector<64x1024xf32>
    %sub3A_351 = arith.subf %add3A_347, %mul3A_350 : vector<64x1024xf32>
    %swap3A_352 = arith.constant 18 : index
    %swap3A_353 = arith.constant 0 : index
    %swap3A_354 = arith.constant 0 : index
    %swap3A_355 = vector.load %arg5[%swap3A_352, %swap3A_353, %swap3A_354] : memref<32x64x1024xf32, #tpu.memory_space<vmem>>, vector<1x64x1024xf32>
    %swap3A_356 = vector.shape_cast %swap3A_355 : vector<1x64x1024xf32> to vector<64x1024xf32>
    %swap3A_357 = vector.shape_cast %sub3A_351 : vector<64x1024xf32> to vector<1x64x1024xf32>
    tpu.vector_store %arg5[%swap3A_352, %swap3A_353, %swap3A_354], %swap3A_357 {strides = array<i32>} : memref<32x64x1024xf32, #tpu.memory_space<vmem>>, vector<1x64x1024xf32>,
    %get3A_358 = arith.constant 0 : index
    %get3A_359 = arith.constant 19456 : index
    %get3A_360 = vector.load %arg2[%get3A_358, %get3A_359] : memref<128x32768xf32, #tpu.memory_space<vmem>>, vector<128x1024xf32>
    %dot_general3A_361 = arith.constant dense<0.000000e+00> : vector<64x1024xf32>
    %dot_general3A_362 = tpu.matmul %get3A_1, %get3A_360, %dot_general3A_361 {dimension_numbers = #tpu.dot_dimension_numbers<[1], [0], [0], [1], [0, 0, 1, 1], [], []>, transpose_lhs_hint = false} : vector<64x128xf32>, vector<128x1024xf32>, vector<64x1024xf32> -> vector<64x1024xf32>
    %slice3A_363 = vector.extract_strided_slice %get3A_360 {offsets = [125, 0], sizes = [1, 1024], strides = [1, 1]} : vector<128x1024xf32> to vector<1x1024xf32>
    %add3A_364 = vector.broadcast %slice3A : vector<64x1xf32> to vector<64x1024xf32>
    %add3A_365 = vector.broadcast %slice3A_363 : vector<1x1024xf32> to vector<64x1024xf32>
    %add3A_366 = arith.addf %add3A_364, %add3A_365 : vector<64x1024xf32>
    %mul3A_367 = arith.constant 2.000000e+00 : f32
    %mul3A_368 = vector.broadcast %mul3A_367 : f32 to vector<64x1024xf32>
    %mul3A_369 = arith.mulf %mul3A_368, %dot_general3A_362 : vector<64x1024xf32>
    %sub3A_370 = arith.subf %add3A_366, %mul3A_369 : vector<64x1024xf32>
    %swap3A_371 = arith.constant 19 : index
    %swap3A_372 = arith.constant 0 : index
    %swap3A_373 = arith.constant 0 : index
    %swap3A_374 = vector.load %arg5[%swap3A_371, %swap3A_372, %swap3A_373] : memref<32x64x1024xf32, #tpu.memory_space<vmem>>, vector<1x64x1024xf32>
    %swap3A_375 = vector.shape_cast %swap3A_374 : vector<1x64x1024xf32> to vector<64x1024xf32>
    %swap3A_376 = vector.shape_cast %sub3A_370 : vector<64x1024xf32> to vector<1x64x1024xf32>
    tpu.vector_store %arg5[%swap3A_371, %swap3A_372, %swap3A_373], %swap3A_376 {strides = array<i32>} : memref<32x64x1024xf32, #tpu.memory_space<vmem>>, vector<1x64x1024xf32>,
    %get3A_377 = arith.constant 0 : index
    %get3A_378 = arith.constant 20480 : index
    %get3A_379 = vector.load %arg2[%get3A_377, %get3A_378] : memref<128x32768xf32, #tpu.memory_space<vmem>>, vector<128x1024xf32>
    %dot_general3A_380 = arith.constant dense<0.000000e+00> : vector<64x1024xf32>
    %dot_general3A_381 = tpu.matmul %get3A_1, %get3A_379, %dot_general3A_380 {dimension_numbers = #tpu.dot_dimension_numbers<[1], [0], [0], [1], [0, 0, 1, 1], [], []>, transpose_lhs_hint = false} : vector<64x128xf32>, vector<128x1024xf32>, vector<64x1024xf32> -> vector<64x1024xf32>
    %slice3A_382 = vector.extract_strided_slice %get3A_379 {offsets = [125, 0], sizes = [1, 1024], strides = [1, 1]} : vector<128x1024xf32> to vector<1x1024xf32>
    %add3A_383 = vector.broadcast %slice3A : vector<64x1xf32> to vector<64x1024xf32>
    %add3A_384 = vector.broadcast %slice3A_382 : vector<1x1024xf32> to vector<64x1024xf32>
    %add3A_385 = arith.addf %add3A_383, %add3A_384 : vector<64x1024xf32>
    %mul3A_386 = arith.constant 2.000000e+00 : f32
    %mul3A_387 = vector.broadcast %mul3A_386 : f32 to vector<64x1024xf32>
    %mul3A_388 = arith.mulf %mul3A_387, %dot_general3A_381 : vector<64x1024xf32>
    %sub3A_389 = arith.subf %add3A_385, %mul3A_388 : vector<64x1024xf32>
    %swap3A_390 = arith.constant 20 : index
    %swap3A_391 = arith.constant 0 : index
    %swap3A_392 = arith.constant 0 : index
    %swap3A_393 = vector.load %arg5[%swap3A_390, %swap3A_391, %swap3A_392] : memref<32x64x1024xf32, #tpu.memory_space<vmem>>, vector<1x64x1024xf32>
    %swap3A_394 = vector.shape_cast %swap3A_393 : vector<1x64x1024xf32> to vector<64x1024xf32>
    %swap3A_395 = vector.shape_cast %sub3A_389 : vector<64x1024xf32> to vector<1x64x1024xf32>
    tpu.vector_store %arg5[%swap3A_390, %swap3A_391, %swap3A_392], %swap3A_395 {strides = array<i32>} : memref<32x64x1024xf32, #tpu.memory_space<vmem>>, vector<1x64x1024xf32>,
    %get3A_396 = arith.constant 0 : index
    %get3A_397 = arith.constant 21504 : index
    %get3A_398 = vector.load %arg2[%get3A_396, %get3A_397] : memref<128x32768xf32, #tpu.memory_space<vmem>>, vector<128x1024xf32>
    %dot_general3A_399 = arith.constant dense<0.000000e+00> : vector<64x1024xf32>
    %dot_general3A_400 = tpu.matmul %get3A_1, %get3A_398, %dot_general3A_399 {dimension_numbers = #tpu.dot_dimension_numbers<[1], [0], [0], [1], [0, 0, 1, 1], [], []>, transpose_lhs_hint = false} : vector<64x128xf32>, vector<128x1024xf32>, vector<64x1024xf32> -> vector<64x1024xf32>
    %slice3A_401 = vector.extract_strided_slice %get3A_398 {offsets = [125, 0], sizes = [1, 1024], strides = [1, 1]} : vector<128x1024xf32> to vector<1x1024xf32>
    %add3A_402 = vector.broadcast %slice3A : vector<64x1xf32> to vector<64x1024xf32>
    %add3A_403 = vector.broadcast %slice3A_401 : vector<1x1024xf32> to vector<64x1024xf32>
    %add3A_404 = arith.addf %add3A_402, %add3A_403 : vector<64x1024xf32>
    %mul3A_405 = arith.constant 2.000000e+00 : f32
    %mul3A_406 = vector.broadcast %mul3A_405 : f32 to vector<64x1024xf32>
    %mul3A_407 = arith.mulf %mul3A_406, %dot_general3A_400 : vector<64x1024xf32>
    %sub3A_408 = arith.subf %add3A_404, %mul3A_407 : vector<64x1024xf32>
    %swap3A_409 = arith.constant 21 : index
    %swap3A_410 = arith.constant 0 : index
    %swap3A_411 = arith.constant 0 : index
    %swap3A_412 = vector.load %arg5[%swap3A_409, %swap3A_410, %swap3A_411] : memref<32x64x1024xf32, #tpu.memory_space<vmem>>, vector<1x64x1024xf32>
    %swap3A_413 = vector.shape_cast %swap3A_412 : vector<1x64x1024xf32> to vector<64x1024xf32>
    %swap3A_414 = vector.shape_cast %sub3A_408 : vector<64x1024xf32> to vector<1x64x1024xf32>
    tpu.vector_store %arg5[%swap3A_409, %swap3A_410, %swap3A_411], %swap3A_414 {strides = array<i32>} : memref<32x64x1024xf32, #tpu.memory_space<vmem>>, vector<1x64x1024xf32>,
    %get3A_415 = arith.constant 0 : index
    %get3A_416 = arith.constant 22528 : index
    %get3A_417 = vector.load %arg2[%get3A_415, %get3A_416] : memref<128x32768xf32, #tpu.memory_space<vmem>>, vector<128x1024xf32>
    %dot_general3A_418 = arith.constant dense<0.000000e+00> : vector<64x1024xf32>
    %dot_general3A_419 = tpu.matmul %get3A_1, %get3A_417, %dot_general3A_418 {dimension_numbers = #tpu.dot_dimension_numbers<[1], [0], [0], [1], [0, 0, 1, 1], [], []>, transpose_lhs_hint = false} : vector<64x128xf32>, vector<128x1024xf32>, vector<64x1024xf32> -> vector<64x1024xf32>
    %slice3A_420 = vector.extract_strided_slice %get3A_417 {offsets = [125, 0], sizes = [1, 1024], strides = [1, 1]} : vector<128x1024xf32> to vector<1x1024xf32>
    %add3A_421 = vector.broadcast %slice3A : vector<64x1xf32> to vector<64x1024xf32>
    %add3A_422 = vector.broadcast %slice3A_420 : vector<1x1024xf32> to vector<64x1024xf32>
    %add3A_423 = arith.addf %add3A_421, %add3A_422 : vector<64x1024xf32>
    %mul3A_424 = arith.constant 2.000000e+00 : f32
    %mul3A_425 = vector.broadcast %mul3A_424 : f32 to vector<64x1024xf32>
    %mul3A_426 = arith.mulf %mul3A_425, %dot_general3A_419 : vector<64x1024xf32>
    %sub3A_427 = arith.subf %add3A_423, %mul3A_426 : vector<64x1024xf32>
    %swap3A_428 = arith.constant 22 : index
    %swap3A_429 = arith.constant 0 : index
    %swap3A_430 = arith.constant 0 : index
    %swap3A_431 = vector.load %arg5[%swap3A_428, %swap3A_429, %swap3A_430] : memref<32x64x1024xf32, #tpu.memory_space<vmem>>, vector<1x64x1024xf32>
    %swap3A_432 = vector.shape_cast %swap3A_431 : vector<1x64x1024xf32> to vector<64x1024xf32>
    %swap3A_433 = vector.shape_cast %sub3A_427 : vector<64x1024xf32> to vector<1x64x1024xf32>
    tpu.vector_store %arg5[%swap3A_428, %swap3A_429, %swap3A_430], %swap3A_433 {strides = array<i32>} : memref<32x64x1024xf32, #tpu.memory_space<vmem>>, vector<1x64x1024xf32>,
    %get3A_434 = arith.constant 0 : index
    %get3A_435 = arith.constant 23552 : index
    %get3A_436 = vector.load %arg2[%get3A_434, %get3A_435] : memref<128x32768xf32, #tpu.memory_space<vmem>>, vector<128x1024xf32>
    %dot_general3A_437 = arith.constant dense<0.000000e+00> : vector<64x1024xf32>
    %dot_general3A_438 = tpu.matmul %get3A_1, %get3A_436, %dot_general3A_437 {dimension_numbers = #tpu.dot_dimension_numbers<[1], [0], [0], [1], [0, 0, 1, 1], [], []>, transpose_lhs_hint = false} : vector<64x128xf32>, vector<128x1024xf32>, vector<64x1024xf32> -> vector<64x1024xf32>
    %slice3A_439 = vector.extract_strided_slice %get3A_436 {offsets = [125, 0], sizes = [1, 1024], strides = [1, 1]} : vector<128x1024xf32> to vector<1x1024xf32>
    %add3A_440 = vector.broadcast %slice3A : vector<64x1xf32> to vector<64x1024xf32>
    %add3A_441 = vector.broadcast %slice3A_439 : vector<1x1024xf32> to vector<64x1024xf32>
    %add3A_442 = arith.addf %add3A_440, %add3A_441 : vector<64x1024xf32>
    %mul3A_443 = arith.constant 2.000000e+00 : f32
    %mul3A_444 = vector.broadcast %mul3A_443 : f32 to vector<64x1024xf32>
    %mul3A_445 = arith.mulf %mul3A_444, %dot_general3A_438 : vector<64x1024xf32>
    %sub3A_446 = arith.subf %add3A_442, %mul3A_445 : vector<64x1024xf32>
    %swap3A_447 = arith.constant 23 : index
    %swap3A_448 = arith.constant 0 : index
    %swap3A_449 = arith.constant 0 : index
    %swap3A_450 = vector.load %arg5[%swap3A_447, %swap3A_448, %swap3A_449] : memref<32x64x1024xf32, #tpu.memory_space<vmem>>, vector<1x64x1024xf32>
    %swap3A_451 = vector.shape_cast %swap3A_450 : vector<1x64x1024xf32> to vector<64x1024xf32>
    %swap3A_452 = vector.shape_cast %sub3A_446 : vector<64x1024xf32> to vector<1x64x1024xf32>
    tpu.vector_store %arg5[%swap3A_447, %swap3A_448, %swap3A_449], %swap3A_452 {strides = array<i32>} : memref<32x64x1024xf32, #tpu.memory_space<vmem>>, vector<1x64x1024xf32>,
    %get3A_453 = arith.constant 0 : index
    %get3A_454 = arith.constant 24576 : index
    %get3A_455 = vector.load %arg2[%get3A_453, %get3A_454] : memref<128x32768xf32, #tpu.memory_space<vmem>>, vector<128x1024xf32>
    %dot_general3A_456 = arith.constant dense<0.000000e+00> : vector<64x1024xf32>
    %dot_general3A_457 = tpu.matmul %get3A_1, %get3A_455, %dot_general3A_456 {dimension_numbers = #tpu.dot_dimension_numbers<[1], [0], [0], [1], [0, 0, 1, 1], [], []>, transpose_lhs_hint = false} : vector<64x128xf32>, vector<128x1024xf32>, vector<64x1024xf32> -> vector<64x1024xf32>
    %slice3A_458 = vector.extract_strided_slice %get3A_455 {offsets = [125, 0], sizes = [1, 1024], strides = [1, 1]} : vector<128x1024xf32> to vector<1x1024xf32>
    %add3A_459 = vector.broadcast %slice3A : vector<64x1xf32> to vector<64x1024xf32>
    %add3A_460 = vector.broadcast %slice3A_458 : vector<1x1024xf32> to vector<64x1024xf32>
    %add3A_461 = arith.addf %add3A_459, %add3A_460 : vector<64x1024xf32>
    %mul3A_462 = arith.constant 2.000000e+00 : f32
    %mul3A_463 = vector.broadcast %mul3A_462 : f32 to vector<64x1024xf32>
    %mul3A_464 = arith.mulf %mul3A_463, %dot_general3A_457 : vector<64x1024xf32>
    %sub3A_465 = arith.subf %add3A_461, %mul3A_464 : vector<64x1024xf32>
    %swap3A_466 = arith.constant 24 : index
    %swap3A_467 = arith.constant 0 : index
    %swap3A_468 = arith.constant 0 : index
    %swap3A_469 = vector.load %arg5[%swap3A_466, %swap3A_467, %swap3A_468] : memref<32x64x1024xf32, #tpu.memory_space<vmem>>, vector<1x64x1024xf32>
    %swap3A_470 = vector.shape_cast %swap3A_469 : vector<1x64x1024xf32> to vector<64x1024xf32>
    %swap3A_471 = vector.shape_cast %sub3A_465 : vector<64x1024xf32> to vector<1x64x1024xf32>
    tpu.vector_store %arg5[%swap3A_466, %swap3A_467, %swap3A_468], %swap3A_471 {strides = array<i32>} : memref<32x64x1024xf32, #tpu.memory_space<vmem>>, vector<1x64x1024xf32>,
    %get3A_472 = arith.constant 0 : index
    %get3A_473 = arith.constant 25600 : index
    %get3A_474 = vector.load %arg2[%get3A_472, %get3A_473] : memref<128x32768xf32, #tpu.memory_space<vmem>>, vector<128x1024xf32>
    %dot_general3A_475 = arith.constant dense<0.000000e+00> : vector<64x1024xf32>
    %dot_general3A_476 = tpu.matmul %get3A_1, %get3A_474, %dot_general3A_475 {dimension_numbers = #tpu.dot_dimension_numbers<[1], [0], [0], [1], [0, 0, 1, 1], [], []>, transpose_lhs_hint = false} : vector<64x128xf32>, vector<128x1024xf32>, vector<64x1024xf32> -> vector<64x1024xf32>
    %slice3A_477 = vector.extract_strided_slice %get3A_474 {offsets = [125, 0], sizes = [1, 1024], strides = [1, 1]} : vector<128x1024xf32> to vector<1x1024xf32>
    %add3A_478 = vector.broadcast %slice3A : vector<64x1xf32> to vector<64x1024xf32>
    %add3A_479 = vector.broadcast %slice3A_477 : vector<1x1024xf32> to vector<64x1024xf32>
    %add3A_480 = arith.addf %add3A_478, %add3A_479 : vector<64x1024xf32>
    %mul3A_481 = arith.constant 2.000000e+00 : f32
    %mul3A_482 = vector.broadcast %mul3A_481 : f32 to vector<64x1024xf32>
    %mul3A_483 = arith.mulf %mul3A_482, %dot_general3A_476 : vector<64x1024xf32>
    %sub3A_484 = arith.subf %add3A_480, %mul3A_483 : vector<64x1024xf32>
    %swap3A_485 = arith.constant 25 : index
    %swap3A_486 = arith.constant 0 : index
    %swap3A_487 = arith.constant 0 : index
    %swap3A_488 = vector.load %arg5[%swap3A_485, %swap3A_486, %swap3A_487] : memref<32x64x1024xf32, #tpu.memory_space<vmem>>, vector<1x64x1024xf32>
    %swap3A_489 = vector.shape_cast %swap3A_488 : vector<1x64x1024xf32> to vector<64x1024xf32>
    %swap3A_490 = vector.shape_cast %sub3A_484 : vector<64x1024xf32> to vector<1x64x1024xf32>
    tpu.vector_store %arg5[%swap3A_485, %swap3A_486, %swap3A_487], %swap3A_490 {strides = array<i32>} : memref<32x64x1024xf32, #tpu.memory_space<vmem>>, vector<1x64x1024xf32>,
    %get3A_491 = arith.constant 0 : index
    %get3A_492 = arith.constant 26624 : index
    %get3A_493 = vector.load %arg2[%get3A_491, %get3A_492] : memref<128x32768xf32, #tpu.memory_space<vmem>>, vector<128x1024xf32>
    %dot_general3A_494 = arith.constant dense<0.000000e+00> : vector<64x1024xf32>
    %dot_general3A_495 = tpu.matmul %get3A_1, %get3A_493, %dot_general3A_494 {dimension_numbers = #tpu.dot_dimension_numbers<[1], [0], [0], [1], [0, 0, 1, 1], [], []>, transpose_lhs_hint = false} : vector<64x128xf32>, vector<128x1024xf32>, vector<64x1024xf32> -> vector<64x1024xf32>
    %slice3A_496 = vector.extract_strided_slice %get3A_493 {offsets = [125, 0], sizes = [1, 1024], strides = [1, 1]} : vector<128x1024xf32> to vector<1x1024xf32>
    %add3A_497 = vector.broadcast %slice3A : vector<64x1xf32> to vector<64x1024xf32>
    %add3A_498 = vector.broadcast %slice3A_496 : vector<1x1024xf32> to vector<64x1024xf32>
    %add3A_499 = arith.addf %add3A_497, %add3A_498 : vector<64x1024xf32>
    %mul3A_500 = arith.constant 2.000000e+00 : f32
    %mul3A_501 = vector.broadcast %mul3A_500 : f32 to vector<64x1024xf32>
    %mul3A_502 = arith.mulf %mul3A_501, %dot_general3A_495 : vector<64x1024xf32>
    %sub3A_503 = arith.subf %add3A_499, %mul3A_502 : vector<64x1024xf32>
    %swap3A_504 = arith.constant 26 : index
    %swap3A_505 = arith.constant 0 : index
    %swap3A_506 = arith.constant 0 : index
    %swap3A_507 = vector.load %arg5[%swap3A_504, %swap3A_505, %swap3A_506] : memref<32x64x1024xf32, #tpu.memory_space<vmem>>, vector<1x64x1024xf32>
    %swap3A_508 = vector.shape_cast %swap3A_507 : vector<1x64x1024xf32> to vector<64x1024xf32>
    %swap3A_509 = vector.shape_cast %sub3A_503 : vector<64x1024xf32> to vector<1x64x1024xf32>
    tpu.vector_store %arg5[%swap3A_504, %swap3A_505, %swap3A_506], %swap3A_509 {strides = array<i32>} : memref<32x64x1024xf32, #tpu.memory_space<vmem>>, vector<1x64x1024xf32>,
    %get3A_510 = arith.constant 0 : index
    %get3A_511 = arith.constant 27648 : index
    %get3A_512 = vector.load %arg2[%get3A_510, %get3A_511] : memref<128x32768xf32, #tpu.memory_space<vmem>>, vector<128x1024xf32>
    %dot_general3A_513 = arith.constant dense<0.000000e+00> : vector<64x1024xf32>
    %dot_general3A_514 = tpu.matmul %get3A_1, %get3A_512, %dot_general3A_513 {dimension_numbers = #tpu.dot_dimension_numbers<[1], [0], [0], [1], [0, 0, 1, 1], [], []>, transpose_lhs_hint = false} : vector<64x128xf32>, vector<128x1024xf32>, vector<64x1024xf32> -> vector<64x1024xf32>
    %slice3A_515 = vector.extract_strided_slice %get3A_512 {offsets = [125, 0], sizes = [1, 1024], strides = [1, 1]} : vector<128x1024xf32> to vector<1x1024xf32>
    %add3A_516 = vector.broadcast %slice3A : vector<64x1xf32> to vector<64x1024xf32>
    %add3A_517 = vector.broadcast %slice3A_515 : vector<1x1024xf32> to vector<64x1024xf32>
    %add3A_518 = arith.addf %add3A_516, %add3A_517 : vector<64x1024xf32>
    %mul3A_519 = arith.constant 2.000000e+00 : f32
    %mul3A_520 = vector.broadcast %mul3A_519 : f32 to vector<64x1024xf32>
    %mul3A_521 = arith.mulf %mul3A_520, %dot_general3A_514 : vector<64x1024xf32>
    %sub3A_522 = arith.subf %add3A_518, %mul3A_521 : vector<64x1024xf32>
    %swap3A_523 = arith.constant 27 : index
    %swap3A_524 = arith.constant 0 : index
    %swap3A_525 = arith.constant 0 : index
    %swap3A_526 = vector.load %arg5[%swap3A_523, %swap3A_524, %swap3A_525] : memref<32x64x1024xf32, #tpu.memory_space<vmem>>, vector<1x64x1024xf32>
    %swap3A_527 = vector.shape_cast %swap3A_526 : vector<1x64x1024xf32> to vector<64x1024xf32>
    %swap3A_528 = vector.shape_cast %sub3A_522 : vector<64x1024xf32> to vector<1x64x1024xf32>
    tpu.vector_store %arg5[%swap3A_523, %swap3A_524, %swap3A_525], %swap3A_528 {strides = array<i32>} : memref<32x64x1024xf32, #tpu.memory_space<vmem>>, vector<1x64x1024xf32>,
    %get3A_529 = arith.constant 0 : index
    %get3A_530 = arith.constant 28672 : index
    %get3A_531 = vector.load %arg2[%get3A_529, %get3A_530] : memref<128x32768xf32, #tpu.memory_space<vmem>>, vector<128x1024xf32>
    %dot_general3A_532 = arith.constant dense<0.000000e+00> : vector<64x1024xf32>
    %dot_general3A_533 = tpu.matmul %get3A_1, %get3A_531, %dot_general3A_532 {dimension_numbers = #tpu.dot_dimension_numbers<[1], [0], [0], [1], [0, 0, 1, 1], [], []>, transpose_lhs_hint = false} : vector<64x128xf32>, vector<128x1024xf32>, vector<64x1024xf32> -> vector<64x1024xf32>
    %slice3A_534 = vector.extract_strided_slice %get3A_531 {offsets = [125, 0], sizes = [1, 1024], strides = [1, 1]} : vector<128x1024xf32> to vector<1x1024xf32>
    %add3A_535 = vector.broadcast %slice3A : vector<64x1xf32> to vector<64x1024xf32>
    %add3A_536 = vector.broadcast %slice3A_534 : vector<1x1024xf32> to vector<64x1024xf32>
    %add3A_537 = arith.addf %add3A_535, %add3A_536 : vector<64x1024xf32>
    %mul3A_538 = arith.constant 2.000000e+00 : f32
    %mul3A_539 = vector.broadcast %mul3A_538 : f32 to vector<64x1024xf32>
    %mul3A_540 = arith.mulf %mul3A_539, %dot_general3A_533 : vector<64x1024xf32>
    %sub3A_541 = arith.subf %add3A_537, %mul3A_540 : vector<64x1024xf32>
    %swap3A_542 = arith.constant 28 : index
    %swap3A_543 = arith.constant 0 : index
    %swap3A_544 = arith.constant 0 : index
    %swap3A_545 = vector.load %arg5[%swap3A_542, %swap3A_543, %swap3A_544] : memref<32x64x1024xf32, #tpu.memory_space<vmem>>, vector<1x64x1024xf32>
    %swap3A_546 = vector.shape_cast %swap3A_545 : vector<1x64x1024xf32> to vector<64x1024xf32>
    %swap3A_547 = vector.shape_cast %sub3A_541 : vector<64x1024xf32> to vector<1x64x1024xf32>
    tpu.vector_store %arg5[%swap3A_542, %swap3A_543, %swap3A_544], %swap3A_547 {strides = array<i32>} : memref<32x64x1024xf32, #tpu.memory_space<vmem>>, vector<1x64x1024xf32>,
    %get3A_548 = arith.constant 0 : index
    %get3A_549 = arith.constant 29696 : index
    %get3A_550 = vector.load %arg2[%get3A_548, %get3A_549] : memref<128x32768xf32, #tpu.memory_space<vmem>>, vector<128x1024xf32>
    %dot_general3A_551 = arith.constant dense<0.000000e+00> : vector<64x1024xf32>
    %dot_general3A_552 = tpu.matmul %get3A_1, %get3A_550, %dot_general3A_551 {dimension_numbers = #tpu.dot_dimension_numbers<[1], [0], [0], [1], [0, 0, 1, 1], [], []>, transpose_lhs_hint = false} : vector<64x128xf32>, vector<128x1024xf32>, vector<64x1024xf32> -> vector<64x1024xf32>
    %slice3A_553 = vector.extract_strided_slice %get3A_550 {offsets = [125, 0], sizes = [1, 1024], strides = [1, 1]} : vector<128x1024xf32> to vector<1x1024xf32>
    %add3A_554 = vector.broadcast %slice3A : vector<64x1xf32> to vector<64x1024xf32>
    %add3A_555 = vector.broadcast %slice3A_553 : vector<1x1024xf32> to vector<64x1024xf32>
    %add3A_556 = arith.addf %add3A_554, %add3A_555 : vector<64x1024xf32>
    %mul3A_557 = arith.constant 2.000000e+00 : f32
    %mul3A_558 = vector.broadcast %mul3A_557 : f32 to vector<64x1024xf32>
    %mul3A_559 = arith.mulf %mul3A_558, %dot_general3A_552 : vector<64x1024xf32>
    %sub3A_560 = arith.subf %add3A_556, %mul3A_559 : vector<64x1024xf32>
    %swap3A_561 = arith.constant 29 : index
    %swap3A_562 = arith.constant 0 : index
    %swap3A_563 = arith.constant 0 : index
    %swap3A_564 = vector.load %arg5[%swap3A_561, %swap3A_562, %swap3A_563] : memref<32x64x1024xf32, #tpu.memory_space<vmem>>, vector<1x64x1024xf32>
    %swap3A_565 = vector.shape_cast %swap3A_564 : vector<1x64x1024xf32> to vector<64x1024xf32>
    %swap3A_566 = vector.shape_cast %sub3A_560 : vector<64x1024xf32> to vector<1x64x1024xf32>
    tpu.vector_store %arg5[%swap3A_561, %swap3A_562, %swap3A_563], %swap3A_566 {strides = array<i32>} : memref<32x64x1024xf32, #tpu.memory_space<vmem>>, vector<1x64x1024xf32>,
    %get3A_567 = arith.constant 0 : index
    %get3A_568 = arith.constant 30720 : index
    %get3A_569 = vector.load %arg2[%get3A_567, %get3A_568] : memref<128x32768xf32, #tpu.memory_space<vmem>>, vector<128x1024xf32>
    %dot_general3A_570 = arith.constant dense<0.000000e+00> : vector<64x1024xf32>
    %dot_general3A_571 = tpu.matmul %get3A_1, %get3A_569, %dot_general3A_570 {dimension_numbers = #tpu.dot_dimension_numbers<[1], [0], [0], [1], [0, 0, 1, 1], [], []>, transpose_lhs_hint = false} : vector<64x128xf32>, vector<128x1024xf32>, vector<64x1024xf32> -> vector<64x1024xf32>
    %slice3A_572 = vector.extract_strided_slice %get3A_569 {offsets = [125, 0], sizes = [1, 1024], strides = [1, 1]} : vector<128x1024xf32> to vector<1x1024xf32>
    %add3A_573 = vector.broadcast %slice3A : vector<64x1xf32> to vector<64x1024xf32>
    %add3A_574 = vector.broadcast %slice3A_572 : vector<1x1024xf32> to vector<64x1024xf32>
    %add3A_575 = arith.addf %add3A_573, %add3A_574 : vector<64x1024xf32>
    %mul3A_576 = arith.constant 2.000000e+00 : f32
    %mul3A_577 = vector.broadcast %mul3A_576 : f32 to vector<64x1024xf32>
    %mul3A_578 = arith.mulf %mul3A_577, %dot_general3A_571 : vector<64x1024xf32>
    %sub3A_579 = arith.subf %add3A_575, %mul3A_578 : vector<64x1024xf32>
    %swap3A_580 = arith.constant 30 : index
    %swap3A_581 = arith.constant 0 : index
    %swap3A_582 = arith.constant 0 : index
    %swap3A_583 = vector.load %arg5[%swap3A_580, %swap3A_581, %swap3A_582] : memref<32x64x1024xf32, #tpu.memory_space<vmem>>, vector<1x64x1024xf32>
    %swap3A_584 = vector.shape_cast %swap3A_583 : vector<1x64x1024xf32> to vector<64x1024xf32>
    %swap3A_585 = vector.shape_cast %sub3A_579 : vector<64x1024xf32> to vector<1x64x1024xf32>
    tpu.vector_store %arg5[%swap3A_580, %swap3A_581, %swap3A_582], %swap3A_585 {strides = array<i32>} : memref<32x64x1024xf32, #tpu.memory_space<vmem>>, vector<1x64x1024xf32>,
    %get3A_586 = arith.constant 0 : index
    %get3A_587 = arith.constant 31744 : index
    %get3A_588 = vector.load %arg2[%get3A_586, %get3A_587] : memref<128x32768xf32, #tpu.memory_space<vmem>>, vector<128x1024xf32>
    %dot_general3A_589 = arith.constant dense<0.000000e+00> : vector<64x1024xf32>
    %dot_general3A_590 = tpu.matmul %get3A_1, %get3A_588, %dot_general3A_589 {dimension_numbers = #tpu.dot_dimension_numbers<[1], [0], [0], [1], [0, 0, 1, 1], [], []>, transpose_lhs_hint = false} : vector<64x128xf32>, vector<128x1024xf32>, vector<64x1024xf32> -> vector<64x1024xf32>
    %slice3A_591 = vector.extract_strided_slice %get3A_588 {offsets = [125, 0], sizes = [1, 1024], strides = [1, 1]} : vector<128x1024xf32> to vector<1x1024xf32>
    %add3A_592 = vector.broadcast %slice3A : vector<64x1xf32> to vector<64x1024xf32>
    %add3A_593 = vector.broadcast %slice3A_591 : vector<1x1024xf32> to vector<64x1024xf32>
    %add3A_594 = arith.addf %add3A_592, %add3A_593 : vector<64x1024xf32>
    %mul3A_595 = arith.constant 2.000000e+00 : f32
    %mul3A_596 = vector.broadcast %mul3A_595 : f32 to vector<64x1024xf32>
    %mul3A_597 = arith.mulf %mul3A_596, %dot_general3A_590 : vector<64x1024xf32>
    %sub3A_598 = arith.subf %add3A_594, %mul3A_597 : vector<64x1024xf32>
    %swap3A_599 = arith.constant 31 : index
    %swap3A_600 = arith.constant 0 : index
    %swap3A_601 = arith.constant 0 : index
    %swap3A_602 = vector.load %arg5[%swap3A_599, %swap3A_600, %swap3A_601] : memref<32x64x1024xf32, #tpu.memory_space<vmem>>, vector<1x64x1024xf32>
    %swap3A_603 = vector.shape_cast %swap3A_602 : vector<1x64x1024xf32> to vector<64x1024xf32>
    %swap3A_604 = vector.shape_cast %sub3A_598 : vector<64x1024xf32> to vector<1x64x1024xf32>
    tpu.vector_store %arg5[%swap3A_599, %swap3A_600, %swap3A_601], %swap3A_604 {strides = array<i32>} : memref<32x64x1024xf32, #tpu.memory_space<vmem>>, vector<1x64x1024xf32>,
    %iota3A = tpu.iota {dimensions = array<i32: 1>} : vector<64x128xi32>
    %add3A_605 = arith.constant 0 : i32
    %add3A_606 = vector.broadcast %add3A_605 : i32 to vector<64x128xi32>
    %add3A_607 = arith.addi %iota3A, %add3A_606 : vector<64x128xi32>
    %add3A_608 = arith.constant 128 : i32
    %add3A_609 = vector.broadcast %add3A_608 : i32 to vector<64x128xi32>
    %add3A_610 = arith.addi %iota3A, %add3A_609 : vector<64x128xi32>
    %add3A_611 = arith.constant 256 : i32
    %add3A_612 = vector.broadcast %add3A_611 : i32 to vector<64x128xi32>
    %add3A_613 = arith.addi %iota3A, %add3A_612 : vector<64x128xi32>
    %add3A_614 = arith.constant 384 : i32
    %add3A_615 = vector.broadcast %add3A_614 : i32 to vector<64x128xi32>
    %add3A_616 = arith.addi %iota3A, %add3A_615 : vector<64x128xi32>
    %add3A_617 = arith.constant 512 : i32
    %add3A_618 = vector.broadcast %add3A_617 : i32 to vector<64x128xi32>
    %add3A_619 = arith.addi %iota3A, %add3A_618 : vector<64x128xi32>
    %add3A_620 = arith.constant 640 : i32
    %add3A_621 = vector.broadcast %add3A_620 : i32 to vector<64x128xi32>
    %add3A_622 = arith.addi %iota3A, %add3A_621 : vector<64x128xi32>
    %add3A_623 = arith.constant 768 : i32
    %add3A_624 = vector.broadcast %add3A_623 : i32 to vector<64x128xi32>
    %add3A_625 = arith.addi %iota3A, %add3A_624 : vector<64x128xi32>
    %add3A_626 = arith.constant 896 : i32
    %add3A_627 = vector.broadcast %add3A_626 : i32 to vector<64x128xi32>
    %add3A_628 = arith.addi %iota3A, %add3A_627 : vector<64x128xi32>
    %iota3A_629 = tpu.iota {dimensions = array<i32: 1>} : vector<64x32xi32>
    %scan3A = arith.constant 0x7F800000 : f32
    %scan3A_630 = arith.constant 2147483647 : i32
    %scan3A_631 = arith.constant 0 : i32
    %mul3A_632 = arith.constant 64 : i32
    %mul3A_633 = arith.muli %scan3A_631, %mul3A_632 : i32
    %broadcast_in_dim3A = vector.broadcast %scan3A : f32 to vector<64x128xf32>
    %broadcast_in_dim3A_634 = arith.constant 0 : i32
    %broadcast_in_dim3A_635 = vector.broadcast %broadcast_in_dim3A_634 : i32 to vector<64x128xi32>
    %broadcast_in_dim3A_636 = vector.broadcast %scan3A : f32 to vector<64x128xf32>
    %broadcast_in_dim3A_637 = arith.constant 0 : i32
    %broadcast_in_dim3A_638 = vector.broadcast %broadcast_in_dim3A_637 : i32 to vector<64x128xi32>
    %broadcast_in_dim3A_639 = vector.broadcast %scan3A : f32 to vector<64x128xf32>
    %broadcast_in_dim3A_640 = arith.constant 0 : i32
    %broadcast_in_dim3A_641 = vector.broadcast %broadcast_in_dim3A_640 : i32 to vector<64x128xi32>
    %broadcast_in_dim3A_642 = vector.broadcast %scan3A : f32 to vector<64x128xf32>
    %broadcast_in_dim3A_643 = arith.constant 0 : i32
    %broadcast_in_dim3A_644 = vector.broadcast %broadcast_in_dim3A_643 : i32 to vector<64x128xi32>
    %broadcast_in_dim3A_645 = vector.broadcast %scan3A : f32 to vector<64x128xf32>
    %broadcast_in_dim3A_646 = arith.constant 0 : i32
    %broadcast_in_dim3A_647 = vector.broadcast %broadcast_in_dim3A_646 : i32 to vector<64x128xi32>
    %broadcast_in_dim3A_648 = vector.broadcast %scan3A : f32 to vector<64x128xf32>
    %broadcast_in_dim3A_649 = arith.constant 0 : i32
    %broadcast_in_dim3A_650 = vector.broadcast %broadcast_in_dim3A_649 : i32 to vector<64x128xi32>
    %broadcast_in_dim3A_651 = vector.broadcast %scan3A : f32 to vector<64x128xf32>
    %broadcast_in_dim3A_652 = arith.constant 0 : i32
    %broadcast_in_dim3A_653 = vector.broadcast %broadcast_in_dim3A_652 : i32 to vector<64x128xi32>
    %broadcast_in_dim3A_654 = vector.broadcast %scan3A : f32 to vector<64x128xf32>
    %broadcast_in_dim3A_655 = arith.constant 0 : i32
    %broadcast_in_dim3A_656 = vector.broadcast %broadcast_in_dim3A_655 : i32 to vector<64x128xi32>
    %scan3A_657 = arith.constant 0 : i32
    %scan3A_658 = arith.constant 32 : i32
    %scan3A_659 = arith.addi %scan3A_657, %scan3A_658 : i32
    %scan3A_660 = arith.constant 1 : i32
    %scan3A_661:16 = scf.for %scan3A_700 = %scan3A_657 to %scan3A_659 step %scan3A_660 iter_args(%scan3A_701 = %broadcast_in_dim3A, %scan3A_702 = %broadcast_in_dim3A_635, %scan3A_703 = %broadcast_in_dim3A_636, %scan3A_704 = %broadcast_in_dim3A_638, %scan3A_705 = %broadcast_in_dim3A_639, %scan3A_706 = %broadcast_in_dim3A_641, %scan3A_707 = %broadcast_in_dim3A_642, %scan3A_708 = %broadcast_in_dim3A_644, %scan3A_709 = %broadcast_in_dim3A_645, %scan3A_710 = %broadcast_in_dim3A_647, %scan3A_711 = %broadcast_in_dim3A_648, %scan3A_712 = %broadcast_in_dim3A_650, %scan3A_713 = %broadcast_in_dim3A_651, %scan3A_714 = %broadcast_in_dim3A_653, %scan3A_715 = %broadcast_in_dim3A_654, %scan3A_716 = %broadcast_in_dim3A_656) -> (vector<64x128xf32>, vector<64x128xi32>, vector<64x128xf32>, vector<64x128xi32>, vector<64x128xf32>, vector<64x128xi32>, vector<64x128xf32>, vector<64x128xi32>, vector<64x128xf32>, vector<64x128xi32>, vector<64x128xf32>, vector<64x128xi32>, vector<64x128xf32>, vector<64x128xi32>, vector<64x128xf32>, vector<64x128xi32>)  : i32 {
      %mul3A_717 = arith.constant 1024 : i32
      %mul3A_718 = arith.muli %scan3A_700, %mul3A_717 : i32
      %get3A_719 = arith.index_cast %scan3A_700 : i32 to index
      %get3A_720 = arith.index_cast %mul3A_633 : i32 to index
      %get3A_721 = arith.constant 0 : index
      %get3A_722 = vector.load %arg5[%get3A_719, %get3A_720, %get3A_721] : memref<32x64x1024xf32, #tpu.memory_space<vmem>>, vector<1x64x1024xf32>
      %get3A_723 = vector.shape_cast %get3A_722 : vector<1x64x1024xf32> to vector<64x1024xf32>
      %slice3A_724 = vector.extract_strided_slice %get3A_723 {offsets = [0, 0], sizes = [64, 128], strides = [1, 1]} : vector<64x1024xf32> to vector<64x128xf32>
      %add3A_725 = vector.broadcast %mul3A_718 : i32 to vector<64x128xi32>
      %add3A_726 = arith.addi %add3A_607, %add3A_725 : vector<64x128xi32>
      %slice3A_727 = vector.extract_strided_slice %get3A_723 {offsets = [0, 128], sizes = [64, 128], strides = [1, 1]} : vector<64x1024xf32> to vector<64x128xf32>
      %add3A_728 = vector.broadcast %mul3A_718 : i32 to vector<64x128xi32>
      %add3A_729 = arith.addi %add3A_610, %add3A_728 : vector<64x128xi32>
      %slice3A_730 = vector.extract_strided_slice %get3A_723 {offsets = [0, 256], sizes = [64, 128], strides = [1, 1]} : vector<64x1024xf32> to vector<64x128xf32>
      %add3A_731 = vector.broadcast %mul3A_718 : i32 to vector<64x128xi32>
      %add3A_732 = arith.addi %add3A_613, %add3A_731 : vector<64x128xi32>
      %slice3A_733 = vector.extract_strided_slice %get3A_723 {offsets = [0, 384], sizes = [64, 128], strides = [1, 1]} : vector<64x1024xf32> to vector<64x128xf32>
      %add3A_734 = vector.broadcast %mul3A_718 : i32 to vector<64x128xi32>
      %add3A_735 = arith.addi %add3A_616, %add3A_734 : vector<64x128xi32>
      %slice3A_736 = vector.extract_strided_slice %get3A_723 {offsets = [0, 512], sizes = [64, 128], strides = [1, 1]} : vector<64x1024xf32> to vector<64x128xf32>
      %add3A_737 = vector.broadcast %mul3A_718 : i32 to vector<64x128xi32>
      %add3A_738 = arith.addi %add3A_619, %add3A_737 : vector<64x128xi32>
      %slice3A_739 = vector.extract_strided_slice %get3A_723 {offsets = [0, 640], sizes = [64, 128], strides = [1, 1]} : vector<64x1024xf32> to vector<64x128xf32>
      %add3A_740 = vector.broadcast %mul3A_718 : i32 to vector<64x128xi32>
      %add3A_741 = arith.addi %add3A_622, %add3A_740 : vector<64x128xi32>
      %slice3A_742 = vector.extract_strided_slice %get3A_723 {offsets = [0, 768], sizes = [64, 128], strides = [1, 1]} : vector<64x1024xf32> to vector<64x128xf32>
      %add3A_743 = vector.broadcast %mul3A_718 : i32 to vector<64x128xi32>
      %add3A_744 = arith.addi %add3A_625, %add3A_743 : vector<64x128xi32>
      %slice3A_745 = vector.extract_strided_slice %get3A_723 {offsets = [0, 896], sizes = [64, 128], strides = [1, 1]} : vector<64x1024xf32> to vector<64x128xf32>
      %add3A_746 = vector.broadcast %mul3A_718 : i32 to vector<64x128xi32>
      %add3A_747 = arith.addi %add3A_628, %add3A_746 : vector<64x128xi32>
      %lt3A_748 = arith.cmpf olt, %slice3A_727, %slice3A_724 : vector<64x128xf32>
      %select_n3A_749 = arith.select %lt3A_748, %slice3A_727, %slice3A_724 : vector<64x128xi1>, vector<64x128xf32>
      %select_n3A_750 = arith.select %lt3A_748, %slice3A_724, %slice3A_727 : vector<64x128xi1>, vector<64x128xf32>
      %select_n3A_751 = arith.select %lt3A_748, %add3A_729, %add3A_726 : vector<64x128xi1>, vector<64x128xi32>
      %select_n3A_752 = arith.select %lt3A_748, %add3A_726, %add3A_729 : vector<64x128xi1>, vector<64x128xi32>
      %lt3A_753 = arith.cmpf olt, %slice3A_733, %slice3A_730 : vector<64x128xf32>
      %select_n3A_754 = arith.select %lt3A_753, %slice3A_733, %slice3A_730 : vector<64x128xi1>, vector<64x128xf32>
      %select_n3A_755 = arith.select %lt3A_753, %slice3A_730, %slice3A_733 : vector<64x128xi1>, vector<64x128xf32>
      %select_n3A_756 = arith.select %lt3A_753, %add3A_735, %add3A_732 : vector<64x128xi1>, vector<64x128xi32>
      %select_n3A_757 = arith.select %lt3A_753, %add3A_732, %add3A_735 : vector<64x128xi1>, vector<64x128xi32>
      %lt3A_758 = arith.cmpf olt, %select_n3A_754, %select_n3A_749 : vector<64x128xf32>
      %select_n3A_759 = arith.select %lt3A_758, %select_n3A_754, %select_n3A_749 : vector<64x128xi1>, vector<64x128xf32>
      %select_n3A_760 = arith.select %lt3A_758, %select_n3A_749, %select_n3A_754 : vector<64x128xi1>, vector<64x128xf32>
      %select_n3A_761 = arith.select %lt3A_758, %select_n3A_756, %select_n3A_751 : vector<64x128xi1>, vector<64x128xi32>
      %select_n3A_762 = arith.select %lt3A_758, %select_n3A_751, %select_n3A_756 : vector<64x128xi1>, vector<64x128xi32>
      %lt3A_763 = arith.cmpf olt, %select_n3A_755, %select_n3A_750 : vector<64x128xf32>
      %select_n3A_764 = arith.select %lt3A_763, %select_n3A_755, %select_n3A_750 : vector<64x128xi1>, vector<64x128xf32>
      %select_n3A_765 = arith.select %lt3A_763, %select_n3A_750, %select_n3A_755 : vector<64x128xi1>, vector<64x128xf32>
      %select_n3A_766 = arith.select %lt3A_763, %select_n3A_757, %select_n3A_752 : vector<64x128xi1>, vector<64x128xi32>
      %select_n3A_767 = arith.select %lt3A_763, %select_n3A_752, %select_n3A_757 : vector<64x128xi1>, vector<64x128xi32>
      %lt3A_768 = arith.cmpf olt, %select_n3A_764, %select_n3A_760 : vector<64x128xf32>
      %select_n3A_769 = arith.select %lt3A_768, %select_n3A_764, %select_n3A_760 : vector<64x128xi1>, vector<64x128xf32>
      %select_n3A_770 = arith.select %lt3A_768, %select_n3A_760, %select_n3A_764 : vector<64x128xi1>, vector<64x128xf32>
      %select_n3A_771 = arith.select %lt3A_768, %select_n3A_766, %select_n3A_762 : vector<64x128xi1>, vector<64x128xi32>
      %select_n3A_772 = arith.select %lt3A_768, %select_n3A_762, %select_n3A_766 : vector<64x128xi1>, vector<64x128xi32>
      %lt3A_773 = arith.cmpf olt, %slice3A_739, %slice3A_736 : vector<64x128xf32>
      %select_n3A_774 = arith.select %lt3A_773, %slice3A_739, %slice3A_736 : vector<64x128xi1>, vector<64x128xf32>
      %select_n3A_775 = arith.select %lt3A_773, %slice3A_736, %slice3A_739 : vector<64x128xi1>, vector<64x128xf32>
      %select_n3A_776 = arith.select %lt3A_773, %add3A_741, %add3A_738 : vector<64x128xi1>, vector<64x128xi32>
      %select_n3A_777 = arith.select %lt3A_773, %add3A_738, %add3A_741 : vector<64x128xi1>, vector<64x128xi32>
      %lt3A_778 = arith.cmpf olt, %slice3A_745, %slice3A_742 : vector<64x128xf32>
      %select_n3A_779 = arith.select %lt3A_778, %slice3A_745, %slice3A_742 : vector<64x128xi1>, vector<64x128xf32>
      %select_n3A_780 = arith.select %lt3A_778, %slice3A_742, %slice3A_745 : vector<64x128xi1>, vector<64x128xf32>
      %select_n3A_781 = arith.select %lt3A_778, %add3A_747, %add3A_744 : vector<64x128xi1>, vector<64x128xi32>
      %select_n3A_782 = arith.select %lt3A_778, %add3A_744, %add3A_747 : vector<64x128xi1>, vector<64x128xi32>
      %lt3A_783 = arith.cmpf olt, %select_n3A_779, %select_n3A_774 : vector<64x128xf32>
      %select_n3A_784 = arith.select %lt3A_783, %select_n3A_779, %select_n3A_774 : vector<64x128xi1>, vector<64x128xf32>
      %select_n3A_785 = arith.select %lt3A_783, %select_n3A_774, %select_n3A_779 : vector<64x128xi1>, vector<64x128xf32>
      %select_n3A_786 = arith.select %lt3A_783, %select_n3A_781, %select_n3A_776 : vector<64x128xi1>, vector<64x128xi32>
      %select_n3A_787 = arith.select %lt3A_783, %select_n3A_776, %select_n3A_781 : vector<64x128xi1>, vector<64x128xi32>
      %lt3A_788 = arith.cmpf olt, %select_n3A_780, %select_n3A_775 : vector<64x128xf32>
      %select_n3A_789 = arith.select %lt3A_788, %select_n3A_780, %select_n3A_775 : vector<64x128xi1>, vector<64x128xf32>
      %select_n3A_790 = arith.select %lt3A_788, %select_n3A_775, %select_n3A_780 : vector<64x128xi1>, vector<64x128xf32>
      %select_n3A_791 = arith.select %lt3A_788, %select_n3A_782, %select_n3A_777 : vector<64x128xi1>, vector<64x128xi32>
      %select_n3A_792 = arith.select %lt3A_788, %select_n3A_777, %select_n3A_782 : vector<64x128xi1>, vector<64x128xi32>
      %lt3A_793 = arith.cmpf olt, %select_n3A_789, %select_n3A_785 : vector<64x128xf32>
      %select_n3A_794 = arith.select %lt3A_793, %select_n3A_789, %select_n3A_785 : vector<64x128xi1>, vector<64x128xf32>
      %select_n3A_795 = arith.select %lt3A_793, %select_n3A_785, %select_n3A_789 : vector<64x128xi1>, vector<64x128xf32>
      %select_n3A_796 = arith.select %lt3A_793, %select_n3A_791, %select_n3A_787 : vector<64x128xi1>, vector<64x128xi32>
      %select_n3A_797 = arith.select %lt3A_793, %select_n3A_787, %select_n3A_791 : vector<64x128xi1>, vector<64x128xi32>
      %lt3A_798 = arith.cmpf olt, %select_n3A_790, %select_n3A_759 : vector<64x128xf32>
      %min3A = arith.minimumf %select_n3A_759, %select_n3A_790 : vector<64x128xf32>
      %select_n3A_799 = arith.select %lt3A_798, %select_n3A_792, %select_n3A_761 : vector<64x128xi1>, vector<64x128xi32>
      %lt3A_800 = arith.cmpf olt, %select_n3A_795, %select_n3A_769 : vector<64x128xf32>
      %min3A_801 = arith.minimumf %select_n3A_769, %select_n3A_795 : vector<64x128xf32>
      %select_n3A_802 = arith.select %lt3A_800, %select_n3A_797, %select_n3A_771 : vector<64x128xi1>, vector<64x128xi32>
      %lt3A_803 = arith.cmpf olt, %select_n3A_794, %select_n3A_770 : vector<64x128xf32>
      %min3A_804 = arith.minimumf %select_n3A_770, %select_n3A_794 : vector<64x128xf32>
      %select_n3A_805 = arith.select %lt3A_803, %select_n3A_796, %select_n3A_772 : vector<64x128xi1>, vector<64x128xi32>
      %lt3A_806 = arith.cmpf olt, %select_n3A_784, %select_n3A_765 : vector<64x128xf32>
      %min3A_807 = arith.minimumf %select_n3A_765, %select_n3A_784 : vector<64x128xf32>
      %select_n3A_808 = arith.select %lt3A_806, %select_n3A_786, %select_n3A_767 : vector<64x128xi1>, vector<64x128xi32>
      %lt3A_809 = arith.cmpf olt, %min3A_804, %min3A : vector<64x128xf32>
      %select_n3A_810 = arith.select %lt3A_809, %min3A_804, %min3A : vector<64x128xi1>, vector<64x128xf32>
      %select_n3A_811 = arith.select %lt3A_809, %min3A, %min3A_804 : vector<64x128xi1>, vector<64x128xf32>
      %select_n3A_812 = arith.select %lt3A_809, %select_n3A_805, %select_n3A_799 : vector<64x128xi1>, vector<64x128xi32>
      %select_n3A_813 = arith.select %lt3A_809, %select_n3A_799, %select_n3A_805 : vector<64x128xi1>, vector<64x128xi32>
      %lt3A_814 = arith.cmpf olt, %min3A_807, %min3A_801 : vector<64x128xf32>
      %select_n3A_815 = arith.select %lt3A_814, %min3A_807, %min3A_801 : vector<64x128xi1>, vector<64x128xf32>
      %select_n3A_816 = arith.select %lt3A_814, %min3A_801, %min3A_807 : vector<64x128xi1>, vector<64x128xf32>
      %select_n3A_817 = arith.select %lt3A_814, %select_n3A_808, %select_n3A_802 : vector<64x128xi1>, vector<64x128xi32>
      %select_n3A_818 = arith.select %lt3A_814, %select_n3A_802, %select_n3A_808 : vector<64x128xi1>, vector<64x128xi32>
      %lt3A_819 = arith.cmpf olt, %select_n3A_815, %select_n3A_810 : vector<64x128xf32>
      %select_n3A_820 = arith.select %lt3A_819, %select_n3A_815, %select_n3A_810 : vector<64x128xi1>, vector<64x128xf32>
      %select_n3A_821 = arith.select %lt3A_819, %select_n3A_810, %select_n3A_815 : vector<64x128xi1>, vector<64x128xf32>
      %select_n3A_822 = arith.select %lt3A_819, %select_n3A_817, %select_n3A_812 : vector<64x128xi1>, vector<64x128xi32>
      %select_n3A_823 = arith.select %lt3A_819, %select_n3A_812, %select_n3A_817 : vector<64x128xi1>, vector<64x128xi32>
      %lt3A_824 = arith.cmpf olt, %select_n3A_816, %select_n3A_811 : vector<64x128xf32>
      %select_n3A_825 = arith.select %lt3A_824, %select_n3A_816, %select_n3A_811 : vector<64x128xi1>, vector<64x128xf32>
      %select_n3A_826 = arith.select %lt3A_824, %select_n3A_811, %select_n3A_816 : vector<64x128xi1>, vector<64x128xf32>
      %select_n3A_827 = arith.select %lt3A_824, %select_n3A_818, %select_n3A_813 : vector<64x128xi1>, vector<64x128xi32>
      %select_n3A_828 = arith.select %lt3A_824, %select_n3A_813, %select_n3A_818 : vector<64x128xi1>, vector<64x128xi32>
      %lt3A_829 = arith.cmpf olt, %select_n3A_826, %scan3A_709 : vector<64x128xf32>
      %min3A_830 = arith.minimumf %scan3A_709, %select_n3A_826 : vector<64x128xf32>
      %select_n3A_831 = arith.select %lt3A_829, %select_n3A_828, %scan3A_710 : vector<64x128xi1>, vector<64x128xi32>
      %lt3A_832 = arith.cmpf olt, %select_n3A_825, %scan3A_711 : vector<64x128xf32>
      %min3A_833 = arith.minimumf %scan3A_711, %select_n3A_825 : vector<64x128xf32>
      %select_n3A_834 = arith.select %lt3A_832, %select_n3A_827, %scan3A_712 : vector<64x128xi1>, vector<64x128xi32>
      %lt3A_835 = arith.cmpf olt, %select_n3A_821, %scan3A_713 : vector<64x128xf32>
      %min3A_836 = arith.minimumf %scan3A_713, %select_n3A_821 : vector<64x128xf32>
      %select_n3A_837 = arith.select %lt3A_835, %select_n3A_823, %scan3A_714 : vector<64x128xi1>, vector<64x128xi32>
      %lt3A_838 = arith.cmpf olt, %select_n3A_820, %scan3A_715 : vector<64x128xf32>
      %min3A_839 = arith.minimumf %scan3A_715, %select_n3A_820 : vector<64x128xf32>
      %select_n3A_840 = arith.select %lt3A_838, %select_n3A_822, %scan3A_716 : vector<64x128xi1>, vector<64x128xi32>
      %lt3A_841 = arith.cmpf olt, %min3A_830, %scan3A_701 : vector<64x128xf32>
      %select_n3A_842 = arith.select %lt3A_841, %min3A_830, %scan3A_701 : vector<64x128xi1>, vector<64x128xf32>
      %select_n3A_843 = arith.select %lt3A_841, %scan3A_701, %min3A_830 : vector<64x128xi1>, vector<64x128xf32>
      %select_n3A_844 = arith.select %lt3A_841, %select_n3A_831, %scan3A_702 : vector<64x128xi1>, vector<64x128xi32>
      %select_n3A_845 = arith.select %lt3A_841, %scan3A_702, %select_n3A_831 : vector<64x128xi1>, vector<64x128xi32>
      %lt3A_846 = arith.cmpf olt, %min3A_833, %scan3A_703 : vector<64x128xf32>
      %select_n3A_847 = arith.select %lt3A_846, %min3A_833, %scan3A_703 : vector<64x128xi1>, vector<64x128xf32>
      %select_n3A_848 = arith.select %lt3A_846, %scan3A_703, %min3A_833 : vector<64x128xi1>, vector<64x128xf32>
      %select_n3A_849 = arith.select %lt3A_846, %select_n3A_834, %scan3A_704 : vector<64x128xi1>, vector<64x128xi32>
      %select_n3A_850 = arith.select %lt3A_846, %scan3A_704, %select_n3A_834 : vector<64x128xi1>, vector<64x128xi32>
      %lt3A_851 = arith.cmpf olt, %min3A_836, %scan3A_705 : vector<64x128xf32>
      %select_n3A_852 = arith.select %lt3A_851, %min3A_836, %scan3A_705 : vector<64x128xi1>, vector<64x128xf32>
      %select_n3A_853 = arith.select %lt3A_851, %scan3A_705, %min3A_836 : vector<64x128xi1>, vector<64x128xf32>
      %select_n3A_854 = arith.select %lt3A_851, %select_n3A_837, %scan3A_706 : vector<64x128xi1>, vector<64x128xi32>
      %select_n3A_855 = arith.select %lt3A_851, %scan3A_706, %select_n3A_837 : vector<64x128xi1>, vector<64x128xi32>
      %lt3A_856 = arith.cmpf olt, %min3A_839, %scan3A_707 : vector<64x128xf32>
      %select_n3A_857 = arith.select %lt3A_856, %min3A_839, %scan3A_707 : vector<64x128xi1>, vector<64x128xf32>
      %select_n3A_858 = arith.select %lt3A_856, %scan3A_707, %min3A_839 : vector<64x128xi1>, vector<64x128xf32>
      %select_n3A_859 = arith.select %lt3A_856, %select_n3A_840, %scan3A_708 : vector<64x128xi1>, vector<64x128xi32>
      %select_n3A_860 = arith.select %lt3A_856, %scan3A_708, %select_n3A_840 : vector<64x128xi1>, vector<64x128xi32>
      %lt3A_861 = arith.cmpf olt, %select_n3A_852, %select_n3A_842 : vector<64x128xf32>
      %select_n3A_862 = arith.select %lt3A_861, %select_n3A_852, %select_n3A_842 : vector<64x128xi1>, vector<64x128xf32>
      %select_n3A_863 = arith.select %lt3A_861, %select_n3A_842, %select_n3A_852 : vector<64x128xi1>, vector<64x128xf32>
      %select_n3A_864 = arith.select %lt3A_861, %select_n3A_854, %select_n3A_844 : vector<64x128xi1>, vector<64x128xi32>
      %select_n3A_865 = arith.select %lt3A_861, %select_n3A_844, %select_n3A_854 : vector<64x128xi1>, vector<64x128xi32>
      %lt3A_866 = arith.cmpf olt, %select_n3A_857, %select_n3A_847 : vector<64x128xf32>
      %select_n3A_867 = arith.select %lt3A_866, %select_n3A_857, %select_n3A_847 : vector<64x128xi1>, vector<64x128xf32>
      %select_n3A_868 = arith.select %lt3A_866, %select_n3A_847, %select_n3A_857 : vector<64x128xi1>, vector<64x128xf32>
      %select_n3A_869 = arith.select %lt3A_866, %select_n3A_859, %select_n3A_849 : vector<64x128xi1>, vector<64x128xi32>
      %select_n3A_870 = arith.select %lt3A_866, %select_n3A_849, %select_n3A_859 : vector<64x128xi1>, vector<64x128xi32>
      %lt3A_871 = arith.cmpf olt, %select_n3A_853, %select_n3A_843 : vector<64x128xf32>
      %select_n3A_872 = arith.select %lt3A_871, %select_n3A_853, %select_n3A_843 : vector<64x128xi1>, vector<64x128xf32>
      %select_n3A_873 = arith.select %lt3A_871, %select_n3A_843, %select_n3A_853 : vector<64x128xi1>, vector<64x128xf32>
      %select_n3A_874 = arith.select %lt3A_871, %select_n3A_855, %select_n3A_845 : vector<64x128xi1>, vector<64x128xi32>
      %select_n3A_875 = arith.select %lt3A_871, %select_n3A_845, %select_n3A_855 : vector<64x128xi1>, vector<64x128xi32>
      %lt3A_876 = arith.cmpf olt, %select_n3A_858, %select_n3A_848 : vector<64x128xf32>
      %select_n3A_877 = arith.select %lt3A_876, %select_n3A_858, %select_n3A_848 : vector<64x128xi1>, vector<64x128xf32>
      %select_n3A_878 = arith.select %lt3A_876, %select_n3A_848, %select_n3A_858 : vector<64x128xi1>, vector<64x128xf32>
      %select_n3A_879 = arith.select %lt3A_876, %select_n3A_860, %select_n3A_850 : vector<64x128xi1>, vector<64x128xi32>
      %select_n3A_880 = arith.select %lt3A_876, %select_n3A_850, %select_n3A_860 : vector<64x128xi1>, vector<64x128xi32>
      %lt3A_881 = arith.cmpf olt, %select_n3A_867, %select_n3A_862 : vector<64x128xf32>
      %select_n3A_882 = arith.select %lt3A_881, %select_n3A_867, %select_n3A_862 : vector<64x128xi1>, vector<64x128xf32>
      %select_n3A_883 = arith.select %lt3A_881, %select_n3A_862, %select_n3A_867 : vector<64x128xi1>, vector<64x128xf32>
      %select_n3A_884 = arith.select %lt3A_881, %select_n3A_869, %select_n3A_864 : vector<64x128xi1>, vector<64x128xi32>
      %select_n3A_885 = arith.select %lt3A_881, %select_n3A_864, %select_n3A_869 : vector<64x128xi1>, vector<64x128xi32>
      %lt3A_886 = arith.cmpf olt, %select_n3A_868, %select_n3A_863 : vector<64x128xf32>
      %select_n3A_887 = arith.select %lt3A_886, %select_n3A_868, %select_n3A_863 : vector<64x128xi1>, vector<64x128xf32>
      %select_n3A_888 = arith.select %lt3A_886, %select_n3A_863, %select_n3A_868 : vector<64x128xi1>, vector<64x128xf32>
      %select_n3A_889 = arith.select %lt3A_886, %select_n3A_870, %select_n3A_865 : vector<64x128xi1>, vector<64x128xi32>
      %select_n3A_890 = arith.select %lt3A_886, %select_n3A_865, %select_n3A_870 : vector<64x128xi1>, vector<64x128xi32>
      %lt3A_891 = arith.cmpf olt, %select_n3A_877, %select_n3A_872 : vector<64x128xf32>
      %select_n3A_892 = arith.select %lt3A_891, %select_n3A_877, %select_n3A_872 : vector<64x128xi1>, vector<64x128xf32>
      %select_n3A_893 = arith.select %lt3A_891, %select_n3A_872, %select_n3A_877 : vector<64x128xi1>, vector<64x128xf32>
      %select_n3A_894 = arith.select %lt3A_891, %select_n3A_879, %select_n3A_874 : vector<64x128xi1>, vector<64x128xi32>
      %select_n3A_895 = arith.select %lt3A_891, %select_n3A_874, %select_n3A_879 : vector<64x128xi1>, vector<64x128xi32>
      %lt3A_896 = arith.cmpf olt, %select_n3A_878, %select_n3A_873 : vector<64x128xf32>
      %select_n3A_897 = arith.select %lt3A_896, %select_n3A_878, %select_n3A_873 : vector<64x128xi1>, vector<64x128xf32>
      %select_n3A_898 = arith.select %lt3A_896, %select_n3A_873, %select_n3A_878 : vector<64x128xi1>, vector<64x128xf32>
      %select_n3A_899 = arith.select %lt3A_896, %select_n3A_880, %select_n3A_875 : vector<64x128xi1>, vector<64x128xi32>
      %select_n3A_900 = arith.select %lt3A_896, %select_n3A_875, %select_n3A_880 : vector<64x128xi1>, vector<64x128xi32>
      scf.yield %select_n3A_882, %select_n3A_884, %select_n3A_883, %select_n3A_885, %select_n3A_887, %select_n3A_889, %select_n3A_888, %select_n3A_890, %select_n3A_892, %select_n3A_894, %select_n3A_893, %select_n3A_895, %select_n3A_897, %select_n3A_899, %select_n3A_898, %select_n3A_900 : vector<64x128xf32>, vector<64x128xi32>, vector<64x128xf32>, vector<64x128xi32>, vector<64x128xf32>, vector<64x128xi32>, vector<64x128xf32>, vector<64x128xi32>, vector<64x128xf32>, vector<64x128xi32>, vector<64x128xf32>, vector<64x128xi32>, vector<64x128xf32>, vector<64x128xi32>, vector<64x128xf32>, vector<64x128xi32>
    }
    %scan3A_662 = arith.constant 32 : i32
    %broadcast_in_dim3A_663 = arith.constant 0.000000e+00 : f32
    %broadcast_in_dim3A_664 = vector.broadcast %broadcast_in_dim3A_663 : f32 to vector<64x32xf32>
    %broadcast_in_dim3A_665 = arith.constant 0 : i32
    %broadcast_in_dim3A_666 = vector.broadcast %broadcast_in_dim3A_665 : i32 to vector<64x32xi32>
    %scan3A_667 = arith.constant 0 : i32
    %scan3A_668 = arith.constant 24 : i32
    %scan3A_669 = arith.addi %scan3A_667, %scan3A_668 : i32
    %scan3A_670 = arith.constant 1 : i32
    %scan3A_671:18 = scf.for %scan3A_700 = %scan3A_667 to %scan3A_669 step %scan3A_670 iter_args(%scan3A_701 = %scan3A_661#0, %scan3A_702 = %scan3A_661#1, %scan3A_703 = %scan3A_661#2, %scan3A_704 = %scan3A_661#3, %scan3A_705 = %scan3A_661#4, %scan3A_706 = %scan3A_661#5, %scan3A_707 = %scan3A_661#6, %scan3A_708 = %scan3A_661#7, %scan3A_709 = %scan3A_661#8, %scan3A_710 = %scan3A_661#9, %scan3A_711 = %scan3A_661#10, %scan3A_712 = %scan3A_661#11, %scan3A_713 = %scan3A_661#12, %scan3A_714 = %scan3A_661#13, %scan3A_715 = %scan3A_661#14, %scan3A_716 = %scan3A_661#15, %scan3A_717 = %broadcast_in_dim3A_664, %scan3A_718 = %broadcast_in_dim3A_666) -> (vector<64x128xf32>, vector<64x128xi32>, vector<64x128xf32>, vector<64x128xi32>, vector<64x128xf32>, vector<64x128xi32>, vector<64x128xf32>, vector<64x128xi32>, vector<64x128xf32>, vector<64x128xi32>, vector<64x128xf32>, vector<64x128xi32>, vector<64x128xf32>, vector<64x128xi32>, vector<64x128xf32>, vector<64x128xi32>, vector<64x32xf32>, vector<64x32xi32>)  : i32 {
      %reduce_min3A = arith.constant dense<0x7F800000> : vector<64xf32>
      %reduce_min3A_719 = vector.multi_reduction <minimumf>, %scan3A_701, %reduce_min3A [1] : vector<64x128xf32> to vector<64xf32>
      %broadcast_in_dim3A_720 = vector.shape_cast %reduce_min3A_719 : vector<64xf32> to vector<64x1xf32>
      %eq3A = vector.broadcast %broadcast_in_dim3A_720 : vector<64x1xf32> to vector<64x128xf32>
      %eq3A_721 = arith.cmpf oeq, %scan3A_701, %eq3A : vector<64x128xf32>
      %broadcast_in_dim3A_722 = vector.broadcast %scan3A_630 : i32 to vector<64x128xi32>
      %select_n3A_723 = arith.select %eq3A_721, %scan3A_702, %broadcast_in_dim3A_722 : vector<64x128xi1>, vector<64x128xi32>
      %reduce_min3A_724 = arith.constant dense<2147483647> : vector<64xi32>
      %reduce_min3A_725 = vector.multi_reduction <minsi>, %select_n3A_723, %reduce_min3A_724 [1] : vector<64x128xi32> to vector<64xi32>
      %broadcast_in_dim3A_726 = vector.shape_cast %reduce_min3A_725 : vector<64xi32> to vector<64x1xi32>
      %eq3A_727 = vector.broadcast %scan3A_700 : i32 to vector<64x32xi32>
      %eq3A_728 = arith.cmpi eq, %iota3A_629, %eq3A_727 : vector<64x32xi32>
      %broadcast_in_dim3A_729 = vector.shape_cast %broadcast_in_dim3A_720 : vector<64x1xf32> to vector<64x1xf32>
      %broadcast_in_dim3A_730 = vector.broadcast %broadcast_in_dim3A_729 : vector<64x1xf32> to vector<64x32xf32>
      %select_n3A_731 = arith.select %eq3A_728, %broadcast_in_dim3A_730, %scan3A_717 : vector<64x32xi1>, vector<64x32xf32>
      %eq3A_732 = vector.broadcast %scan3A_700 : i32 to vector<64x32xi32>
      %eq3A_733 = arith.cmpi eq, %iota3A_629, %eq3A_732 : vector<64x32xi32>
      %broadcast_in_dim3A_734 = vector.shape_cast %broadcast_in_dim3A_726 : vector<64x1xi32> to vector<64x1xi32>
      %broadcast_in_dim3A_735 = vector.broadcast %broadcast_in_dim3A_734 : vector<64x1xi32> to vector<64x32xi32>
      %select_n3A_736 = arith.select %eq3A_733, %broadcast_in_dim3A_735, %scan3A_718 : vector<64x32xi1>, vector<64x32xi32>
      %eq3A_737 = vector.broadcast %broadcast_in_dim3A_726 : vector<64x1xi32> to vector<64x128xi32>
      %eq3A_738 = arith.cmpi eq, %select_n3A_723, %eq3A_737 : vector<64x128xi32>
      %select_n3A_739 = arith.select %eq3A_738, %scan3A_703, %scan3A_701 : vector<64x128xi1>, vector<64x128xf32>
      %select_n3A_740 = arith.select %eq3A_738, %scan3A_704, %scan3A_702 : vector<64x128xi1>, vector<64x128xi32>
      %select_n3A_741 = arith.select %eq3A_738, %scan3A_705, %scan3A_703 : vector<64x128xi1>, vector<64x128xf32>
      %select_n3A_742 = arith.select %eq3A_738, %scan3A_706, %scan3A_704 : vector<64x128xi1>, vector<64x128xi32>
      %select_n3A_743 = arith.select %eq3A_738, %scan3A_707, %scan3A_705 : vector<64x128xi1>, vector<64x128xf32>
      %select_n3A_744 = arith.select %eq3A_738, %scan3A_708, %scan3A_706 : vector<64x128xi1>, vector<64x128xi32>
      %select_n3A_745 = arith.select %eq3A_738, %scan3A_709, %scan3A_707 : vector<64x128xi1>, vector<64x128xf32>
      %select_n3A_746 = arith.select %eq3A_738, %scan3A_710, %scan3A_708 : vector<64x128xi1>, vector<64x128xi32>
      %select_n3A_747 = arith.select %eq3A_738, %scan3A_711, %scan3A_709 : vector<64x128xi1>, vector<64x128xf32>
      %select_n3A_748 = arith.select %eq3A_738, %scan3A_712, %scan3A_710 : vector<64x128xi1>, vector<64x128xi32>
      %select_n3A_749 = arith.select %eq3A_738, %scan3A_713, %scan3A_711 : vector<64x128xi1>, vector<64x128xf32>
      %select_n3A_750 = arith.select %eq3A_738, %scan3A_714, %scan3A_712 : vector<64x128xi1>, vector<64x128xi32>
      %select_n3A_751 = arith.select %eq3A_738, %scan3A_715, %scan3A_713 : vector<64x128xi1>, vector<64x128xf32>
      %select_n3A_752 = arith.select %eq3A_738, %scan3A_716, %scan3A_714 : vector<64x128xi1>, vector<64x128xi32>
      %broadcast_in_dim3A_753 = vector.broadcast %scan3A : f32 to vector<64x128xf32>
      %select_n3A_754 = arith.select %eq3A_738, %broadcast_in_dim3A_753, %scan3A_715 : vector<64x128xi1>, vector<64x128xf32>
      %jit3A_755 = arith.constant 0 : i32
      %broadcast_in_dim3A_756 = vector.broadcast %jit3A_755 : i32 to vector<64x128xi32>
      %select_n3A_757 = arith.select %eq3A_738, %broadcast_in_dim3A_756, %scan3A_716 : vector<64x128xi1>, vector<64x128xi32>
      scf.yield %select_n3A_739, %select_n3A_740, %select_n3A_741, %select_n3A_742, %select_n3A_743, %select_n3A_744, %select_n3A_745, %select_n3A_746, %select_n3A_747, %select_n3A_748, %select_n3A_749, %select_n3A_750, %select_n3A_751, %select_n3A_752, %select_n3A_754, %select_n3A_757, %select_n3A_731, %select_n3A_736 : vector<64x128xf32>, vector<64x128xi32>, vector<64x128xf32>, vector<64x128xi32>, vector<64x128xf32>, vector<64x128xi32>, vector<64x128xf32>, vector<64x128xi32>, vector<64x128xf32>, vector<64x128xi32>, vector<64x128xf32>, vector<64x128xi32>, vector<64x128xf32>, vector<64x128xi32>, vector<64x128xf32>, vector<64x128xi32>, vector<64x32xf32>, vector<64x32xi32>
    }
    %scan3A_672 = arith.constant 24 : i32
    %max3A = arith.constant 0.000000e+00 : f32
    %max3A_673 = vector.broadcast %max3A : f32 to vector<64x32xf32>
    %max3A_674 = arith.maximumf %scan3A_671#16, %max3A_673 : vector<64x32xf32>
    %sqrt3A = math.sqrt %max3A_674 : vector<64x32xf32>
    %add3A_675 = arith.constant 1.000000e+00 : f32
    %add3A_676 = vector.broadcast %add3A_675 : f32 to vector<64x32xf32>
    %add3A_677 = arith.addf %add3A_676, %sqrt3A : vector<64x32xf32>
    %div3A = arith.constant 1.000000e+00 : f32
    %div3A_678 = vector.broadcast %div3A : f32 to vector<64x32xf32>
    %div3A_679 = arith.divf %div3A_678, %add3A_677 : vector<64x32xf32>
    %lt3A = arith.constant 24 : i32
    %lt3A_680 = vector.broadcast %lt3A : i32 to vector<64x32xi32>
    %lt3A_681 = arith.cmpi slt, %iota3A_629, %lt3A_680 : vector<64x32xi32>
    %jit3A = arith.constant 0.000000e+00 : f32
    %broadcast_in_dim3A_682 = vector.broadcast %jit3A : f32 to vector<64x32xf32>
    %select_n3A = arith.select %lt3A_681, %div3A_679, %broadcast_in_dim3A_682 : vector<64x32xi1>, vector<64x32xf32>
    %reduce_sum3A = arith.constant dense<0.000000e+00> : vector<64xf32>
    %reduce_sum3A_683 = vector.multi_reduction <add>, %select_n3A, %reduce_sum3A [1] : vector<64x32xf32> to vector<64xf32>
    %broadcast_in_dim3A_684 = vector.shape_cast %reduce_sum3A_683 : vector<64xf32> to vector<64x1xf32>
    %div3A_685 = vector.broadcast %broadcast_in_dim3A_684 : vector<64x1xf32> to vector<64x32xf32>
    %div3A_686 = arith.divf %select_n3A, %div3A_685 : vector<64x32xf32>
    %swap3A_687 = arith.index_cast %mul3A_633 : i32 to index
    %swap3A_688 = arith.constant 0 : index
    %swap3A_689 = vector.load %arg3[%swap3A_687, %swap3A_688] : memref<64x32xf32, #tpu.memory_space<vmem>>, vector<64x32xf32>
    tpu.vector_store %arg3[%swap3A_687, %swap3A_688], %div3A_686 {strides = array<i32>} : memref<64x32xf32, #tpu.memory_space<vmem>>, vector<64x32xf32>,
    %lt3A_690 = arith.constant 24 : i32
    %lt3A_691 = vector.broadcast %lt3A_690 : i32 to vector<64x32xi32>
    %lt3A_692 = arith.cmpi slt, %iota3A_629, %lt3A_691 : vector<64x32xi32>
    %jit3A_693 = arith.constant 0 : i32
    %broadcast_in_dim3A_694 = vector.broadcast %jit3A_693 : i32 to vector<64x32xi32>
    %select_n3A_695 = arith.select %lt3A_692, %scan3A_671#17, %broadcast_in_dim3A_694 : vector<64x32xi1>, vector<64x32xi32>
    %swap3A_696 = arith.index_cast %mul3A_633 : i32 to index
    %swap3A_697 = arith.constant 0 : index
    %swap3A_698 = vector.load %arg4[%swap3A_696, %swap3A_697] : memref<64x32xi32, #tpu.memory_space<vmem>>, vector<64x32xi32>
    tpu.vector_store %arg4[%swap3A_696, %swap3A_697], %select_n3A_695 {strides = array<i32>} : memref<64x32xi32, #tpu.memory_space<vmem>>, vector<64x32xi32>,
    %scan3A_699 = arith.constant 1 : i32
    return
  }
  func.func @transform_0(%arg0: i32) -> (i32, i32) {
    %c0_i32 = arith.constant 0 : i32
    %c0_i32_0 = arith.constant 0 : i32
    return %arg0, %c0_i32 : i32, i32
  }
  func.func @transform_1(%arg0: i32) -> (i32, i32) {
    %c0_i32 = arith.constant 0 : i32
    %c0_i32_0 = arith.constant 0 : i32
    %c0_i32_1 = arith.constant 0 : i32
    return %c0_i32, %c0_i32_0 : i32, i32
  }
  func.func @transform_2(%arg0: i32) -> (i32, i32) {
    %c0_i32 = arith.constant 0 : i32
    %c0_i32_0 = arith.constant 0 : i32
    return %arg0, %c0_i32 : i32, i32
  }
  func.func @transform_3(%arg0: i32) -> (i32, i32) {
    %c0_i32 = arith.constant 0 : i32
    %c0_i32_0 = arith.constant 0 : i32
    return %arg0, %c0_i32 : i32, i32
  }
}

</mosaic_0001>

<sc_bundles>
// kernel: kernel.4.cloned.1.call-start
scs
__scs_entry_jumppad:
0x0: {  	(pc) =	sbr.rel $0x88, $3  }
0x1: {  	(tag) =	ssettag $0x0;
	lr =	simm.s32 $0x1  }
0x2: {  	[smem:$0x3F9E] =	sst lr;
	_ =	strace $0xD0000000  }
0x3: {  	_ = 	snop  }
0x4: {  	_ = 	snop  }
0x5: {  	_ = 	snop  }
0x6: {  	_ = 	snop  }
0x7: {  	_ = 	snop  }
__scs_overlays_trampoline_lowered:
0x8: {  	[smem:$0x3FAD] =	sst s0  }
0x9: {  	[smem:$0x3FAE] =	sst s1  }
0xa: {  	[smem:$0x3FAF] =	sst s2  }
0xb: {  	[smem:$0x3FB0] =	sst s3  }
0xc: {  	[smem:$0x3FB1] =	sst s4  }
0xd: {  	[smem:$0x3FB2] =	sst s5  }
0xe: {  	[smem:$0x3FB3] =	sst s6  }
0xf: {  	[smem:$0x3FB4] =	sst s7  }
0x10: {  	[smem:$0x3FB5] =	sst s8  }
0x11: {  	[smem:$0x3FB6] =	sst s9;
	s0 =	simm.s32 @!p0 $0x0  }
0x12: {  	s1 =	sld [smem:$0x3F9C];
	s0 =	simm.s32 @p0 $0x1  }
0x13: {  	[smem:$0x3FB7] =	sst s0;
	s0 =	simm.s32 @!p1 $0x0  }
0x14: {  	s2 =	sld [smem:$0x3F9B];
	s0 =	simm.s32 @p1 $0x1  }
0x15: {  	[smem:$0x3FB8] =	sst s0;
	s0 =	simm.s32 @!p2 $0x0  }
0x16: {  	s3 =	sld [smem:$0x3FDB];
	s0 =	simm.s32 @p2 $0x1  }
0x17: {  	s4 =	simm.s32 $0x1BF5;
	[smem:$0x3FBA] =	sst s0  }
0x18: {  	s0 =	sld [smem:$0x3F9D];
	_ =	swait.ge [sflag:s4], $0x0  }
0x19: {  	s7 =	sld [smem:$0x3F9E]  }
0x1a: {  	s8 =	sadd.s32 $0xFFFFE003, lr  }
0x1b: {  	s9 =	sadd.s32 $0xFFFFFEF7, lr;
	s5 =	simm.s32 $0xFFFFFFFF;
	p2 =	slt.u32 s8, $0xFFFFF086  }
0x1c: {  	p1 =	slt.u32 s9, $0xF7A;
	s5 =	simm.s32 @!p2 $0x0  }
0x1d: {  	s5 =	simm.s32 @p1 $0x1;
	p0 =	seq.s32 s7, s2  }
0x1e: {  	s7 =	smul.u32 @!p0 $0xF7A, s2;
	p2 =	seq.s32 @!p0 s5, $0x0  }
0x1f: {  	s9 =	smul.u32 $0xF7A, s1;
	s8 =	simm.s32 @!p0 $0x1BF5;
	p2 =	por !p2, p0  }
0x20: {  	[sflag:s8] =	ssyncset.s32 @!p0 $0xFFFFF086;
	s6 =	sadd.s32 @!p0 s3, s7;
	s7 =	simm.s32 @!p0 $0x108  }
0x21: {  	s3 =	sadd.s32 s3, s9;
	s6 =	sadd.s32 @!p0 $0x88, s6;
	s7 =	simm.s32 @p2 $0x1082  }
0x22: {  	[simem:s7], [sflag:s8] =	dma.local @!p0 [hbm:s6], $0xF7A  }
0x23: {  	s9 =	sor.u32 $0xD0000000, s2;
	s6 =	simm.s32 $0x108;
	_ =	swait.ge @!p0 [sflag:s8], $0x0  }
0x24: {  	s3 =	sadd.s32 $0x88, s3;
	s6 =	simm.s32 @!p1 $0x1082;
	[sflag:s4] =	ssyncset.s32 $0xFFFFF086  }
0x25: {  	[simem:s6], [sflag:s4] =	dma.local [hbm:s3], $0xF7A  }
0x26: {  	[smem:$0x3F9E] =	sst s1;
	(tag) =	ssettag s2;
	_ =	strace s9  }
0x27: {  	s1 =	sld [smem:$0x3FAE]  }
0x28: {  	s2 =	sld [smem:$0x3FAF]  }
0x29: {  	s4 =	sld [smem:$0x3FB1]  }
0x2a: {  	p0 =	seq.s32 s5, $0x0;
	s5 =	sld [smem:$0x3FB2]  }
0x2b: {  	s6 =	sld [smem:$0x3FB3]  }
0x2c: {  	s7 =	sld [smem:$0x3FB4]  }
0x2d: {  	s3 =	simm.s32 $0x108;
	s8 =	sld [smem:$0x3FB5]  }
0x2e: {  	s3 =	simm.s32 @!p0 $0x1082;
	s9 =	sld [smem:$0x3FB6]  }
0x2f: {  	lr =	sadd.s32 s0, s3;
	s0 =	sld [smem:$0x3FAD]  }
0x30: {  	s3 =	sld [smem:$0x3FB0]  }
0x31: {  	[smem:$0x3FB9] =	sst s10  }
0x32: {  	s10 =	sld [smem:$0x3FB7];
	_ =	sdelay $0x3  }
0x33: {  	p0 =	seq.s32 s10, $0x1;
	s10 =	sld [smem:$0x3FB9];
	_ =	sdelay $0x3  }
0x34: {  	[smem:$0x3FB9] =	sst s10  }
0x35: {  	s10 =	sld [smem:$0x3FB8];
	_ =	sdelay $0x3  }
0x36: {  	p1 =	seq.s32 s10, $0x1;
	s10 =	sld [smem:$0x3FB9];
	_ =	sdelay $0x3  }
0x37: {  	[smem:$0x3FB9] =	sst s10  }
0x38: {  	s10 =	sld [smem:$0x3FBA]  }
0x39: {  	_ = 	snop;
	(pc) =	sbr.ind lr, $3  }
0x3a: {  	_ = 	snop  }
0x3b: {  	_ = 	snop  }
0x3c: {  	p2 =	seq.s32 s10, $0x1;
	s10 =	sld [smem:$0x3FB9]  }
0x3d: {  	_ =	shalt  }
0x3e: {  	_ =	shalt  }
0x3f: {  	_ =	shalt  }
0x40: {  	_ =	shalt  }
0x41: {  	_ =	shalt  }
0x42: {  	_ =	shalt  }
0x43: {  	_ =	shalt  }
0x44: {  	_ =	shalt  }
0x45: {  	_ =	shalt  }
0x46: {  	_ =	shalt  }
0x47: {  	_ =	shalt  }
0x48: {  	_ =	shalt  }
0x49: {  	_ =	shalt  }
0x4a: {  	_ =	shalt  }
0x4b: {  	_ =	shalt  }
0x4c: {  	_ =	shalt  }
0x4d: {  	_ =	shalt  }
0x4e: {  	_ =	shalt  }
0x4f: {  	_ =	shalt  }
0x50: {  	_ =	shalt  }
0x51: {  	_ =	shalt  }
0x52: {  	_ =	shalt  }
0x53: {  	_ =	shalt  }
0x54: {  	_ =	shalt  }
0x55: {  	_ =	shalt  }
0x56: {  	_ =	shalt  }
0x57: {  	_ =	shalt  }
0x58: {  	_ =	shalt  }
0x59: {  	_ =	shalt  }
0x5a: {  	_ =	shalt  }
0x5b: {  	_ =	shalt  }
0x5c: {  	_ =	shalt  }
0x5d: {  	_ =	shalt  }
0x5e: {  	_ =	shalt  }
0x5f: {  	_ =	shalt  }
0x60: {  	_ =	shalt  }
0x61: {  	_ =	shalt  }
0x62: {  	_ =	shalt  }
0x63: {  	_ =	shalt  }
0x64: {  	_ =	shalt  }
0x65: {  	_ =	shalt  }
0x66: {  	_ =	shalt  }
0x67: {  	_ =	shalt  }
0x68: {  	_ =	shalt  }
0x69: {  	_ =	shalt  }
0x6a: {  	_ =	shalt  }
0x6b: {  	_ =	shalt  }
0x6c: {  	_ =	shalt  }
0x6d: {  	_ =	shalt  }
0x6e: {  	_ =	shalt  }
0x6f: {  	_ =	shalt  }
0x70: {  	_ =	shalt  }
0x71: {  	_ =	shalt  }
0x72: {  	_ =	shalt  }
0x73: {  	_ =	shalt  }
0x74: {  	_ =	shalt  }
0x75: {  	_ =	shalt  }
0x76: {  	_ =	shalt  }
0x77: {  	_ =	shalt  }
0x78: {  	_ =	shalt  }
0x79: {  	_ =	shalt  }
0x7a: {  	_ =	shalt  }
0x7b: {  	_ =	shalt  }
0x7c: {  	_ =	shalt  }
0x7d: {  	_ =	shalt  }
0x7e: {  	_ =	shalt  }
0x7f: {  	_ =	shalt  }
0x80: {  	_ =	shalt  }
0x81: {  	_ =	shalt  }
0x82: {  	_ =	shalt  }
0x83: {  	_ =	shalt  }
0x84: {  	_ =	shalt  }
0x85: {  	_ =	shalt  }
0x86: {  	_ =	shalt  }
0x87: {  	_ =	shalt  }
.Lfunc_end0:
.L_simem_size_0:
called_computation_lowered:
.L_overlay_start_0:
0x88: {  	s2 =	sld [smem:$0x3FD9]  }
0x89: {  	s3 =	sld [smem:$0x3FFE];
	_ =	sdelay $0x1  }
0x8a: {  	s1 =	srdreg.scid  }
0x8b: {  	s0 =	sand.u32 $0x1, s1  }
0x8c: {  	s17 =	sshll.u32 s0, $0xA;
	s2 =	sadd.s32 s3, s2  }
0x8d: {  	s2 =	sadd.s32 s2, s17  }
0x8e: {  	[smem:$0x3FC5] =	sst s2  }
0x8f: {  	_ = 	snop  }
0x90: {  	s2 =	sld [smem:$0x3FC7]  }
0x91: {  	s18 =	sld [smem:$0x3FD0];
	(tm) =	ssettm $0x1  }
0x92: {  	s4 =	sld [smem:$0x3FFB];
	_ =	sdelay $0x3  }
0x93: {  	_ =	strace s4  }
0x94: {  	s4 =	sld [smem:$0x3FFC];
	_ =	sdelay $0x3  }
0x95: {  	_ =	strace s4  }
0x96: {  	s4 =	sld [smem:$0x3FFD];
	_ =	sdelay $0x3  }
0x97: {  	_ =	strace s4  }
0x98: {  	_ =	strace $0x8FFFFFFF  }
0x99: {  	s19 =	sld [smem:$0x3FDB];
	_ =	sdelay $0x1  }
0x9a: {  	s5 =	simm.s32 $_scs_section_size  }
0x9b: {  	s6 =	simm.s32 $_size__tile_overlayer_lowered;
	s7 =	simm.s32 $_tile_overlayer_lowered  }
0x9c: {  	s22 =	simm.s32 $0x1BFF;
	s21 =	sshll.u32 s7, $0x1;
	s4 =	sadd.s32 s5, s19  }
0x9d: {  	s8 =	simm.s32 $0x0;
	s20 =	sshll.u32 s6, $0x1;
	s6 =	sadd.s32 s21, s4  }
0x9e: {  	[timem:s8], [sflag:s22] =	dma.local [hbm:s6], s20  }
0x9f: {  	_ =	swait.ge [sflag:s22], s20  }
0xa0: {  	s5 =	ssub.s32 $0x0, s20;
	[sflag:s22] =	ssyncset.done $0x0  }
0xa1: {  	[sflag:s22] =	ssyncadd.s32 s5;
	_ =	sdelay $0x1  }
0xa2: {  	s23 =	simm.s32 $0x1B8B  }
0xa3: {  	_ =	swait.ge [sflag:s23], $0x1  }
0xa4: {  	[sflag:s23] =	ssyncset.done $0x0  }
0xa5: {  	s25 =	simm.s32 $0x1B8E;
	s24 =	sld [smem:$0x3FFE];
	[sflag:s23] =	ssyncadd.s32 $0xFFFFFFFF  }
0xa6: {  	s26 =	simm.s32 $execute0_lowered;
	[smem:$0x3FD2] =	sst s25  }
0xa7: {  	s6 =	sshll.u32 s26, $0x1;
	_ =	strace $0x80000046;
	[dreg:$0x1] =	wrdreg $0xFFFFFFFF  }
0xa8: {  	s28 =	simm.s32 $_size_execute0_lowered;
	s4 =	sadd.s32 s4, s6;
	[dreg:$0x0] =	wrdreg $0x0  }
0xa9: {  	s6 =	sshll.u32 s28, $0x1;
	[dreg:$0x2] =	wrdreg s4  }
0xaa: {  	[dreg:$0x3] =	wrdreg s6  }
0xab: {  	[dreg:$0x4] =	wrdreg $0xC0  }
0xac: {  	_ =	task [dreg:s8], $0x5FFFF  }
0xad: {  	[dreg:$0x1] =	wrdreg $0xFFFFFFFF  }
0xae: {  	[dreg:$0x0] =	wrdreg $0x60  }
0xaf: {  	[dreg:$0x2] =	wrdreg s2  }
0xb0: {  	[dreg:$0x3] =	wrdreg s24  }
0xb1: {  	[dreg:$0x4] =	wrdreg s18  }
0xb2: {  	[dreg:$0x5] =	wrdreg $0x9  }
0xb3: {  	_ =	task.clear_ibuf [dreg:s8], $0x6FFFF;
	_ =	strace $0x90000046  }
0xb4: {  	s29 =	simm.s32 $0x9;
	_ =	strace $0x80000048  }
0xb5: {  	_ =	swait.ge [sflag:s29], $0x1  }
0xb6: {  	[sflag:s29] =	ssyncadd.s32 $0xFFFFFFFF  }
0xb7: {  	_ =	strace $0x90000048  }
0xb8: {  	_ =	sfence  }
0xb9: {  	s30 =	sld [smem:$0x0];
	_ =	sdelay $0x2  }
0xba: {  	s31 =	sshll.u32 s1, $0xD;
	s1 =	sshrl.u32 s1, $0x2  }
0xbb: {  	s3 =	sand.u32 $0x4000, s31;
	s1 =	sadd.s32 s1, s30  }
0xbc: {  	s0 =	sor.u32 s3, s0;
	s1 =	sshll.u32 s1, $0x11  }
0xbd: {  	s0 =	sor.u32 s1, s0  }
0xbe: {  	s0 =	sadd.s32 $0x8F2B, s0  }
0xbf: {  	[sflag:s0] =	ssyncadd.remote.s32 $0x1  }
0xc0: {  	_ =	sfence.sel $0xFFFF  }
0xc1: {  	[dreg:$0x0] =	wrdreg $0xFFFFFFFF;
	(pc) =	sbr.abs _section_cstart, $3  }
0xc2: {  	[dreg:$0x1] =	wrdreg $0xFFFFFFFF  }
0xc3: {  	_ =	task.clear_ibuf [dreg:s8], $0x2FFFF;
	_ =	strace $0x9FFFFFFF  }
0xc4: {  	(tm) =	ssettm $0x7FFFFFFF  }
0xc5: {  	_ =	shalt  }
tec
execute0_lowered:
.L_overlay_start_1:
0x0: {  	(tag) =	ssettag $0x1  }
0x1: {  	s1 =	rddreg [dreg:$0x0]  }
0x2: {  	s5 =	rddreg [dreg:$0x1]  }
0x3: {  	s6 =	rddreg [dreg:$0x2]  }
0x4: {  	s0 =	rddreg [dreg:$0x3]  }
0x5: {  	s4 =	srdreg.scid;
	s2 =	stileid.u32  }
0x6: {  	s3 =	simm.s32 $0x0;
	s11 =	simm.s32 $0x11000;
	s12 =	simm.s32 $0x1  }
0x7: {  	s13 =	simm.s32 $0x11C00;
	s4 =	sand.u32 $0x1, s4;
	s7 =	sshll.u32 s2, $0x1  }
0x8: {  	s14 =	simm.s32 $0x0;
	[smem:$0x7FF] =	sst s3;
	s7 =	sor.u32 s4, s7  }
0x9: {  	s4 =	ssub.s32 $0x2, s4;
	_ =	strace $0x80000047;
	s8 =	sshll.u32 s7, $0x9  }
0xa: {  	s9 =	sshrl.u32 s4, $0x1;
	s10 =	sshll.u32 s7, $0xD;
	s7 =	sshll.u32 s7, $0xB  }
0xb: {  	s8 =	sadd.s32 s8, s5;
	s9 =	ssub.s32 s4, s9;
	s5 =	sadd.s32 s5, s10  }
0xc: {  	s6 =	sadd.s32 s6, s7;
	s10 =	simm.s32 $0x18;
	s4 =	sadd.s32 $0x40000, s8  }
0xd: {  	s7 =	smax.u32 s9, $0x1;
	s8 =	simm.s32 $0x2;
	s9 =	simm.s32 $0x1000  }
.LBB2_1:
0xe: {  	[tilespmem:s3], [sflag:$0x2] =	stream.linear.gather [hbm4b:s4+s3], $0x1000, $0x38;
	[tilespmem:$0x15C00] =	vst v63  }
0xf: {  	_ =	swait.ge [sflag:s8], $0x1000  }
0x10: {  	[sflag:s8] =	ssyncset.done $0x0  }
0x11: {  	[sflag:s8] =	ssyncadd.s32 $0xFFFFF000  }
0x12: {  	[tilespmem:s9], [sflag:$0x2] =	stream.linear.gather [hbm4b:s5+s3], $0x10000, $0x38;
	[tilespmem:$0x15C00] =	vst v63  }
0x13: {  	_ =	swait.ge [sflag:s8], $0x10000  }
0x14: {  	[sflag:s8] =	ssyncset.done $0x0  }
0x15: {  	s15 =	simm.s32 $0x0;
	s16 =	simm.s32 $0x0;
	[sflag:s8] =	ssyncadd.s32 $0xFFFF0000  }
.LBB2_2:
0x16: {  	s17 =	sshra.s32 s16, $0x2  }
0x17: {  	[tilespmem:s11], [sflag:$0x1] =	stream.indirect.gather [hbm4b:s1+s10], $0x80, s17, s10, $0xb8;
	[tilespmem:$0x15C00] =	vst v63  }
0x18: {  	_ =	swait.ge [sflag:s12], $0xC00  }
0x19: {  	[sflag:s12] =	ssyncset.done $0x0  }
0x1a: {  	s30 =	sand.u32 $0xF000, s15;
	s18 =	sand.u32 $0x380, s16;
	[sflag:s12] =	ssyncadd.s32 $0xFFFFF400  }
0x1b: {  	s17 =	sor.u32 s18, s30;
	v0 =	vld [tilespmem:$0x11000]  }
0x1c: {  	v1 =	vld [tilespmem:s17+$0x1000]  }
0x1d: {  	v2 =	vld [tilespmem:$0x11080]  }
0x1e: {  	v3 =	vld [tilespmem:s17+$0x1010]  }
0x1f: {  	v4 =	vld [tilespmem:$0x11100]  }
0x20: {  	v5 =	vld [tilespmem:s17+$0x1020]  }
0x21: {  	v6 =	vld [tilespmem:$0x11180]  }
0x22: {  	v7 =	vld [tilespmem:s17+$0x1030]  }
0x23: {  	v9 =	vld [tilespmem:$0x11200];
	v0 =	vmul.f32 v1, v0;
	v8 =	vmul.f32 v3, v2  }
0x24: {  	v10 =	vld [tilespmem:s17+$0x1040]  }
0x25: {  	v12 =	vld [tilespmem:$0x11280];
	v11 =	vmul.f32 v5, v4;
	v0 =	vadd.f32 v8, v0  }
0x26: {  	v13 =	vld [tilespmem:s17+$0x1050]  }
0x27: {  	v15 =	vld [tilespmem:$0x11300];
	v14 =	vmul.f32 v7, v6;
	v0 =	vadd.f32 v11, v0  }
0x28: {  	v16 =	vld [tilespmem:s17+$0x1060]  }
0x29: {  	v18 =	vld [tilespmem:$0x11380];
	v17 =	vmul.f32 v10, v9;
	v0 =	vadd.f32 v14, v0  }
0x2a: {  	v19 =	vld [tilespmem:s17+$0x1070]  }
0x2b: {  	v21 =	vld [tilespmem:$0x11400];
	v20 =	vmul.f32 v13, v12;
	v0 =	vadd.f32 v17, v0  }
0x2c: {  	v22 =	vld [tilespmem:s17+$0x1400]  }
0x2d: {  	v24 =	vld [tilespmem:$0x11480];
	v23 =	vmul.f32 v16, v15;
	v0 =	vadd.f32 v20, v0  }
0x2e: {  	v25 =	vld [tilespmem:s17+$0x1410]  }
0x2f: {  	v27 =	vld [tilespmem:$0x11500];
	v26 =	vmul.f32 v19, v18;
	v0 =	vadd.f32 v23, v0  }
0x30: {  	v28 =	vld [tilespmem:s17+$0x1420]  }
0x31: {  	v30 =	vld [tilespmem:$0x11580];
	v29 =	vmul.f32 v22, v21;
	v0 =	vadd.f32 v26, v0  }
0x32: {  	v31 =	vld [tilespmem:s17+$0x1430]  }
0x33: {  	v33 =	vld [tilespmem:$0x11600];
	v32 =	vmul.f32 v25, v24;
	v0 =	vadd.f32 v29, v0  }
0x34: {  	v34 =	vld [tilespmem:s17+$0x1440]  }
0x35: {  	v36 =	vld [tilespmem:$0x11680];
	v35 =	vmul.f32 v28, v27;
	v0 =	vadd.f32 v32, v0  }
0x36: {  	v37 =	vld [tilespmem:s17+$0x1450]  }
0x37: {  	v39 =	vld [tilespmem:$0x11700];
	v38 =	vmul.f32 v31, v30;
	v0 =	vadd.f32 v35, v0  }
0x38: {  	v40 =	vld [tilespmem:s17+$0x1460]  }
0x39: {  	v42 =	vld [tilespmem:$0x11780];
	v41 =	vmul.f32 v34, v33;
	v0 =	vadd.f32 v38, v0  }
0x3a: {  	v43 =	vld [tilespmem:s17+$0x1470]  }
0x3b: {  	v45 =	vld [tilespmem:$0x11800];
	v44 =	vmul.f32 v37, v36;
	v0 =	vadd.f32 v41, v0  }
0x3c: {  	v46 =	vld [tilespmem:s17+$0x1800]  }
0x3d: {  	v48 =	vld [tilespmem:$0x11880];
	v47 =	vmul.f32 v40, v39;
	v0 =	vadd.f32 v44, v0  }
0x3e: {  	v49 =	vld [tilespmem:s17+$0x1810]  }
0x3f: {  	v51 =	vld [tilespmem:$0x11900];
	v50 =	vmul.f32 v43, v42;
	v0 =	vadd.f32 v47, v0  }
0x40: {  	v52 =	vld [tilespmem:s17+$0x1820]  }
0x41: {  	v54 =	vld [tilespmem:$0x11980];
	v53 =	vmul.f32 v46, v45;
	v0 =	vadd.f32 v50, v0  }
0x42: {  	v55 =	vld [tilespmem:s17+$0x1830]  }
0x43: {  	v57 =	vld [tilespmem:$0x11A00];
	v56 =	vmul.f32 v49, v48;
	v0 =	vadd.f32 v53, v0  }
0x44: {  	v58 =	vld [tilespmem:s17+$0x1840]  }
0x45: {  	v60 =	vld [tilespmem:$0x11A80];
	v59 =	vmul.f32 v52, v51;
	v0 =	vadd.f32 v56, v0  }
0x46: {  	v61 =	vld [tilespmem:s17+$0x1850]  }
0x47: {  	v63 =	vld [tilespmem:$0x11B00];
	v62 =	vmul.f32 v55, v54;
	v0 =	vadd.f32 v59, v0  }
0x48: {  	v8 =	vld [tilespmem:s17+$0x1860]  }
0x49: {  	v9 =	vmul.f32 v58, v57;
	v10 =	vld [tilespmem:$0x11B80];
	v0 =	vadd.f32 v62, v0  }
0x4a: {  	v11 =	vld [tilespmem:s17+$0x1870]  }
0x4b: {  	v12 =	vmul.f32 v61, v60;
	v0 =	vadd.f32 v9, v0;
	_ =	sdelay $0x1  }
0x4c: {  	v13 =	vmul.f32 v8, v63;
	v0 =	vadd.f32 v12, v0;
	_ =	sdelay $0x1  }
0x4d: {  	v14 =	vmul.f32 v11, v10;
	v0 =	vadd.f32 v13, v0;
	_ =	sdelay $0x1  }
0x4e: {  	v0 =	vadd.f32 v14, v0  }
0x4f: {  	s31 =	sshra.s32 s15, $0x2  }
0x50: {  	[tilespmem:s31+$0x11C00] =	vst v0  }
0x51: {  	v0 =	vld [tilespmem:$0x11010]  }
0x52: {  	v15 =	vld [tilespmem:s17+$0x1000]  }
0x53: {  	v16 =	vld [tilespmem:$0x11090]  }
0x54: {  	v17 =	vld [tilespmem:s17+$0x1010]  }
0x55: {  	v18 =	vld [tilespmem:$0x11110]  }
0x56: {  	v19 =	vld [tilespmem:s17+$0x1020]  }
0x57: {  	v20 =	vld [tilespmem:$0x11190]  }
0x58: {  	v21 =	vld [tilespmem:s17+$0x1030]  }
0x59: {  	v23 =	vld [tilespmem:$0x11210];
	v0 =	vmul.f32 v15, v0;
	v22 =	vmul.f32 v17, v16  }
0x5a: {  	v24 =	vld [tilespmem:s17+$0x1040]  }
0x5b: {  	v26 =	vld [tilespmem:$0x11290];
	v25 =	vmul.f32 v19, v18;
	v0 =	vadd.f32 v22, v0  }
0x5c: {  	v27 =	vld [tilespmem:s17+$0x1050]  }
0x5d: {  	v29 =	vld [tilespmem:$0x11310];
	v28 =	vmul.f32 v21, v20;
	v0 =	vadd.f32 v25, v0  }
0x5e: {  	v30 =	vld [tilespmem:s17+$0x1060]  }
0x5f: {  	v32 =	vld [tilespmem:$0x11390];
	v31 =	vmul.f32 v24, v23;
	v0 =	vadd.f32 v28, v0  }
0x60: {  	v33 =	vld [tilespmem:s17+$0x1070]  }
0x61: {  	v35 =	vld [tilespmem:$0x11410];
	v34 =	vmul.f32 v27, v26;
	v0 =	vadd.f32 v31, v0  }
0x62: {  	v36 =	vld [tilespmem:s17+$0x1400]  }
0x63: {  	v38 =	vld [tilespmem:$0x11490];
	v37 =	vmul.f32 v30, v29;
	v0 =	vadd.f32 v34, v0  }
0x64: {  	v39 =	vld [tilespmem:s17+$0x1410]  }
0x65: {  	v41 =	vld [tilespmem:$0x11510];
	v40 =	vmul.f32 v33, v32;
	v0 =	vadd.f32 v37, v0  }
0x66: {  	v42 =	vld [tilespmem:s17+$0x1420]  }
0x67: {  	v44 =	vld [tilespmem:$0x11590];
	v43 =	vmul.f32 v36, v35;
	v0 =	vadd.f32 v40, v0  }
0x68: {  	v45 =	vld [tilespmem:s17+$0x1430]  }
0x69: {  	v47 =	vld [tilespmem:$0x11610];
	v46 =	vmul.f32 v39, v38;
	v0 =	vadd.f32 v43, v0  }
0x6a: {  	v48 =	vld [tilespmem:s17+$0x1440]  }
0x6b: {  	v50 =	vld [tilespmem:$0x11690];
	v49 =	vmul.f32 v42, v41;
	v0 =	vadd.f32 v46, v0  }
0x6c: {  	v51 =	vld [tilespmem:s17+$0x1450]  }
0x6d: {  	v53 =	vld [tilespmem:$0x11710];
	v52 =	vmul.f32 v45, v44;
	v0 =	vadd.f32 v49, v0  }
0x6e: {  	v54 =	vld [tilespmem:s17+$0x1460]  }
0x6f: {  	v56 =	vld [tilespmem:$0x11790];
	v55 =	vmul.f32 v48, v47;
	v0 =	vadd.f32 v52, v0  }
0x70: {  	v57 =	vld [tilespmem:s17+$0x1470]  }
0x71: {  	v59 =	vld [tilespmem:$0x11810];
	v58 =	vmul.f32 v51, v50;
	v0 =	vadd.f32 v55, v0  }
0x72: {  	v60 =	vld [tilespmem:s17+$0x1800]  }
0x73: {  	v62 =	vld [tilespmem:$0x11890];
	v61 =	vmul.f32 v54, v53;
	v0 =	vadd.f32 v58, v0  }
0x74: {  	v63 =	vld [tilespmem:s17+$0x1810]  }
0x75: {  	v10 =	vld [tilespmem:$0x11910];
	v9 =	vmul.f32 v57, v56;
	v0 =	vadd.f32 v61, v0  }
0x76: {  	v11 =	vld [tilespmem:s17+$0x1820]  }
0x77: {  	v13 =	vld [tilespmem:$0x11990];
	v12 =	vmul.f32 v60, v59;
	v0 =	vadd.f32 v9, v0  }
0x78: {  	v14 =	vld [tilespmem:s17+$0x1830]  }
0x79: {  	v15 =	vmul.f32 v63, v62;
	v16 =	vld [tilespmem:$0x11A10];
	v0 =	vadd.f32 v12, v0  }
0x7a: {  	v17 =	vld [tilespmem:s17+$0x1840]  }
0x7b: {  	v18 =	vmul.f32 v11, v10;
	v19 =	vld [tilespmem:$0x11A90];
	v0 =	vadd.f32 v15, v0  }
0x7c: {  	v20 =	vld [tilespmem:s17+$0x1850]  }
0x7d: {  	v21 =	vmul.f32 v14, v13;
	v23 =	vld [tilespmem:s17+$0x1860];
	v0 =	vadd.f32 v18, v0  }
0x7e: {  	v22 =	vld [tilespmem:$0x11B10]  }
0x7f: {  	v26 =	vld [tilespmem:s17+$0x1870];
	v24 =	vmul.f32 v17, v16;
	v0 =	vadd.f32 v21, v0  }
0x80: {  	v25 =	vld [tilespmem:$0x11B90]  }
0x81: {  	v27 =	vmul.f32 v20, v19;
	v0 =	vadd.f32 v24, v0;
	_ =	sdelay $0x1  }
0x82: {  	v28 =	vmul.f32 v23, v22;
	v0 =	vadd.f32 v27, v0;
	_ =	sdelay $0x1  }
0x83: {  	v29 =	vmul.f32 v26, v25;
	v0 =	vadd.f32 v28, v0;
	_ =	sdelay $0x1  }
0x84: {  	v0 =	vadd.f32 v29, v0;
	_ =	sdelay $0x1  }
0x85: {  	[tilespmem:s31+$0x11C10] =	vst v0  }
0x86: {  	v0 =	vld [tilespmem:$0x11020]  }
0x87: {  	v30 =	vld [tilespmem:s17+$0x1000]  }
0x88: {  	v31 =	vld [tilespmem:$0x110A0]  }
0x89: {  	v32 =	vld [tilespmem:s17+$0x1010]  }
0x8a: {  	v33 =	vld [tilespmem:$0x11120]  }
0x8b: {  	v34 =	vld [tilespmem:s17+$0x1020]  }
0x8c: {  	v35 =	vld [tilespmem:$0x111A0]  }
0x8d: {  	v36 =	vld [tilespmem:s17+$0x1030]  }
0x8e: {  	v38 =	vld [tilespmem:$0x11220];
	v0 =	vmul.f32 v30, v0;
	v37 =	vmul.f32 v32, v31  }
0x8f: {  	v39 =	vld [tilespmem:s17+$0x1040]  }
0x90: {  	v41 =	vld [tilespmem:$0x112A0];
	v40 =	vmul.f32 v34, v33;
	v0 =	vadd.f32 v37, v0  }
0x91: {  	v42 =	vld [tilespmem:s17+$0x1050]  }
0x92: {  	v44 =	vld [tilespmem:$0x11320];
	v43 =	vmul.f32 v36, v35;
	v0 =	vadd.f32 v40, v0  }
0x93: {  	v45 =	vld [tilespmem:s17+$0x1060]  }
0x94: {  	v47 =	vld [tilespmem:$0x113A0];
	v46 =	vmul.f32 v39, v38;
	v0 =	vadd.f32 v43, v0  }
0x95: {  	v48 =	vld [tilespmem:s17+$0x1070]  }
0x96: {  	v50 =	vld [tilespmem:$0x11420];
	v49 =	vmul.f32 v42, v41;
	v0 =	vadd.f32 v46, v0  }
0x97: {  	v51 =	vld [tilespmem:s17+$0x1400]  }
0x98: {  	v53 =	vld [tilespmem:$0x114A0];
	v52 =	vmul.f32 v45, v44;
	v0 =	vadd.f32 v49, v0  }
0x99: {  	v54 =	vld [tilespmem:s17+$0x1410]  }
0x9a: {  	v56 =	vld [tilespmem:$0x11520];
	v55 =	vmul.f32 v48, v47;
	v0 =	vadd.f32 v52, v0  }
0x9b: {  	v57 =	vld [tilespmem:s17+$0x1420]  }
0x9c: {  	v59 =	vld [tilespmem:$0x115A0];
	v58 =	vmul.f32 v51, v50;
	v0 =	vadd.f32 v55, v0  }
0x9d: {  	v60 =	vld [tilespmem:s17+$0x1430]  }
0x9e: {  	v62 =	vld [tilespmem:$0x11620];
	v61 =	vmul.f32 v54, v53;
	v0 =	vadd.f32 v58, v0  }
0x9f: {  	v63 =	vld [tilespmem:s17+$0x1440]  }
0xa0: {  	v10 =	vld [tilespmem:$0x116A0];
	v9 =	vmul.f32 v57, v56;
	v0 =	vadd.f32 v61, v0  }
0xa1: {  	v11 =	vld [tilespmem:s17+$0x1450]  }
0xa2: {  	v13 =	vld [tilespmem:$0x11720];
	v12 =	vmul.f32 v60, v59;
	v0 =	vadd.f32 v9, v0  }
0xa3: {  	v14 =	vld [tilespmem:s17+$0x1460]  }
0xa4: {  	v16 =	vld [tilespmem:$0x117A0];
	v15 =	vmul.f32 v63, v62;
	v0 =	vadd.f32 v12, v0  }
0xa5: {  	v17 =	vld [tilespmem:s17+$0x1470]  }
0xa6: {  	v19 =	vld [tilespmem:$0x11820];
	v18 =	vmul.f32 v11, v10;
	v0 =	vadd.f32 v15, v0  }
0xa7: {  	v20 =	vld [tilespmem:s17+$0x1800]  }
0xa8: {  	v22 =	vld [tilespmem:$0x118A0];
	v21 =	vmul.f32 v14, v13;
	v0 =	vadd.f32 v18, v0  }
0xa9: {  	v23 =	vld [tilespmem:s17+$0x1810]  }
0xaa: {  	v25 =	vld [tilespmem:$0x11920];
	v24 =	vmul.f32 v17, v16;
	v0 =	vadd.f32 v21, v0  }
0xab: {  	v26 =	vld [tilespmem:s17+$0x1820]  }
0xac: {  	v28 =	vld [tilespmem:$0x119A0];
	v27 =	vmul.f32 v20, v19;
	v0 =	vadd.f32 v24, v0  }
0xad: {  	v29 =	vld [tilespmem:s17+$0x1830]  }
0xae: {  	v30 =	vmul.f32 v23, v22;
	v31 =	vld [tilespmem:$0x11A20];
	v0 =	vadd.f32 v27, v0  }
0xaf: {  	v32 =	vld [tilespmem:s17+$0x1840]  }
0xb0: {  	v33 =	vmul.f32 v26, v25;
	v34 =	vld [tilespmem:$0x11AA0];
	v0 =	vadd.f32 v30, v0  }
0xb1: {  	v35 =	vld [tilespmem:s17+$0x1850]  }
0xb2: {  	v36 =	vmul.f32 v29, v28;
	v38 =	vld [tilespmem:s17+$0x1860];
	v0 =	vadd.f32 v33, v0  }
0xb3: {  	v37 =	vld [tilespmem:$0x11B20]  }
0xb4: {  	v41 =	vld [tilespmem:s17+$0x1870];
	v39 =	vmul.f32 v32, v31;
	v0 =	vadd.f32 v36, v0  }
0xb5: {  	v40 =	vld [tilespmem:$0x11BA0]  }
0xb6: {  	v42 =	vmul.f32 v35, v34;
	v0 =	vadd.f32 v39, v0;
	_ =	sdelay $0x1  }
0xb7: {  	v43 =	vmul.f32 v38, v37;
	v0 =	vadd.f32 v42, v0;
	_ =	sdelay $0x1  }
0xb8: {  	v44 =	vmul.f32 v41, v40;
	v0 =	vadd.f32 v43, v0;
	_ =	sdelay $0x1  }
0xb9: {  	v0 =	vadd.f32 v44, v0;
	_ =	sdelay $0x1  }
0xba: {  	[tilespmem:s31+$0x11C20] =	vst v0  }
0xbb: {  	v0 =	vld [tilespmem:$0x11030]  }
0xbc: {  	v45 =	vld [tilespmem:s17+$0x1000]  }
0xbd: {  	v46 =	vld [tilespmem:$0x110B0]  }
0xbe: {  	v47 =	vld [tilespmem:s17+$0x1010]  }
0xbf: {  	v48 =	vld [tilespmem:$0x11130]  }
0xc0: {  	v49 =	vld [tilespmem:s17+$0x1020]  }
0xc1: {  	v50 =	vld [tilespmem:$0x111B0]  }
0xc2: {  	v51 =	vld [tilespmem:s17+$0x1030]  }
0xc3: {  	v53 =	vld [tilespmem:$0x11230];
	v0 =	vmul.f32 v45, v0;
	v52 =	vmul.f32 v47, v46  }
0xc4: {  	v54 =	vld [tilespmem:s17+$0x1040]  }
0xc5: {  	v56 =	vld [tilespmem:$0x112B0];
	v55 =	vmul.f32 v49, v48;
	v0 =	vadd.f32 v52, v0  }
0xc6: {  	v57 =	vld [tilespmem:s17+$0x1050]  }
0xc7: {  	v59 =	vld [tilespmem:$0x11330];
	v58 =	vmul.f32 v51, v50;
	v0 =	vadd.f32 v55, v0  }
0xc8: {  	v60 =	vld [tilespmem:s17+$0x1060]  }
0xc9: {  	v62 =	vld [tilespmem:$0x113B0];
	v61 =	vmul.f32 v54, v53;
	v0 =	vadd.f32 v58, v0  }
0xca: {  	v63 =	vld [tilespmem:s17+$0x1070]  }
0xcb: {  	v9 =	vld [tilespmem:$0x11430];
	v8 =	vmul.f32 v57, v56;
	v0 =	vadd.f32 v61, v0  }
0xcc: {  	v10 =	vld [tilespmem:s17+$0x1400]  }
0xcd: {  	v12 =	vld [tilespmem:$0x114B0];
	v11 =	vmul.f32 v60, v59;
	v0 =	vadd.f32 v8, v0  }
0xce: {  	v13 =	vld [tilespmem:s17+$0x1410]  }
0xcf: {  	v15 =	vld [tilespmem:$0x11530];
	v14 =	vmul.f32 v63, v62;
	v0 =	vadd.f32 v11, v0  }
0xd0: {  	v16 =	vld [tilespmem:s17+$0x1420]  }
0xd1: {  	v18 =	vld [tilespmem:$0x115B0];
	v17 =	vmul.f32 v10, v9;
	v0 =	vadd.f32 v14, v0  }
0xd2: {  	v19 =	vld [tilespmem:s17+$0x1430]  }
0xd3: {  	v21 =	vld [tilespmem:$0x11630];
	v20 =	vmul.f32 v13, v12;
	v0 =	vadd.f32 v17, v0  }
0xd4: {  	v22 =	vld [tilespmem:s17+$0x1440]  }
0xd5: {  	v24 =	vld [tilespmem:$0x116B0];
	v23 =	vmul.f32 v16, v15;
	v0 =	vadd.f32 v20, v0  }
0xd6: {  	v25 =	vld [tilespmem:s17+$0x1450]  }
0xd7: {  	v27 =	vld [tilespmem:$0x11730];
	v26 =	vmul.f32 v19, v18;
	v0 =	vadd.f32 v23, v0  }
0xd8: {  	v28 =	vld [tilespmem:s17+$0x1460]  }
0xd9: {  	v30 =	vld [tilespmem:$0x117B0];
	v29 =	vmul.f32 v22, v21;
	v0 =	vadd.f32 v26, v0  }
0xda: {  	v31 =	vld [tilespmem:s17+$0x1470]  }
0xdb: {  	v33 =	vld [tilespmem:$0x11830];
	v32 =	vmul.f32 v25, v24;
	v0 =	vadd.f32 v29, v0  }
0xdc: {  	v34 =	vld [tilespmem:s17+$0x1800]  }
0xdd: {  	v36 =	vld [tilespmem:$0x118B0];
	v35 =	vmul.f32 v28, v27;
	v0 =	vadd.f32 v32, v0  }
0xde: {  	v37 =	vld [tilespmem:s17+$0x1810]  }
0xdf: {  	v39 =	vld [tilespmem:$0x11930];
	v38 =	vmul.f32 v31, v30;
	v0 =	vadd.f32 v35, v0  }
0xe0: {  	v40 =	vld [tilespmem:s17+$0x1820]  }
0xe1: {  	v42 =	vld [tilespmem:$0x119B0];
	v41 =	vmul.f32 v34, v33;
	v0 =	vadd.f32 v38, v0  }
0xe2: {  	v43 =	vld [tilespmem:s17+$0x1830]  }
0xe3: {  	v44 =	vmul.f32 v37, v36;
	v45 =	vld [tilespmem:$0x11A30];
	v0 =	vadd.f32 v41, v0  }
0xe4: {  	v46 =	vld [tilespmem:s17+$0x1840]  }
0xe5: {  	v47 =	vmul.f32 v40, v39;
	v48 =	vld [tilespmem:$0x11AB0];
	v0 =	vadd.f32 v44, v0  }
0xe6: {  	v49 =	vld [tilespmem:s17+$0x1850]  }
0xe7: {  	v50 =	vmul.f32 v43, v42;
	v51 =	vld [tilespmem:$0x11B30];
	v0 =	vadd.f32 v47, v0  }
0xe8: {  	v52 =	vld [tilespmem:s17+$0x1860]  }
0xe9: {  	v54 =	vld [tilespmem:$0x11BB0];
	v53 =	vmul.f32 v46, v45;
	v0 =	vadd.f32 v50, v0  }
0xea: {  	v55 =	vld [tilespmem:s17+$0x1870]  }
0xeb: {  	v56 =	vmul.f32 v49, v48;
	v0 =	vadd.f32 v53, v0;
	_ =	sdelay $0x1  }
0xec: {  	v57 =	vmul.f32 v52, v51;
	v0 =	vadd.f32 v56, v0;
	_ =	sdelay $0x1  }
0xed: {  	v58 =	vmul.f32 v55, v54;
	v0 =	vadd.f32 v57, v0;
	_ =	sdelay $0x1  }
0xee: {  	v0 =	vadd.f32 v58, v0;
	_ =	sdelay $0x1  }
0xef: {  	[tilespmem:s31+$0x11C30] =	vst v0  }
0xf0: {  	v0 =	vld [tilespmem:$0x11040]  }
0xf1: {  	v59 =	vld [tilespmem:s17+$0x1000]  }
0xf2: {  	v60 =	vld [tilespmem:$0x110C0]  }
0xf3: {  	v61 =	vld [tilespmem:s17+$0x1010]  }
0xf4: {  	v62 =	vld [tilespmem:$0x11140]  }
0xf5: {  	v63 =	vld [tilespmem:s17+$0x1020]  }
0xf6: {  	v9 =	vld [tilespmem:$0x111C0]  }
0xf7: {  	v10 =	vld [tilespmem:s17+$0x1030]  }
0xf8: {  	v12 =	vld [tilespmem:$0x11240];
	v0 =	vmul.f32 v59, v0;
	v11 =	vmul.f32 v61, v60  }
0xf9: {  	v13 =	vld [tilespmem:s17+$0x1040]  }
0xfa: {  	v15 =	vld [tilespmem:$0x112C0];
	v14 =	vmul.f32 v63, v62;
	v0 =	vadd.f32 v11, v0  }
0xfb: {  	v16 =	vld [tilespmem:s17+$0x1050]  }
0xfc: {  	v18 =	vld [tilespmem:$0x11340];
	v17 =	vmul.f32 v10, v9;
	v0 =	vadd.f32 v14, v0  }
0xfd: {  	v19 =	vld [tilespmem:s17+$0x1060]  }
0xfe: {  	v21 =	vld [tilespmem:$0x113C0];
	v20 =	vmul.f32 v13, v12;
	v0 =	vadd.f32 v17, v0  }
0xff: {  	v22 =	vld [tilespmem:s17+$0x1070]  }
0x100: {  	v24 =	vld [tilespmem:$0x11440];
	v23 =	vmul.f32 v16, v15;
	v0 =	vadd.f32 v20, v0  }
0x101: {  	v25 =	vld [tilespmem:s17+$0x1400]  }
0x102: {  	v27 =	vld [tilespmem:$0x114C0];
	v26 =	vmul.f32 v19, v18;
	v0 =	vadd.f32 v23, v0  }
0x103: {  	v28 =	vld [tilespmem:s17+$0x1410]  }
0x104: {  	v30 =	vld [tilespmem:$0x11540];
	v29 =	vmul.f32 v22, v21;
	v0 =	vadd.f32 v26, v0  }
0x105: {  	v31 =	vld [tilespmem:s17+$0x1420]  }
0x106: {  	v33 =	vld [tilespmem:$0x115C0];
	v32 =	vmul.f32 v25, v24;
	v0 =	vadd.f32 v29, v0  }
0x107: {  	v34 =	vld [tilespmem:s17+$0x1430]  }
0x108: {  	v36 =	vld [tilespmem:$0x11640];
	v35 =	vmul.f32 v28, v27;
	v0 =	vadd.f32 v32, v0  }
0x109: {  	v37 =	vld [tilespmem:s17+$0x1440]  }
0x10a: {  	v39 =	vld [tilespmem:$0x116C0];
	v38 =	vmul.f32 v31, v30;
	v0 =	vadd.f32 v35, v0  }
0x10b: {  	v40 =	vld [tilespmem:s17+$0x1450]  }
0x10c: {  	v42 =	vld [tilespmem:$0x11740];
	v41 =	vmul.f32 v34, v33;
	v0 =	vadd.f32 v38, v0  }
0x10d: {  	v43 =	vld [tilespmem:s17+$0x1460]  }
0x10e: {  	v45 =	vld [tilespmem:$0x117C0];
	v44 =	vmul.f32 v37, v36;
	v0 =	vadd.f32 v41, v0  }
0x10f: {  	v46 =	vld [tilespmem:s17+$0x1470]  }
0x110: {  	v48 =	vld [tilespmem:$0x11840];
	v47 =	vmul.f32 v40, v39;
	v0 =	vadd.f32 v44, v0  }
0x111: {  	v49 =	vld [tilespmem:s17+$0x1800]  }
0x112: {  	v51 =	vld [tilespmem:$0x118C0];
	v50 =	vmul.f32 v43, v42;
	v0 =	vadd.f32 v47, v0  }
0x113: {  	v52 =	vld [tilespmem:s17+$0x1810]  }
0x114: {  	v54 =	vld [tilespmem:$0x11940];
	v53 =	vmul.f32 v46, v45;
	v0 =	vadd.f32 v50, v0  }
0x115: {  	v55 =	vld [tilespmem:s17+$0x1820]  }
0x116: {  	v57 =	vld [tilespmem:$0x119C0];
	v56 =	vmul.f32 v49, v48;
	v0 =	vadd.f32 v53, v0  }
0x117: {  	v58 =	vld [tilespmem:s17+$0x1830]  }
0x118: {  	v59 =	vmul.f32 v52, v51;
	v60 =	vld [tilespmem:$0x11A40];
	v0 =	vadd.f32 v56, v0  }
0x119: {  	v61 =	vld [tilespmem:s17+$0x1840]  }
0x11a: {  	v62 =	vmul.f32 v55, v54;
	v63 =	vld [tilespmem:$0x11AC0];
	v0 =	vadd.f32 v59, v0  }
0x11b: {  	v9 =	vld [tilespmem:s17+$0x1850]  }
0x11c: {  	v10 =	vmul.f32 v58, v57;
	v12 =	vld [tilespmem:s17+$0x1860];
	v0 =	vadd.f32 v62, v0  }
0x11d: {  	v11 =	vld [tilespmem:$0x11B40]  }
0x11e: {  	v15 =	vld [tilespmem:s17+$0x1870];
	v13 =	vmul.f32 v61, v60;
	v0 =	vadd.f32 v10, v0  }
0x11f: {  	v14 =	vld [tilespmem:$0x11BC0]  }
0x120: {  	v16 =	vmul.f32 v9, v63;
	v0 =	vadd.f32 v13, v0;
	_ =	sdelay $0x1  }
0x121: {  	v17 =	vmul.f32 v12, v11;
	v0 =	vadd.f32 v16, v0;
	_ =	sdelay $0x1  }
0x122: {  	v18 =	vmul.f32 v15, v14;
	v0 =	vadd.f32 v17, v0;
	_ =	sdelay $0x1  }
0x123: {  	v0 =	vadd.f32 v18, v0;
	_ =	sdelay $0x1  }
0x124: {  	[tilespmem:s31+$0x11C40] =	vst v0  }
0x125: {  	v0 =	vld [tilespmem:$0x11050]  }
0x126: {  	v19 =	vld [tilespmem:s17+$0x1000]  }
0x127: {  	v20 =	vld [tilespmem:$0x110D0]  }
0x128: {  	v21 =	vld [tilespmem:s17+$0x1010]  }
0x129: {  	v22 =	vld [tilespmem:$0x11150]  }
0x12a: {  	v23 =	vld [tilespmem:s17+$0x1020]  }
0x12b: {  	v24 =	vld [tilespmem:$0x111D0]  }
0x12c: {  	v25 =	vld [tilespmem:s17+$0x1030]  }
0x12d: {  	v27 =	vld [tilespmem:$0x11250];
	v0 =	vmul.f32 v19, v0;
	v26 =	vmul.f32 v21, v20  }
0x12e: {  	v28 =	vld [tilespmem:s17+$0x1040]  }
0x12f: {  	v30 =	vld [tilespmem:$0x112D0];
	v29 =	vmul.f32 v23, v22;
	v0 =	vadd.f32 v26, v0  }
0x130: {  	v31 =	vld [tilespmem:s17+$0x1050]  }
0x131: {  	v33 =	vld [tilespmem:$0x11350];
	v32 =	vmul.f32 v25, v24;
	v0 =	vadd.f32 v29, v0  }
0x132: {  	v34 =	vld [tilespmem:s17+$0x1060]  }
0x133: {  	v36 =	vld [tilespmem:$0x113D0];
	v35 =	vmul.f32 v28, v27;
	v0 =	vadd.f32 v32, v0  }
0x134: {  	v37 =	vld [tilespmem:s17+$0x1070]  }
0x135: {  	v39 =	vld [tilespmem:$0x11450];
	v38 =	vmul.f32 v31, v30;
	v0 =	vadd.f32 v35, v0  }
0x136: {  	v40 =	vld [tilespmem:s17+$0x1400]  }
0x137: {  	v42 =	vld [tilespmem:$0x114D0];
	v41 =	vmul.f32 v34, v33;
	v0 =	vadd.f32 v38, v0  }
0x138: {  	v43 =	vld [tilespmem:s17+$0x1410]  }
0x139: {  	v45 =	vld [tilespmem:$0x11550];
	v44 =	vmul.f32 v37, v36;
	v0 =	vadd.f32 v41, v0  }
0x13a: {  	v46 =	vld [tilespmem:s17+$0x1420]  }
0x13b: {  	v48 =	vld [tilespmem:$0x115D0];
	v47 =	vmul.f32 v40, v39;
	v0 =	vadd.f32 v44, v0  }
0x13c: {  	v49 =	vld [tilespmem:s17+$0x1430]  }
0x13d: {  	v51 =	vld [tilespmem:$0x11650];
	v50 =	vmul.f32 v43, v42;
	v0 =	vadd.f32 v47, v0  }
0x13e: {  	v52 =	vld [tilespmem:s17+$0x1440]  }
0x13f: {  	v54 =	vld [tilespmem:$0x116D0];
	v53 =	vmul.f32 v46, v45;
	v0 =	vadd.f32 v50, v0  }
0x140: {  	v55 =	vld [tilespmem:s17+$0x1450]  }
0x141: {  	v57 =	vld [tilespmem:$0x11750];
	v56 =	vmul.f32 v49, v48;
	v0 =	vadd.f32 v53, v0  }
0x142: {  	v58 =	vld [tilespmem:s17+$0x1460]  }
0x143: {  	v60 =	vld [tilespmem:$0x117D0];
	v59 =	vmul.f32 v52, v51;
	v0 =	vadd.f32 v56, v0  }
0x144: {  	v61 =	vld [tilespmem:s17+$0x1470]  }
0x145: {  	v63 =	vld [tilespmem:$0x11850];
	v62 =	vmul.f32 v55, v54;
	v0 =	vadd.f32 v59, v0  }
0x146: {  	v9 =	vld [tilespmem:s17+$0x1800]  }
0x147: {  	v11 =	vld [tilespmem:$0x118D0];
	v10 =	vmul.f32 v58, v57;
	v0 =	vadd.f32 v62, v0  }
0x148: {  	v12 =	vld [tilespmem:s17+$0x1810]  }
0x149: {  	v14 =	vld [tilespmem:$0x11950];
	v13 =	vmul.f32 v61, v60;
	v0 =	vadd.f32 v10, v0  }
0x14a: {  	v15 =	vld [tilespmem:s17+$0x1820]  }
0x14b: {  	v17 =	vld [tilespmem:$0x119D0];
	v16 =	vmul.f32 v9, v63;
	v0 =	vadd.f32 v13, v0  }
0x14c: {  	v18 =	vld [tilespmem:s17+$0x1830]  }
0x14d: {  	v19 =	vmul.f32 v12, v11;
	v20 =	vld [tilespmem:$0x11A50];
	v0 =	vadd.f32 v16, v0  }
0x14e: {  	v21 =	vld [tilespmem:s17+$0x1840]  }
0x14f: {  	v22 =	vmul.f32 v15, v14;
	v23 =	vld [tilespmem:$0x11AD0];
	v0 =	vadd.f32 v19, v0  }
0x150: {  	v24 =	vld [tilespmem:s17+$0x1850]  }
0x151: {  	v25 =	vmul.f32 v18, v17;
	v27 =	vld [tilespmem:s17+$0x1860];
	v0 =	vadd.f32 v22, v0  }
0x152: {  	v26 =	vld [tilespmem:$0x11B50]  }
0x153: {  	v30 =	vld [tilespmem:s17+$0x1870];
	v28 =	vmul.f32 v21, v20;
	v0 =	vadd.f32 v25, v0  }
0x154: {  	v29 =	vld [tilespmem:$0x11BD0]  }
0x155: {  	v31 =	vmul.f32 v24, v23;
	v0 =	vadd.f32 v28, v0;
	_ =	sdelay $0x1  }
0x156: {  	v32 =	vmul.f32 v27, v26;
	v0 =	vadd.f32 v31, v0;
	_ =	sdelay $0x1  }
0x157: {  	v33 =	vmul.f32 v30, v29;
	v0 =	vadd.f32 v32, v0;
	_ =	sdelay $0x1  }
0x158: {  	v0 =	vadd.f32 v33, v0;
	_ =	sdelay $0x1  }
0x159: {  	[tilespmem:s31+$0x11C50] =	vst v0  }
0x15a: {  	v0 =	vld [tilespmem:$0x11060]  }
0x15b: {  	v34 =	vld [tilespmem:s17+$0x1000]  }
0x15c: {  	v35 =	vld [tilespmem:$0x110E0]  }
0x15d: {  	v36 =	vld [tilespmem:s17+$0x1010]  }
0x15e: {  	v37 =	vld [tilespmem:$0x11160]  }
0x15f: {  	v38 =	vld [tilespmem:s17+$0x1020]  }
0x160: {  	v39 =	vld [tilespmem:$0x111E0]  }
0x161: {  	v40 =	vld [tilespmem:s17+$0x1030]  }
0x162: {  	v42 =	vld [tilespmem:$0x11260];
	v0 =	vmul.f32 v34, v0;
	v41 =	vmul.f32 v36, v35  }
0x163: {  	v43 =	vld [tilespmem:s17+$0x1040]  }
0x164: {  	v45 =	vld [tilespmem:$0x112E0];
	v44 =	vmul.f32 v38, v37;
	v0 =	vadd.f32 v41, v0  }
0x165: {  	v46 =	vld [tilespmem:s17+$0x1050]  }
0x166: {  	v48 =	vld [tilespmem:$0x11360];
	v47 =	vmul.f32 v40, v39;
	v0 =	vadd.f32 v44, v0  }
0x167: {  	v49 =	vld [tilespmem:s17+$0x1060]  }
0x168: {  	v51 =	vld [tilespmem:$0x113E0];
	v50 =	vmul.f32 v43, v42;
	v0 =	vadd.f32 v47, v0  }
0x169: {  	v52 =	vld [tilespmem:s17+$0x1070]  }
0x16a: {  	v54 =	vld [tilespmem:$0x11460];
	v53 =	vmul.f32 v46, v45;
	v0 =	vadd.f32 v50, v0  }
0x16b: {  	v55 =	vld [tilespmem:s17+$0x1400]  }
0x16c: {  	v57 =	vld [tilespmem:$0x114E0];
	v56 =	vmul.f32 v49, v48;
	v0 =	vadd.f32 v53, v0  }
0x16d: {  	v58 =	vld [tilespmem:s17+$0x1410]  }
0x16e: {  	v60 =	vld [tilespmem:$0x11560];
	v59 =	vmul.f32 v52, v51;
	v0 =	vadd.f32 v56, v0  }
0x16f: {  	v61 =	vld [tilespmem:s17+$0x1420]  }
0x170: {  	v63 =	vld [tilespmem:$0x115E0];
	v62 =	vmul.f32 v55, v54;
	v0 =	vadd.f32 v59, v0  }
0x171: {  	v9 =	vld [tilespmem:s17+$0x1430]  }
0x172: {  	v11 =	vld [tilespmem:$0x11660];
	v10 =	vmul.f32 v58, v57;
	v0 =	vadd.f32 v62, v0  }
0x173: {  	v12 =	vld [tilespmem:s17+$0x1440]  }
0x174: {  	v14 =	vld [tilespmem:$0x116E0];
	v13 =	vmul.f32 v61, v60;
	v0 =	vadd.f32 v10, v0  }
0x175: {  	v15 =	vld [tilespmem:s17+$0x1450]  }
0x176: {  	v17 =	vld [tilespmem:$0x11760];
	v16 =	vmul.f32 v9, v63;
	v0 =	vadd.f32 v13, v0  }
0x177: {  	v18 =	vld [tilespmem:s17+$0x1460]  }
0x178: {  	v20 =	vld [tilespmem:$0x117E0];
	v19 =	vmul.f32 v12, v11;
	v0 =	vadd.f32 v16, v0  }
0x179: {  	v21 =	vld [tilespmem:s17+$0x1470]  }
0x17a: {  	v23 =	vld [tilespmem:$0x11860];
	v22 =	vmul.f32 v15, v14;
	v0 =	vadd.f32 v19, v0  }
0x17b: {  	v24 =	vld [tilespmem:s17+$0x1800]  }
0x17c: {  	v26 =	vld [tilespmem:$0x118E0];
	v25 =	vmul.f32 v18, v17;
	v0 =	vadd.f32 v22, v0  }
0x17d: {  	v27 =	vld [tilespmem:s17+$0x1810]  }
0x17e: {  	v29 =	vld [tilespmem:$0x11960];
	v28 =	vmul.f32 v21, v20;
	v0 =	vadd.f32 v25, v0  }
0x17f: {  	v30 =	vld [tilespmem:s17+$0x1820]  }
0x180: {  	v32 =	vld [tilespmem:$0x119E0];
	v31 =	vmul.f32 v24, v23;
	v0 =	vadd.f32 v28, v0  }
0x181: {  	v33 =	vld [tilespmem:s17+$0x1830]  }
0x182: {  	v34 =	vmul.f32 v27, v26;
	v35 =	vld [tilespmem:$0x11A60];
	v0 =	vadd.f32 v31, v0  }
0x183: {  	v36 =	vld [tilespmem:s17+$0x1840]  }
0x184: {  	v37 =	vmul.f32 v30, v29;
	v38 =	vld [tilespmem:$0x11AE0];
	v0 =	vadd.f32 v34, v0  }
0x185: {  	v39 =	vld [tilespmem:s17+$0x1850]  }
0x186: {  	v40 =	vmul.f32 v33, v32;
	v42 =	vld [tilespmem:s17+$0x1860];
	v0 =	vadd.f32 v37, v0  }
0x187: {  	v41 =	vld [tilespmem:$0x11B60]  }
0x188: {  	v45 =	vld [tilespmem:s17+$0x1870];
	v43 =	vmul.f32 v36, v35;
	v0 =	vadd.f32 v40, v0  }
0x189: {  	v44 =	vld [tilespmem:$0x11BE0]  }
0x18a: {  	v46 =	vmul.f32 v39, v38;
	v0 =	vadd.f32 v43, v0;
	_ =	sdelay $0x1  }
0x18b: {  	v47 =	vmul.f32 v42, v41;
	v0 =	vadd.f32 v46, v0;
	_ =	sdelay $0x1  }
0x18c: {  	v48 =	vmul.f32 v45, v44;
	v0 =	vadd.f32 v47, v0;
	_ =	sdelay $0x1  }
0x18d: {  	v0 =	vadd.f32 v48, v0;
	_ =	sdelay $0x1  }
0x18e: {  	[tilespmem:s31+$0x11C60] =	vst v0  }
0x18f: {  	v0 =	vld [tilespmem:$0x11070]  }
0x190: {  	v49 =	vld [tilespmem:s17+$0x1000]  }
0x191: {  	v50 =	vld [tilespmem:$0x110F0]  }
0x192: {  	v51 =	vld [tilespmem:s17+$0x1010]  }
0x193: {  	v52 =	vld [tilespmem:$0x11170]  }
0x194: {  	v53 =	vld [tilespmem:s17+$0x1020]  }
0x195: {  	v54 =	vld [tilespmem:$0x111F0]  }
0x196: {  	v55 =	vld [tilespmem:s17+$0x1030]  }
0x197: {  	v57 =	vld [tilespmem:$0x11270];
	v0 =	vmul.f32 v49, v0;
	v56 =	vmul.f32 v51, v50  }
0x198: {  	v58 =	vld [tilespmem:s17+$0x1040]  }
0x199: {  	v60 =	vld [tilespmem:$0x112F0];
	v59 =	vmul.f32 v53, v52;
	v0 =	vadd.f32 v56, v0  }
0x19a: {  	v61 =	vld [tilespmem:s17+$0x1050]  }
0x19b: {  	v63 =	vld [tilespmem:$0x11370];
	v62 =	vmul.f32 v55, v54;
	v0 =	vadd.f32 v59, v0  }
0x19c: {  	v9 =	vld [tilespmem:s17+$0x1060]  }
0x19d: {  	v11 =	vld [tilespmem:$0x113F0];
	v10 =	vmul.f32 v58, v57;
	v0 =	vadd.f32 v62, v0  }
0x19e: {  	v12 =	vld [tilespmem:s17+$0x1070]  }
0x19f: {  	v14 =	vld [tilespmem:$0x11470];
	v13 =	vmul.f32 v61, v60;
	v0 =	vadd.f32 v10, v0  }
0x1a0: {  	v15 =	vld [tilespmem:s17+$0x1400]  }
0x1a1: {  	v17 =	vld [tilespmem:$0x114F0];
	v16 =	vmul.f32 v9, v63;
	v0 =	vadd.f32 v13, v0  }
0x1a2: {  	v18 =	vld [tilespmem:s17+$0x1410]  }
0x1a3: {  	v20 =	vld [tilespmem:$0x11570];
	v19 =	vmul.f32 v12, v11;
	v0 =	vadd.f32 v16, v0  }
0x1a4: {  	v21 =	vld [tilespmem:s17+$0x1420]  }
0x1a5: {  	v23 =	vld [tilespmem:$0x115F0];
	v22 =	vmul.f32 v15, v14;
	v0 =	vadd.f32 v19, v0  }
0x1a6: {  	v24 =	vld [tilespmem:s17+$0x1430]  }
0x1a7: {  	v26 =	vld [tilespmem:$0x11670];
	v25 =	vmul.f32 v18, v17;
	v0 =	vadd.f32 v22, v0  }
0x1a8: {  	v27 =	vld [tilespmem:s17+$0x1440]  }
0x1a9: {  	v29 =	vld [tilespmem:$0x116F0];
	v28 =	vmul.f32 v21, v20;
	v0 =	vadd.f32 v25, v0  }
0x1aa: {  	v30 =	vld [tilespmem:s17+$0x1450]  }
0x1ab: {  	v32 =	vld [tilespmem:$0x11770];
	v31 =	vmul.f32 v24, v23;
	v0 =	vadd.f32 v28, v0  }
0x1ac: {  	v33 =	vld [tilespmem:s17+$0x1460]  }
0x1ad: {  	v35 =	vld [tilespmem:$0x117F0];
	v34 =	vmul.f32 v27, v26;
	v0 =	vadd.f32 v31, v0  }
0x1ae: {  	v36 =	vld [tilespmem:s17+$0x1470]  }
0x1af: {  	v38 =	vld [tilespmem:$0x11870];
	v37 =	vmul.f32 v30, v29;
	v0 =	vadd.f32 v34, v0  }
0x1b0: {  	v39 =	vld [tilespmem:s17+$0x1800]  }
0x1b1: {  	v41 =	vld [tilespmem:$0x118F0];
	v40 =	vmul.f32 v33, v32;
	v0 =	vadd.f32 v37, v0  }
0x1b2: {  	v42 =	vld [tilespmem:s17+$0x1810]  }
0x1b3: {  	v44 =	vld [tilespmem:$0x11970];
	v43 =	vmul.f32 v36, v35;
	v0 =	vadd.f32 v40, v0  }
0x1b4: {  	v45 =	vld [tilespmem:s17+$0x1820]  }
0x1b5: {  	v47 =	vld [tilespmem:$0x119F0];
	v46 =	vmul.f32 v39, v38;
	v0 =	vadd.f32 v43, v0  }
0x1b6: {  	v48 =	vld [tilespmem:s17+$0x1830]  }
0x1b7: {  	v49 =	vmul.f32 v42, v41;
	v50 =	vld [tilespmem:$0x11A70];
	v0 =	vadd.f32 v46, v0  }
0x1b8: {  	v51 =	vld [tilespmem:s17+$0x1840]  }
0x1b9: {  	v52 =	vmul.f32 v45, v44;
	v53 =	vld [tilespmem:$0x11AF0];
	v0 =	vadd.f32 v49, v0  }
0x1ba: {  	v54 =	vld [tilespmem:s17+$0x1850]  }
0x1bb: {  	v55 =	vmul.f32 v48, v47;
	v57 =	vld [tilespmem:s17+$0x1860];
	v0 =	vadd.f32 v52, v0  }
0x1bc: {  	v56 =	vld [tilespmem:$0x11B70]  }
0x1bd: {  	v60 =	vld [tilespmem:s17+$0x1870];
	v58 =	vmul.f32 v51, v50;
	v0 =	vadd.f32 v55, v0  }
0x1be: {  	v59 =	vld [tilespmem:$0x11BF0]  }
0x1bf: {  	v61 =	vmul.f32 v54, v53;
	v0 =	vadd.f32 v58, v0;
	_ =	sdelay $0x1  }
0x1c0: {  	v62 =	vmul.f32 v57, v56;
	v0 =	vadd.f32 v61, v0  }
0x1c1: {  	p0 =	sne.s32 s16, $0x3F80  }
.Ltmp0:
0x1c2: {  	v63 =	vmul.f32 v60, v59;
	v0 =	vadd.f32 v62, v0;
	(pc) =	sbr.rel @p0 .LBB2_2-.Ltmp0, $3  }
0x1c3: {  	_ = 	snop  }
0x1c4: {  	v0 =	vadd.f32 v63, v0;
	_ =	sdelay $0x1  }
0x1c5: {  	s15 =	sadd.s32 $0x200, s15;
	s16 =	sadd.s32 $0x80, s16;
	[tilespmem:s31+$0x11C70] =	vst v0  }
0x1c6: {  	s14 =	sadd.s32 $0x1, s14  }
0x1c7: {  	p0 =	sne.s32 s14, s7  }
.Ltmp1:
0x1c8: {  	_ = 	snop;
	(pc) =	sbr.rel @p0 .LBB2_1-.Ltmp1, $4  }
0x1c9: {  	[hbm4b:s6+s3] =	stream.linear.scatter [tilespmem:s13], [sflag:$0x2], $0x4000, $0x38;
	[tilespmem:$0x15C00] =	vst v63  }
0x1ca: {  	_ =	swait.ge [sflag:s8], $0x4000  }
0x1cb: {  	[sflag:s8] =	ssyncset.done $0x0  }
0x1cc: {  	[sflag:s8] =	ssyncadd.s32 $0xFFFFC000  }
0x1cd: {  	_ =	sfence.sel $0x180000  }
0x1ce: {  	[bflag:$0x0] =	sbarrier.arrive $0xFFFF  }
0x1cf: {  	p0 =	sne.s32 s2, $0x0;
	_ =	strace $0x90000047  }
0x1d0: {  	s0 =	sadd.s32 @!p0 $0x100000, s0;
	[bflag:$0x2] =	sbarrier.arrive $0xFFFF  }
0x1d1: {  	[sflag:s0] =	ssyncadd.tile.s32 @!p0 $0x1;
	_ =	shalt  }
.Lfunc_end2:
_tile_overlayer_lowered:
.L_overlay_start_2:
0x1d2: {  	(tag) =	ssettag $0x2  }
0x1d3: {  	s0 =	rddreg [dreg:$0x0];
	s2 =	stileid.u32  }
0x1d4: {  	s1 =	rddreg [dreg:$0x1];
	p0 =	sne.s32 s2, $0x0  }
0x1d5: {  	s3 =	rddreg [dreg:$0x2];
	[bflag:$0x3] =	sbarrier.arrive $0xFFFF;
	s2 =	simm.s32 @!p0 $0x1C02  }
0x1d6: {  	[timem:s3], [sflag:s2] =	dma.local @!p0 [hbm:s0], s1  }
0x1d7: {  	s0 =	simm.s32 @!p0 $0x2  }
0x1d8: {  	_ =	swait.ge @!p0 [sflag:s0], s1  }
0x1d9: {  	s1 =	ssub.s32 @!p0 $0x0, s1;
	[sflag:s0] =	ssyncset.done @!p0 $0x0  }
0x1da: {  	[sflag:s0] =	ssyncadd.s32 @!p0 s1  }
0x1db: {  	[bflag:$0x3] =	sbarrier.arrive $0xFFFF  }
0x1dc: {  	_ =	shalt  }

</sc_bundles>
